<compile_context>
chip_gen: v7x
topology: tpu7x:2x2x1
jax: 0.10.2.dev20260603
libtpu: 0.0.44.dev20260713+nightly
codegen_flags: <defaults>
</compile_context>

<pallas_src>
import jax
import jax.numpy as jnp
import numpy as np
from jax import lax
from jax.experimental import pallas as pl
from jax.experimental.pallas import tpu as pltpu
from jax.experimental.pallas import tpu_sc as plsc

COORD_DIM = 3
IN_CH = 128
OUT_CH = 128
HIDDEN = 64
RADIUS = 0.12
N_NODES = 10000
N_LATENT = 1024
BATCH = 2

N_PAD = 10240
WORDS = N_PAD // 16
WORDS_REAL = N_NODES // 16
KMAX = 128
NQ = BATCH * N_LATENT
NWORKERS = 32
QPW = N_LATENT // 16


def _lift_body(x_ref, w_ref, b_ref, o_ref):
    o_ref[...] = (lax.dot_general(
        x_ref[...], w_ref[...], (((1,), (1,)), ((), ())),
        preferred_element_type=jnp.float32) + b_ref[...])


def _mask_body(q_ref, x_ref, b2_ref, s_ref, w_ref, cc_ref):
    qc = q_ref[...]
    x3 = x_ref[0]
    r2 = RADIUS * RADIUS
    acc = jnp.zeros((256, 2048), jnp.float32)
    for d in range(COORD_DIM):
        diff = qc[:, d:d + 1] - x3[d:d + 1, :]
        acc = acc + diff * diff
    maskb = (acc <= r2).astype(jnp.float32)
    words = lax.dot_general(maskb, b2_ref[...], (((1,), (0,)), ((), ())),
                            preferred_element_type=jnp.float32)
    w_ref[0] = words.astype(jnp.int32)
    cc_ref[0] = lax.dot_general(maskb, s_ref[...], (((1,), (0,)), ((), ())),
                                preferred_element_type=jnp.float32)


def _prefix_body(cc_ref, tri_ref, p_ref, c_ref):
    cc = cc_ref[0]
    pre = lax.dot_general(cc, tri_ref[...],
                          (((1,), (0,)), ((), ())),
                          preferred_element_type=jnp.float32)
    p_ref[0] = jnp.minimum(pre, float(KMAX)).astype(jnp.int32)
    c_ref[...] = jnp.sum(cc, axis=1).reshape(1, 1, 256)


def _sc_body(words_hbm, prefix_hbm, cx_hbm, cy_hbm, cz_hbm, ltab_hbm,
             ygx_hbm, ygy_hbm, ygz_hbm, lg_hbm,
             wbuf, pbuf, wbuf2, pbuf2, idxbuf, wlist, cxb, cyb, czb,
             yxb, yyb, yzb, lbuf, spl, sem0, sem1):
    cid = lax.axis_index("c")
    sid = lax.axis_index("s")
    iota = lax.broadcasted_iota(jnp.int32, (16,), 0)
    pltpu.sync_copy(cx_hbm.at[pl.ds(cid * N_NODES, N_NODES)], cxb)
    pltpu.sync_copy(cy_hbm.at[pl.ds(cid * N_NODES, N_NODES)], cyb)
    pltpu.sync_copy(cz_hbm.at[pl.ds(cid * N_NODES, N_NODES)], czb)
    @pl.when(sid == 0)
    def _():
        pltpu.sync_copy(ltab_hbm.at[pl.ds(cid * N_NODES, N_NODES)], spl)
    plsc.subcore_barrier()

    qbase = cid * N_LATENT + sid * QPW

    def load_rows(qi, wb, pb, sem):
        pltpu.async_copy(words_hbm.at[qi], wb, sem)
        pltpu.async_copy(prefix_hbm.at[qi], pb, sem)

    def drain_rows(qi, wb, pb, sem):
        pltpu.make_async_copy(words_hbm.at[qi], wb, sem).wait()
        pltpu.make_async_copy(prefix_hbm.at[qi], pb, sem).wait()

    def process(q, wb, pb):
        for t in range(KMAX // 16):
            idxbuf[pl.ds(t * 16, 16)] = jnp.zeros((16,), jnp.int32)
        for t in range(WORDS // 16 + 1):
            wlist[pl.ds(t * 16, 16)] = jnp.full((16,), WORDS - 1, jnp.int32)

        def lvla(g, nw):
            wv = wb[pl.ds(g * 16, 16)]
            m = wv != 0
            plsc.store_compressed(wlist.at[pl.ds(nw, 16)], g * 16 + iota,
                                  mask=m)
            return nw + plsc.all_reduce_population_count(m)[0]

        nw = lax.fori_loop(0, WORDS // 16, lvla, jnp.int32(0))

        def lvlb(u, carry2):
            jv = wlist[pl.ds(u * 16, 16)]
            mvv = plsc.load_gather(wb, [jv])
            bases = plsc.load_gather(pb, [jv])
            for l in range(16):
                msk = ((jnp.broadcast_to(mvv[l], (16,)) >> iota) & 1) > 0
                nidx = jv[l] * 16 + iota
                plsc.store_compressed(idxbuf.at[pl.ds(bases[l], 16)], nidx,
                                      mask=msk)
            return carry2

        lax.fori_loop(0, (nw + 15) >> 4, lvlb, jnp.int32(0))
        cnt = pb[pl.ds(624, 16)][1]
        nch = (cnt + 15) >> 4

        def gch(t, carry3):
            pltpu.async_copy(spl.at[idxbuf.at[pl.ds(t * 16, 16)]],
                             lbuf.at[pl.ds(t * 16, 16)], sem0).wait()
            return carry3

        lax.fori_loop(0, nch, gch, jnp.int32(0))
        for t in range(KMAX // 16):
            iv = idxbuf[pl.ds(t * 16, 16)]
            yxb[pl.ds(t * 16, 16)] = plsc.load_gather(cxb, [iv])
            yyb[pl.ds(t * 16, 16)] = plsc.load_gather(cyb, [iv])
            yzb[pl.ds(t * 16, 16)] = plsc.load_gather(czb, [iv])
        pltpu.sync_copy(lbuf, lg_hbm.at[q])
        pltpu.sync_copy(yxb, ygx_hbm.at[q])
        pltpu.sync_copy(yyb, ygy_hbm.at[q])
        pltpu.sync_copy(yzb, ygz_hbm.at[q])

    load_rows(qbase, wbuf, pbuf, sem0)

    def per_pair(ii, carry):
        q0 = qbase + ii * 2
        q1 = q0 + 1
        q2 = jnp.minimum(q0 + 2, qbase + QPW - 1)
        drain_rows(q0, wbuf, pbuf, sem0)
        load_rows(q1, wbuf2, pbuf2, sem1)
        process(q0, wbuf, pbuf)
        drain_rows(q1, wbuf2, pbuf2, sem1)
        load_rows(q2, wbuf, pbuf, sem0)
        process(q1, wbuf2, pbuf2)
        return carry

    lax.fori_loop(0, QPW // 2, per_pair, jnp.int32(0))
    drain_rows(qbase + QPW - 1, wbuf, pbuf, sem0)


QT = 64


def _msg_body(yx_ref, yy_ref, yz_ref, l_ref, lat_ref, c_ref, w0y_ref,
              w0x_ref, b0_ref, w1_ref, b1_ref, o_ref):
    w0 = w0y_ref[...]
    a = (yx_ref[...][:, :, None] * w0[0][None, None, :]
         + yy_ref[...][:, :, None] * w0[1][None, None, :]
         + yz_ref[...][:, :, None] * w0[2][None, None, :])
    bq = lax.dot_general(lat_ref[...], w0x_ref[...], (((1,), (0,)), ((), ())),
                         preferred_element_type=jnp.float32) + b0_ref[...]
    pre = a + bq[:, None, :]
    g = jax.nn.gelu(pre)
    k = lax.dot_general(g.reshape(QT * KMAX, HIDDEN), w1_ref[...],
                        (((1,), (0,)), ((), ())),
                        preferred_element_type=jnp.float32) + b1_ref[...]
    msg = (k * l_ref[...]).reshape(QT, KMAX, OUT_CH)
    cnt = c_ref[0, 0, :]
    io3 = lax.broadcasted_iota(jnp.int32, (QT, KMAX, OUT_CH), 1)
    valid = io3 < cnt.astype(jnp.int32)[:, None, None]
    s = jnp.sum(jnp.where(valid, msg, 0.0), axis=1)
    denom = jnp.maximum(cnt, 1.0)
    o_ref[...] = s / denom[:, None]


def kernel(x_coord, pndata, latent_tokens_coord, W_lift, b_lift, W0, b0, W1, b1):
    pnd_flat = pndata.reshape(BATCH * N_NODES, IN_CH)
    xT = jnp.transpose(x_coord, (0, 2, 1))
    xT = jnp.pad(xT, ((0, 0), (0, 0), (0, N_PAD - N_NODES)),
                 constant_values=1e4)
    cx = x_coord[..., 0].reshape(BATCH * N_NODES)
    cy = x_coord[..., 1].reshape(BATCH * N_NODES)
    cz = x_coord[..., 2].reshape(BATCH * N_NODES)
    b2_np = np.zeros((2048, 128), np.float32)
    for n in range(2048):
        b2_np[n, n // 16] = float(1 << (n % 16))
    b2 = jnp.asarray(b2_np)
    w0y = W0[:COORD_DIM]
    w0x = W0[COORD_DIM:]
    lat2 = jnp.concatenate([latent_tokens_coord, latent_tokens_coord], 0)

    ltab = pl.pallas_call(
        _lift_body,
        grid=(10,),
        in_specs=[pl.BlockSpec((2000, IN_CH), lambda i: (i, 0)),
                  pl.BlockSpec((OUT_CH, IN_CH), lambda i: (0, 0)),
                  pl.BlockSpec((1, OUT_CH), lambda i: (0, 0))],
        out_specs=pl.BlockSpec((2000, OUT_CH), lambda i: (i, 0)),
        out_shape=jax.ShapeDtypeStruct((BATCH * N_NODES, OUT_CH), jnp.float32),
    )(pnd_flat, W_lift, b_lift.reshape(1, OUT_CH))

    s_np = np.zeros((2048, 128), np.float32)
    for n in range(2048):
        s_np[n, n // 16] = 1.0
    s_mat = jnp.asarray(s_np)
    words, ccnt = pl.pallas_call(
        _mask_body,
        grid=(BATCH, N_LATENT // 256, N_PAD // 2048),
        in_specs=[pl.BlockSpec((256, COORD_DIM), lambda b, qt, nt: (qt, 0)),
                  pl.BlockSpec((1, COORD_DIM, 2048), lambda b, qt, nt: (b, 0, nt)),
                  pl.BlockSpec((2048, 128), lambda b, qt, nt: (0, 0)),
                  pl.BlockSpec((2048, 128), lambda b, qt, nt: (0, 0))],
        out_specs=[pl.BlockSpec((1, 256, 128), lambda b, qt, nt: (b, qt, nt)),
                   pl.BlockSpec((1, 256, 128), lambda b, qt, nt: (b, qt, nt))],
        out_shape=[jax.ShapeDtypeStruct((BATCH, N_LATENT, WORDS), jnp.int32),
                   jax.ShapeDtypeStruct((BATCH, N_LATENT, WORDS), jnp.float32)],
    )(latent_tokens_coord, xT, b2, s_mat)

    tri = jnp.asarray(np.triu(np.ones((WORDS, WORDS), np.float32), 1))
    prefix, counts = pl.pallas_call(
        _prefix_body,
        grid=(BATCH, N_LATENT // 256),
        in_specs=[pl.BlockSpec((1, 256, WORDS), lambda b, qt: (b, qt, 0)),
                  pl.BlockSpec((WORDS, WORDS), lambda b, qt: (0, 0))],
        out_specs=[pl.BlockSpec((1, 256, WORDS), lambda b, qt: (b, qt, 0)),
                   pl.BlockSpec((1, 1, 256), lambda b, qt: (b, 0, qt))],
        out_shape=[jax.ShapeDtypeStruct((BATCH, N_LATENT, WORDS), jnp.int32),
                   jax.ShapeDtypeStruct((BATCH, 1, N_LATENT), jnp.float32)],
    )(ccnt, tri)

    words_flat = words.reshape(NQ, WORDS)
    prefix_flat = prefix.reshape(NQ, WORDS)

    ygx, ygy, ygz, lg = pl.kernel(
        _sc_body,
        out_type=[jax.ShapeDtypeStruct((NQ, KMAX), jnp.float32),
                  jax.ShapeDtypeStruct((NQ, KMAX), jnp.float32),
                  jax.ShapeDtypeStruct((NQ, KMAX), jnp.float32),
                  jax.ShapeDtypeStruct((NQ, KMAX, OUT_CH), jnp.float32)],
        mesh=plsc.VectorSubcoreMesh(core_axis_name="c", subcore_axis_name="s",
                                    num_cores=2, num_subcores=16),
        compiler_params=pltpu.CompilerParams(needs_layout_passes=False),
        scratch_types=[pltpu.VMEM((WORDS,), jnp.int32),
                       pltpu.VMEM((WORDS,), jnp.int32),
                       pltpu.VMEM((WORDS,), jnp.int32),
                       pltpu.VMEM((WORDS,), jnp.int32),
                       pltpu.VMEM((KMAX + 16,), jnp.int32),
                       pltpu.VMEM((WORDS + 16,), jnp.int32),
                       pltpu.VMEM((N_NODES,), jnp.float32),
                       pltpu.VMEM((N_NODES,), jnp.float32),
                       pltpu.VMEM((N_NODES,), jnp.float32),
                       pltpu.VMEM((KMAX,), jnp.float32),
                       pltpu.VMEM((KMAX,), jnp.float32),
                       pltpu.VMEM((KMAX,), jnp.float32),
                       pltpu.VMEM((KMAX, OUT_CH), jnp.float32),
                       pltpu.VMEM_SHARED((N_NODES, OUT_CH), jnp.float32),
                       pltpu.SemaphoreType.DMA,
                       pltpu.SemaphoreType.DMA],
    )(words_flat, prefix_flat, cx, cy, cz, ltab)

    lg_flat = lg.reshape(NQ * KMAX, OUT_CH)
    counts3 = counts.reshape(NQ // QT, 1, QT)
    out_flat = pl.pallas_call(
        _msg_body,
        grid=(NQ // QT,),
        in_specs=[pl.BlockSpec((QT, KMAX), lambda i: (i, 0)),
                  pl.BlockSpec((QT, KMAX), lambda i: (i, 0)),
                  pl.BlockSpec((QT, KMAX), lambda i: (i, 0)),
                  pl.BlockSpec((QT * KMAX, OUT_CH), lambda i: (i, 0)),
                  pl.BlockSpec((QT, COORD_DIM), lambda i: (i, 0)),
                  pl.BlockSpec((1, 1, QT), lambda i: (i, 0, 0)),
                  pl.BlockSpec((COORD_DIM, HIDDEN), lambda i: (0, 0)),
                  pl.BlockSpec((COORD_DIM, HIDDEN), lambda i: (0, 0)),
                  pl.BlockSpec((1, HIDDEN), lambda i: (0, 0)),
                  pl.BlockSpec((HIDDEN, OUT_CH), lambda i: (0, 0)),
                  pl.BlockSpec((1, OUT_CH), lambda i: (0, 0))],
        out_specs=pl.BlockSpec((QT, OUT_CH), lambda i: (i, 0)),
        out_shape=jax.ShapeDtypeStruct((NQ, OUT_CH), jnp.float32),
    )(ygx, ygy, ygz, lg_flat, lat2, counts3, w0y, w0x, b0.reshape(1, HIDDEN),
      W1, b1.reshape(1, OUT_CH))

    return out_flat.reshape(BATCH, N_LATENT, OUT_CH)

# --- scband reference (transcript-rebuilt; emitter-appended) ---
"""Pipeline reference for scband-magnoencoder-87651692577273 (READ-ONLY COPY).

The authoritative reference and input builder live on the scoring server;
editing this copy changes nothing except your own understanding.
"""

import jax, jax.numpy as jnp
import numpy as np

COORD_DIM = 3
IN_CH = 128
OUT_CH = 128
HIDDEN = 64
RADIUS = 0.12
N_NODES = 10000
N_LATENT = 1024
BATCH = 2


def _radius_neighbors(x_np, q_np, r):
    # CSR-ordered radius search: for each query (latent) node, all physical nodes within r.
    srcs, dsts = [], []
    r2 = r * r
    chunk = 256
    for s in range(0, q_np.shape[0], chunk):
        qc = q_np[s:s + chunk]
        d2 = ((qc[:, None, :] - x_np[None, :, :]) ** 2).sum(-1)
        qi, xi = np.nonzero(d2 <= r2)
        dsts.append(qi + s)
        srcs.append(xi)
    src = np.concatenate(srcs).astype(np.int64)
    dst = np.concatenate(dsts).astype(np.int64)
    counts = np.bincount(dst, minlength=q_np.shape[0]).astype(np.float32)
    return src, dst, counts


def setup_inputs(seed: int = 0):
    key = jax.random.key(seed)
    ks = jax.random.split(key, 8)
    x_coord = jax.random.uniform(ks[0], (BATCH, N_NODES, COORD_DIM), dtype=jnp.float32)
    pndata = jax.random.normal(ks[1], (BATCH, N_NODES, IN_CH), dtype=jnp.float32)
    latent_tokens_coord = jax.random.uniform(ks[2], (N_LATENT, COORD_DIM), dtype=jnp.float32)
    # lifting ChannelMLP: 1-layer Conv1d(in_ch, out_ch, kernel=1) == linear over channels
    W_lift = jax.random.normal(ks[3], (OUT_CH, IN_CH), dtype=jnp.float32) / np.sqrt(IN_CH)
    b_lift = jnp.zeros((OUT_CH,), dtype=jnp.float32)
    # kernel MLP layers [2*coord_dim, HIDDEN, OUT_CH] with gelu between layers
    W0 = jax.random.normal(ks[4], (2 * COORD_DIM, HIDDEN), dtype=jnp.float32) / np.sqrt(2 * COORD_DIM)
    b0 = jnp.zeros((HIDDEN,), dtype=jnp.float32)
    W1 = jax.random.normal(ks[5], (HIDDEN, OUT_CH), dtype=jnp.float32) / np.sqrt(HIDDEN)
    b1 = jnp.zeros((OUT_CH,), dtype=jnp.float32)
    return {"x_coord": x_coord, "pndata": pndata, "latent_tokens_coord": latent_tokens_coord,
            "W_lift": W_lift, "b_lift": b_lift, "W0": W0, "b0": b0, "W1": W1, "b1": b1}


def reference(x_coord, pndata, latent_tokens_coord, W_lift, b_lift, W0, b0, W1, b1):
    # lifting: pndata permuted -> ChannelMLP -> permuted back == per-node linear
    lifted = pndata @ W_lift.T + b_lift
    r2 = RADIUS * RADIUS
    n_latent = latent_tokens_coord.shape[0]
    n_nodes = x_coord.shape[1]
    chunk = 64
    outs = []
    for b in range(x_coord.shape[0]):
        xb = x_coord[b]
        lb = lifted[b]
        rows = []
        for s in range(0, n_latent, chunk):
            qc = latent_tokens_coord[s:s + chunk]
            nq = qc.shape[0]
            d2 = ((qc[:, None, :] - xb[None, :, :]) ** 2).sum(-1)
            mask = d2 <= r2
            # IntegralTransform, transform_type='linear':
            # kernel input = cat([y_nbr_coords, x_self_coords]) per neighbor pair
            y_nb = jnp.broadcast_to(xb[None, :, :], (nq, n_nodes, COORD_DIM))
            x_self = jnp.broadcast_to(qc[:, None, :], (nq, n_nodes, COORD_DIM))
            h = jnp.concatenate([y_nb, x_self], axis=-1)
            h = jax.nn.gelu(h @ W0 + b0)
            k = h @ W1 + b1
            # multiply kernel output by gathered lifted features, then mean-reduce per query
            msg = k * lb[None, :, :]
            msg = jnp.where(mask[:, :, None], msg, jnp.zeros((), dtype=jnp.float32))
            dst_local = jnp.repeat(jnp.arange(nq), n_nodes)
            summed = jnp.zeros((nq, OUT_CH), dtype=jnp.float32).at[dst_local].add(
                msg.reshape(-1, OUT_CH))
            counts = jnp.sum(mask, axis=-1).astype(jnp.float32)
            denom = jnp.maximum(counts, 1.0)[:, None]
            rows.append(summed / denom)
        outs.append(jnp.concatenate(rows, axis=0))
    # single scale -> encoded_scales[0]; stack over batch
    return jnp.stack(outs, axis=0)

if __name__ == "__main__":
    import jax
    _d = setup_inputs()
    print(jax.jit(kernel)(*tuple(_d.values())))

</pallas_src>

<mosaic_0001>
#map = affine_map<(d0, d1) -> (0, 0)>
#map1 = affine_map<(d0, d1) -> (0)>
#map2 = affine_map<(d0, d1) -> (0, 0, 0)>
module attributes {stable_mosaic.version = 14 : i64} {
  func.func @_sc_body(%arg0: i32, %arg1: i32, %arg2: memref<2048x640xi32, #tpu.memory_space<hbm>>, %arg3: memref<2048x640xi32, #tpu.memory_space<hbm>>, %arg4: memref<20000xf32, #tpu.memory_space<hbm>>, %arg5: memref<20000xf32, #tpu.memory_space<hbm>>, %arg6: memref<20000xf32, #tpu.memory_space<hbm>>, %arg7: memref<20000x128xf32, #tpu.memory_space<hbm>>, %arg8: memref<2048x128xf32, #tpu.memory_space<hbm>>, %arg9: memref<2048x128xf32, #tpu.memory_space<hbm>>, %arg10: memref<2048x128xf32, #tpu.memory_space<hbm>>, %arg11: memref<2048x128x128xf32, #tpu.memory_space<hbm>>, %arg12: memref<640xi32, #tpu.memory_space<vmem>>, %arg13: memref<640xi32, #tpu.memory_space<vmem>>, %arg14: memref<640xi32, #tpu.memory_space<vmem>>, %arg15: memref<640xi32, #tpu.memory_space<vmem>>, %arg16: memref<144xi32, #tpu.memory_space<vmem>>, %arg17: memref<656xi32, #tpu.memory_space<vmem>>, %arg18: memref<10000xf32, #tpu.memory_space<vmem>>, %arg19: memref<10000xf32, #tpu.memory_space<vmem>>, %arg20: memref<10000xf32, #tpu.memory_space<vmem>>, %arg21: memref<128xf32, #tpu.memory_space<vmem>>, %arg22: memref<128xf32, #tpu.memory_space<vmem>>, %arg23: memref<128xf32, #tpu.memory_space<vmem>>, %arg24: memref<128x128xf32, #tpu.memory_space<vmem>>, %arg25: memref<10000x128xf32, #tpu.memory_space<vmem_shared>>, %arg26: memref<!tpu.dma_semaphore, #tpu.memory_space<semaphore_mem>>, %arg27: memref<!tpu.dma_semaphore, #tpu.memory_space<semaphore_mem>>) attributes {dimension_semantics = [#tpu.dimension_semantics<core_parallel>, #tpu.dimension_semantics<subcore_parallel>], iteration_bounds = array<i64: 2, 16>, scalar_prefetch = 0 : i64, scratch_operands = 16 : i64, tpu.core_type = #tpu.core_type<sc_vector_subcore>, window_params = [{transform_indices = #map}, {transform_indices = #map}, {transform_indices = #map1}, {transform_indices = #map1}, {transform_indices = #map1}, {transform_indices = #map}, {transform_indices = #map}, {transform_indices = #map}, {transform_indices = #map}, {transform_indices = #map2}]} {
    %iota3A = tpu.iota {dimensions = array<i32: 0>} : vector<16xi32>
    %mul3A = arith.constant 10000 : i32
    %mul3A_0 = arith.muli %arg0, %mul3A : i32
    "tpu.region"() ({
      %run_scoped3A = tpu.sem_alloc : memref<!tpu.dma_semaphore, #tpu.memory_space<semaphore_mem>>
      %dma_start3A_41 = tpu.memref_slice %arg4[%mul3A_0] : memref<20000xf32, #tpu.memory_space<hbm>> -> memref<10000xf32, #tpu.memory_space<hbm>>
      %dma_start3A_42 = tpu.memref_slice %arg4[%mul3A_0] : memref<20000xf32, #tpu.memory_space<hbm>> -> memref<10000xf32, #tpu.memory_space<hbm>>
      tpu.enqueue_dma source(%dma_start3A_42 : memref<10000xf32, #tpu.memory_space<hbm>>) target(%arg18 : memref<10000xf32, #tpu.memory_space<vmem>>) target_semaphore(%run_scoped3A : memref<!tpu.dma_semaphore, #tpu.memory_space<semaphore_mem>>)
      %dma_wait3A_43 = tpu.memref_slice %arg4[%mul3A_0] : memref<20000xf32, #tpu.memory_space<hbm>> -> memref<10000xf32, #tpu.memory_space<hbm>>
      %dma_wait3A_44 = tpu.memref_slice %arg4[%mul3A_0] : memref<20000xf32, #tpu.memory_space<hbm>> -> memref<10000xf32, #tpu.memory_space<hbm>>
      tpu.wait_dma2 semaphore(%run_scoped3A : memref<!tpu.dma_semaphore, #tpu.memory_space<semaphore_mem>>) src(%dma_wait3A_44 : memref<10000xf32, #tpu.memory_space<hbm>>) dst(%arg18 : memref<10000xf32, #tpu.memory_space<vmem>>)
      tpu.yield
    }) : () -> ()
    %mul3A_1 = arith.constant 10000 : i32
    %mul3A_2 = arith.muli %arg0, %mul3A_1 : i32
    "tpu.region"() ({
      %run_scoped3A = tpu.sem_alloc : memref<!tpu.dma_semaphore, #tpu.memory_space<semaphore_mem>>
      %dma_start3A_41 = tpu.memref_slice %arg5[%mul3A_2] : memref<20000xf32, #tpu.memory_space<hbm>> -> memref<10000xf32, #tpu.memory_space<hbm>>
      %dma_start3A_42 = tpu.memref_slice %arg5[%mul3A_2] : memref<20000xf32, #tpu.memory_space<hbm>> -> memref<10000xf32, #tpu.memory_space<hbm>>
      tpu.enqueue_dma source(%dma_start3A_42 : memref<10000xf32, #tpu.memory_space<hbm>>) target(%arg19 : memref<10000xf32, #tpu.memory_space<vmem>>) target_semaphore(%run_scoped3A : memref<!tpu.dma_semaphore, #tpu.memory_space<semaphore_mem>>)
      %dma_wait3A_43 = tpu.memref_slice %arg5[%mul3A_2] : memref<20000xf32, #tpu.memory_space<hbm>> -> memref<10000xf32, #tpu.memory_space<hbm>>
      %dma_wait3A_44 = tpu.memref_slice %arg5[%mul3A_2] : memref<20000xf32, #tpu.memory_space<hbm>> -> memref<10000xf32, #tpu.memory_space<hbm>>
      tpu.wait_dma2 semaphore(%run_scoped3A : memref<!tpu.dma_semaphore, #tpu.memory_space<semaphore_mem>>) src(%dma_wait3A_44 : memref<10000xf32, #tpu.memory_space<hbm>>) dst(%arg19 : memref<10000xf32, #tpu.memory_space<vmem>>)
      tpu.yield
    }) : () -> ()
    %mul3A_3 = arith.constant 10000 : i32
    %mul3A_4 = arith.muli %arg0, %mul3A_3 : i32
    "tpu.region"() ({
      %run_scoped3A = tpu.sem_alloc : memref<!tpu.dma_semaphore, #tpu.memory_space<semaphore_mem>>
      %dma_start3A_41 = tpu.memref_slice %arg6[%mul3A_4] : memref<20000xf32, #tpu.memory_space<hbm>> -> memref<10000xf32, #tpu.memory_space<hbm>>
      %dma_start3A_42 = tpu.memref_slice %arg6[%mul3A_4] : memref<20000xf32, #tpu.memory_space<hbm>> -> memref<10000xf32, #tpu.memory_space<hbm>>
      tpu.enqueue_dma source(%dma_start3A_42 : memref<10000xf32, #tpu.memory_space<hbm>>) target(%arg20 : memref<10000xf32, #tpu.memory_space<vmem>>) target_semaphore(%run_scoped3A : memref<!tpu.dma_semaphore, #tpu.memory_space<semaphore_mem>>)
      %dma_wait3A_43 = tpu.memref_slice %arg6[%mul3A_4] : memref<20000xf32, #tpu.memory_space<hbm>> -> memref<10000xf32, #tpu.memory_space<hbm>>
      %dma_wait3A_44 = tpu.memref_slice %arg6[%mul3A_4] : memref<20000xf32, #tpu.memory_space<hbm>> -> memref<10000xf32, #tpu.memory_space<hbm>>
      tpu.wait_dma2 semaphore(%run_scoped3A : memref<!tpu.dma_semaphore, #tpu.memory_space<semaphore_mem>>) src(%dma_wait3A_44 : memref<10000xf32, #tpu.memory_space<hbm>>) dst(%arg20 : memref<10000xf32, #tpu.memory_space<vmem>>)
      tpu.yield
    }) : () -> ()
    %eq3A = arith.constant 0 : i32
    %eq3A_5 = arith.cmpi eq, %arg1, %eq3A : i32
    %convert_element_type3A = arith.extui %eq3A_5 : i1 to i32
    %cond3A = arith.constant 0 : i32
    %cond3A_6 = arith.cmpi ne, %convert_element_type3A, %cond3A : i32
    scf.if %cond3A_6 {
      %mul3A_41 = arith.constant 10000 : i32
      %mul3A_42 = arith.muli %arg0, %mul3A_41 : i32
      "tpu.region"() ({
        %run_scoped3A = tpu.sem_alloc : memref<!tpu.dma_semaphore, #tpu.memory_space<semaphore_mem>>
        %dma_start3A_43 = arith.constant 0 : i32
        %dma_start3A_44 = tpu.memref_slice %arg7[%mul3A_42, %dma_start3A_43] : memref<20000x128xf32, #tpu.memory_space<hbm>> -> memref<10000x128xf32, #tpu.memory_space<hbm>>
        tpu.enqueue_dma source(%dma_start3A_44 : memref<10000x128xf32, #tpu.memory_space<hbm>>) target(%arg25 : memref<10000x128xf32, #tpu.memory_space<vmem_shared>>) target_semaphore(%run_scoped3A : memref<!tpu.dma_semaphore, #tpu.memory_space<semaphore_mem>>)
        %dma_wait3A_45 = arith.constant 0 : i32
        %dma_wait3A_46 = tpu.memref_slice %arg7[%mul3A_42, %dma_wait3A_45] : memref<20000x128xf32, #tpu.memory_space<hbm>> -> memref<10000x128xf32, #tpu.memory_space<hbm>>
        tpu.wait_dma2 semaphore(%run_scoped3A : memref<!tpu.dma_semaphore, #tpu.memory_space<semaphore_mem>>) src(%dma_wait3A_46 : memref<10000x128xf32, #tpu.memory_space<hbm>>) dst(%arg25 : memref<10000x128xf32, #tpu.memory_space<vmem_shared>>)
        tpu.yield
      }) : () -> ()
    } else {
    }
    %barrier3A = arith.constant 0 : index
    tpu.barrier barrier_id(%barrier3A)
    %mul3A_7 = arith.constant 1024 : i32
    %mul3A_8 = arith.muli %arg0, %mul3A_7 : i32
    %mul3A_9 = arith.constant 64 : i32
    %mul3A_10 = arith.muli %arg1, %mul3A_9 : i32
    %add3A = arith.addi %mul3A_8, %mul3A_10 : i32
    %dma_start3A = arith.constant 0 : i32
    %dma_start3A_11 = tpu.memref_slice %arg2[%add3A, %dma_start3A] : memref<2048x640xi32, #tpu.memory_space<hbm>> -> memref<1x640xi32, #tpu.memory_space<hbm>>
    %dma_start3A_12 = tpu.memref_squeeze %dma_start3A_11 : memref<1x640xi32, #tpu.memory_space<hbm>> -> memref<640xi32, #tpu.memory_space<hbm>>
    %dma_start3A_13 = arith.constant 0 : i32
    %dma_start3A_14 = tpu.memref_slice %arg2[%add3A, %dma_start3A_13] : memref<2048x640xi32, #tpu.memory_space<hbm>> -> memref<1x640xi32, #tpu.memory_space<hbm>>
    %dma_start3A_15 = tpu.memref_squeeze %dma_start3A_14 : memref<1x640xi32, #tpu.memory_space<hbm>> -> memref<640xi32, #tpu.memory_space<hbm>>
    tpu.enqueue_dma source(%dma_start3A_15 : memref<640xi32, #tpu.memory_space<hbm>>) target(%arg12 : memref<640xi32, #tpu.memory_space<vmem>>) target_semaphore(%arg26 : memref<!tpu.dma_semaphore, #tpu.memory_space<semaphore_mem>>)
    %dma_start3A_16 = arith.constant 0 : i32
    %dma_start3A_17 = tpu.memref_slice %arg3[%add3A, %dma_start3A_16] : memref<2048x640xi32, #tpu.memory_space<hbm>> -> memref<1x640xi32, #tpu.memory_space<hbm>>
    %dma_start3A_18 = tpu.memref_squeeze %dma_start3A_17 : memref<1x640xi32, #tpu.memory_space<hbm>> -> memref<640xi32, #tpu.memory_space<hbm>>
    %dma_start3A_19 = arith.constant 0 : i32
    %dma_start3A_20 = tpu.memref_slice %arg3[%add3A, %dma_start3A_19] : memref<2048x640xi32, #tpu.memory_space<hbm>> -> memref<1x640xi32, #tpu.memory_space<hbm>>
    %dma_start3A_21 = tpu.memref_squeeze %dma_start3A_20 : memref<1x640xi32, #tpu.memory_space<hbm>> -> memref<640xi32, #tpu.memory_space<hbm>>
    tpu.enqueue_dma source(%dma_start3A_21 : memref<640xi32, #tpu.memory_space<hbm>>) target(%arg13 : memref<640xi32, #tpu.memory_space<vmem>>) target_semaphore(%arg26 : memref<!tpu.dma_semaphore, #tpu.memory_space<semaphore_mem>>)
    %scan3A = arith.constant 0 : i32
    %scan3A_22 = arith.constant 0 : i32
    %scan3A_23 = arith.constant 32 : i32
    %scan3A_24 = arith.addi %scan3A_22, %scan3A_23 : i32
    %scan3A_25 = arith.constant 1 : i32
    scf.for %scan3A_41 = %scan3A_22 to %scan3A_24 step %scan3A_25  : i32 {
      %mul3A_42 = arith.constant 2 : i32
      %mul3A_43 = arith.muli %scan3A_41, %mul3A_42 : i32
      %add3A_44 = arith.addi %add3A, %mul3A_43 : i32
      %add3A_45 = arith.constant 1 : i32
      %add3A_46 = arith.addi %add3A_44, %add3A_45 : i32
      %add3A_47 = arith.constant 2 : i32
      %add3A_48 = arith.addi %add3A_44, %add3A_47 : i32
      %add3A_49 = arith.constant 64 : i32
      %add3A_50 = arith.addi %add3A, %add3A_49 : i32
      %sub3A_51 = arith.constant 1 : i32
      %sub3A_52 = arith.subi %add3A_50, %sub3A_51 : i32
      %min3A = arith.minsi %add3A_48, %sub3A_52 : i32
      %dma_wait3A_53 = arith.constant 0 : i32
      %dma_wait3A_54 = tpu.memref_slice %arg2[%add3A_44, %dma_wait3A_53] : memref<2048x640xi32, #tpu.memory_space<hbm>> -> memref<1x640xi32, #tpu.memory_space<hbm>>
      %dma_wait3A_55 = tpu.memref_squeeze %dma_wait3A_54 : memref<1x640xi32, #tpu.memory_space<hbm>> -> memref<640xi32, #tpu.memory_space<hbm>>
      %dma_wait3A_56 = arith.constant 0 : i32
      %dma_wait3A_57 = tpu.memref_slice %arg2[%add3A_44, %dma_wait3A_56] : memref<2048x640xi32, #tpu.memory_space<hbm>> -> memref<1x640xi32, #tpu.memory_space<hbm>>
      %dma_wait3A_58 = tpu.memref_squeeze %dma_wait3A_57 : memref<1x640xi32, #tpu.memory_space<hbm>> -> memref<640xi32, #tpu.memory_space<hbm>>
      tpu.wait_dma2 semaphore(%arg26 : memref<!tpu.dma_semaphore, #tpu.memory_space<semaphore_mem>>) src(%dma_wait3A_58 : memref<640xi32, #tpu.memory_space<hbm>>) dst(%arg12 : memref<640xi32, #tpu.memory_space<vmem>>)
      %dma_wait3A_59 = arith.constant 0 : i32
      %dma_wait3A_60 = tpu.memref_slice %arg3[%add3A_44, %dma_wait3A_59] : memref<2048x640xi32, #tpu.memory_space<hbm>> -> memref<1x640xi32, #tpu.memory_space<hbm>>
      %dma_wait3A_61 = tpu.memref_squeeze %dma_wait3A_60 : memref<1x640xi32, #tpu.memory_space<hbm>> -> memref<640xi32, #tpu.memory_space<hbm>>
      %dma_wait3A_62 = arith.constant 0 : i32
      %dma_wait3A_63 = tpu.memref_slice %arg3[%add3A_44, %dma_wait3A_62] : memref<2048x640xi32, #tpu.memory_space<hbm>> -> memref<1x640xi32, #tpu.memory_space<hbm>>
      %dma_wait3A_64 = tpu.memref_squeeze %dma_wait3A_63 : memref<1x640xi32, #tpu.memory_space<hbm>> -> memref<640xi32, #tpu.memory_space<hbm>>
      tpu.wait_dma2 semaphore(%arg26 : memref<!tpu.dma_semaphore, #tpu.memory_space<semaphore_mem>>) src(%dma_wait3A_64 : memref<640xi32, #tpu.memory_space<hbm>>) dst(%arg13 : memref<640xi32, #tpu.memory_space<vmem>>)
      %dma_start3A_65 = arith.constant 0 : i32
      %dma_start3A_66 = tpu.memref_slice %arg2[%add3A_46, %dma_start3A_65] : memref<2048x640xi32, #tpu.memory_space<hbm>> -> memref<1x640xi32, #tpu.memory_space<hbm>>
      %dma_start3A_67 = tpu.memref_squeeze %dma_start3A_66 : memref<1x640xi32, #tpu.memory_space<hbm>> -> memref<640xi32, #tpu.memory_space<hbm>>
      %dma_start3A_68 = arith.constant 0 : i32
      %dma_start3A_69 = tpu.memref_slice %arg2[%add3A_46, %dma_start3A_68] : memref<2048x640xi32, #tpu.memory_space<hbm>> -> memref<1x640xi32, #tpu.memory_space<hbm>>
      %dma_start3A_70 = tpu.memref_squeeze %dma_start3A_69 : memref<1x640xi32, #tpu.memory_space<hbm>> -> memref<640xi32, #tpu.memory_space<hbm>>
      tpu.enqueue_dma source(%dma_start3A_70 : memref<640xi32, #tpu.memory_space<hbm>>) target(%arg14 : memref<640xi32, #tpu.memory_space<vmem>>) target_semaphore(%arg27 : memref<!tpu.dma_semaphore, #tpu.memory_space<semaphore_mem>>)
      %dma_start3A_71 = arith.constant 0 : i32
      %dma_start3A_72 = tpu.memref_slice %arg3[%add3A_46, %dma_start3A_71] : memref<2048x640xi32, #tpu.memory_space<hbm>> -> memref<1x640xi32, #tpu.memory_space<hbm>>
      %dma_start3A_73 = tpu.memref_squeeze %dma_start3A_72 : memref<1x640xi32, #tpu.memory_space<hbm>> -> memref<640xi32, #tpu.memory_space<hbm>>
      %dma_start3A_74 = arith.constant 0 : i32
      %dma_start3A_75 = tpu.memref_slice %arg3[%add3A_46, %dma_start3A_74] : memref<2048x640xi32, #tpu.memory_space<hbm>> -> memref<1x640xi32, #tpu.memory_space<hbm>>
      %dma_start3A_76 = tpu.memref_squeeze %dma_start3A_75 : memref<1x640xi32, #tpu.memory_space<hbm>> -> memref<640xi32, #tpu.memory_space<hbm>>
      tpu.enqueue_dma source(%dma_start3A_76 : memref<640xi32, #tpu.memory_space<hbm>>) target(%arg15 : memref<640xi32, #tpu.memory_space<vmem>>) target_semaphore(%arg27 : memref<!tpu.dma_semaphore, #tpu.memory_space<semaphore_mem>>)
      %broadcast_in_dim3A = arith.constant 0 : i32
      %broadcast_in_dim3A_77 = vector.broadcast %broadcast_in_dim3A : i32 to vector<16xi32>
      %swap3A = arith.constant 0 : index
      %swap3A_78 = tpu.vector_load %arg16[%swap3A] {strides = array<i32>} : memref<144xi32, #tpu.memory_space<vmem>>, vector<16xi32>,
      tpu.vector_store %arg16[%swap3A], %broadcast_in_dim3A_77 {strides = array<i32>} : memref<144xi32, #tpu.memory_space<vmem>>, vector<16xi32>,
      %broadcast_in_dim3A_79 = arith.constant 0 : i32
      %broadcast_in_dim3A_80 = vector.broadcast %broadcast_in_dim3A_79 : i32 to vector<16xi32>
      %swap3A_81 = arith.constant 16 : index
      %swap3A_82 = tpu.vector_load %arg16[%swap3A_81] {strides = array<i32>} : memref<144xi32, #tpu.memory_space<vmem>>, vector<16xi32>,
      tpu.vector_store %arg16[%swap3A_81], %broadcast_in_dim3A_80 {strides = array<i32>} : memref<144xi32, #tpu.memory_space<vmem>>, vector<16xi32>,
      %broadcast_in_dim3A_83 = arith.constant 0 : i32
      %broadcast_in_dim3A_84 = vector.broadcast %broadcast_in_dim3A_83 : i32 to vector<16xi32>
      %swap3A_85 = arith.constant 32 : index
      %swap3A_86 = tpu.vector_load %arg16[%swap3A_85] {strides = array<i32>} : memref<144xi32, #tpu.memory_space<vmem>>, vector<16xi32>,
      tpu.vector_store %arg16[%swap3A_85], %broadcast_in_dim3A_84 {strides = array<i32>} : memref<144xi32, #tpu.memory_space<vmem>>, vector<16xi32>,
      %broadcast_in_dim3A_87 = arith.constant 0 : i32
      %broadcast_in_dim3A_88 = vector.broadcast %broadcast_in_dim3A_87 : i32 to vector<16xi32>
      %swap3A_89 = arith.constant 48 : index
      %swap3A_90 = tpu.vector_load %arg16[%swap3A_89] {strides = array<i32>} : memref<144xi32, #tpu.memory_space<vmem>>, vector<16xi32>,
      tpu.vector_store %arg16[%swap3A_89], %broadcast_in_dim3A_88 {strides = array<i32>} : memref<144xi32, #tpu.memory_space<vmem>>, vector<16xi32>,
      %broadcast_in_dim3A_91 = arith.constant 0 : i32
      %broadcast_in_dim3A_92 = vector.broadcast %broadcast_in_dim3A_91 : i32 to vector<16xi32>
      %swap3A_93 = arith.constant 64 : index
      %swap3A_94 = tpu.vector_load %arg16[%swap3A_93] {strides = array<i32>} : memref<144xi32, #tpu.memory_space<vmem>>, vector<16xi32>,
      tpu.vector_store %arg16[%swap3A_93], %broadcast_in_dim3A_92 {strides = array<i32>} : memref<144xi32, #tpu.memory_space<vmem>>, vector<16xi32>,
      %broadcast_in_dim3A_95 = arith.constant 0 : i32
      %broadcast_in_dim3A_96 = vector.broadcast %broadcast_in_dim3A_95 : i32 to vector<16xi32>
      %swap3A_97 = arith.constant 80 : index
      %swap3A_98 = tpu.vector_load %arg16[%swap3A_97] {strides = array<i32>} : memref<144xi32, #tpu.memory_space<vmem>>, vector<16xi32>,
      tpu.vector_store %arg16[%swap3A_97], %broadcast_in_dim3A_96 {strides = array<i32>} : memref<144xi32, #tpu.memory_space<vmem>>, vector<16xi32>,
      %broadcast_in_dim3A_99 = arith.constant 0 : i32
      %broadcast_in_dim3A_100 = vector.broadcast %broadcast_in_dim3A_99 : i32 to vector<16xi32>
      %swap3A_101 = arith.constant 96 : index
      %swap3A_102 = tpu.vector_load %arg16[%swap3A_101] {strides = array<i32>} : memref<144xi32, #tpu.memory_space<vmem>>, vector<16xi32>,
      tpu.vector_store %arg16[%swap3A_101], %broadcast_in_dim3A_100 {strides = array<i32>} : memref<144xi32, #tpu.memory_space<vmem>>, vector<16xi32>,
      %broadcast_in_dim3A_103 = arith.constant 0 : i32
      %broadcast_in_dim3A_104 = vector.broadcast %broadcast_in_dim3A_103 : i32 to vector<16xi32>
      %swap3A_105 = arith.constant 112 : index
      %swap3A_106 = tpu.vector_load %arg16[%swap3A_105] {strides = array<i32>} : memref<144xi32, #tpu.memory_space<vmem>>, vector<16xi32>,
      tpu.vector_store %arg16[%swap3A_105], %broadcast_in_dim3A_104 {strides = array<i32>} : memref<144xi32, #tpu.memory_space<vmem>>, vector<16xi32>,
      %broadcast_in_dim3A_107 = arith.constant 639 : i32
      %broadcast_in_dim3A_108 = vector.broadcast %broadcast_in_dim3A_107 : i32 to vector<16xi32>
      %swap3A_109 = arith.constant 0 : index
      %swap3A_110 = tpu.vector_load %arg17[%swap3A_109] {strides = array<i32>} : memref<656xi32, #tpu.memory_space<vmem>>, vector<16xi32>,
      tpu.vector_store %arg17[%swap3A_109], %broadcast_in_dim3A_108 {strides = array<i32>} : memref<656xi32, #tpu.memory_space<vmem>>, vector<16xi32>,
      %broadcast_in_dim3A_111 = arith.constant 639 : i32
      %broadcast_in_dim3A_112 = vector.broadcast %broadcast_in_dim3A_111 : i32 to vector<16xi32>
      %swap3A_113 = arith.constant 16 : index
      %swap3A_114 = tpu.vector_load %arg17[%swap3A_113] {strides = array<i32>} : memref<656xi32, #tpu.memory_space<vmem>>, vector<16xi32>,
      tpu.vector_store %arg17[%swap3A_113], %broadcast_in_dim3A_112 {strides = array<i32>} : memref<656xi32, #tpu.memory_space<vmem>>, vector<16xi32>,
      %broadcast_in_dim3A_115 = arith.constant 639 : i32
      %broadcast_in_dim3A_116 = vector.broadcast %broadcast_in_dim3A_115 : i32 to vector<16xi32>
      %swap3A_117 = arith.constant 32 : index
      %swap3A_118 = tpu.vector_load %arg17[%swap3A_117] {strides = array<i32>} : memref<656xi32, #tpu.memory_space<vmem>>, vector<16xi32>,
      tpu.vector_store %arg17[%swap3A_117], %broadcast_in_dim3A_116 {strides = array<i32>} : memref<656xi32, #tpu.memory_space<vmem>>, vector<16xi32>,
      %broadcast_in_dim3A_119 = arith.constant 639 : i32
      %broadcast_in_dim3A_120 = vector.broadcast %broadcast_in_dim3A_119 : i32 to vector<16xi32>
      %swap3A_121 = arith.constant 48 : index
      %swap3A_122 = tpu.vector_load %arg17[%swap3A_121] {strides = array<i32>} : memref<656xi32, #tpu.memory_space<vmem>>, vector<16xi32>,
      tpu.vector_store %arg17[%swap3A_121], %broadcast_in_dim3A_120 {strides = array<i32>} : memref<656xi32, #tpu.memory_space<vmem>>, vector<16xi32>,
      %broadcast_in_dim3A_123 = arith.constant 639 : i32
      %broadcast_in_dim3A_124 = vector.broadcast %broadcast_in_dim3A_123 : i32 to vector<16xi32>
      %swap3A_125 = arith.constant 64 : index
      %swap3A_126 = tpu.vector_load %arg17[%swap3A_125] {strides = array<i32>} : memref<656xi32, #tpu.memory_space<vmem>>, vector<16xi32>,
      tpu.vector_store %arg17[%swap3A_125], %broadcast_in_dim3A_124 {strides = array<i32>} : memref<656xi32, #tpu.memory_space<vmem>>, vector<16xi32>,
      %broadcast_in_dim3A_127 = arith.constant 639 : i32
      %broadcast_in_dim3A_128 = vector.broadcast %broadcast_in_dim3A_127 : i32 to vector<16xi32>
      %swap3A_129 = arith.constant 80 : index
      %swap3A_130 = tpu.vector_load %arg17[%swap3A_129] {strides = array<i32>} : memref<656xi32, #tpu.memory_space<vmem>>, vector<16xi32>,
      tpu.vector_store %arg17[%swap3A_129], %broadcast_in_dim3A_128 {strides = array<i32>} : memref<656xi32, #tpu.memory_space<vmem>>, vector<16xi32>,
      %broadcast_in_dim3A_131 = arith.constant 639 : i32
      %broadcast_in_dim3A_132 = vector.broadcast %broadcast_in_dim3A_131 : i32 to vector<16xi32>
      %swap3A_133 = arith.constant 96 : index
      %swap3A_134 = tpu.vector_load %arg17[%swap3A_133] {strides = array<i32>} : memref<656xi32, #tpu.memory_space<vmem>>, vector<16xi32>,
      tpu.vector_store %arg17[%swap3A_133], %broadcast_in_dim3A_132 {strides = array<i32>} : memref<656xi32, #tpu.memory_space<vmem>>, vector<16xi32>,
      %broadcast_in_dim3A_135 = arith.constant 639 : i32
      %broadcast_in_dim3A_136 = vector.broadcast %broadcast_in_dim3A_135 : i32 to vector<16xi32>
      %swap3A_137 = arith.constant 112 : index
      %swap3A_138 = tpu.vector_load %arg17[%swap3A_137] {strides = array<i32>} : memref<656xi32, #tpu.memory_space<vmem>>, vector<16xi32>,
      tpu.vector_store %arg17[%swap3A_137], %broadcast_in_dim3A_136 {strides = array<i32>} : memref<656xi32, #tpu.memory_space<vmem>>, vector<16xi32>,
      %broadcast_in_dim3A_139 = arith.constant 639 : i32
      %broadcast_in_dim3A_140 = vector.broadcast %broadcast_in_dim3A_139 : i32 to vector<16xi32>
      %swap3A_141 = arith.constant 128 : index
      %swap3A_142 = tpu.vector_load %arg17[%swap3A_141] {strides = array<i32>} : memref<656xi32, #tpu.memory_space<vmem>>, vector<16xi32>,
      tpu.vector_store %arg17[%swap3A_141], %broadcast_in_dim3A_140 {strides = array<i32>} : memref<656xi32, #tpu.memory_space<vmem>>, vector<16xi32>,
      %broadcast_in_dim3A_143 = arith.constant 639 : i32
      %broadcast_in_dim3A_144 = vector.broadcast %broadcast_in_dim3A_143 : i32 to vector<16xi32>
      %swap3A_145 = arith.constant 144 : index
      %swap3A_146 = tpu.vector_load %arg17[%swap3A_145] {strides = array<i32>} : memref<656xi32, #tpu.memory_space<vmem>>, vector<16xi32>,
      tpu.vector_store %arg17[%swap3A_145], %broadcast_in_dim3A_144 {strides = array<i32>} : memref<656xi32, #tpu.memory_space<vmem>>, vector<16xi32>,
      %broadcast_in_dim3A_147 = arith.constant 639 : i32
      %broadcast_in_dim3A_148 = vector.broadcast %broadcast_in_dim3A_147 : i32 to vector<16xi32>
      %swap3A_149 = arith.constant 160 : index
      %swap3A_150 = tpu.vector_load %arg17[%swap3A_149] {strides = array<i32>} : memref<656xi32, #tpu.memory_space<vmem>>, vector<16xi32>,
      tpu.vector_store %arg17[%swap3A_149], %broadcast_in_dim3A_148 {strides = array<i32>} : memref<656xi32, #tpu.memory_space<vmem>>, vector<16xi32>,
      %broadcast_in_dim3A_151 = arith.constant 639 : i32
      %broadcast_in_dim3A_152 = vector.broadcast %broadcast_in_dim3A_151 : i32 to vector<16xi32>
      %swap3A_153 = arith.constant 176 : index
      %swap3A_154 = tpu.vector_load %arg17[%swap3A_153] {strides = array<i32>} : memref<656xi32, #tpu.memory_space<vmem>>, vector<16xi32>,
      tpu.vector_store %arg17[%swap3A_153], %broadcast_in_dim3A_152 {strides = array<i32>} : memref<656xi32, #tpu.memory_space<vmem>>, vector<16xi32>,
      %broadcast_in_dim3A_155 = arith.constant 639 : i32
      %broadcast_in_dim3A_156 = vector.broadcast %broadcast_in_dim3A_155 : i32 to vector<16xi32>
      %swap3A_157 = arith.constant 192 : index
      %swap3A_158 = tpu.vector_load %arg17[%swap3A_157] {strides = array<i32>} : memref<656xi32, #tpu.memory_space<vmem>>, vector<16xi32>,
      tpu.vector_store %arg17[%swap3A_157], %broadcast_in_dim3A_156 {strides = array<i32>} : memref<656xi32, #tpu.memory_space<vmem>>, vector<16xi32>,
      %broadcast_in_dim3A_159 = arith.constant 639 : i32
      %broadcast_in_dim3A_160 = vector.broadcast %broadcast_in_dim3A_159 : i32 to vector<16xi32>
      %swap3A_161 = arith.constant 208 : index
      %swap3A_162 = tpu.vector_load %arg17[%swap3A_161] {strides = array<i32>} : memref<656xi32, #tpu.memory_space<vmem>>, vector<16xi32>,
      tpu.vector_store %arg17[%swap3A_161], %broadcast_in_dim3A_160 {strides = array<i32>} : memref<656xi32, #tpu.memory_space<vmem>>, vector<16xi32>,
      %broadcast_in_dim3A_163 = arith.constant 639 : i32
      %broadcast_in_dim3A_164 = vector.broadcast %broadcast_in_dim3A_163 : i32 to vector<16xi32>
      %swap3A_165 = arith.constant 224 : index
      %swap3A_166 = tpu.vector_load %arg17[%swap3A_165] {strides = array<i32>} : memref<656xi32, #tpu.memory_space<vmem>>, vector<16xi32>,
      tpu.vector_store %arg17[%swap3A_165], %broadcast_in_dim3A_164 {strides = array<i32>} : memref<656xi32, #tpu.memory_space<vmem>>, vector<16xi32>,
      %broadcast_in_dim3A_167 = arith.constant 639 : i32
      %broadcast_in_dim3A_168 = vector.broadcast %broadcast_in_dim3A_167 : i32 to vector<16xi32>
      %swap3A_169 = arith.constant 240 : index
      %swap3A_170 = tpu.vector_load %arg17[%swap3A_169] {strides = array<i32>} : memref<656xi32, #tpu.memory_space<vmem>>, vector<16xi32>,
      tpu.vector_store %arg17[%swap3A_169], %broadcast_in_dim3A_168 {strides = array<i32>} : memref<656xi32, #tpu.memory_space<vmem>>, vector<16xi32>,
      %broadcast_in_dim3A_171 = arith.constant 639 : i32
      %broadcast_in_dim3A_172 = vector.broadcast %broadcast_in_dim3A_171 : i32 to vector<16xi32>
      %swap3A_173 = arith.constant 256 : index
      %swap3A_174 = tpu.vector_load %arg17[%swap3A_173] {strides = array<i32>} : memref<656xi32, #tpu.memory_space<vmem>>, vector<16xi32>,
      tpu.vector_store %arg17[%swap3A_173], %broadcast_in_dim3A_172 {strides = array<i32>} : memref<656xi32, #tpu.memory_space<vmem>>, vector<16xi32>,
      %broadcast_in_dim3A_175 = arith.constant 639 : i32
      %broadcast_in_dim3A_176 = vector.broadcast %broadcast_in_dim3A_175 : i32 to vector<16xi32>
      %swap3A_177 = arith.constant 272 : index
      %swap3A_178 = tpu.vector_load %arg17[%swap3A_177] {strides = array<i32>} : memref<656xi32, #tpu.memory_space<vmem>>, vector<16xi32>,
      tpu.vector_store %arg17[%swap3A_177], %broadcast_in_dim3A_176 {strides = array<i32>} : memref<656xi32, #tpu.memory_space<vmem>>, vector<16xi32>,
      %broadcast_in_dim3A_179 = arith.constant 639 : i32
      %broadcast_in_dim3A_180 = vector.broadcast %broadcast_in_dim3A_179 : i32 to vector<16xi32>
      %swap3A_181 = arith.constant 288 : index
      %swap3A_182 = tpu.vector_load %arg17[%swap3A_181] {strides = array<i32>} : memref<656xi32, #tpu.memory_space<vmem>>, vector<16xi32>,
      tpu.vector_store %arg17[%swap3A_181], %broadcast_in_dim3A_180 {strides = array<i32>} : memref<656xi32, #tpu.memory_space<vmem>>, vector<16xi32>,
      %broadcast_in_dim3A_183 = arith.constant 639 : i32
      %broadcast_in_dim3A_184 = vector.broadcast %broadcast_in_dim3A_183 : i32 to vector<16xi32>
      %swap3A_185 = arith.constant 304 : index
      %swap3A_186 = tpu.vector_load %arg17[%swap3A_185] {strides = array<i32>} : memref<656xi32, #tpu.memory_space<vmem>>, vector<16xi32>,
      tpu.vector_store %arg17[%swap3A_185], %broadcast_in_dim3A_184 {strides = array<i32>} : memref<656xi32, #tpu.memory_space<vmem>>, vector<16xi32>,
      %broadcast_in_dim3A_187 = arith.constant 639 : i32
      %broadcast_in_dim3A_188 = vector.broadcast %broadcast_in_dim3A_187 : i32 to vector<16xi32>
      %swap3A_189 = arith.constant 320 : index
      %swap3A_190 = tpu.vector_load %arg17[%swap3A_189] {strides = array<i32>} : memref<656xi32, #tpu.memory_space<vmem>>, vector<16xi32>,
      tpu.vector_store %arg17[%swap3A_189], %broadcast_in_dim3A_188 {strides = array<i32>} : memref<656xi32, #tpu.memory_space<vmem>>, vector<16xi32>,
      %broadcast_in_dim3A_191 = arith.constant 639 : i32
      %broadcast_in_dim3A_192 = vector.broadcast %broadcast_in_dim3A_191 : i32 to vector<16xi32>
      %swap3A_193 = arith.constant 336 : index
      %swap3A_194 = tpu.vector_load %arg17[%swap3A_193] {strides = array<i32>} : memref<656xi32, #tpu.memory_space<vmem>>, vector<16xi32>,
      tpu.vector_store %arg17[%swap3A_193], %broadcast_in_dim3A_192 {strides = array<i32>} : memref<656xi32, #tpu.memory_space<vmem>>, vector<16xi32>,
      %broadcast_in_dim3A_195 = arith.constant 639 : i32
      %broadcast_in_dim3A_196 = vector.broadcast %broadcast_in_dim3A_195 : i32 to vector<16xi32>
      %swap3A_197 = arith.constant 352 : index
      %swap3A_198 = tpu.vector_load %arg17[%swap3A_197] {strides = array<i32>} : memref<656xi32, #tpu.memory_space<vmem>>, vector<16xi32>,
      tpu.vector_store %arg17[%swap3A_197], %broadcast_in_dim3A_196 {strides = array<i32>} : memref<656xi32, #tpu.memory_space<vmem>>, vector<16xi32>,
      %broadcast_in_dim3A_199 = arith.constant 639 : i32
      %broadcast_in_dim3A_200 = vector.broadcast %broadcast_in_dim3A_199 : i32 to vector<16xi32>
      %swap3A_201 = arith.constant 368 : index
      %swap3A_202 = tpu.vector_load %arg17[%swap3A_201] {strides = array<i32>} : memref<656xi32, #tpu.memory_space<vmem>>, vector<16xi32>,
      tpu.vector_store %arg17[%swap3A_201], %broadcast_in_dim3A_200 {strides = array<i32>} : memref<656xi32, #tpu.memory_space<vmem>>, vector<16xi32>,
      %broadcast_in_dim3A_203 = arith.constant 639 : i32
      %broadcast_in_dim3A_204 = vector.broadcast %broadcast_in_dim3A_203 : i32 to vector<16xi32>
      %swap3A_205 = arith.constant 384 : index
      %swap3A_206 = tpu.vector_load %arg17[%swap3A_205] {strides = array<i32>} : memref<656xi32, #tpu.memory_space<vmem>>, vector<16xi32>,
      tpu.vector_store %arg17[%swap3A_205], %broadcast_in_dim3A_204 {strides = array<i32>} : memref<656xi32, #tpu.memory_space<vmem>>, vector<16xi32>,
      %broadcast_in_dim3A_207 = arith.constant 639 : i32
      %broadcast_in_dim3A_208 = vector.broadcast %broadcast_in_dim3A_207 : i32 to vector<16xi32>
      %swap3A_209 = arith.constant 400 : index
      %swap3A_210 = tpu.vector_load %arg17[%swap3A_209] {strides = array<i32>} : memref<656xi32, #tpu.memory_space<vmem>>, vector<16xi32>,
      tpu.vector_store %arg17[%swap3A_209], %broadcast_in_dim3A_208 {strides = array<i32>} : memref<656xi32, #tpu.memory_space<vmem>>, vector<16xi32>,
      %broadcast_in_dim3A_211 = arith.constant 639 : i32
      %broadcast_in_dim3A_212 = vector.broadcast %broadcast_in_dim3A_211 : i32 to vector<16xi32>
      %swap3A_213 = arith.constant 416 : index
      %swap3A_214 = tpu.vector_load %arg17[%swap3A_213] {strides = array<i32>} : memref<656xi32, #tpu.memory_space<vmem>>, vector<16xi32>,
      tpu.vector_store %arg17[%swap3A_213], %broadcast_in_dim3A_212 {strides = array<i32>} : memref<656xi32, #tpu.memory_space<vmem>>, vector<16xi32>,
      %broadcast_in_dim3A_215 = arith.constant 639 : i32
      %broadcast_in_dim3A_216 = vector.broadcast %broadcast_in_dim3A_215 : i32 to vector<16xi32>
      %swap3A_217 = arith.constant 432 : index
      %swap3A_218 = tpu.vector_load %arg17[%swap3A_217] {strides = array<i32>} : memref<656xi32, #tpu.memory_space<vmem>>, vector<16xi32>,
      tpu.vector_store %arg17[%swap3A_217], %broadcast_in_dim3A_216 {strides = array<i32>} : memref<656xi32, #tpu.memory_space<vmem>>, vector<16xi32>,
      %broadcast_in_dim3A_219 = arith.constant 639 : i32
      %broadcast_in_dim3A_220 = vector.broadcast %broadcast_in_dim3A_219 : i32 to vector<16xi32>
      %swap3A_221 = arith.constant 448 : index
      %swap3A_222 = tpu.vector_load %arg17[%swap3A_221] {strides = array<i32>} : memref<656xi32, #tpu.memory_space<vmem>>, vector<16xi32>,
      tpu.vector_store %arg17[%swap3A_221], %broadcast_in_dim3A_220 {strides = array<i32>} : memref<656xi32, #tpu.memory_space<vmem>>, vector<16xi32>,
      %broadcast_in_dim3A_223 = arith.constant 639 : i32
      %broadcast_in_dim3A_224 = vector.broadcast %broadcast_in_dim3A_223 : i32 to vector<16xi32>
      %swap3A_225 = arith.constant 464 : index
      %swap3A_226 = tpu.vector_load %arg17[%swap3A_225] {strides = array<i32>} : memref<656xi32, #tpu.memory_space<vmem>>, vector<16xi32>,
      tpu.vector_store %arg17[%swap3A_225], %broadcast_in_dim3A_224 {strides = array<i32>} : memref<656xi32, #tpu.memory_space<vmem>>, vector<16xi32>,
      %broadcast_in_dim3A_227 = arith.constant 639 : i32
      %broadcast_in_dim3A_228 = vector.broadcast %broadcast_in_dim3A_227 : i32 to vector<16xi32>
      %swap3A_229 = arith.constant 480 : index
      %swap3A_230 = tpu.vector_load %arg17[%swap3A_229] {strides = array<i32>} : memref<656xi32, #tpu.memory_space<vmem>>, vector<16xi32>,
      tpu.vector_store %arg17[%swap3A_229], %broadcast_in_dim3A_228 {strides = array<i32>} : memref<656xi32, #tpu.memory_space<vmem>>, vector<16xi32>,
      %broadcast_in_dim3A_231 = arith.constant 639 : i32
      %broadcast_in_dim3A_232 = vector.broadcast %broadcast_in_dim3A_231 : i32 to vector<16xi32>
      %swap3A_233 = arith.constant 496 : index
      %swap3A_234 = tpu.vector_load %arg17[%swap3A_233] {strides = array<i32>} : memref<656xi32, #tpu.memory_space<vmem>>, vector<16xi32>,
      tpu.vector_store %arg17[%swap3A_233], %broadcast_in_dim3A_232 {strides = array<i32>} : memref<656xi32, #tpu.memory_space<vmem>>, vector<16xi32>,
      %broadcast_in_dim3A_235 = arith.constant 639 : i32
      %broadcast_in_dim3A_236 = vector.broadcast %broadcast_in_dim3A_235 : i32 to vector<16xi32>
      %swap3A_237 = arith.constant 512 : index
      %swap3A_238 = tpu.vector_load %arg17[%swap3A_237] {strides = array<i32>} : memref<656xi32, #tpu.memory_space<vmem>>, vector<16xi32>,
      tpu.vector_store %arg17[%swap3A_237], %broadcast_in_dim3A_236 {strides = array<i32>} : memref<656xi32, #tpu.memory_space<vmem>>, vector<16xi32>,
      %broadcast_in_dim3A_239 = arith.constant 639 : i32
      %broadcast_in_dim3A_240 = vector.broadcast %broadcast_in_dim3A_239 : i32 to vector<16xi32>
      %swap3A_241 = arith.constant 528 : index
      %swap3A_242 = tpu.vector_load %arg17[%swap3A_241] {strides = array<i32>} : memref<656xi32, #tpu.memory_space<vmem>>, vector<16xi32>,
      tpu.vector_store %arg17[%swap3A_241], %broadcast_in_dim3A_240 {strides = array<i32>} : memref<656xi32, #tpu.memory_space<vmem>>, vector<16xi32>,
      %broadcast_in_dim3A_243 = arith.constant 639 : i32
      %broadcast_in_dim3A_244 = vector.broadcast %broadcast_in_dim3A_243 : i32 to vector<16xi32>
      %swap3A_245 = arith.constant 544 : index
      %swap3A_246 = tpu.vector_load %arg17[%swap3A_245] {strides = array<i32>} : memref<656xi32, #tpu.memory_space<vmem>>, vector<16xi32>,
      tpu.vector_store %arg17[%swap3A_245], %broadcast_in_dim3A_244 {strides = array<i32>} : memref<656xi32, #tpu.memory_space<vmem>>, vector<16xi32>,
      %broadcast_in_dim3A_247 = arith.constant 639 : i32
      %broadcast_in_dim3A_248 = vector.broadcast %broadcast_in_dim3A_247 : i32 to vector<16xi32>
      %swap3A_249 = arith.constant 560 : index
      %swap3A_250 = tpu.vector_load %arg17[%swap3A_249] {strides = array<i32>} : memref<656xi32, #tpu.memory_space<vmem>>, vector<16xi32>,
      tpu.vector_store %arg17[%swap3A_249], %broadcast_in_dim3A_248 {strides = array<i32>} : memref<656xi32, #tpu.memory_space<vmem>>, vector<16xi32>,
      %broadcast_in_dim3A_251 = arith.constant 639 : i32
      %broadcast_in_dim3A_252 = vector.broadcast %broadcast_in_dim3A_251 : i32 to vector<16xi32>
      %swap3A_253 = arith.constant 576 : index
      %swap3A_254 = tpu.vector_load %arg17[%swap3A_253] {strides = array<i32>} : memref<656xi32, #tpu.memory_space<vmem>>, vector<16xi32>,
      tpu.vector_store %arg17[%swap3A_253], %broadcast_in_dim3A_252 {strides = array<i32>} : memref<656xi32, #tpu.memory_space<vmem>>, vector<16xi32>,
      %broadcast_in_dim3A_255 = arith.constant 639 : i32
      %broadcast_in_dim3A_256 = vector.broadcast %broadcast_in_dim3A_255 : i32 to vector<16xi32>
      %swap3A_257 = arith.constant 592 : index
      %swap3A_258 = tpu.vector_load %arg17[%swap3A_257] {strides = array<i32>} : memref<656xi32, #tpu.memory_space<vmem>>, vector<16xi32>,
      tpu.vector_store %arg17[%swap3A_257], %broadcast_in_dim3A_256 {strides = array<i32>} : memref<656xi32, #tpu.memory_space<vmem>>, vector<16xi32>,
      %broadcast_in_dim3A_259 = arith.constant 639 : i32
      %broadcast_in_dim3A_260 = vector.broadcast %broadcast_in_dim3A_259 : i32 to vector<16xi32>
      %swap3A_261 = arith.constant 608 : index
      %swap3A_262 = tpu.vector_load %arg17[%swap3A_261] {strides = array<i32>} : memref<656xi32, #tpu.memory_space<vmem>>, vector<16xi32>,
      tpu.vector_store %arg17[%swap3A_261], %broadcast_in_dim3A_260 {strides = array<i32>} : memref<656xi32, #tpu.memory_space<vmem>>, vector<16xi32>,
      %broadcast_in_dim3A_263 = arith.constant 639 : i32
      %broadcast_in_dim3A_264 = vector.broadcast %broadcast_in_dim3A_263 : i32 to vector<16xi32>
      %swap3A_265 = arith.constant 624 : index
      %swap3A_266 = tpu.vector_load %arg17[%swap3A_265] {strides = array<i32>} : memref<656xi32, #tpu.memory_space<vmem>>, vector<16xi32>,
      tpu.vector_store %arg17[%swap3A_265], %broadcast_in_dim3A_264 {strides = array<i32>} : memref<656xi32, #tpu.memory_space<vmem>>, vector<16xi32>,
      %broadcast_in_dim3A_267 = arith.constant 639 : i32
      %broadcast_in_dim3A_268 = vector.broadcast %broadcast_in_dim3A_267 : i32 to vector<16xi32>
      %swap3A_269 = arith.constant 640 : index
      %swap3A_270 = tpu.vector_load %arg17[%swap3A_269] {strides = array<i32>} : memref<656xi32, #tpu.memory_space<vmem>>, vector<16xi32>,
      tpu.vector_store %arg17[%swap3A_269], %broadcast_in_dim3A_268 {strides = array<i32>} : memref<656xi32, #tpu.memory_space<vmem>>, vector<16xi32>,
      %scan3A_271 = arith.constant 0 : i32
      %scan3A_272 = arith.constant 0 : i32
      %scan3A_273 = arith.constant 40 : i32
      %scan3A_274 = arith.addi %scan3A_272, %scan3A_273 : i32
      %scan3A_275 = arith.constant 1 : i32
      %scan3A_276 = scf.for %scan3A_739 = %scan3A_272 to %scan3A_274 step %scan3A_275 iter_args(%scan3A_740 = %scan3A_271) -> (i32)  : i32 {
        %mul3A_741 = arith.constant 16 : i32
        %mul3A_742 = arith.muli %scan3A_739, %mul3A_741 : i32
        %get3A_743 = arith.index_cast %mul3A_742 : i32 to index
        %get3A_744 = tpu.vector_load %arg12[%get3A_743] {strides = array<i32>} : memref<640xi32, #tpu.memory_space<vmem>>, vector<16xi32>,
        %ne3A = arith.constant 0 : i32
        %ne3A_745 = vector.broadcast %ne3A : i32 to vector<16xi32>
        %ne3A_746 = arith.cmpi ne, %get3A_744, %ne3A_745 : vector<16xi32>
        %mul3A_747 = arith.constant 16 : i32
        %mul3A_748 = arith.muli %scan3A_739, %mul3A_747 : i32
        %add3A_749 = vector.broadcast %mul3A_748 : i32 to vector<16xi32>
        %add3A_750 = arith.addi %add3A_749, %iota3A : vector<16xi32>
        %swap3A_751 = arith.index_cast %scan3A_740 : i32 to index
        %swap3A_752 = tpu.vector_load %arg17[%swap3A_751] masked %ne3A_746 {strides = array<i32>} : memref<656xi32, #tpu.memory_space<vmem>>, vector<16xi32>, vector<16xi1>
        tpu.vector_store %arg17[%swap3A_751], %add3A_750 masked %ne3A_746 {strides = array<i32>} : memref<656xi32, #tpu.memory_space<vmem>>, vector<16xi32>, vector<16xi1>
        %all_reduce_population_count3A = tpu.all_reduce %ne3A_746 {dim = 0 : i64, kind = #tpu.reduction_kind<sum>} : vector<16xi1> -> vector<16xi32>
        %slice3A_753 = vector.extract_strided_slice %all_reduce_population_count3A {offsets = [0], sizes = [1], strides = [1]} : vector<16xi32> to vector<1xi32>
        %squeeze3A_754 = vector.extract %slice3A_753[0] : i32 from vector<1xi32>
        %add3A_755 = arith.addi %scan3A_740, %squeeze3A_754 : i32
        scf.yield %add3A_755 : i32
      }
      %scan3A_277 = arith.constant 40 : i32
      %add3A_278 = arith.constant 15 : i32
      %add3A_279 = arith.addi %scan3A_276, %add3A_278 : i32
      %shift_right_arithmetic3A = arith.constant 4 : i32
      %shift_right_arithmetic3A_280 = arith.shrsi %add3A_279, %shift_right_arithmetic3A : i32
      %while3A = arith.constant 0 : i32
      %while3A_281 = arith.constant 0 : i32
      %while3A_282 = arith.subi %shift_right_arithmetic3A_280, %while3A_281 : i32
      %while3A_283 = arith.addi %while3A_281, %while3A_282 : i32
      %while3A_284 = arith.constant 1 : i32
      %while3A_285 = arith.divsi %while3A_282, %while3A_284 : i32
      %while3A_286 = arith.muli %while3A_285, %while3A_284 : i32
      %while3A_287 = arith.addi %while3A_281, %while3A_286 : i32
      %while3A_288 = arith.constant 1 : i32
      scf.for %while3A_739 = %while3A_281 to %while3A_287 step %while3A_288  : i32 {
        %mul3A_740 = arith.constant 16 : i32
        %mul3A_741 = arith.muli %while3A_739, %mul3A_740 : i32
        %get3A_742 = arith.index_cast %mul3A_741 : i32 to index
        %get3A_743 = tpu.vector_load %arg17[%get3A_742] {strides = array<i32>} : memref<656xi32, #tpu.memory_space<vmem>>, vector<16xi32>,
        %gather3A_744 = tpu.vector_load_idx %arg12[%get3A_743] : memref<640xi32, #tpu.memory_space<vmem>>[vector<16xi32>], vector<16xi32>,
        %gather3A_745 = tpu.vector_load_idx %arg13[%get3A_743] : memref<640xi32, #tpu.memory_space<vmem>>[vector<16xi32>], vector<16xi32>,
        %slice3A_746 = vector.extract_strided_slice %gather3A_744 {offsets = [0], sizes = [1], strides = [1]} : vector<16xi32> to vector<1xi32>
        %squeeze3A_747 = vector.extract %slice3A_746[0] : i32 from vector<1xi32>
        %broadcast_in_dim3A_748 = vector.broadcast %squeeze3A_747 : i32 to vector<16xi32>
        %shift_right_arithmetic3A_749 = arith.shrsi %broadcast_in_dim3A_748, %iota3A : vector<16xi32>
        %and3A = arith.constant 1 : i32
        %and3A_750 = vector.broadcast %and3A : i32 to vector<16xi32>
        %and3A_751 = arith.andi %shift_right_arithmetic3A_749, %and3A_750 : vector<16xi32>
        %gt3A = arith.constant 0 : i32
        %gt3A_752 = vector.broadcast %gt3A : i32 to vector<16xi32>
        %gt3A_753 = arith.cmpi sgt, %and3A_751, %gt3A_752 : vector<16xi32>
        %slice3A_754 = vector.extract_strided_slice %get3A_743 {offsets = [0], sizes = [1], strides = [1]} : vector<16xi32> to vector<1xi32>
        %squeeze3A_755 = vector.extract %slice3A_754[0] : i32 from vector<1xi32>
        %mul3A_756 = arith.constant 16 : i32
        %mul3A_757 = arith.muli %squeeze3A_755, %mul3A_756 : i32
        %add3A_758 = vector.broadcast %mul3A_757 : i32 to vector<16xi32>
        %add3A_759 = arith.addi %add3A_758, %iota3A : vector<16xi32>
        %slice3A_760 = vector.extract_strided_slice %gather3A_745 {offsets = [0], sizes = [1], strides = [1]} : vector<16xi32> to vector<1xi32>
        %squeeze3A_761 = vector.extract %slice3A_760[0] : i32 from vector<1xi32>
        %swap3A_762 = arith.index_cast %squeeze3A_761 : i32 to index
        %swap3A_763 = tpu.vector_load %arg16[%swap3A_762] masked %gt3A_753 {strides = array<i32>} : memref<144xi32, #tpu.memory_space<vmem>>, vector<16xi32>, vector<16xi1>
        tpu.vector_store %arg16[%swap3A_762], %add3A_759 masked %gt3A_753 {strides = array<i32>} : memref<144xi32, #tpu.memory_space<vmem>>, vector<16xi32>, vector<16xi1>
        %slice3A_764 = vector.extract_strided_slice %gather3A_744 {offsets = [1], sizes = [1], strides = [1]} : vector<16xi32> to vector<1xi32>
        %squeeze3A_765 = vector.extract %slice3A_764[0] : i32 from vector<1xi32>
        %broadcast_in_dim3A_766 = vector.broadcast %squeeze3A_765 : i32 to vector<16xi32>
        %shift_right_arithmetic3A_767 = arith.shrsi %broadcast_in_dim3A_766, %iota3A : vector<16xi32>
        %and3A_768 = arith.constant 1 : i32
        %and3A_769 = vector.broadcast %and3A_768 : i32 to vector<16xi32>
        %and3A_770 = arith.andi %shift_right_arithmetic3A_767, %and3A_769 : vector<16xi32>
        %gt3A_771 = arith.constant 0 : i32
        %gt3A_772 = vector.broadcast %gt3A_771 : i32 to vector<16xi32>
        %gt3A_773 = arith.cmpi sgt, %and3A_770, %gt3A_772 : vector<16xi32>
        %slice3A_774 = vector.extract_strided_slice %get3A_743 {offsets = [1], sizes = [1], strides = [1]} : vector<16xi32> to vector<1xi32>
        %squeeze3A_775 = vector.extract %slice3A_774[0] : i32 from vector<1xi32>
        %mul3A_776 = arith.constant 16 : i32
        %mul3A_777 = arith.muli %squeeze3A_775, %mul3A_776 : i32
        %add3A_778 = vector.broadcast %mul3A_777 : i32 to vector<16xi32>
        %add3A_779 = arith.addi %add3A_778, %iota3A : vector<16xi32>
        %slice3A_780 = vector.extract_strided_slice %gather3A_745 {offsets = [1], sizes = [1], strides = [1]} : vector<16xi32> to vector<1xi32>
        %squeeze3A_781 = vector.extract %slice3A_780[0] : i32 from vector<1xi32>
        %swap3A_782 = arith.index_cast %squeeze3A_781 : i32 to index
        %swap3A_783 = tpu.vector_load %arg16[%swap3A_782] masked %gt3A_773 {strides = array<i32>} : memref<144xi32, #tpu.memory_space<vmem>>, vector<16xi32>, vector<16xi1>
        tpu.vector_store %arg16[%swap3A_782], %add3A_779 masked %gt3A_773 {strides = array<i32>} : memref<144xi32, #tpu.memory_space<vmem>>, vector<16xi32>, vector<16xi1>
        %slice3A_784 = vector.extract_strided_slice %gather3A_744 {offsets = [2], sizes = [1], strides = [1]} : vector<16xi32> to vector<1xi32>
        %squeeze3A_785 = vector.extract %slice3A_784[0] : i32 from vector<1xi32>
        %broadcast_in_dim3A_786 = vector.broadcast %squeeze3A_785 : i32 to vector<16xi32>
        %shift_right_arithmetic3A_787 = arith.shrsi %broadcast_in_dim3A_786, %iota3A : vector<16xi32>
        %and3A_788 = arith.constant 1 : i32
        %and3A_789 = vector.broadcast %and3A_788 : i32 to vector<16xi32>
        %and3A_790 = arith.andi %shift_right_arithmetic3A_787, %and3A_789 : vector<16xi32>
        %gt3A_791 = arith.constant 0 : i32
        %gt3A_792 = vector.broadcast %gt3A_791 : i32 to vector<16xi32>
        %gt3A_793 = arith.cmpi sgt, %and3A_790, %gt3A_792 : vector<16xi32>
        %slice3A_794 = vector.extract_strided_slice %get3A_743 {offsets = [2], sizes = [1], strides = [1]} : vector<16xi32> to vector<1xi32>
        %squeeze3A_795 = vector.extract %slice3A_794[0] : i32 from vector<1xi32>
        %mul3A_796 = arith.constant 16 : i32
        %mul3A_797 = arith.muli %squeeze3A_795, %mul3A_796 : i32
        %add3A_798 = vector.broadcast %mul3A_797 : i32 to vector<16xi32>
        %add3A_799 = arith.addi %add3A_798, %iota3A : vector<16xi32>
        %slice3A_800 = vector.extract_strided_slice %gather3A_745 {offsets = [2], sizes = [1], strides = [1]} : vector<16xi32> to vector<1xi32>
        %squeeze3A_801 = vector.extract %slice3A_800[0] : i32 from vector<1xi32>
        %swap3A_802 = arith.index_cast %squeeze3A_801 : i32 to index
        %swap3A_803 = tpu.vector_load %arg16[%swap3A_802] masked %gt3A_793 {strides = array<i32>} : memref<144xi32, #tpu.memory_space<vmem>>, vector<16xi32>, vector<16xi1>
        tpu.vector_store %arg16[%swap3A_802], %add3A_799 masked %gt3A_793 {strides = array<i32>} : memref<144xi32, #tpu.memory_space<vmem>>, vector<16xi32>, vector<16xi1>
        %slice3A_804 = vector.extract_strided_slice %gather3A_744 {offsets = [3], sizes = [1], strides = [1]} : vector<16xi32> to vector<1xi32>
        %squeeze3A_805 = vector.extract %slice3A_804[0] : i32 from vector<1xi32>
        %broadcast_in_dim3A_806 = vector.broadcast %squeeze3A_805 : i32 to vector<16xi32>
        %shift_right_arithmetic3A_807 = arith.shrsi %broadcast_in_dim3A_806, %iota3A : vector<16xi32>
        %and3A_808 = arith.constant 1 : i32
        %and3A_809 = vector.broadcast %and3A_808 : i32 to vector<16xi32>
        %and3A_810 = arith.andi %shift_right_arithmetic3A_807, %and3A_809 : vector<16xi32>
        %gt3A_811 = arith.constant 0 : i32
        %gt3A_812 = vector.broadcast %gt3A_811 : i32 to vector<16xi32>
        %gt3A_813 = arith.cmpi sgt, %and3A_810, %gt3A_812 : vector<16xi32>
        %slice3A_814 = vector.extract_strided_slice %get3A_743 {offsets = [3], sizes = [1], strides = [1]} : vector<16xi32> to vector<1xi32>
        %squeeze3A_815 = vector.extract %slice3A_814[0] : i32 from vector<1xi32>
        %mul3A_816 = arith.constant 16 : i32
        %mul3A_817 = arith.muli %squeeze3A_815, %mul3A_816 : i32
        %add3A_818 = vector.broadcast %mul3A_817 : i32 to vector<16xi32>
        %add3A_819 = arith.addi %add3A_818, %iota3A : vector<16xi32>
        %slice3A_820 = vector.extract_strided_slice %gather3A_745 {offsets = [3], sizes = [1], strides = [1]} : vector<16xi32> to vector<1xi32>
        %squeeze3A_821 = vector.extract %slice3A_820[0] : i32 from vector<1xi32>
        %swap3A_822 = arith.index_cast %squeeze3A_821 : i32 to index
        %swap3A_823 = tpu.vector_load %arg16[%swap3A_822] masked %gt3A_813 {strides = array<i32>} : memref<144xi32, #tpu.memory_space<vmem>>, vector<16xi32>, vector<16xi1>
        tpu.vector_store %arg16[%swap3A_822], %add3A_819 masked %gt3A_813 {strides = array<i32>} : memref<144xi32, #tpu.memory_space<vmem>>, vector<16xi32>, vector<16xi1>
        %slice3A_824 = vector.extract_strided_slice %gather3A_744 {offsets = [4], sizes = [1], strides = [1]} : vector<16xi32> to vector<1xi32>
        %squeeze3A_825 = vector.extract %slice3A_824[0] : i32 from vector<1xi32>
        %broadcast_in_dim3A_826 = vector.broadcast %squeeze3A_825 : i32 to vector<16xi32>
        %shift_right_arithmetic3A_827 = arith.shrsi %broadcast_in_dim3A_826, %iota3A : vector<16xi32>
        %and3A_828 = arith.constant 1 : i32
        %and3A_829 = vector.broadcast %and3A_828 : i32 to vector<16xi32>
        %and3A_830 = arith.andi %shift_right_arithmetic3A_827, %and3A_829 : vector<16xi32>
        %gt3A_831 = arith.constant 0 : i32
        %gt3A_832 = vector.broadcast %gt3A_831 : i32 to vector<16xi32>
        %gt3A_833 = arith.cmpi sgt, %and3A_830, %gt3A_832 : vector<16xi32>
        %slice3A_834 = vector.extract_strided_slice %get3A_743 {offsets = [4], sizes = [1], strides = [1]} : vector<16xi32> to vector<1xi32>
        %squeeze3A_835 = vector.extract %slice3A_834[0] : i32 from vector<1xi32>
        %mul3A_836 = arith.constant 16 : i32
        %mul3A_837 = arith.muli %squeeze3A_835, %mul3A_836 : i32
        %add3A_838 = vector.broadcast %mul3A_837 : i32 to vector<16xi32>
        %add3A_839 = arith.addi %add3A_838, %iota3A : vector<16xi32>
        %slice3A_840 = vector.extract_strided_slice %gather3A_745 {offsets = [4], sizes = [1], strides = [1]} : vector<16xi32> to vector<1xi32>
        %squeeze3A_841 = vector.extract %slice3A_840[0] : i32 from vector<1xi32>
        %swap3A_842 = arith.index_cast %squeeze3A_841 : i32 to index
        %swap3A_843 = tpu.vector_load %arg16[%swap3A_842] masked %gt3A_833 {strides = array<i32>} : memref<144xi32, #tpu.memory_space<vmem>>, vector<16xi32>, vector<16xi1>
        tpu.vector_store %arg16[%swap3A_842], %add3A_839 masked %gt3A_833 {strides = array<i32>} : memref<144xi32, #tpu.memory_space<vmem>>, vector<16xi32>, vector<16xi1>
        %slice3A_844 = vector.extract_strided_slice %gather3A_744 {offsets = [5], sizes = [1], strides = [1]} : vector<16xi32> to vector<1xi32>
        %squeeze3A_845 = vector.extract %slice3A_844[0] : i32 from vector<1xi32>
        %broadcast_in_dim3A_846 = vector.broadcast %squeeze3A_845 : i32 to vector<16xi32>
        %shift_right_arithmetic3A_847 = arith.shrsi %broadcast_in_dim3A_846, %iota3A : vector<16xi32>
        %and3A_848 = arith.constant 1 : i32
        %and3A_849 = vector.broadcast %and3A_848 : i32 to vector<16xi32>
        %and3A_850 = arith.andi %shift_right_arithmetic3A_847, %and3A_849 : vector<16xi32>
        %gt3A_851 = arith.constant 0 : i32
        %gt3A_852 = vector.broadcast %gt3A_851 : i32 to vector<16xi32>
        %gt3A_853 = arith.cmpi sgt, %and3A_850, %gt3A_852 : vector<16xi32>
        %slice3A_854 = vector.extract_strided_slice %get3A_743 {offsets = [5], sizes = [1], strides = [1]} : vector<16xi32> to vector<1xi32>
        %squeeze3A_855 = vector.extract %slice3A_854[0] : i32 from vector<1xi32>
        %mul3A_856 = arith.constant 16 : i32
        %mul3A_857 = arith.muli %squeeze3A_855, %mul3A_856 : i32
        %add3A_858 = vector.broadcast %mul3A_857 : i32 to vector<16xi32>
        %add3A_859 = arith.addi %add3A_858, %iota3A : vector<16xi32>
        %slice3A_860 = vector.extract_strided_slice %gather3A_745 {offsets = [5], sizes = [1], strides = [1]} : vector<16xi32> to vector<1xi32>
        %squeeze3A_861 = vector.extract %slice3A_860[0] : i32 from vector<1xi32>
        %swap3A_862 = arith.index_cast %squeeze3A_861 : i32 to index
        %swap3A_863 = tpu.vector_load %arg16[%swap3A_862] masked %gt3A_853 {strides = array<i32>} : memref<144xi32, #tpu.memory_space<vmem>>, vector<16xi32>, vector<16xi1>
        tpu.vector_store %arg16[%swap3A_862], %add3A_859 masked %gt3A_853 {strides = array<i32>} : memref<144xi32, #tpu.memory_space<vmem>>, vector<16xi32>, vector<16xi1>
        %slice3A_864 = vector.extract_strided_slice %gather3A_744 {offsets = [6], sizes = [1], strides = [1]} : vector<16xi32> to vector<1xi32>
        %squeeze3A_865 = vector.extract %slice3A_864[0] : i32 from vector<1xi32>
        %broadcast_in_dim3A_866 = vector.broadcast %squeeze3A_865 : i32 to vector<16xi32>
        %shift_right_arithmetic3A_867 = arith.shrsi %broadcast_in_dim3A_866, %iota3A : vector<16xi32>
        %and3A_868 = arith.constant 1 : i32
        %and3A_869 = vector.broadcast %and3A_868 : i32 to vector<16xi32>
        %and3A_870 = arith.andi %shift_right_arithmetic3A_867, %and3A_869 : vector<16xi32>
        %gt3A_871 = arith.constant 0 : i32
        %gt3A_872 = vector.broadcast %gt3A_871 : i32 to vector<16xi32>
        %gt3A_873 = arith.cmpi sgt, %and3A_870, %gt3A_872 : vector<16xi32>
        %slice3A_874 = vector.extract_strided_slice %get3A_743 {offsets = [6], sizes = [1], strides = [1]} : vector<16xi32> to vector<1xi32>
        %squeeze3A_875 = vector.extract %slice3A_874[0] : i32 from vector<1xi32>
        %mul3A_876 = arith.constant 16 : i32
        %mul3A_877 = arith.muli %squeeze3A_875, %mul3A_876 : i32
        %add3A_878 = vector.broadcast %mul3A_877 : i32 to vector<16xi32>
        %add3A_879 = arith.addi %add3A_878, %iota3A : vector<16xi32>
        %slice3A_880 = vector.extract_strided_slice %gather3A_745 {offsets = [6], sizes = [1], strides = [1]} : vector<16xi32> to vector<1xi32>
        %squeeze3A_881 = vector.extract %slice3A_880[0] : i32 from vector<1xi32>
        %swap3A_882 = arith.index_cast %squeeze3A_881 : i32 to index
        %swap3A_883 = tpu.vector_load %arg16[%swap3A_882] masked %gt3A_873 {strides = array<i32>} : memref<144xi32, #tpu.memory_space<vmem>>, vector<16xi32>, vector<16xi1>
        tpu.vector_store %arg16[%swap3A_882], %add3A_879 masked %gt3A_873 {strides = array<i32>} : memref<144xi32, #tpu.memory_space<vmem>>, vector<16xi32>, vector<16xi1>
        %slice3A_884 = vector.extract_strided_slice %gather3A_744 {offsets = [7], sizes = [1], strides = [1]} : vector<16xi32> to vector<1xi32>
        %squeeze3A_885 = vector.extract %slice3A_884[0] : i32 from vector<1xi32>
        %broadcast_in_dim3A_886 = vector.broadcast %squeeze3A_885 : i32 to vector<16xi32>
        %shift_right_arithmetic3A_887 = arith.shrsi %broadcast_in_dim3A_886, %iota3A : vector<16xi32>
        %and3A_888 = arith.constant 1 : i32
        %and3A_889 = vector.broadcast %and3A_888 : i32 to vector<16xi32>
        %and3A_890 = arith.andi %shift_right_arithmetic3A_887, %and3A_889 : vector<16xi32>
        %gt3A_891 = arith.constant 0 : i32
        %gt3A_892 = vector.broadcast %gt3A_891 : i32 to vector<16xi32>
        %gt3A_893 = arith.cmpi sgt, %and3A_890, %gt3A_892 : vector<16xi32>
        %slice3A_894 = vector.extract_strided_slice %get3A_743 {offsets = [7], sizes = [1], strides = [1]} : vector<16xi32> to vector<1xi32>
        %squeeze3A_895 = vector.extract %slice3A_894[0] : i32 from vector<1xi32>
        %mul3A_896 = arith.constant 16 : i32
        %mul3A_897 = arith.muli %squeeze3A_895, %mul3A_896 : i32
        %add3A_898 = vector.broadcast %mul3A_897 : i32 to vector<16xi32>
        %add3A_899 = arith.addi %add3A_898, %iota3A : vector<16xi32>
        %slice3A_900 = vector.extract_strided_slice %gather3A_745 {offsets = [7], sizes = [1], strides = [1]} : vector<16xi32> to vector<1xi32>
        %squeeze3A_901 = vector.extract %slice3A_900[0] : i32 from vector<1xi32>
        %swap3A_902 = arith.index_cast %squeeze3A_901 : i32 to index
        %swap3A_903 = tpu.vector_load %arg16[%swap3A_902] masked %gt3A_893 {strides = array<i32>} : memref<144xi32, #tpu.memory_space<vmem>>, vector<16xi32>, vector<16xi1>
        tpu.vector_store %arg16[%swap3A_902], %add3A_899 masked %gt3A_893 {strides = array<i32>} : memref<144xi32, #tpu.memory_space<vmem>>, vector<16xi32>, vector<16xi1>
        %slice3A_904 = vector.extract_strided_slice %gather3A_744 {offsets = [8], sizes = [1], strides = [1]} : vector<16xi32> to vector<1xi32>
        %squeeze3A_905 = vector.extract %slice3A_904[0] : i32 from vector<1xi32>
        %broadcast_in_dim3A_906 = vector.broadcast %squeeze3A_905 : i32 to vector<16xi32>
        %shift_right_arithmetic3A_907 = arith.shrsi %broadcast_in_dim3A_906, %iota3A : vector<16xi32>
        %and3A_908 = arith.constant 1 : i32
        %and3A_909 = vector.broadcast %and3A_908 : i32 to vector<16xi32>
        %and3A_910 = arith.andi %shift_right_arithmetic3A_907, %and3A_909 : vector<16xi32>
        %gt3A_911 = arith.constant 0 : i32
        %gt3A_912 = vector.broadcast %gt3A_911 : i32 to vector<16xi32>
        %gt3A_913 = arith.cmpi sgt, %and3A_910, %gt3A_912 : vector<16xi32>
        %slice3A_914 = vector.extract_strided_slice %get3A_743 {offsets = [8], sizes = [1], strides = [1]} : vector<16xi32> to vector<1xi32>
        %squeeze3A_915 = vector.extract %slice3A_914[0] : i32 from vector<1xi32>
        %mul3A_916 = arith.constant 16 : i32
        %mul3A_917 = arith.muli %squeeze3A_915, %mul3A_916 : i32
        %add3A_918 = vector.broadcast %mul3A_917 : i32 to vector<16xi32>
        %add3A_919 = arith.addi %add3A_918, %iota3A : vector<16xi32>
        %slice3A_920 = vector.extract_strided_slice %gather3A_745 {offsets = [8], sizes = [1], strides = [1]} : vector<16xi32> to vector<1xi32>
        %squeeze3A_921 = vector.extract %slice3A_920[0] : i32 from vector<1xi32>
        %swap3A_922 = arith.index_cast %squeeze3A_921 : i32 to index
        %swap3A_923 = tpu.vector_load %arg16[%swap3A_922] masked %gt3A_913 {strides = array<i32>} : memref<144xi32, #tpu.memory_space<vmem>>, vector<16xi32>, vector<16xi1>
        tpu.vector_store %arg16[%swap3A_922], %add3A_919 masked %gt3A_913 {strides = array<i32>} : memref<144xi32, #tpu.memory_space<vmem>>, vector<16xi32>, vector<16xi1>
        %slice3A_924 = vector.extract_strided_slice %gather3A_744 {offsets = [9], sizes = [1], strides = [1]} : vector<16xi32> to vector<1xi32>
        %squeeze3A_925 = vector.extract %slice3A_924[0] : i32 from vector<1xi32>
        %broadcast_in_dim3A_926 = vector.broadcast %squeeze3A_925 : i32 to vector<16xi32>
        %shift_right_arithmetic3A_927 = arith.shrsi %broadcast_in_dim3A_926, %iota3A : vector<16xi32>
        %and3A_928 = arith.constant 1 : i32
        %and3A_929 = vector.broadcast %and3A_928 : i32 to vector<16xi32>
        %and3A_930 = arith.andi %shift_right_arithmetic3A_927, %and3A_929 : vector<16xi32>
        %gt3A_931 = arith.constant 0 : i32
        %gt3A_932 = vector.broadcast %gt3A_931 : i32 to vector<16xi32>
        %gt3A_933 = arith.cmpi sgt, %and3A_930, %gt3A_932 : vector<16xi32>
        %slice3A_934 = vector.extract_strided_slice %get3A_743 {offsets = [9], sizes = [1], strides = [1]} : vector<16xi32> to vector<1xi32>
        %squeeze3A_935 = vector.extract %slice3A_934[0] : i32 from vector<1xi32>
        %mul3A_936 = arith.constant 16 : i32
        %mul3A_937 = arith.muli %squeeze3A_935, %mul3A_936 : i32
        %add3A_938 = vector.broadcast %mul3A_937 : i32 to vector<16xi32>
        %add3A_939 = arith.addi %add3A_938, %iota3A : vector<16xi32>
        %slice3A_940 = vector.extract_strided_slice %gather3A_745 {offsets = [9], sizes = [1], strides = [1]} : vector<16xi32> to vector<1xi32>
        %squeeze3A_941 = vector.extract %slice3A_940[0] : i32 from vector<1xi32>
        %swap3A_942 = arith.index_cast %squeeze3A_941 : i32 to index
        %swap3A_943 = tpu.vector_load %arg16[%swap3A_942] masked %gt3A_933 {strides = array<i32>} : memref<144xi32, #tpu.memory_space<vmem>>, vector<16xi32>, vector<16xi1>
        tpu.vector_store %arg16[%swap3A_942], %add3A_939 masked %gt3A_933 {strides = array<i32>} : memref<144xi32, #tpu.memory_space<vmem>>, vector<16xi32>, vector<16xi1>
        %slice3A_944 = vector.extract_strided_slice %gather3A_744 {offsets = [10], sizes = [1], strides = [1]} : vector<16xi32> to vector<1xi32>
        %squeeze3A_945 = vector.extract %slice3A_944[0] : i32 from vector<1xi32>
        %broadcast_in_dim3A_946 = vector.broadcast %squeeze3A_945 : i32 to vector<16xi32>
        %shift_right_arithmetic3A_947 = arith.shrsi %broadcast_in_dim3A_946, %iota3A : vector<16xi32>
        %and3A_948 = arith.constant 1 : i32
        %and3A_949 = vector.broadcast %and3A_948 : i32 to vector<16xi32>
        %and3A_950 = arith.andi %shift_right_arithmetic3A_947, %and3A_949 : vector<16xi32>
        %gt3A_951 = arith.constant 0 : i32
        %gt3A_952 = vector.broadcast %gt3A_951 : i32 to vector<16xi32>
        %gt3A_953 = arith.cmpi sgt, %and3A_950, %gt3A_952 : vector<16xi32>
        %slice3A_954 = vector.extract_strided_slice %get3A_743 {offsets = [10], sizes = [1], strides = [1]} : vector<16xi32> to vector<1xi32>
        %squeeze3A_955 = vector.extract %slice3A_954[0] : i32 from vector<1xi32>
        %mul3A_956 = arith.constant 16 : i32
        %mul3A_957 = arith.muli %squeeze3A_955, %mul3A_956 : i32
        %add3A_958 = vector.broadcast %mul3A_957 : i32 to vector<16xi32>
        %add3A_959 = arith.addi %add3A_958, %iota3A : vector<16xi32>
        %slice3A_960 = vector.extract_strided_slice %gather3A_745 {offsets = [10], sizes = [1], strides = [1]} : vector<16xi32> to vector<1xi32>
        %squeeze3A_961 = vector.extract %slice3A_960[0] : i32 from vector<1xi32>
        %swap3A_962 = arith.index_cast %squeeze3A_961 : i32 to index
        %swap3A_963 = tpu.vector_load %arg16[%swap3A_962] masked %gt3A_953 {strides = array<i32>} : memref<144xi32, #tpu.memory_space<vmem>>, vector<16xi32>, vector<16xi1>
        tpu.vector_store %arg16[%swap3A_962], %add3A_959 masked %gt3A_953 {strides = array<i32>} : memref<144xi32, #tpu.memory_space<vmem>>, vector<16xi32>, vector<16xi1>
        %slice3A_964 = vector.extract_strided_slice %gather3A_744 {offsets = [11], sizes = [1], strides = [1]} : vector<16xi32> to vector<1xi32>
        %squeeze3A_965 = vector.extract %slice3A_964[0] : i32 from vector<1xi32>
        %broadcast_in_dim3A_966 = vector.broadcast %squeeze3A_965 : i32 to vector<16xi32>
        %shift_right_arithmetic3A_967 = arith.shrsi %broadcast_in_dim3A_966, %iota3A : vector<16xi32>
        %and3A_968 = arith.constant 1 : i32
        %and3A_969 = vector.broadcast %and3A_968 : i32 to vector<16xi32>
        %and3A_970 = arith.andi %shift_right_arithmetic3A_967, %and3A_969 : vector<16xi32>
        %gt3A_971 = arith.constant 0 : i32
        %gt3A_972 = vector.broadcast %gt3A_971 : i32 to vector<16xi32>
        %gt3A_973 = arith.cmpi sgt, %and3A_970, %gt3A_972 : vector<16xi32>
        %slice3A_974 = vector.extract_strided_slice %get3A_743 {offsets = [11], sizes = [1], strides = [1]} : vector<16xi32> to vector<1xi32>
        %squeeze3A_975 = vector.extract %slice3A_974[0] : i32 from vector<1xi32>
        %mul3A_976 = arith.constant 16 : i32
        %mul3A_977 = arith.muli %squeeze3A_975, %mul3A_976 : i32
        %add3A_978 = vector.broadcast %mul3A_977 : i32 to vector<16xi32>
        %add3A_979 = arith.addi %add3A_978, %iota3A : vector<16xi32>
        %slice3A_980 = vector.extract_strided_slice %gather3A_745 {offsets = [11], sizes = [1], strides = [1]} : vector<16xi32> to vector<1xi32>
        %squeeze3A_981 = vector.extract %slice3A_980[0] : i32 from vector<1xi32>
        %swap3A_982 = arith.index_cast %squeeze3A_981 : i32 to index
        %swap3A_983 = tpu.vector_load %arg16[%swap3A_982] masked %gt3A_973 {strides = array<i32>} : memref<144xi32, #tpu.memory_space<vmem>>, vector<16xi32>, vector<16xi1>
        tpu.vector_store %arg16[%swap3A_982], %add3A_979 masked %gt3A_973 {strides = array<i32>} : memref<144xi32, #tpu.memory_space<vmem>>, vector<16xi32>, vector<16xi1>
        %slice3A_984 = vector.extract_strided_slice %gather3A_744 {offsets = [12], sizes = [1], strides = [1]} : vector<16xi32> to vector<1xi32>
        %squeeze3A_985 = vector.extract %slice3A_984[0] : i32 from vector<1xi32>
        %broadcast_in_dim3A_986 = vector.broadcast %squeeze3A_985 : i32 to vector<16xi32>
        %shift_right_arithmetic3A_987 = arith.shrsi %broadcast_in_dim3A_986, %iota3A : vector<16xi32>
        %and3A_988 = arith.constant 1 : i32
        %and3A_989 = vector.broadcast %and3A_988 : i32 to vector<16xi32>
        %and3A_990 = arith.andi %shift_right_arithmetic3A_987, %and3A_989 : vector<16xi32>
        %gt3A_991 = arith.constant 0 : i32
        %gt3A_992 = vector.broadcast %gt3A_991 : i32 to vector<16xi32>
        %gt3A_993 = arith.cmpi sgt, %and3A_990, %gt3A_992 : vector<16xi32>
        %slice3A_994 = vector.extract_strided_slice %get3A_743 {offsets = [12], sizes = [1], strides = [1]} : vector<16xi32> to vector<1xi32>
        %squeeze3A_995 = vector.extract %slice3A_994[0] : i32 from vector<1xi32>
        %mul3A_996 = arith.constant 16 : i32
        %mul3A_997 = arith.muli %squeeze3A_995, %mul3A_996 : i32
        %add3A_998 = vector.broadcast %mul3A_997 : i32 to vector<16xi32>
        %add3A_999 = arith.addi %add3A_998, %iota3A : vector<16xi32>
        %slice3A_1000 = vector.extract_strided_slice %gather3A_745 {offsets = [12], sizes = [1], strides = [1]} : vector<16xi32> to vector<1xi32>
        %squeeze3A_1001 = vector.extract %slice3A_1000[0] : i32 from vector<1xi32>
        %swap3A_1002 = arith.index_cast %squeeze3A_1001 : i32 to index
        %swap3A_1003 = tpu.vector_load %arg16[%swap3A_1002] masked %gt3A_993 {strides = array<i32>} : memref<144xi32, #tpu.memory_space<vmem>>, vector<16xi32>, vector<16xi1>
        tpu.vector_store %arg16[%swap3A_1002], %add3A_999 masked %gt3A_993 {strides = array<i32>} : memref<144xi32, #tpu.memory_space<vmem>>, vector<16xi32>, vector<16xi1>
        %slice3A_1004 = vector.extract_strided_slice %gather3A_744 {offsets = [13], sizes = [1], strides = [1]} : vector<16xi32> to vector<1xi32>
        %squeeze3A_1005 = vector.extract %slice3A_1004[0] : i32 from vector<1xi32>
        %broadcast_in_dim3A_1006 = vector.broadcast %squeeze3A_1005 : i32 to vector<16xi32>
        %shift_right_arithmetic3A_1007 = arith.shrsi %broadcast_in_dim3A_1006, %iota3A : vector<16xi32>
        %and3A_1008 = arith.constant 1 : i32
        %and3A_1009 = vector.broadcast %and3A_1008 : i32 to vector<16xi32>
        %and3A_1010 = arith.andi %shift_right_arithmetic3A_1007, %and3A_1009 : vector<16xi32>
        %gt3A_1011 = arith.constant 0 : i32
        %gt3A_1012 = vector.broadcast %gt3A_1011 : i32 to vector<16xi32>
        %gt3A_1013 = arith.cmpi sgt, %and3A_1010, %gt3A_1012 : vector<16xi32>
        %slice3A_1014 = vector.extract_strided_slice %get3A_743 {offsets = [13], sizes = [1], strides = [1]} : vector<16xi32> to vector<1xi32>
        %squeeze3A_1015 = vector.extract %slice3A_1014[0] : i32 from vector<1xi32>
        %mul3A_1016 = arith.constant 16 : i32
        %mul3A_1017 = arith.muli %squeeze3A_1015, %mul3A_1016 : i32
        %add3A_1018 = vector.broadcast %mul3A_1017 : i32 to vector<16xi32>
        %add3A_1019 = arith.addi %add3A_1018, %iota3A : vector<16xi32>
        %slice3A_1020 = vector.extract_strided_slice %gather3A_745 {offsets = [13], sizes = [1], strides = [1]} : vector<16xi32> to vector<1xi32>
        %squeeze3A_1021 = vector.extract %slice3A_1020[0] : i32 from vector<1xi32>
        %swap3A_1022 = arith.index_cast %squeeze3A_1021 : i32 to index
        %swap3A_1023 = tpu.vector_load %arg16[%swap3A_1022] masked %gt3A_1013 {strides = array<i32>} : memref<144xi32, #tpu.memory_space<vmem>>, vector<16xi32>, vector<16xi1>
        tpu.vector_store %arg16[%swap3A_1022], %add3A_1019 masked %gt3A_1013 {strides = array<i32>} : memref<144xi32, #tpu.memory_space<vmem>>, vector<16xi32>, vector<16xi1>
        %slice3A_1024 = vector.extract_strided_slice %gather3A_744 {offsets = [14], sizes = [1], strides = [1]} : vector<16xi32> to vector<1xi32>
        %squeeze3A_1025 = vector.extract %slice3A_1024[0] : i32 from vector<1xi32>
        %broadcast_in_dim3A_1026 = vector.broadcast %squeeze3A_1025 : i32 to vector<16xi32>
        %shift_right_arithmetic3A_1027 = arith.shrsi %broadcast_in_dim3A_1026, %iota3A : vector<16xi32>
        %and3A_1028 = arith.constant 1 : i32
        %and3A_1029 = vector.broadcast %and3A_1028 : i32 to vector<16xi32>
        %and3A_1030 = arith.andi %shift_right_arithmetic3A_1027, %and3A_1029 : vector<16xi32>
        %gt3A_1031 = arith.constant 0 : i32
        %gt3A_1032 = vector.broadcast %gt3A_1031 : i32 to vector<16xi32>
        %gt3A_1033 = arith.cmpi sgt, %and3A_1030, %gt3A_1032 : vector<16xi32>
        %slice3A_1034 = vector.extract_strided_slice %get3A_743 {offsets = [14], sizes = [1], strides = [1]} : vector<16xi32> to vector<1xi32>
        %squeeze3A_1035 = vector.extract %slice3A_1034[0] : i32 from vector<1xi32>
        %mul3A_1036 = arith.constant 16 : i32
        %mul3A_1037 = arith.muli %squeeze3A_1035, %mul3A_1036 : i32
        %add3A_1038 = vector.broadcast %mul3A_1037 : i32 to vector<16xi32>
        %add3A_1039 = arith.addi %add3A_1038, %iota3A : vector<16xi32>
        %slice3A_1040 = vector.extract_strided_slice %gather3A_745 {offsets = [14], sizes = [1], strides = [1]} : vector<16xi32> to vector<1xi32>
        %squeeze3A_1041 = vector.extract %slice3A_1040[0] : i32 from vector<1xi32>
        %swap3A_1042 = arith.index_cast %squeeze3A_1041 : i32 to index
        %swap3A_1043 = tpu.vector_load %arg16[%swap3A_1042] masked %gt3A_1033 {strides = array<i32>} : memref<144xi32, #tpu.memory_space<vmem>>, vector<16xi32>, vector<16xi1>
        tpu.vector_store %arg16[%swap3A_1042], %add3A_1039 masked %gt3A_1033 {strides = array<i32>} : memref<144xi32, #tpu.memory_space<vmem>>, vector<16xi32>, vector<16xi1>
        %slice3A_1044 = vector.extract_strided_slice %gather3A_744 {offsets = [15], sizes = [1], strides = [1]} : vector<16xi32> to vector<1xi32>
        %squeeze3A_1045 = vector.extract %slice3A_1044[0] : i32 from vector<1xi32>
        %broadcast_in_dim3A_1046 = vector.broadcast %squeeze3A_1045 : i32 to vector<16xi32>
        %shift_right_arithmetic3A_1047 = arith.shrsi %broadcast_in_dim3A_1046, %iota3A : vector<16xi32>
        %and3A_1048 = arith.constant 1 : i32
        %and3A_1049 = vector.broadcast %and3A_1048 : i32 to vector<16xi32>
        %and3A_1050 = arith.andi %shift_right_arithmetic3A_1047, %and3A_1049 : vector<16xi32>
        %gt3A_1051 = arith.constant 0 : i32
        %gt3A_1052 = vector.broadcast %gt3A_1051 : i32 to vector<16xi32>
        %gt3A_1053 = arith.cmpi sgt, %and3A_1050, %gt3A_1052 : vector<16xi32>
        %slice3A_1054 = vector.extract_strided_slice %get3A_743 {offsets = [15], sizes = [1], strides = [1]} : vector<16xi32> to vector<1xi32>
        %squeeze3A_1055 = vector.extract %slice3A_1054[0] : i32 from vector<1xi32>
        %mul3A_1056 = arith.constant 16 : i32
        %mul3A_1057 = arith.muli %squeeze3A_1055, %mul3A_1056 : i32
        %add3A_1058 = vector.broadcast %mul3A_1057 : i32 to vector<16xi32>
        %add3A_1059 = arith.addi %add3A_1058, %iota3A : vector<16xi32>
        %slice3A_1060 = vector.extract_strided_slice %gather3A_745 {offsets = [15], sizes = [1], strides = [1]} : vector<16xi32> to vector<1xi32>
        %squeeze3A_1061 = vector.extract %slice3A_1060[0] : i32 from vector<1xi32>
        %swap3A_1062 = arith.index_cast %squeeze3A_1061 : i32 to index
        %swap3A_1063 = tpu.vector_load %arg16[%swap3A_1062] masked %gt3A_1053 {strides = array<i32>} : memref<144xi32, #tpu.memory_space<vmem>>, vector<16xi32>, vector<16xi1>
        tpu.vector_store %arg16[%swap3A_1062], %add3A_1059 masked %gt3A_1053 {strides = array<i32>} : memref<144xi32, #tpu.memory_space<vmem>>, vector<16xi32>, vector<16xi1>
      }
      %while3A_289 = arith.constant 1 : i32
      scf.for %while3A_739 = %while3A_287 to %while3A_283 step %while3A_289  : i32 {
        %mul3A_740 = arith.constant 16 : i32
        %mul3A_741 = arith.muli %while3A_739, %mul3A_740 : i32
        %get3A_742 = arith.index_cast %mul3A_741 : i32 to index
        %get3A_743 = tpu.vector_load %arg17[%get3A_742] {strides = array<i32>} : memref<656xi32, #tpu.memory_space<vmem>>, vector<16xi32>,
        %gather3A_744 = tpu.vector_load_idx %arg12[%get3A_743] : memref<640xi32, #tpu.memory_space<vmem>>[vector<16xi32>], vector<16xi32>,
        %gather3A_745 = tpu.vector_load_idx %arg13[%get3A_743] : memref<640xi32, #tpu.memory_space<vmem>>[vector<16xi32>], vector<16xi32>,
        %slice3A_746 = vector.extract_strided_slice %gather3A_744 {offsets = [0], sizes = [1], strides = [1]} : vector<16xi32> to vector<1xi32>
        %squeeze3A_747 = vector.extract %slice3A_746[0] : i32 from vector<1xi32>
        %broadcast_in_dim3A_748 = vector.broadcast %squeeze3A_747 : i32 to vector<16xi32>
        %shift_right_arithmetic3A_749 = arith.shrsi %broadcast_in_dim3A_748, %iota3A : vector<16xi32>
        %and3A = arith.constant 1 : i32
        %and3A_750 = vector.broadcast %and3A : i32 to vector<16xi32>
        %and3A_751 = arith.andi %shift_right_arithmetic3A_749, %and3A_750 : vector<16xi32>
        %gt3A = arith.constant 0 : i32
        %gt3A_752 = vector.broadcast %gt3A : i32 to vector<16xi32>
        %gt3A_753 = arith.cmpi sgt, %and3A_751, %gt3A_752 : vector<16xi32>
        %slice3A_754 = vector.extract_strided_slice %get3A_743 {offsets = [0], sizes = [1], strides = [1]} : vector<16xi32> to vector<1xi32>
        %squeeze3A_755 = vector.extract %slice3A_754[0] : i32 from vector<1xi32>
        %mul3A_756 = arith.constant 16 : i32
        %mul3A_757 = arith.muli %squeeze3A_755, %mul3A_756 : i32
        %add3A_758 = vector.broadcast %mul3A_757 : i32 to vector<16xi32>
        %add3A_759 = arith.addi %add3A_758, %iota3A : vector<16xi32>
        %slice3A_760 = vector.extract_strided_slice %gather3A_745 {offsets = [0], sizes = [1], strides = [1]} : vector<16xi32> to vector<1xi32>
        %squeeze3A_761 = vector.extract %slice3A_760[0] : i32 from vector<1xi32>
        %swap3A_762 = arith.index_cast %squeeze3A_761 : i32 to index
        %swap3A_763 = tpu.vector_load %arg16[%swap3A_762] masked %gt3A_753 {strides = array<i32>} : memref<144xi32, #tpu.memory_space<vmem>>, vector<16xi32>, vector<16xi1>
        tpu.vector_store %arg16[%swap3A_762], %add3A_759 masked %gt3A_753 {strides = array<i32>} : memref<144xi32, #tpu.memory_space<vmem>>, vector<16xi32>, vector<16xi1>
        %slice3A_764 = vector.extract_strided_slice %gather3A_744 {offsets = [1], sizes = [1], strides = [1]} : vector<16xi32> to vector<1xi32>
        %squeeze3A_765 = vector.extract %slice3A_764[0] : i32 from vector<1xi32>
        %broadcast_in_dim3A_766 = vector.broadcast %squeeze3A_765 : i32 to vector<16xi32>
        %shift_right_arithmetic3A_767 = arith.shrsi %broadcast_in_dim3A_766, %iota3A : vector<16xi32>
        %and3A_768 = arith.constant 1 : i32
        %and3A_769 = vector.broadcast %and3A_768 : i32 to vector<16xi32>
        %and3A_770 = arith.andi %shift_right_arithmetic3A_767, %and3A_769 : vector<16xi32>
        %gt3A_771 = arith.constant 0 : i32
        %gt3A_772 = vector.broadcast %gt3A_771 : i32 to vector<16xi32>
        %gt3A_773 = arith.cmpi sgt, %and3A_770, %gt3A_772 : vector<16xi32>
        %slice3A_774 = vector.extract_strided_slice %get3A_743 {offsets = [1], sizes = [1], strides = [1]} : vector<16xi32> to vector<1xi32>
        %squeeze3A_775 = vector.extract %slice3A_774[0] : i32 from vector<1xi32>
        %mul3A_776 = arith.constant 16 : i32
        %mul3A_777 = arith.muli %squeeze3A_775, %mul3A_776 : i32
        %add3A_778 = vector.broadcast %mul3A_777 : i32 to vector<16xi32>
        %add3A_779 = arith.addi %add3A_778, %iota3A : vector<16xi32>
        %slice3A_780 = vector.extract_strided_slice %gather3A_745 {offsets = [1], sizes = [1], strides = [1]} : vector<16xi32> to vector<1xi32>
        %squeeze3A_781 = vector.extract %slice3A_780[0] : i32 from vector<1xi32>
        %swap3A_782 = arith.index_cast %squeeze3A_781 : i32 to index
        %swap3A_783 = tpu.vector_load %arg16[%swap3A_782] masked %gt3A_773 {strides = array<i32>} : memref<144xi32, #tpu.memory_space<vmem>>, vector<16xi32>, vector<16xi1>
        tpu.vector_store %arg16[%swap3A_782], %add3A_779 masked %gt3A_773 {strides = array<i32>} : memref<144xi32, #tpu.memory_space<vmem>>, vector<16xi32>, vector<16xi1>
        %slice3A_784 = vector.extract_strided_slice %gather3A_744 {offsets = [2], sizes = [1], strides = [1]} : vector<16xi32> to vector<1xi32>
        %squeeze3A_785 = vector.extract %slice3A_784[0] : i32 from vector<1xi32>
        %broadcast_in_dim3A_786 = vector.broadcast %squeeze3A_785 : i32 to vector<16xi32>
        %shift_right_arithmetic3A_787 = arith.shrsi %broadcast_in_dim3A_786, %iota3A : vector<16xi32>
        %and3A_788 = arith.constant 1 : i32
        %and3A_789 = vector.broadcast %and3A_788 : i32 to vector<16xi32>
        %and3A_790 = arith.andi %shift_right_arithmetic3A_787, %and3A_789 : vector<16xi32>
        %gt3A_791 = arith.constant 0 : i32
        %gt3A_792 = vector.broadcast %gt3A_791 : i32 to vector<16xi32>
        %gt3A_793 = arith.cmpi sgt, %and3A_790, %gt3A_792 : vector<16xi32>
        %slice3A_794 = vector.extract_strided_slice %get3A_743 {offsets = [2], sizes = [1], strides = [1]} : vector<16xi32> to vector<1xi32>
        %squeeze3A_795 = vector.extract %slice3A_794[0] : i32 from vector<1xi32>
        %mul3A_796 = arith.constant 16 : i32
        %mul3A_797 = arith.muli %squeeze3A_795, %mul3A_796 : i32
        %add3A_798 = vector.broadcast %mul3A_797 : i32 to vector<16xi32>
        %add3A_799 = arith.addi %add3A_798, %iota3A : vector<16xi32>
        %slice3A_800 = vector.extract_strided_slice %gather3A_745 {offsets = [2], sizes = [1], strides = [1]} : vector<16xi32> to vector<1xi32>
        %squeeze3A_801 = vector.extract %slice3A_800[0] : i32 from vector<1xi32>
        %swap3A_802 = arith.index_cast %squeeze3A_801 : i32 to index
        %swap3A_803 = tpu.vector_load %arg16[%swap3A_802] masked %gt3A_793 {strides = array<i32>} : memref<144xi32, #tpu.memory_space<vmem>>, vector<16xi32>, vector<16xi1>
        tpu.vector_store %arg16[%swap3A_802], %add3A_799 masked %gt3A_793 {strides = array<i32>} : memref<144xi32, #tpu.memory_space<vmem>>, vector<16xi32>, vector<16xi1>
        %slice3A_804 = vector.extract_strided_slice %gather3A_744 {offsets = [3], sizes = [1], strides = [1]} : vector<16xi32> to vector<1xi32>
        %squeeze3A_805 = vector.extract %slice3A_804[0] : i32 from vector<1xi32>
        %broadcast_in_dim3A_806 = vector.broadcast %squeeze3A_805 : i32 to vector<16xi32>
        %shift_right_arithmetic3A_807 = arith.shrsi %broadcast_in_dim3A_806, %iota3A : vector<16xi32>
        %and3A_808 = arith.constant 1 : i32
        %and3A_809 = vector.broadcast %and3A_808 : i32 to vector<16xi32>
        %and3A_810 = arith.andi %shift_right_arithmetic3A_807, %and3A_809 : vector<16xi32>
        %gt3A_811 = arith.constant 0 : i32
        %gt3A_812 = vector.broadcast %gt3A_811 : i32 to vector<16xi32>
        %gt3A_813 = arith.cmpi sgt, %and3A_810, %gt3A_812 : vector<16xi32>
        %slice3A_814 = vector.extract_strided_slice %get3A_743 {offsets = [3], sizes = [1], strides = [1]} : vector<16xi32> to vector<1xi32>
        %squeeze3A_815 = vector.extract %slice3A_814[0] : i32 from vector<1xi32>
        %mul3A_816 = arith.constant 16 : i32
        %mul3A_817 = arith.muli %squeeze3A_815, %mul3A_816 : i32
        %add3A_818 = vector.broadcast %mul3A_817 : i32 to vector<16xi32>
        %add3A_819 = arith.addi %add3A_818, %iota3A : vector<16xi32>
        %slice3A_820 = vector.extract_strided_slice %gather3A_745 {offsets = [3], sizes = [1], strides = [1]} : vector<16xi32> to vector<1xi32>
        %squeeze3A_821 = vector.extract %slice3A_820[0] : i32 from vector<1xi32>
        %swap3A_822 = arith.index_cast %squeeze3A_821 : i32 to index
        %swap3A_823 = tpu.vector_load %arg16[%swap3A_822] masked %gt3A_813 {strides = array<i32>} : memref<144xi32, #tpu.memory_space<vmem>>, vector<16xi32>, vector<16xi1>
        tpu.vector_store %arg16[%swap3A_822], %add3A_819 masked %gt3A_813 {strides = array<i32>} : memref<144xi32, #tpu.memory_space<vmem>>, vector<16xi32>, vector<16xi1>
        %slice3A_824 = vector.extract_strided_slice %gather3A_744 {offsets = [4], sizes = [1], strides = [1]} : vector<16xi32> to vector<1xi32>
        %squeeze3A_825 = vector.extract %slice3A_824[0] : i32 from vector<1xi32>
        %broadcast_in_dim3A_826 = vector.broadcast %squeeze3A_825 : i32 to vector<16xi32>
        %shift_right_arithmetic3A_827 = arith.shrsi %broadcast_in_dim3A_826, %iota3A : vector<16xi32>
        %and3A_828 = arith.constant 1 : i32
        %and3A_829 = vector.broadcast %and3A_828 : i32 to vector<16xi32>
        %and3A_830 = arith.andi %shift_right_arithmetic3A_827, %and3A_829 : vector<16xi32>
        %gt3A_831 = arith.constant 0 : i32
        %gt3A_832 = vector.broadcast %gt3A_831 : i32 to vector<16xi32>
        %gt3A_833 = arith.cmpi sgt, %and3A_830, %gt3A_832 : vector<16xi32>
        %slice3A_834 = vector.extract_strided_slice %get3A_743 {offsets = [4], sizes = [1], strides = [1]} : vector<16xi32> to vector<1xi32>
        %squeeze3A_835 = vector.extract %slice3A_834[0] : i32 from vector<1xi32>
        %mul3A_836 = arith.constant 16 : i32
        %mul3A_837 = arith.muli %squeeze3A_835, %mul3A_836 : i32
        %add3A_838 = vector.broadcast %mul3A_837 : i32 to vector<16xi32>
        %add3A_839 = arith.addi %add3A_838, %iota3A : vector<16xi32>
        %slice3A_840 = vector.extract_strided_slice %gather3A_745 {offsets = [4], sizes = [1], strides = [1]} : vector<16xi32> to vector<1xi32>
        %squeeze3A_841 = vector.extract %slice3A_840[0] : i32 from vector<1xi32>
        %swap3A_842 = arith.index_cast %squeeze3A_841 : i32 to index
        %swap3A_843 = tpu.vector_load %arg16[%swap3A_842] masked %gt3A_833 {strides = array<i32>} : memref<144xi32, #tpu.memory_space<vmem>>, vector<16xi32>, vector<16xi1>
        tpu.vector_store %arg16[%swap3A_842], %add3A_839 masked %gt3A_833 {strides = array<i32>} : memref<144xi32, #tpu.memory_space<vmem>>, vector<16xi32>, vector<16xi1>
        %slice3A_844 = vector.extract_strided_slice %gather3A_744 {offsets = [5], sizes = [1], strides = [1]} : vector<16xi32> to vector<1xi32>
        %squeeze3A_845 = vector.extract %slice3A_844[0] : i32 from vector<1xi32>
        %broadcast_in_dim3A_846 = vector.broadcast %squeeze3A_845 : i32 to vector<16xi32>
        %shift_right_arithmetic3A_847 = arith.shrsi %broadcast_in_dim3A_846, %iota3A : vector<16xi32>
        %and3A_848 = arith.constant 1 : i32
        %and3A_849 = vector.broadcast %and3A_848 : i32 to vector<16xi32>
        %and3A_850 = arith.andi %shift_right_arithmetic3A_847, %and3A_849 : vector<16xi32>
        %gt3A_851 = arith.constant 0 : i32
        %gt3A_852 = vector.broadcast %gt3A_851 : i32 to vector<16xi32>
        %gt3A_853 = arith.cmpi sgt, %and3A_850, %gt3A_852 : vector<16xi32>
        %slice3A_854 = vector.extract_strided_slice %get3A_743 {offsets = [5], sizes = [1], strides = [1]} : vector<16xi32> to vector<1xi32>
        %squeeze3A_855 = vector.extract %slice3A_854[0] : i32 from vector<1xi32>
        %mul3A_856 = arith.constant 16 : i32
        %mul3A_857 = arith.muli %squeeze3A_855, %mul3A_856 : i32
        %add3A_858 = vector.broadcast %mul3A_857 : i32 to vector<16xi32>
        %add3A_859 = arith.addi %add3A_858, %iota3A : vector<16xi32>
        %slice3A_860 = vector.extract_strided_slice %gather3A_745 {offsets = [5], sizes = [1], strides = [1]} : vector<16xi32> to vector<1xi32>
        %squeeze3A_861 = vector.extract %slice3A_860[0] : i32 from vector<1xi32>
        %swap3A_862 = arith.index_cast %squeeze3A_861 : i32 to index
        %swap3A_863 = tpu.vector_load %arg16[%swap3A_862] masked %gt3A_853 {strides = array<i32>} : memref<144xi32, #tpu.memory_space<vmem>>, vector<16xi32>, vector<16xi1>
        tpu.vector_store %arg16[%swap3A_862], %add3A_859 masked %gt3A_853 {strides = array<i32>} : memref<144xi32, #tpu.memory_space<vmem>>, vector<16xi32>, vector<16xi1>
        %slice3A_864 = vector.extract_strided_slice %gather3A_744 {offsets = [6], sizes = [1], strides = [1]} : vector<16xi32> to vector<1xi32>
        %squeeze3A_865 = vector.extract %slice3A_864[0] : i32 from vector<1xi32>
        %broadcast_in_dim3A_866 = vector.broadcast %squeeze3A_865 : i32 to vector<16xi32>
        %shift_right_arithmetic3A_867 = arith.shrsi %broadcast_in_dim3A_866, %iota3A : vector<16xi32>
        %and3A_868 = arith.constant 1 : i32
        %and3A_869 = vector.broadcast %and3A_868 : i32 to vector<16xi32>
        %and3A_870 = arith.andi %shift_right_arithmetic3A_867, %and3A_869 : vector<16xi32>
        %gt3A_871 = arith.constant 0 : i32
        %gt3A_872 = vector.broadcast %gt3A_871 : i32 to vector<16xi32>
        %gt3A_873 = arith.cmpi sgt, %and3A_870, %gt3A_872 : vector<16xi32>
        %slice3A_874 = vector.extract_strided_slice %get3A_743 {offsets = [6], sizes = [1], strides = [1]} : vector<16xi32> to vector<1xi32>
        %squeeze3A_875 = vector.extract %slice3A_874[0] : i32 from vector<1xi32>
        %mul3A_876 = arith.constant 16 : i32
        %mul3A_877 = arith.muli %squeeze3A_875, %mul3A_876 : i32
        %add3A_878 = vector.broadcast %mul3A_877 : i32 to vector<16xi32>
        %add3A_879 = arith.addi %add3A_878, %iota3A : vector<16xi32>
        %slice3A_880 = vector.extract_strided_slice %gather3A_745 {offsets = [6], sizes = [1], strides = [1]} : vector<16xi32> to vector<1xi32>
        %squeeze3A_881 = vector.extract %slice3A_880[0] : i32 from vector<1xi32>
        %swap3A_882 = arith.index_cast %squeeze3A_881 : i32 to index
        %swap3A_883 = tpu.vector_load %arg16[%swap3A_882] masked %gt3A_873 {strides = array<i32>} : memref<144xi32, #tpu.memory_space<vmem>>, vector<16xi32>, vector<16xi1>
        tpu.vector_store %arg16[%swap3A_882], %add3A_879 masked %gt3A_873 {strides = array<i32>} : memref<144xi32, #tpu.memory_space<vmem>>, vector<16xi32>, vector<16xi1>
        %slice3A_884 = vector.extract_strided_slice %gather3A_744 {offsets = [7], sizes = [1], strides = [1]} : vector<16xi32> to vector<1xi32>
        %squeeze3A_885 = vector.extract %slice3A_884[0] : i32 from vector<1xi32>
        %broadcast_in_dim3A_886 = vector.broadcast %squeeze3A_885 : i32 to vector<16xi32>
        %shift_right_arithmetic3A_887 = arith.shrsi %broadcast_in_dim3A_886, %iota3A : vector<16xi32>
        %and3A_888 = arith.constant 1 : i32
        %and3A_889 = vector.broadcast %and3A_888 : i32 to vector<16xi32>
        %and3A_890 = arith.andi %shift_right_arithmetic3A_887, %and3A_889 : vector<16xi32>
        %gt3A_891 = arith.constant 0 : i32
        %gt3A_892 = vector.broadcast %gt3A_891 : i32 to vector<16xi32>
        %gt3A_893 = arith.cmpi sgt, %and3A_890, %gt3A_892 : vector<16xi32>
        %slice3A_894 = vector.extract_strided_slice %get3A_743 {offsets = [7], sizes = [1], strides = [1]} : vector<16xi32> to vector<1xi32>
        %squeeze3A_895 = vector.extract %slice3A_894[0] : i32 from vector<1xi32>
        %mul3A_896 = arith.constant 16 : i32
        %mul3A_897 = arith.muli %squeeze3A_895, %mul3A_896 : i32
        %add3A_898 = vector.broadcast %mul3A_897 : i32 to vector<16xi32>
        %add3A_899 = arith.addi %add3A_898, %iota3A : vector<16xi32>
        %slice3A_900 = vector.extract_strided_slice %gather3A_745 {offsets = [7], sizes = [1], strides = [1]} : vector<16xi32> to vector<1xi32>
        %squeeze3A_901 = vector.extract %slice3A_900[0] : i32 from vector<1xi32>
        %swap3A_902 = arith.index_cast %squeeze3A_901 : i32 to index
        %swap3A_903 = tpu.vector_load %arg16[%swap3A_902] masked %gt3A_893 {strides = array<i32>} : memref<144xi32, #tpu.memory_space<vmem>>, vector<16xi32>, vector<16xi1>
        tpu.vector_store %arg16[%swap3A_902], %add3A_899 masked %gt3A_893 {strides = array<i32>} : memref<144xi32, #tpu.memory_space<vmem>>, vector<16xi32>, vector<16xi1>
        %slice3A_904 = vector.extract_strided_slice %gather3A_744 {offsets = [8], sizes = [1], strides = [1]} : vector<16xi32> to vector<1xi32>
        %squeeze3A_905 = vector.extract %slice3A_904[0] : i32 from vector<1xi32>
        %broadcast_in_dim3A_906 = vector.broadcast %squeeze3A_905 : i32 to vector<16xi32>
        %shift_right_arithmetic3A_907 = arith.shrsi %broadcast_in_dim3A_906, %iota3A : vector<16xi32>
        %and3A_908 = arith.constant 1 : i32
        %and3A_909 = vector.broadcast %and3A_908 : i32 to vector<16xi32>
        %and3A_910 = arith.andi %shift_right_arithmetic3A_907, %and3A_909 : vector<16xi32>
        %gt3A_911 = arith.constant 0 : i32
        %gt3A_912 = vector.broadcast %gt3A_911 : i32 to vector<16xi32>
        %gt3A_913 = arith.cmpi sgt, %and3A_910, %gt3A_912 : vector<16xi32>
        %slice3A_914 = vector.extract_strided_slice %get3A_743 {offsets = [8], sizes = [1], strides = [1]} : vector<16xi32> to vector<1xi32>
        %squeeze3A_915 = vector.extract %slice3A_914[0] : i32 from vector<1xi32>
        %mul3A_916 = arith.constant 16 : i32
        %mul3A_917 = arith.muli %squeeze3A_915, %mul3A_916 : i32
        %add3A_918 = vector.broadcast %mul3A_917 : i32 to vector<16xi32>
        %add3A_919 = arith.addi %add3A_918, %iota3A : vector<16xi32>
        %slice3A_920 = vector.extract_strided_slice %gather3A_745 {offsets = [8], sizes = [1], strides = [1]} : vector<16xi32> to vector<1xi32>
        %squeeze3A_921 = vector.extract %slice3A_920[0] : i32 from vector<1xi32>
        %swap3A_922 = arith.index_cast %squeeze3A_921 : i32 to index
        %swap3A_923 = tpu.vector_load %arg16[%swap3A_922] masked %gt3A_913 {strides = array<i32>} : memref<144xi32, #tpu.memory_space<vmem>>, vector<16xi32>, vector<16xi1>
        tpu.vector_store %arg16[%swap3A_922], %add3A_919 masked %gt3A_913 {strides = array<i32>} : memref<144xi32, #tpu.memory_space<vmem>>, vector<16xi32>, vector<16xi1>
        %slice3A_924 = vector.extract_strided_slice %gather3A_744 {offsets = [9], sizes = [1], strides = [1]} : vector<16xi32> to vector<1xi32>
        %squeeze3A_925 = vector.extract %slice3A_924[0] : i32 from vector<1xi32>
        %broadcast_in_dim3A_926 = vector.broadcast %squeeze3A_925 : i32 to vector<16xi32>
        %shift_right_arithmetic3A_927 = arith.shrsi %broadcast_in_dim3A_926, %iota3A : vector<16xi32>
        %and3A_928 = arith.constant 1 : i32
        %and3A_929 = vector.broadcast %and3A_928 : i32 to vector<16xi32>
        %and3A_930 = arith.andi %shift_right_arithmetic3A_927, %and3A_929 : vector<16xi32>
        %gt3A_931 = arith.constant 0 : i32
        %gt3A_932 = vector.broadcast %gt3A_931 : i32 to vector<16xi32>
        %gt3A_933 = arith.cmpi sgt, %and3A_930, %gt3A_932 : vector<16xi32>
        %slice3A_934 = vector.extract_strided_slice %get3A_743 {offsets = [9], sizes = [1], strides = [1]} : vector<16xi32> to vector<1xi32>
        %squeeze3A_935 = vector.extract %slice3A_934[0] : i32 from vector<1xi32>
        %mul3A_936 = arith.constant 16 : i32
        %mul3A_937 = arith.muli %squeeze3A_935, %mul3A_936 : i32
        %add3A_938 = vector.broadcast %mul3A_937 : i32 to vector<16xi32>
        %add3A_939 = arith.addi %add3A_938, %iota3A : vector<16xi32>
        %slice3A_940 = vector.extract_strided_slice %gather3A_745 {offsets = [9], sizes = [1], strides = [1]} : vector<16xi32> to vector<1xi32>
        %squeeze3A_941 = vector.extract %slice3A_940[0] : i32 from vector<1xi32>
        %swap3A_942 = arith.index_cast %squeeze3A_941 : i32 to index
        %swap3A_943 = tpu.vector_load %arg16[%swap3A_942] masked %gt3A_933 {strides = array<i32>} : memref<144xi32, #tpu.memory_space<vmem>>, vector<16xi32>, vector<16xi1>
        tpu.vector_store %arg16[%swap3A_942], %add3A_939 masked %gt3A_933 {strides = array<i32>} : memref<144xi32, #tpu.memory_space<vmem>>, vector<16xi32>, vector<16xi1>
        %slice3A_944 = vector.extract_strided_slice %gather3A_744 {offsets = [10], sizes = [1], strides = [1]} : vector<16xi32> to vector<1xi32>
        %squeeze3A_945 = vector.extract %slice3A_944[0] : i32 from vector<1xi32>
        %broadcast_in_dim3A_946 = vector.broadcast %squeeze3A_945 : i32 to vector<16xi32>
        %shift_right_arithmetic3A_947 = arith.shrsi %broadcast_in_dim3A_946, %iota3A : vector<16xi32>
        %and3A_948 = arith.constant 1 : i32
        %and3A_949 = vector.broadcast %and3A_948 : i32 to vector<16xi32>
        %and3A_950 = arith.andi %shift_right_arithmetic3A_947, %and3A_949 : vector<16xi32>
        %gt3A_951 = arith.constant 0 : i32
        %gt3A_952 = vector.broadcast %gt3A_951 : i32 to vector<16xi32>
        %gt3A_953 = arith.cmpi sgt, %and3A_950, %gt3A_952 : vector<16xi32>
        %slice3A_954 = vector.extract_strided_slice %get3A_743 {offsets = [10], sizes = [1], strides = [1]} : vector<16xi32> to vector<1xi32>
        %squeeze3A_955 = vector.extract %slice3A_954[0] : i32 from vector<1xi32>
        %mul3A_956 = arith.constant 16 : i32
        %mul3A_957 = arith.muli %squeeze3A_955, %mul3A_956 : i32
        %add3A_958 = vector.broadcast %mul3A_957 : i32 to vector<16xi32>
        %add3A_959 = arith.addi %add3A_958, %iota3A : vector<16xi32>
        %slice3A_960 = vector.extract_strided_slice %gather3A_745 {offsets = [10], sizes = [1], strides = [1]} : vector<16xi32> to vector<1xi32>
        %squeeze3A_961 = vector.extract %slice3A_960[0] : i32 from vector<1xi32>
        %swap3A_962 = arith.index_cast %squeeze3A_961 : i32 to index
        %swap3A_963 = tpu.vector_load %arg16[%swap3A_962] masked %gt3A_953 {strides = array<i32>} : memref<144xi32, #tpu.memory_space<vmem>>, vector<16xi32>, vector<16xi1>
        tpu.vector_store %arg16[%swap3A_962], %add3A_959 masked %gt3A_953 {strides = array<i32>} : memref<144xi32, #tpu.memory_space<vmem>>, vector<16xi32>, vector<16xi1>
        %slice3A_964 = vector.extract_strided_slice %gather3A_744 {offsets = [11], sizes = [1], strides = [1]} : vector<16xi32> to vector<1xi32>
        %squeeze3A_965 = vector.extract %slice3A_964[0] : i32 from vector<1xi32>
        %broadcast_in_dim3A_966 = vector.broadcast %squeeze3A_965 : i32 to vector<16xi32>
        %shift_right_arithmetic3A_967 = arith.shrsi %broadcast_in_dim3A_966, %iota3A : vector<16xi32>
        %and3A_968 = arith.constant 1 : i32
        %and3A_969 = vector.broadcast %and3A_968 : i32 to vector<16xi32>
        %and3A_970 = arith.andi %shift_right_arithmetic3A_967, %and3A_969 : vector<16xi32>
        %gt3A_971 = arith.constant 0 : i32
        %gt3A_972 = vector.broadcast %gt3A_971 : i32 to vector<16xi32>
        %gt3A_973 = arith.cmpi sgt, %and3A_970, %gt3A_972 : vector<16xi32>
        %slice3A_974 = vector.extract_strided_slice %get3A_743 {offsets = [11], sizes = [1], strides = [1]} : vector<16xi32> to vector<1xi32>
        %squeeze3A_975 = vector.extract %slice3A_974[0] : i32 from vector<1xi32>
        %mul3A_976 = arith.constant 16 : i32
        %mul3A_977 = arith.muli %squeeze3A_975, %mul3A_976 : i32
        %add3A_978 = vector.broadcast %mul3A_977 : i32 to vector<16xi32>
        %add3A_979 = arith.addi %add3A_978, %iota3A : vector<16xi32>
        %slice3A_980 = vector.extract_strided_slice %gather3A_745 {offsets = [11], sizes = [1], strides = [1]} : vector<16xi32> to vector<1xi32>
        %squeeze3A_981 = vector.extract %slice3A_980[0] : i32 from vector<1xi32>
        %swap3A_982 = arith.index_cast %squeeze3A_981 : i32 to index
        %swap3A_983 = tpu.vector_load %arg16[%swap3A_982] masked %gt3A_973 {strides = array<i32>} : memref<144xi32, #tpu.memory_space<vmem>>, vector<16xi32>, vector<16xi1>
        tpu.vector_store %arg16[%swap3A_982], %add3A_979 masked %gt3A_973 {strides = array<i32>} : memref<144xi32, #tpu.memory_space<vmem>>, vector<16xi32>, vector<16xi1>
        %slice3A_984 = vector.extract_strided_slice %gather3A_744 {offsets = [12], sizes = [1], strides = [1]} : vector<16xi32> to vector<1xi32>
        %squeeze3A_985 = vector.extract %slice3A_984[0] : i32 from vector<1xi32>
        %broadcast_in_dim3A_986 = vector.broadcast %squeeze3A_985 : i32 to vector<16xi32>
        %shift_right_arithmetic3A_987 = arith.shrsi %broadcast_in_dim3A_986, %iota3A : vector<16xi32>
        %and3A_988 = arith.constant 1 : i32
        %and3A_989 = vector.broadcast %and3A_988 : i32 to vector<16xi32>
        %and3A_990 = arith.andi %shift_right_arithmetic3A_987, %and3A_989 : vector<16xi32>
        %gt3A_991 = arith.constant 0 : i32
        %gt3A_992 = vector.broadcast %gt3A_991 : i32 to vector<16xi32>
        %gt3A_993 = arith.cmpi sgt, %and3A_990, %gt3A_992 : vector<16xi32>
        %slice3A_994 = vector.extract_strided_slice %get3A_743 {offsets = [12], sizes = [1], strides = [1]} : vector<16xi32> to vector<1xi32>
        %squeeze3A_995 = vector.extract %slice3A_994[0] : i32 from vector<1xi32>
        %mul3A_996 = arith.constant 16 : i32
        %mul3A_997 = arith.muli %squeeze3A_995, %mul3A_996 : i32
        %add3A_998 = vector.broadcast %mul3A_997 : i32 to vector<16xi32>
        %add3A_999 = arith.addi %add3A_998, %iota3A : vector<16xi32>
        %slice3A_1000 = vector.extract_strided_slice %gather3A_745 {offsets = [12], sizes = [1], strides = [1]} : vector<16xi32> to vector<1xi32>
        %squeeze3A_1001 = vector.extract %slice3A_1000[0] : i32 from vector<1xi32>
        %swap3A_1002 = arith.index_cast %squeeze3A_1001 : i32 to index
        %swap3A_1003 = tpu.vector_load %arg16[%swap3A_1002] masked %gt3A_993 {strides = array<i32>} : memref<144xi32, #tpu.memory_space<vmem>>, vector<16xi32>, vector<16xi1>
        tpu.vector_store %arg16[%swap3A_1002], %add3A_999 masked %gt3A_993 {strides = array<i32>} : memref<144xi32, #tpu.memory_space<vmem>>, vector<16xi32>, vector<16xi1>
        %slice3A_1004 = vector.extract_strided_slice %gather3A_744 {offsets = [13], sizes = [1], strides = [1]} : vector<16xi32> to vector<1xi32>
        %squeeze3A_1005 = vector.extract %slice3A_1004[0] : i32 from vector<1xi32>
        %broadcast_in_dim3A_1006 = vector.broadcast %squeeze3A_1005 : i32 to vector<16xi32>
        %shift_right_arithmetic3A_1007 = arith.shrsi %broadcast_in_dim3A_1006, %iota3A : vector<16xi32>
        %and3A_1008 = arith.constant 1 : i32
        %and3A_1009 = vector.broadcast %and3A_1008 : i32 to vector<16xi32>
        %and3A_1010 = arith.andi %shift_right_arithmetic3A_1007, %and3A_1009 : vector<16xi32>
        %gt3A_1011 = arith.constant 0 : i32
        %gt3A_1012 = vector.broadcast %gt3A_1011 : i32 to vector<16xi32>
        %gt3A_1013 = arith.cmpi sgt, %and3A_1010, %gt3A_1012 : vector<16xi32>
        %slice3A_1014 = vector.extract_strided_slice %get3A_743 {offsets = [13], sizes = [1], strides = [1]} : vector<16xi32> to vector<1xi32>
        %squeeze3A_1015 = vector.extract %slice3A_1014[0] : i32 from vector<1xi32>
        %mul3A_1016 = arith.constant 16 : i32
        %mul3A_1017 = arith.muli %squeeze3A_1015, %mul3A_1016 : i32
        %add3A_1018 = vector.broadcast %mul3A_1017 : i32 to vector<16xi32>
        %add3A_1019 = arith.addi %add3A_1018, %iota3A : vector<16xi32>
        %slice3A_1020 = vector.extract_strided_slice %gather3A_745 {offsets = [13], sizes = [1], strides = [1]} : vector<16xi32> to vector<1xi32>
        %squeeze3A_1021 = vector.extract %slice3A_1020[0] : i32 from vector<1xi32>
        %swap3A_1022 = arith.index_cast %squeeze3A_1021 : i32 to index
        %swap3A_1023 = tpu.vector_load %arg16[%swap3A_1022] masked %gt3A_1013 {strides = array<i32>} : memref<144xi32, #tpu.memory_space<vmem>>, vector<16xi32>, vector<16xi1>
        tpu.vector_store %arg16[%swap3A_1022], %add3A_1019 masked %gt3A_1013 {strides = array<i32>} : memref<144xi32, #tpu.memory_space<vmem>>, vector<16xi32>, vector<16xi1>
        %slice3A_1024 = vector.extract_strided_slice %gather3A_744 {offsets = [14], sizes = [1], strides = [1]} : vector<16xi32> to vector<1xi32>
        %squeeze3A_1025 = vector.extract %slice3A_1024[0] : i32 from vector<1xi32>
        %broadcast_in_dim3A_1026 = vector.broadcast %squeeze3A_1025 : i32 to vector<16xi32>
        %shift_right_arithmetic3A_1027 = arith.shrsi %broadcast_in_dim3A_1026, %iota3A : vector<16xi32>
        %and3A_1028 = arith.constant 1 : i32
        %and3A_1029 = vector.broadcast %and3A_1028 : i32 to vector<16xi32>
        %and3A_1030 = arith.andi %shift_right_arithmetic3A_1027, %and3A_1029 : vector<16xi32>
        %gt3A_1031 = arith.constant 0 : i32
        %gt3A_1032 = vector.broadcast %gt3A_1031 : i32 to vector<16xi32>
        %gt3A_1033 = arith.cmpi sgt, %and3A_1030, %gt3A_1032 : vector<16xi32>
        %slice3A_1034 = vector.extract_strided_slice %get3A_743 {offsets = [14], sizes = [1], strides = [1]} : vector<16xi32> to vector<1xi32>
        %squeeze3A_1035 = vector.extract %slice3A_1034[0] : i32 from vector<1xi32>
        %mul3A_1036 = arith.constant 16 : i32
        %mul3A_1037 = arith.muli %squeeze3A_1035, %mul3A_1036 : i32
        %add3A_1038 = vector.broadcast %mul3A_1037 : i32 to vector<16xi32>
        %add3A_1039 = arith.addi %add3A_1038, %iota3A : vector<16xi32>
        %slice3A_1040 = vector.extract_strided_slice %gather3A_745 {offsets = [14], sizes = [1], strides = [1]} : vector<16xi32> to vector<1xi32>
        %squeeze3A_1041 = vector.extract %slice3A_1040[0] : i32 from vector<1xi32>
        %swap3A_1042 = arith.index_cast %squeeze3A_1041 : i32 to index
        %swap3A_1043 = tpu.vector_load %arg16[%swap3A_1042] masked %gt3A_1033 {strides = array<i32>} : memref<144xi32, #tpu.memory_space<vmem>>, vector<16xi32>, vector<16xi1>
        tpu.vector_store %arg16[%swap3A_1042], %add3A_1039 masked %gt3A_1033 {strides = array<i32>} : memref<144xi32, #tpu.memory_space<vmem>>, vector<16xi32>, vector<16xi1>
        %slice3A_1044 = vector.extract_strided_slice %gather3A_744 {offsets = [15], sizes = [1], strides = [1]} : vector<16xi32> to vector<1xi32>
        %squeeze3A_1045 = vector.extract %slice3A_1044[0] : i32 from vector<1xi32>
        %broadcast_in_dim3A_1046 = vector.broadcast %squeeze3A_1045 : i32 to vector<16xi32>
        %shift_right_arithmetic3A_1047 = arith.shrsi %broadcast_in_dim3A_1046, %iota3A : vector<16xi32>
        %and3A_1048 = arith.constant 1 : i32
        %and3A_1049 = vector.broadcast %and3A_1048 : i32 to vector<16xi32>
        %and3A_1050 = arith.andi %shift_right_arithmetic3A_1047, %and3A_1049 : vector<16xi32>
        %gt3A_1051 = arith.constant 0 : i32
        %gt3A_1052 = vector.broadcast %gt3A_1051 : i32 to vector<16xi32>
        %gt3A_1053 = arith.cmpi sgt, %and3A_1050, %gt3A_1052 : vector<16xi32>
        %slice3A_1054 = vector.extract_strided_slice %get3A_743 {offsets = [15], sizes = [1], strides = [1]} : vector<16xi32> to vector<1xi32>
        %squeeze3A_1055 = vector.extract %slice3A_1054[0] : i32 from vector<1xi32>
        %mul3A_1056 = arith.constant 16 : i32
        %mul3A_1057 = arith.muli %squeeze3A_1055, %mul3A_1056 : i32
        %add3A_1058 = vector.broadcast %mul3A_1057 : i32 to vector<16xi32>
        %add3A_1059 = arith.addi %add3A_1058, %iota3A : vector<16xi32>
        %slice3A_1060 = vector.extract_strided_slice %gather3A_745 {offsets = [15], sizes = [1], strides = [1]} : vector<16xi32> to vector<1xi32>
        %squeeze3A_1061 = vector.extract %slice3A_1060[0] : i32 from vector<1xi32>
        %swap3A_1062 = arith.index_cast %squeeze3A_1061 : i32 to index
        %swap3A_1063 = tpu.vector_load %arg16[%swap3A_1062] masked %gt3A_1053 {strides = array<i32>} : memref<144xi32, #tpu.memory_space<vmem>>, vector<16xi32>, vector<16xi1>
        tpu.vector_store %arg16[%swap3A_1062], %add3A_1059 masked %gt3A_1053 {strides = array<i32>} : memref<144xi32, #tpu.memory_space<vmem>>, vector<16xi32>, vector<16xi1>
      }
      %get3A = arith.constant 624 : index
      %get3A_290 = tpu.vector_load %arg13[%get3A] {strides = array<i32>} : memref<640xi32, #tpu.memory_space<vmem>>, vector<16xi32>,
      %slice3A = vector.extract_strided_slice %get3A_290 {offsets = [1], sizes = [1], strides = [1]} : vector<16xi32> to vector<1xi32>
      %squeeze3A = vector.extract %slice3A[0] : i32 from vector<1xi32>
      %add3A_291 = arith.constant 15 : i32
      %add3A_292 = arith.addi %squeeze3A, %add3A_291 : i32
      %shift_right_arithmetic3A_293 = arith.constant 4 : i32
      %shift_right_arithmetic3A_294 = arith.shrsi %add3A_292, %shift_right_arithmetic3A_293 : i32
      %while3A_295 = arith.constant 0 : i32
      %while3A_296 = arith.constant 0 : i32
      %while3A_297 = arith.subi %shift_right_arithmetic3A_294, %while3A_296 : i32
      %while3A_298 = arith.addi %while3A_296, %while3A_297 : i32
      %while3A_299 = arith.constant 1 : i32
      %while3A_300 = arith.divsi %while3A_297, %while3A_299 : i32
      %while3A_301 = arith.muli %while3A_300, %while3A_299 : i32
      %while3A_302 = arith.addi %while3A_296, %while3A_301 : i32
      %while3A_303 = arith.constant 1 : i32
      scf.for %while3A_739 = %while3A_296 to %while3A_302 step %while3A_303  : i32 {
        %mul3A_740 = arith.constant 16 : i32
        %mul3A_741 = arith.muli %while3A_739, %mul3A_740 : i32
        %mul3A_742 = arith.constant 16 : i32
        %mul3A_743 = arith.muli %while3A_739, %mul3A_742 : i32
        %dma_start3A_744 = arith.constant 0 : i32
        %dma_start3A_745 = tpu.memref_slice %arg24[%mul3A_743, %dma_start3A_744] : memref<128x128xf32, #tpu.memory_space<vmem>> -> memref<16x128xf32, #tpu.memory_space<vmem>>
        %dma_start3A_746 = tpu.memref_slice %arg16[%mul3A_741] : memref<144xi32, #tpu.memory_space<vmem>> -> memref<16xi32, #tpu.memory_space<vmem>>
        %dma_start3A_747 = arith.constant 0 : i32
        %dma_start3A_748 = arith.constant 0 : i32
        %dma_start3A_749 = tpu.memref_slice %arg25[%dma_start3A_747, %dma_start3A_748] : memref<10000x128xf32, #tpu.memory_space<vmem_shared>> -> memref<10000x128xf32, #tpu.memory_space<vmem_shared>>
        tpu.enqueue_indirect_dma source(%dma_start3A_749 : memref<10000x128xf32, #tpu.memory_space<vmem_shared>>) target(%dma_start3A_745 : memref<16x128xf32, #tpu.memory_space<vmem>>) offsets(%dma_start3A_746 : memref<16xi32, #tpu.memory_space<vmem>>) semaphore(%arg26 : memref<!tpu.dma_semaphore, #tpu.memory_space<semaphore_mem>>)
        %dma_wait3A_750 = arith.constant 0 : i32
        %dma_wait3A_751 = tpu.memref_slice %arg24[%mul3A_743, %dma_wait3A_750] : memref<128x128xf32, #tpu.memory_space<vmem>> -> memref<16x128xf32, #tpu.memory_space<vmem>>
        %dma_wait3A_752 = tpu.memref_slice %arg16[%mul3A_741] : memref<144xi32, #tpu.memory_space<vmem>> -> memref<16xi32, #tpu.memory_space<vmem>>
        %dma_wait3A_753 = arith.constant 0 : i32
        %dma_wait3A_754 = arith.constant 0 : i32
        %dma_wait3A_755 = tpu.memref_slice %arg25[%dma_wait3A_753, %dma_wait3A_754] : memref<10000x128xf32, #tpu.memory_space<vmem_shared>> -> memref<10000x128xf32, #tpu.memory_space<vmem_shared>>
        tpu.wait_indirect_dma semaphore(%arg26 : memref<!tpu.dma_semaphore, #tpu.memory_space<semaphore_mem>>) src(%dma_wait3A_755 : memref<10000x128xf32, #tpu.memory_space<vmem_shared>>) dst(%dma_wait3A_751 : memref<16x128xf32, #tpu.memory_space<vmem>>)
      }
      %while3A_304 = arith.constant 1 : i32
      scf.for %while3A_739 = %while3A_302 to %while3A_298 step %while3A_304  : i32 {
        %mul3A_740 = arith.constant 16 : i32
        %mul3A_741 = arith.muli %while3A_739, %mul3A_740 : i32
        %mul3A_742 = arith.constant 16 : i32
        %mul3A_743 = arith.muli %while3A_739, %mul3A_742 : i32
        %dma_start3A_744 = arith.constant 0 : i32
        %dma_start3A_745 = tpu.memref_slice %arg24[%mul3A_743, %dma_start3A_744] : memref<128x128xf32, #tpu.memory_space<vmem>> -> memref<16x128xf32, #tpu.memory_space<vmem>>
        %dma_start3A_746 = tpu.memref_slice %arg16[%mul3A_741] : memref<144xi32, #tpu.memory_space<vmem>> -> memref<16xi32, #tpu.memory_space<vmem>>
        %dma_start3A_747 = arith.constant 0 : i32
        %dma_start3A_748 = arith.constant 0 : i32
        %dma_start3A_749 = tpu.memref_slice %arg25[%dma_start3A_747, %dma_start3A_748] : memref<10000x128xf32, #tpu.memory_space<vmem_shared>> -> memref<10000x128xf32, #tpu.memory_space<vmem_shared>>
        tpu.enqueue_indirect_dma source(%dma_start3A_749 : memref<10000x128xf32, #tpu.memory_space<vmem_shared>>) target(%dma_start3A_745 : memref<16x128xf32, #tpu.memory_space<vmem>>) offsets(%dma_start3A_746 : memref<16xi32, #tpu.memory_space<vmem>>) semaphore(%arg26 : memref<!tpu.dma_semaphore, #tpu.memory_space<semaphore_mem>>)
        %dma_wait3A_750 = arith.constant 0 : i32
        %dma_wait3A_751 = tpu.memref_slice %arg24[%mul3A_743, %dma_wait3A_750] : memref<128x128xf32, #tpu.memory_space<vmem>> -> memref<16x128xf32, #tpu.memory_space<vmem>>
        %dma_wait3A_752 = tpu.memref_slice %arg16[%mul3A_741] : memref<144xi32, #tpu.memory_space<vmem>> -> memref<16xi32, #tpu.memory_space<vmem>>
        %dma_wait3A_753 = arith.constant 0 : i32
        %dma_wait3A_754 = arith.constant 0 : i32
        %dma_wait3A_755 = tpu.memref_slice %arg25[%dma_wait3A_753, %dma_wait3A_754] : memref<10000x128xf32, #tpu.memory_space<vmem_shared>> -> memref<10000x128xf32, #tpu.memory_space<vmem_shared>>
        tpu.wait_indirect_dma semaphore(%arg26 : memref<!tpu.dma_semaphore, #tpu.memory_space<semaphore_mem>>) src(%dma_wait3A_755 : memref<10000x128xf32, #tpu.memory_space<vmem_shared>>) dst(%dma_wait3A_751 : memref<16x128xf32, #tpu.memory_space<vmem>>)
      }
      %get3A_305 = arith.constant 0 : index
      %get3A_306 = tpu.vector_load %arg16[%get3A_305] {strides = array<i32>} : memref<144xi32, #tpu.memory_space<vmem>>, vector<16xi32>,
      %gather3A = tpu.vector_load_idx %arg18[%get3A_306] : memref<10000xf32, #tpu.memory_space<vmem>>[vector<16xi32>], vector<16xf32>,
      %swap3A_307 = arith.constant 0 : index
      %swap3A_308 = tpu.vector_load %arg21[%swap3A_307] {strides = array<i32>} : memref<128xf32, #tpu.memory_space<vmem>>, vector<16xf32>,
      tpu.vector_store %arg21[%swap3A_307], %gather3A {strides = array<i32>} : memref<128xf32, #tpu.memory_space<vmem>>, vector<16xf32>,
      %gather3A_309 = tpu.vector_load_idx %arg19[%get3A_306] : memref<10000xf32, #tpu.memory_space<vmem>>[vector<16xi32>], vector<16xf32>,
      %swap3A_310 = arith.constant 0 : index
      %swap3A_311 = tpu.vector_load %arg22[%swap3A_310] {strides = array<i32>} : memref<128xf32, #tpu.memory_space<vmem>>, vector<16xf32>,
      tpu.vector_store %arg22[%swap3A_310], %gather3A_309 {strides = array<i32>} : memref<128xf32, #tpu.memory_space<vmem>>, vector<16xf32>,
      %gather3A_312 = tpu.vector_load_idx %arg20[%get3A_306] : memref<10000xf32, #tpu.memory_space<vmem>>[vector<16xi32>], vector<16xf32>,
      %swap3A_313 = arith.constant 0 : index
      %swap3A_314 = tpu.vector_load %arg23[%swap3A_313] {strides = array<i32>} : memref<128xf32, #tpu.memory_space<vmem>>, vector<16xf32>,
      tpu.vector_store %arg23[%swap3A_313], %gather3A_312 {strides = array<i32>} : memref<128xf32, #tpu.memory_space<vmem>>, vector<16xf32>,
      %get3A_315 = arith.constant 16 : index
      %get3A_316 = tpu.vector_load %arg16[%get3A_315] {strides = array<i32>} : memref<144xi32, #tpu.memory_space<vmem>>, vector<16xi32>,
      %gather3A_317 = tpu.vector_load_idx %arg18[%get3A_316] : memref<10000xf32, #tpu.memory_space<vmem>>[vector<16xi32>], vector<16xf32>,
      %swap3A_318 = arith.constant 16 : index
      %swap3A_319 = tpu.vector_load %arg21[%swap3A_318] {strides = array<i32>} : memref<128xf32, #tpu.memory_space<vmem>>, vector<16xf32>,
      tpu.vector_store %arg21[%swap3A_318], %gather3A_317 {strides = array<i32>} : memref<128xf32, #tpu.memory_space<vmem>>, vector<16xf32>,
      %gather3A_320 = tpu.vector_load_idx %arg19[%get3A_316] : memref<10000xf32, #tpu.memory_space<vmem>>[vector<16xi32>], vector<16xf32>,
      %swap3A_321 = arith.constant 16 : index
      %swap3A_322 = tpu.vector_load %arg22[%swap3A_321] {strides = array<i32>} : memref<128xf32, #tpu.memory_space<vmem>>, vector<16xf32>,
      tpu.vector_store %arg22[%swap3A_321], %gather3A_320 {strides = array<i32>} : memref<128xf32, #tpu.memory_space<vmem>>, vector<16xf32>,
      %gather3A_323 = tpu.vector_load_idx %arg20[%get3A_316] : memref<10000xf32, #tpu.memory_space<vmem>>[vector<16xi32>], vector<16xf32>,
      %swap3A_324 = arith.constant 16 : index
      %swap3A_325 = tpu.vector_load %arg23[%swap3A_324] {strides = array<i32>} : memref<128xf32, #tpu.memory_space<vmem>>, vector<16xf32>,
      tpu.vector_store %arg23[%swap3A_324], %gather3A_323 {strides = array<i32>} : memref<128xf32, #tpu.memory_space<vmem>>, vector<16xf32>,
      %get3A_326 = arith.constant 32 : index
      %get3A_327 = tpu.vector_load %arg16[%get3A_326] {strides = array<i32>} : memref<144xi32, #tpu.memory_space<vmem>>, vector<16xi32>,
      %gather3A_328 = tpu.vector_load_idx %arg18[%get3A_327] : memref<10000xf32, #tpu.memory_space<vmem>>[vector<16xi32>], vector<16xf32>,
      %swap3A_329 = arith.constant 32 : index
      %swap3A_330 = tpu.vector_load %arg21[%swap3A_329] {strides = array<i32>} : memref<128xf32, #tpu.memory_space<vmem>>, vector<16xf32>,
      tpu.vector_store %arg21[%swap3A_329], %gather3A_328 {strides = array<i32>} : memref<128xf32, #tpu.memory_space<vmem>>, vector<16xf32>,
      %gather3A_331 = tpu.vector_load_idx %arg19[%get3A_327] : memref<10000xf32, #tpu.memory_space<vmem>>[vector<16xi32>], vector<16xf32>,
      %swap3A_332 = arith.constant 32 : index
      %swap3A_333 = tpu.vector_load %arg22[%swap3A_332] {strides = array<i32>} : memref<128xf32, #tpu.memory_space<vmem>>, vector<16xf32>,
      tpu.vector_store %arg22[%swap3A_332], %gather3A_331 {strides = array<i32>} : memref<128xf32, #tpu.memory_space<vmem>>, vector<16xf32>,
      %gather3A_334 = tpu.vector_load_idx %arg20[%get3A_327] : memref<10000xf32, #tpu.memory_space<vmem>>[vector<16xi32>], vector<16xf32>,
      %swap3A_335 = arith.constant 32 : index
      %swap3A_336 = tpu.vector_load %arg23[%swap3A_335] {strides = array<i32>} : memref<128xf32, #tpu.memory_space<vmem>>, vector<16xf32>,
      tpu.vector_store %arg23[%swap3A_335], %gather3A_334 {strides = array<i32>} : memref<128xf32, #tpu.memory_space<vmem>>, vector<16xf32>,
      %get3A_337 = arith.constant 48 : index
      %get3A_338 = tpu.vector_load %arg16[%get3A_337] {strides = array<i32>} : memref<144xi32, #tpu.memory_space<vmem>>, vector<16xi32>,
      %gather3A_339 = tpu.vector_load_idx %arg18[%get3A_338] : memref<10000xf32, #tpu.memory_space<vmem>>[vector<16xi32>], vector<16xf32>,
      %swap3A_340 = arith.constant 48 : index
      %swap3A_341 = tpu.vector_load %arg21[%swap3A_340] {strides = array<i32>} : memref<128xf32, #tpu.memory_space<vmem>>, vector<16xf32>,
      tpu.vector_store %arg21[%swap3A_340], %gather3A_339 {strides = array<i32>} : memref<128xf32, #tpu.memory_space<vmem>>, vector<16xf32>,
      %gather3A_342 = tpu.vector_load_idx %arg19[%get3A_338] : memref<10000xf32, #tpu.memory_space<vmem>>[vector<16xi32>], vector<16xf32>,
      %swap3A_343 = arith.constant 48 : index
      %swap3A_344 = tpu.vector_load %arg22[%swap3A_343] {strides = array<i32>} : memref<128xf32, #tpu.memory_space<vmem>>, vector<16xf32>,
      tpu.vector_store %arg22[%swap3A_343], %gather3A_342 {strides = array<i32>} : memref<128xf32, #tpu.memory_space<vmem>>, vector<16xf32>,
      %gather3A_345 = tpu.vector_load_idx %arg20[%get3A_338] : memref<10000xf32, #tpu.memory_space<vmem>>[vector<16xi32>], vector<16xf32>,
      %swap3A_346 = arith.constant 48 : index
      %swap3A_347 = tpu.vector_load %arg23[%swap3A_346] {strides = array<i32>} : memref<128xf32, #tpu.memory_space<vmem>>, vector<16xf32>,
      tpu.vector_store %arg23[%swap3A_346], %gather3A_345 {strides = array<i32>} : memref<128xf32, #tpu.memory_space<vmem>>, vector<16xf32>,
      %get3A_348 = arith.constant 64 : index
      %get3A_349 = tpu.vector_load %arg16[%get3A_348] {strides = array<i32>} : memref<144xi32, #tpu.memory_space<vmem>>, vector<16xi32>,
      %gather3A_350 = tpu.vector_load_idx %arg18[%get3A_349] : memref<10000xf32, #tpu.memory_space<vmem>>[vector<16xi32>], vector<16xf32>,
      %swap3A_351 = arith.constant 64 : index
      %swap3A_352 = tpu.vector_load %arg21[%swap3A_351] {strides = array<i32>} : memref<128xf32, #tpu.memory_space<vmem>>, vector<16xf32>,
      tpu.vector_store %arg21[%swap3A_351], %gather3A_350 {strides = array<i32>} : memref<128xf32, #tpu.memory_space<vmem>>, vector<16xf32>,
      %gather3A_353 = tpu.vector_load_idx %arg19[%get3A_349] : memref<10000xf32, #tpu.memory_space<vmem>>[vector<16xi32>], vector<16xf32>,
      %swap3A_354 = arith.constant 64 : index
      %swap3A_355 = tpu.vector_load %arg22[%swap3A_354] {strides = array<i32>} : memref<128xf32, #tpu.memory_space<vmem>>, vector<16xf32>,
      tpu.vector_store %arg22[%swap3A_354], %gather3A_353 {strides = array<i32>} : memref<128xf32, #tpu.memory_space<vmem>>, vector<16xf32>,
      %gather3A_356 = tpu.vector_load_idx %arg20[%get3A_349] : memref<10000xf32, #tpu.memory_space<vmem>>[vector<16xi32>], vector<16xf32>,
      %swap3A_357 = arith.constant 64 : index
      %swap3A_358 = tpu.vector_load %arg23[%swap3A_357] {strides = array<i32>} : memref<128xf32, #tpu.memory_space<vmem>>, vector<16xf32>,
      tpu.vector_store %arg23[%swap3A_357], %gather3A_356 {strides = array<i32>} : memref<128xf32, #tpu.memory_space<vmem>>, vector<16xf32>,
      %get3A_359 = arith.constant 80 : index
      %get3A_360 = tpu.vector_load %arg16[%get3A_359] {strides = array<i32>} : memref<144xi32, #tpu.memory_space<vmem>>, vector<16xi32>,
      %gather3A_361 = tpu.vector_load_idx %arg18[%get3A_360] : memref<10000xf32, #tpu.memory_space<vmem>>[vector<16xi32>], vector<16xf32>,
      %swap3A_362 = arith.constant 80 : index
      %swap3A_363 = tpu.vector_load %arg21[%swap3A_362] {strides = array<i32>} : memref<128xf32, #tpu.memory_space<vmem>>, vector<16xf32>,
      tpu.vector_store %arg21[%swap3A_362], %gather3A_361 {strides = array<i32>} : memref<128xf32, #tpu.memory_space<vmem>>, vector<16xf32>,
      %gather3A_364 = tpu.vector_load_idx %arg19[%get3A_360] : memref<10000xf32, #tpu.memory_space<vmem>>[vector<16xi32>], vector<16xf32>,
      %swap3A_365 = arith.constant 80 : index
      %swap3A_366 = tpu.vector_load %arg22[%swap3A_365] {strides = array<i32>} : memref<128xf32, #tpu.memory_space<vmem>>, vector<16xf32>,
      tpu.vector_store %arg22[%swap3A_365], %gather3A_364 {strides = array<i32>} : memref<128xf32, #tpu.memory_space<vmem>>, vector<16xf32>,
      %gather3A_367 = tpu.vector_load_idx %arg20[%get3A_360] : memref<10000xf32, #tpu.memory_space<vmem>>[vector<16xi32>], vector<16xf32>,
      %swap3A_368 = arith.constant 80 : index
      %swap3A_369 = tpu.vector_load %arg23[%swap3A_368] {strides = array<i32>} : memref<128xf32, #tpu.memory_space<vmem>>, vector<16xf32>,
      tpu.vector_store %arg23[%swap3A_368], %gather3A_367 {strides = array<i32>} : memref<128xf32, #tpu.memory_space<vmem>>, vector<16xf32>,
      %get3A_370 = arith.constant 96 : index
      %get3A_371 = tpu.vector_load %arg16[%get3A_370] {strides = array<i32>} : memref<144xi32, #tpu.memory_space<vmem>>, vector<16xi32>,
      %gather3A_372 = tpu.vector_load_idx %arg18[%get3A_371] : memref<10000xf32, #tpu.memory_space<vmem>>[vector<16xi32>], vector<16xf32>,
      %swap3A_373 = arith.constant 96 : index
      %swap3A_374 = tpu.vector_load %arg21[%swap3A_373] {strides = array<i32>} : memref<128xf32, #tpu.memory_space<vmem>>, vector<16xf32>,
      tpu.vector_store %arg21[%swap3A_373], %gather3A_372 {strides = array<i32>} : memref<128xf32, #tpu.memory_space<vmem>>, vector<16xf32>,
      %gather3A_375 = tpu.vector_load_idx %arg19[%get3A_371] : memref<10000xf32, #tpu.memory_space<vmem>>[vector<16xi32>], vector<16xf32>,
      %swap3A_376 = arith.constant 96 : index
      %swap3A_377 = tpu.vector_load %arg22[%swap3A_376] {strides = array<i32>} : memref<128xf32, #tpu.memory_space<vmem>>, vector<16xf32>,
      tpu.vector_store %arg22[%swap3A_376], %gather3A_375 {strides = array<i32>} : memref<128xf32, #tpu.memory_space<vmem>>, vector<16xf32>,
      %gather3A_378 = tpu.vector_load_idx %arg20[%get3A_371] : memref<10000xf32, #tpu.memory_space<vmem>>[vector<16xi32>], vector<16xf32>,
      %swap3A_379 = arith.constant 96 : index
      %swap3A_380 = tpu.vector_load %arg23[%swap3A_379] {strides = array<i32>} : memref<128xf32, #tpu.memory_space<vmem>>, vector<16xf32>,
      tpu.vector_store %arg23[%swap3A_379], %gather3A_378 {strides = array<i32>} : memref<128xf32, #tpu.memory_space<vmem>>, vector<16xf32>,
      %get3A_381 = arith.constant 112 : index
      %get3A_382 = tpu.vector_load %arg16[%get3A_381] {strides = array<i32>} : memref<144xi32, #tpu.memory_space<vmem>>, vector<16xi32>,
      %gather3A_383 = tpu.vector_load_idx %arg18[%get3A_382] : memref<10000xf32, #tpu.memory_space<vmem>>[vector<16xi32>], vector<16xf32>,
      %swap3A_384 = arith.constant 112 : index
      %swap3A_385 = tpu.vector_load %arg21[%swap3A_384] {strides = array<i32>} : memref<128xf32, #tpu.memory_space<vmem>>, vector<16xf32>,
      tpu.vector_store %arg21[%swap3A_384], %gather3A_383 {strides = array<i32>} : memref<128xf32, #tpu.memory_space<vmem>>, vector<16xf32>,
      %gather3A_386 = tpu.vector_load_idx %arg19[%get3A_382] : memref<10000xf32, #tpu.memory_space<vmem>>[vector<16xi32>], vector<16xf32>,
      %swap3A_387 = arith.constant 112 : index
      %swap3A_388 = tpu.vector_load %arg22[%swap3A_387] {strides = array<i32>} : memref<128xf32, #tpu.memory_space<vmem>>, vector<16xf32>,
      tpu.vector_store %arg22[%swap3A_387], %gather3A_386 {strides = array<i32>} : memref<128xf32, #tpu.memory_space<vmem>>, vector<16xf32>,
      %gather3A_389 = tpu.vector_load_idx %arg20[%get3A_382] : memref<10000xf32, #tpu.memory_space<vmem>>[vector<16xi32>], vector<16xf32>,
      %swap3A_390 = arith.constant 112 : index
      %swap3A_391 = tpu.vector_load %arg23[%swap3A_390] {strides = array<i32>} : memref<128xf32, #tpu.memory_space<vmem>>, vector<16xf32>,
      tpu.vector_store %arg23[%swap3A_390], %gather3A_389 {strides = array<i32>} : memref<128xf32, #tpu.memory_space<vmem>>, vector<16xf32>,
      "tpu.region"() ({
        %run_scoped3A = tpu.sem_alloc : memref<!tpu.dma_semaphore, #tpu.memory_space<semaphore_mem>>
        %dma_start3A_739 = arith.constant 0 : i32
        %dma_start3A_740 = arith.constant 0 : i32
        %dma_start3A_741 = tpu.memref_slice %arg11[%add3A_44, %dma_start3A_739, %dma_start3A_740] : memref<2048x128x128xf32, #tpu.memory_space<hbm>> -> memref<1x128x128xf32, #tpu.memory_space<hbm>>
        %dma_start3A_742 = tpu.memref_squeeze %dma_start3A_741 : memref<1x128x128xf32, #tpu.memory_space<hbm>> -> memref<128x128xf32, #tpu.memory_space<hbm>>
        %dma_start3A_743 = arith.constant 0 : i32
        %dma_start3A_744 = arith.constant 0 : i32
        %dma_start3A_745 = tpu.memref_slice %arg11[%add3A_44, %dma_start3A_743, %dma_start3A_744] : memref<2048x128x128xf32, #tpu.memory_space<hbm>> -> memref<1x128x128xf32, #tpu.memory_space<hbm>>
        %dma_start3A_746 = tpu.memref_squeeze %dma_start3A_745 : memref<1x128x128xf32, #tpu.memory_space<hbm>> -> memref<128x128xf32, #tpu.memory_space<hbm>>
        tpu.enqueue_dma source(%arg24 : memref<128x128xf32, #tpu.memory_space<vmem>>) target(%dma_start3A_746 : memref<128x128xf32, #tpu.memory_space<hbm>>) target_semaphore(%run_scoped3A : memref<!tpu.dma_semaphore, #tpu.memory_space<semaphore_mem>>)
        %dma_wait3A_747 = arith.constant 0 : i32
        %dma_wait3A_748 = arith.constant 0 : i32
        %dma_wait3A_749 = tpu.memref_slice %arg11[%add3A_44, %dma_wait3A_747, %dma_wait3A_748] : memref<2048x128x128xf32, #tpu.memory_space<hbm>> -> memref<1x128x128xf32, #tpu.memory_space<hbm>>
        %dma_wait3A_750 = tpu.memref_squeeze %dma_wait3A_749 : memref<1x128x128xf32, #tpu.memory_space<hbm>> -> memref<128x128xf32, #tpu.memory_space<hbm>>
        %dma_wait3A_751 = arith.constant 0 : i32
        %dma_wait3A_752 = arith.constant 0 : i32
        %dma_wait3A_753 = tpu.memref_slice %arg11[%add3A_44, %dma_wait3A_751, %dma_wait3A_752] : memref<2048x128x128xf32, #tpu.memory_space<hbm>> -> memref<1x128x128xf32, #tpu.memory_space<hbm>>
        %dma_wait3A_754 = tpu.memref_squeeze %dma_wait3A_753 : memref<1x128x128xf32, #tpu.memory_space<hbm>> -> memref<128x128xf32, #tpu.memory_space<hbm>>
        tpu.wait_dma2 semaphore(%run_scoped3A : memref<!tpu.dma_semaphore, #tpu.memory_space<semaphore_mem>>) src(%arg24 : memref<128x128xf32, #tpu.memory_space<vmem>>) dst(%dma_wait3A_754 : memref<128x128xf32, #tpu.memory_space<hbm>>)
        tpu.yield
      }) : () -> ()
      "tpu.region"() ({
        %run_scoped3A = tpu.sem_alloc : memref<!tpu.dma_semaphore, #tpu.memory_space<semaphore_mem>>
        %dma_start3A_739 = arith.constant 0 : i32
        %dma_start3A_740 = tpu.memref_slice %arg8[%add3A_44, %dma_start3A_739] : memref<2048x128xf32, #tpu.memory_space<hbm>> -> memref<1x128xf32, #tpu.memory_space<hbm>>
        %dma_start3A_741 = tpu.memref_squeeze %dma_start3A_740 : memref<1x128xf32, #tpu.memory_space<hbm>> -> memref<128xf32, #tpu.memory_space<hbm>>
        %dma_start3A_742 = arith.constant 0 : i32
        %dma_start3A_743 = tpu.memref_slice %arg8[%add3A_44, %dma_start3A_742] : memref<2048x128xf32, #tpu.memory_space<hbm>> -> memref<1x128xf32, #tpu.memory_space<hbm>>
        %dma_start3A_744 = tpu.memref_squeeze %dma_start3A_743 : memref<1x128xf32, #tpu.memory_space<hbm>> -> memref<128xf32, #tpu.memory_space<hbm>>
        tpu.enqueue_dma source(%arg21 : memref<128xf32, #tpu.memory_space<vmem>>) target(%dma_start3A_744 : memref<128xf32, #tpu.memory_space<hbm>>) target_semaphore(%run_scoped3A : memref<!tpu.dma_semaphore, #tpu.memory_space<semaphore_mem>>)
        %dma_wait3A_745 = arith.constant 0 : i32
        %dma_wait3A_746 = tpu.memref_slice %arg8[%add3A_44, %dma_wait3A_745] : memref<2048x128xf32, #tpu.memory_space<hbm>> -> memref<1x128xf32, #tpu.memory_space<hbm>>
        %dma_wait3A_747 = tpu.memref_squeeze %dma_wait3A_746 : memref<1x128xf32, #tpu.memory_space<hbm>> -> memref<128xf32, #tpu.memory_space<hbm>>
        %dma_wait3A_748 = arith.constant 0 : i32
        %dma_wait3A_749 = tpu.memref_slice %arg8[%add3A_44, %dma_wait3A_748] : memref<2048x128xf32, #tpu.memory_space<hbm>> -> memref<1x128xf32, #tpu.memory_space<hbm>>
        %dma_wait3A_750 = tpu.memref_squeeze %dma_wait3A_749 : memref<1x128xf32, #tpu.memory_space<hbm>> -> memref<128xf32, #tpu.memory_space<hbm>>
        tpu.wait_dma2 semaphore(%run_scoped3A : memref<!tpu.dma_semaphore, #tpu.memory_space<semaphore_mem>>) src(%arg21 : memref<128xf32, #tpu.memory_space<vmem>>) dst(%dma_wait3A_750 : memref<128xf32, #tpu.memory_space<hbm>>)
        tpu.yield
      }) : () -> ()
      "tpu.region"() ({
        %run_scoped3A = tpu.sem_alloc : memref<!tpu.dma_semaphore, #tpu.memory_space<semaphore_mem>>
        %dma_start3A_739 = arith.constant 0 : i32
        %dma_start3A_740 = tpu.memref_slice %arg9[%add3A_44, %dma_start3A_739] : memref<2048x128xf32, #tpu.memory_space<hbm>> -> memref<1x128xf32, #tpu.memory_space<hbm>>
        %dma_start3A_741 = tpu.memref_squeeze %dma_start3A_740 : memref<1x128xf32, #tpu.memory_space<hbm>> -> memref<128xf32, #tpu.memory_space<hbm>>
        %dma_start3A_742 = arith.constant 0 : i32
        %dma_start3A_743 = tpu.memref_slice %arg9[%add3A_44, %dma_start3A_742] : memref<2048x128xf32, #tpu.memory_space<hbm>> -> memref<1x128xf32, #tpu.memory_space<hbm>>
        %dma_start3A_744 = tpu.memref_squeeze %dma_start3A_743 : memref<1x128xf32, #tpu.memory_space<hbm>> -> memref<128xf32, #tpu.memory_space<hbm>>
        tpu.enqueue_dma source(%arg22 : memref<128xf32, #tpu.memory_space<vmem>>) target(%dma_start3A_744 : memref<128xf32, #tpu.memory_space<hbm>>) target_semaphore(%run_scoped3A : memref<!tpu.dma_semaphore, #tpu.memory_space<semaphore_mem>>)
        %dma_wait3A_745 = arith.constant 0 : i32
        %dma_wait3A_746 = tpu.memref_slice %arg9[%add3A_44, %dma_wait3A_745] : memref<2048x128xf32, #tpu.memory_space<hbm>> -> memref<1x128xf32, #tpu.memory_space<hbm>>
        %dma_wait3A_747 = tpu.memref_squeeze %dma_wait3A_746 : memref<1x128xf32, #tpu.memory_space<hbm>> -> memref<128xf32, #tpu.memory_space<hbm>>
        %dma_wait3A_748 = arith.constant 0 : i32
        %dma_wait3A_749 = tpu.memref_slice %arg9[%add3A_44, %dma_wait3A_748] : memref<2048x128xf32, #tpu.memory_space<hbm>> -> memref<1x128xf32, #tpu.memory_space<hbm>>
        %dma_wait3A_750 = tpu.memref_squeeze %dma_wait3A_749 : memref<1x128xf32, #tpu.memory_space<hbm>> -> memref<128xf32, #tpu.memory_space<hbm>>
        tpu.wait_dma2 semaphore(%run_scoped3A : memref<!tpu.dma_semaphore, #tpu.memory_space<semaphore_mem>>) src(%arg22 : memref<128xf32, #tpu.memory_space<vmem>>) dst(%dma_wait3A_750 : memref<128xf32, #tpu.memory_space<hbm>>)
        tpu.yield
      }) : () -> ()
      "tpu.region"() ({
        %run_scoped3A = tpu.sem_alloc : memref<!tpu.dma_semaphore, #tpu.memory_space<semaphore_mem>>
        %dma_start3A_739 = arith.constant 0 : i32
        %dma_start3A_740 = tpu.memref_slice %arg10[%add3A_44, %dma_start3A_739] : memref<2048x128xf32, #tpu.memory_space<hbm>> -> memref<1x128xf32, #tpu.memory_space<hbm>>
        %dma_start3A_741 = tpu.memref_squeeze %dma_start3A_740 : memref<1x128xf32, #tpu.memory_space<hbm>> -> memref<128xf32, #tpu.memory_space<hbm>>
        %dma_start3A_742 = arith.constant 0 : i32
        %dma_start3A_743 = tpu.memref_slice %arg10[%add3A_44, %dma_start3A_742] : memref<2048x128xf32, #tpu.memory_space<hbm>> -> memref<1x128xf32, #tpu.memory_space<hbm>>
        %dma_start3A_744 = tpu.memref_squeeze %dma_start3A_743 : memref<1x128xf32, #tpu.memory_space<hbm>> -> memref<128xf32, #tpu.memory_space<hbm>>
        tpu.enqueue_dma source(%arg23 : memref<128xf32, #tpu.memory_space<vmem>>) target(%dma_start3A_744 : memref<128xf32, #tpu.memory_space<hbm>>) target_semaphore(%run_scoped3A : memref<!tpu.dma_semaphore, #tpu.memory_space<semaphore_mem>>)
        %dma_wait3A_745 = arith.constant 0 : i32
        %dma_wait3A_746 = tpu.memref_slice %arg10[%add3A_44, %dma_wait3A_745] : memref<2048x128xf32, #tpu.memory_space<hbm>> -> memref<1x128xf32, #tpu.memory_space<hbm>>
        %dma_wait3A_747 = tpu.memref_squeeze %dma_wait3A_746 : memref<1x128xf32, #tpu.memory_space<hbm>> -> memref<128xf32, #tpu.memory_space<hbm>>
        %dma_wait3A_748 = arith.constant 0 : i32
        %dma_wait3A_749 = tpu.memref_slice %arg10[%add3A_44, %dma_wait3A_748] : memref<2048x128xf32, #tpu.memory_space<hbm>> -> memref<1x128xf32, #tpu.memory_space<hbm>>
        %dma_wait3A_750 = tpu.memref_squeeze %dma_wait3A_749 : memref<1x128xf32, #tpu.memory_space<hbm>> -> memref<128xf32, #tpu.memory_space<hbm>>
        tpu.wait_dma2 semaphore(%run_scoped3A : memref<!tpu.dma_semaphore, #tpu.memory_space<semaphore_mem>>) src(%arg23 : memref<128xf32, #tpu.memory_space<vmem>>) dst(%dma_wait3A_750 : memref<128xf32, #tpu.memory_space<hbm>>)
        tpu.yield
      }) : () -> ()
      %dma_wait3A_392 = arith.constant 0 : i32
      %dma_wait3A_393 = tpu.memref_slice %arg2[%add3A_46, %dma_wait3A_392] : memref<2048x640xi32, #tpu.memory_space<hbm>> -> memref<1x640xi32, #tpu.memory_space<hbm>>
      %dma_wait3A_394 = tpu.memref_squeeze %dma_wait3A_393 : memref<1x640xi32, #tpu.memory_space<hbm>> -> memref<640xi32, #tpu.memory_space<hbm>>
      %dma_wait3A_395 = arith.constant 0 : i32
      %dma_wait3A_396 = tpu.memref_slice %arg2[%add3A_46, %dma_wait3A_395] : memref<2048x640xi32, #tpu.memory_space<hbm>> -> memref<1x640xi32, #tpu.memory_space<hbm>>
      %dma_wait3A_397 = tpu.memref_squeeze %dma_wait3A_396 : memref<1x640xi32, #tpu.memory_space<hbm>> -> memref<640xi32, #tpu.memory_space<hbm>>
      tpu.wait_dma2 semaphore(%arg27 : memref<!tpu.dma_semaphore, #tpu.memory_space<semaphore_mem>>) src(%dma_wait3A_397 : memref<640xi32, #tpu.memory_space<hbm>>) dst(%arg14 : memref<640xi32, #tpu.memory_space<vmem>>)
      %dma_wait3A_398 = arith.constant 0 : i32
      %dma_wait3A_399 = tpu.memref_slice %arg3[%add3A_46, %dma_wait3A_398] : memref<2048x640xi32, #tpu.memory_space<hbm>> -> memref<1x640xi32, #tpu.memory_space<hbm>>
      %dma_wait3A_400 = tpu.memref_squeeze %dma_wait3A_399 : memref<1x640xi32, #tpu.memory_space<hbm>> -> memref<640xi32, #tpu.memory_space<hbm>>
      %dma_wait3A_401 = arith.constant 0 : i32
      %dma_wait3A_402 = tpu.memref_slice %arg3[%add3A_46, %dma_wait3A_401] : memref<2048x640xi32, #tpu.memory_space<hbm>> -> memref<1x640xi32, #tpu.memory_space<hbm>>
      %dma_wait3A_403 = tpu.memref_squeeze %dma_wait3A_402 : memref<1x640xi32, #tpu.memory_space<hbm>> -> memref<640xi32, #tpu.memory_space<hbm>>
      tpu.wait_dma2 semaphore(%arg27 : memref<!tpu.dma_semaphore, #tpu.memory_space<semaphore_mem>>) src(%dma_wait3A_403 : memref<640xi32, #tpu.memory_space<hbm>>) dst(%arg15 : memref<640xi32, #tpu.memory_space<vmem>>)
      %dma_start3A_404 = arith.constant 0 : i32
      %dma_start3A_405 = tpu.memref_slice %arg2[%min3A, %dma_start3A_404] : memref<2048x640xi32, #tpu.memory_space<hbm>> -> memref<1x640xi32, #tpu.memory_space<hbm>>
      %dma_start3A_406 = tpu.memref_squeeze %dma_start3A_405 : memref<1x640xi32, #tpu.memory_space<hbm>> -> memref<640xi32, #tpu.memory_space<hbm>>
      %dma_start3A_407 = arith.constant 0 : i32
      %dma_start3A_408 = tpu.memref_slice %arg2[%min3A, %dma_start3A_407] : memref<2048x640xi32, #tpu.memory_space<hbm>> -> memref<1x640xi32, #tpu.memory_space<hbm>>
      %dma_start3A_409 = tpu.memref_squeeze %dma_start3A_408 : memref<1x640xi32, #tpu.memory_space<hbm>> -> memref<640xi32, #tpu.memory_space<hbm>>
      tpu.enqueue_dma source(%dma_start3A_409 : memref<640xi32, #tpu.memory_space<hbm>>) target(%arg12 : memref<640xi32, #tpu.memory_space<vmem>>) target_semaphore(%arg26 : memref<!tpu.dma_semaphore, #tpu.memory_space<semaphore_mem>>)
      %dma_start3A_410 = arith.constant 0 : i32
      %dma_start3A_411 = tpu.memref_slice %arg3[%min3A, %dma_start3A_410] : memref<2048x640xi32, #tpu.memory_space<hbm>> -> memref<1x640xi32, #tpu.memory_space<hbm>>
      %dma_start3A_412 = tpu.memref_squeeze %dma_start3A_411 : memref<1x640xi32, #tpu.memory_space<hbm>> -> memref<640xi32, #tpu.memory_space<hbm>>
      %dma_start3A_413 = arith.constant 0 : i32
      %dma_start3A_414 = tpu.memref_slice %arg3[%min3A, %dma_start3A_413] : memref<2048x640xi32, #tpu.memory_space<hbm>> -> memref<1x640xi32, #tpu.memory_space<hbm>>
      %dma_start3A_415 = tpu.memref_squeeze %dma_start3A_414 : memref<1x640xi32, #tpu.memory_space<hbm>> -> memref<640xi32, #tpu.memory_space<hbm>>
      tpu.enqueue_dma source(%dma_start3A_415 : memref<640xi32, #tpu.memory_space<hbm>>) target(%arg13 : memref<640xi32, #tpu.memory_space<vmem>>) target_semaphore(%arg26 : memref<!tpu.dma_semaphore, #tpu.memory_space<semaphore_mem>>)
      %broadcast_in_dim3A_416 = arith.constant 0 : i32
      %broadcast_in_dim3A_417 = vector.broadcast %broadcast_in_dim3A_416 : i32 to vector<16xi32>
      %swap3A_418 = arith.constant 0 : index
      %swap3A_419 = tpu.vector_load %arg16[%swap3A_418] {strides = array<i32>} : memref<144xi32, #tpu.memory_space<vmem>>, vector<16xi32>,
      tpu.vector_store %arg16[%swap3A_418], %broadcast_in_dim3A_417 {strides = array<i32>} : memref<144xi32, #tpu.memory_space<vmem>>, vector<16xi32>,
      %broadcast_in_dim3A_420 = arith.constant 0 : i32
      %broadcast_in_dim3A_421 = vector.broadcast %broadcast_in_dim3A_420 : i32 to vector<16xi32>
      %swap3A_422 = arith.constant 16 : index
      %swap3A_423 = tpu.vector_load %arg16[%swap3A_422] {strides = array<i32>} : memref<144xi32, #tpu.memory_space<vmem>>, vector<16xi32>,
      tpu.vector_store %arg16[%swap3A_422], %broadcast_in_dim3A_421 {strides = array<i32>} : memref<144xi32, #tpu.memory_space<vmem>>, vector<16xi32>,
      %broadcast_in_dim3A_424 = arith.constant 0 : i32
      %broadcast_in_dim3A_425 = vector.broadcast %broadcast_in_dim3A_424 : i32 to vector<16xi32>
      %swap3A_426 = arith.constant 32 : index
      %swap3A_427 = tpu.vector_load %arg16[%swap3A_426] {strides = array<i32>} : memref<144xi32, #tpu.memory_space<vmem>>, vector<16xi32>,
      tpu.vector_store %arg16[%swap3A_426], %broadcast_in_dim3A_425 {strides = array<i32>} : memref<144xi32, #tpu.memory_space<vmem>>, vector<16xi32>,
      %broadcast_in_dim3A_428 = arith.constant 0 : i32
      %broadcast_in_dim3A_429 = vector.broadcast %broadcast_in_dim3A_428 : i32 to vector<16xi32>
      %swap3A_430 = arith.constant 48 : index
      %swap3A_431 = tpu.vector_load %arg16[%swap3A_430] {strides = array<i32>} : memref<144xi32, #tpu.memory_space<vmem>>, vector<16xi32>,
      tpu.vector_store %arg16[%swap3A_430], %broadcast_in_dim3A_429 {strides = array<i32>} : memref<144xi32, #tpu.memory_space<vmem>>, vector<16xi32>,
      %broadcast_in_dim3A_432 = arith.constant 0 : i32
      %broadcast_in_dim3A_433 = vector.broadcast %broadcast_in_dim3A_432 : i32 to vector<16xi32>
      %swap3A_434 = arith.constant 64 : index
      %swap3A_435 = tpu.vector_load %arg16[%swap3A_434] {strides = array<i32>} : memref<144xi32, #tpu.memory_space<vmem>>, vector<16xi32>,
      tpu.vector_store %arg16[%swap3A_434], %broadcast_in_dim3A_433 {strides = array<i32>} : memref<144xi32, #tpu.memory_space<vmem>>, vector<16xi32>,
      %broadcast_in_dim3A_436 = arith.constant 0 : i32
      %broadcast_in_dim3A_437 = vector.broadcast %broadcast_in_dim3A_436 : i32 to vector<16xi32>
      %swap3A_438 = arith.constant 80 : index
      %swap3A_439 = tpu.vector_load %arg16[%swap3A_438] {strides = array<i32>} : memref<144xi32, #tpu.memory_space<vmem>>, vector<16xi32>,
      tpu.vector_store %arg16[%swap3A_438], %broadcast_in_dim3A_437 {strides = array<i32>} : memref<144xi32, #tpu.memory_space<vmem>>, vector<16xi32>,
      %broadcast_in_dim3A_440 = arith.constant 0 : i32
      %broadcast_in_dim3A_441 = vector.broadcast %broadcast_in_dim3A_440 : i32 to vector<16xi32>
      %swap3A_442 = arith.constant 96 : index
      %swap3A_443 = tpu.vector_load %arg16[%swap3A_442] {strides = array<i32>} : memref<144xi32, #tpu.memory_space<vmem>>, vector<16xi32>,
      tpu.vector_store %arg16[%swap3A_442], %broadcast_in_dim3A_441 {strides = array<i32>} : memref<144xi32, #tpu.memory_space<vmem>>, vector<16xi32>,
      %broadcast_in_dim3A_444 = arith.constant 0 : i32
      %broadcast_in_dim3A_445 = vector.broadcast %broadcast_in_dim3A_444 : i32 to vector<16xi32>
      %swap3A_446 = arith.constant 112 : index
      %swap3A_447 = tpu.vector_load %arg16[%swap3A_446] {strides = array<i32>} : memref<144xi32, #tpu.memory_space<vmem>>, vector<16xi32>,
      tpu.vector_store %arg16[%swap3A_446], %broadcast_in_dim3A_445 {strides = array<i32>} : memref<144xi32, #tpu.memory_space<vmem>>, vector<16xi32>,
      %broadcast_in_dim3A_448 = arith.constant 639 : i32
      %broadcast_in_dim3A_449 = vector.broadcast %broadcast_in_dim3A_448 : i32 to vector<16xi32>
      %swap3A_450 = arith.constant 0 : index
      %swap3A_451 = tpu.vector_load %arg17[%swap3A_450] {strides = array<i32>} : memref<656xi32, #tpu.memory_space<vmem>>, vector<16xi32>,
      tpu.vector_store %arg17[%swap3A_450], %broadcast_in_dim3A_449 {strides = array<i32>} : memref<656xi32, #tpu.memory_space<vmem>>, vector<16xi32>,
      %broadcast_in_dim3A_452 = arith.constant 639 : i32
      %broadcast_in_dim3A_453 = vector.broadcast %broadcast_in_dim3A_452 : i32 to vector<16xi32>
      %swap3A_454 = arith.constant 16 : index
      %swap3A_455 = tpu.vector_load %arg17[%swap3A_454] {strides = array<i32>} : memref<656xi32, #tpu.memory_space<vmem>>, vector<16xi32>,
      tpu.vector_store %arg17[%swap3A_454], %broadcast_in_dim3A_453 {strides = array<i32>} : memref<656xi32, #tpu.memory_space<vmem>>, vector<16xi32>,
      %broadcast_in_dim3A_456 = arith.constant 639 : i32
      %broadcast_in_dim3A_457 = vector.broadcast %broadcast_in_dim3A_456 : i32 to vector<16xi32>
      %swap3A_458 = arith.constant 32 : index
      %swap3A_459 = tpu.vector_load %arg17[%swap3A_458] {strides = array<i32>} : memref<656xi32, #tpu.memory_space<vmem>>, vector<16xi32>,
      tpu.vector_store %arg17[%swap3A_458], %broadcast_in_dim3A_457 {strides = array<i32>} : memref<656xi32, #tpu.memory_space<vmem>>, vector<16xi32>,
      %broadcast_in_dim3A_460 = arith.constant 639 : i32
      %broadcast_in_dim3A_461 = vector.broadcast %broadcast_in_dim3A_460 : i32 to vector<16xi32>
      %swap3A_462 = arith.constant 48 : index
      %swap3A_463 = tpu.vector_load %arg17[%swap3A_462] {strides = array<i32>} : memref<656xi32, #tpu.memory_space<vmem>>, vector<16xi32>,
      tpu.vector_store %arg17[%swap3A_462], %broadcast_in_dim3A_461 {strides = array<i32>} : memref<656xi32, #tpu.memory_space<vmem>>, vector<16xi32>,
      %broadcast_in_dim3A_464 = arith.constant 639 : i32
      %broadcast_in_dim3A_465 = vector.broadcast %broadcast_in_dim3A_464 : i32 to vector<16xi32>
      %swap3A_466 = arith.constant 64 : index
      %swap3A_467 = tpu.vector_load %arg17[%swap3A_466] {strides = array<i32>} : memref<656xi32, #tpu.memory_space<vmem>>, vector<16xi32>,
      tpu.vector_store %arg17[%swap3A_466], %broadcast_in_dim3A_465 {strides = array<i32>} : memref<656xi32, #tpu.memory_space<vmem>>, vector<16xi32>,
      %broadcast_in_dim3A_468 = arith.constant 639 : i32
      %broadcast_in_dim3A_469 = vector.broadcast %broadcast_in_dim3A_468 : i32 to vector<16xi32>
      %swap3A_470 = arith.constant 80 : index
      %swap3A_471 = tpu.vector_load %arg17[%swap3A_470] {strides = array<i32>} : memref<656xi32, #tpu.memory_space<vmem>>, vector<16xi32>,
      tpu.vector_store %arg17[%swap3A_470], %broadcast_in_dim3A_469 {strides = array<i32>} : memref<656xi32, #tpu.memory_space<vmem>>, vector<16xi32>,
      %broadcast_in_dim3A_472 = arith.constant 639 : i32
      %broadcast_in_dim3A_473 = vector.broadcast %broadcast_in_dim3A_472 : i32 to vector<16xi32>
      %swap3A_474 = arith.constant 96 : index
      %swap3A_475 = tpu.vector_load %arg17[%swap3A_474] {strides = array<i32>} : memref<656xi32, #tpu.memory_space<vmem>>, vector<16xi32>,
      tpu.vector_store %arg17[%swap3A_474], %broadcast_in_dim3A_473 {strides = array<i32>} : memref<656xi32, #tpu.memory_space<vmem>>, vector<16xi32>,
      %broadcast_in_dim3A_476 = arith.constant 639 : i32
      %broadcast_in_dim3A_477 = vector.broadcast %broadcast_in_dim3A_476 : i32 to vector<16xi32>
      %swap3A_478 = arith.constant 112 : index
      %swap3A_479 = tpu.vector_load %arg17[%swap3A_478] {strides = array<i32>} : memref<656xi32, #tpu.memory_space<vmem>>, vector<16xi32>,
      tpu.vector_store %arg17[%swap3A_478], %broadcast_in_dim3A_477 {strides = array<i32>} : memref<656xi32, #tpu.memory_space<vmem>>, vector<16xi32>,
      %broadcast_in_dim3A_480 = arith.constant 639 : i32
      %broadcast_in_dim3A_481 = vector.broadcast %broadcast_in_dim3A_480 : i32 to vector<16xi32>
      %swap3A_482 = arith.constant 128 : index
      %swap3A_483 = tpu.vector_load %arg17[%swap3A_482] {strides = array<i32>} : memref<656xi32, #tpu.memory_space<vmem>>, vector<16xi32>,
      tpu.vector_store %arg17[%swap3A_482], %broadcast_in_dim3A_481 {strides = array<i32>} : memref<656xi32, #tpu.memory_space<vmem>>, vector<16xi32>,
      %broadcast_in_dim3A_484 = arith.constant 639 : i32
      %broadcast_in_dim3A_485 = vector.broadcast %broadcast_in_dim3A_484 : i32 to vector<16xi32>
      %swap3A_486 = arith.constant 144 : index
      %swap3A_487 = tpu.vector_load %arg17[%swap3A_486] {strides = array<i32>} : memref<656xi32, #tpu.memory_space<vmem>>, vector<16xi32>,
      tpu.vector_store %arg17[%swap3A_486], %broadcast_in_dim3A_485 {strides = array<i32>} : memref<656xi32, #tpu.memory_space<vmem>>, vector<16xi32>,
      %broadcast_in_dim3A_488 = arith.constant 639 : i32
      %broadcast_in_dim3A_489 = vector.broadcast %broadcast_in_dim3A_488 : i32 to vector<16xi32>
      %swap3A_490 = arith.constant 160 : index
      %swap3A_491 = tpu.vector_load %arg17[%swap3A_490] {strides = array<i32>} : memref<656xi32, #tpu.memory_space<vmem>>, vector<16xi32>,
      tpu.vector_store %arg17[%swap3A_490], %broadcast_in_dim3A_489 {strides = array<i32>} : memref<656xi32, #tpu.memory_space<vmem>>, vector<16xi32>,
      %broadcast_in_dim3A_492 = arith.constant 639 : i32
      %broadcast_in_dim3A_493 = vector.broadcast %broadcast_in_dim3A_492 : i32 to vector<16xi32>
      %swap3A_494 = arith.constant 176 : index
      %swap3A_495 = tpu.vector_load %arg17[%swap3A_494] {strides = array<i32>} : memref<656xi32, #tpu.memory_space<vmem>>, vector<16xi32>,
      tpu.vector_store %arg17[%swap3A_494], %broadcast_in_dim3A_493 {strides = array<i32>} : memref<656xi32, #tpu.memory_space<vmem>>, vector<16xi32>,
      %broadcast_in_dim3A_496 = arith.constant 639 : i32
      %broadcast_in_dim3A_497 = vector.broadcast %broadcast_in_dim3A_496 : i32 to vector<16xi32>
      %swap3A_498 = arith.constant 192 : index
      %swap3A_499 = tpu.vector_load %arg17[%swap3A_498] {strides = array<i32>} : memref<656xi32, #tpu.memory_space<vmem>>, vector<16xi32>,
      tpu.vector_store %arg17[%swap3A_498], %broadcast_in_dim3A_497 {strides = array<i32>} : memref<656xi32, #tpu.memory_space<vmem>>, vector<16xi32>,
      %broadcast_in_dim3A_500 = arith.constant 639 : i32
      %broadcast_in_dim3A_501 = vector.broadcast %broadcast_in_dim3A_500 : i32 to vector<16xi32>
      %swap3A_502 = arith.constant 208 : index
      %swap3A_503 = tpu.vector_load %arg17[%swap3A_502] {strides = array<i32>} : memref<656xi32, #tpu.memory_space<vmem>>, vector<16xi32>,
      tpu.vector_store %arg17[%swap3A_502], %broadcast_in_dim3A_501 {strides = array<i32>} : memref<656xi32, #tpu.memory_space<vmem>>, vector<16xi32>,
      %broadcast_in_dim3A_504 = arith.constant 639 : i32
      %broadcast_in_dim3A_505 = vector.broadcast %broadcast_in_dim3A_504 : i32 to vector<16xi32>
      %swap3A_506 = arith.constant 224 : index
      %swap3A_507 = tpu.vector_load %arg17[%swap3A_506] {strides = array<i32>} : memref<656xi32, #tpu.memory_space<vmem>>, vector<16xi32>,
      tpu.vector_store %arg17[%swap3A_506], %broadcast_in_dim3A_505 {strides = array<i32>} : memref<656xi32, #tpu.memory_space<vmem>>, vector<16xi32>,
      %broadcast_in_dim3A_508 = arith.constant 639 : i32
      %broadcast_in_dim3A_509 = vector.broadcast %broadcast_in_dim3A_508 : i32 to vector<16xi32>
      %swap3A_510 = arith.constant 240 : index
      %swap3A_511 = tpu.vector_load %arg17[%swap3A_510] {strides = array<i32>} : memref<656xi32, #tpu.memory_space<vmem>>, vector<16xi32>,
      tpu.vector_store %arg17[%swap3A_510], %broadcast_in_dim3A_509 {strides = array<i32>} : memref<656xi32, #tpu.memory_space<vmem>>, vector<16xi32>,
      %broadcast_in_dim3A_512 = arith.constant 639 : i32
      %broadcast_in_dim3A_513 = vector.broadcast %broadcast_in_dim3A_512 : i32 to vector<16xi32>
      %swap3A_514 = arith.constant 256 : index
      %swap3A_515 = tpu.vector_load %arg17[%swap3A_514] {strides = array<i32>} : memref<656xi32, #tpu.memory_space<vmem>>, vector<16xi32>,
      tpu.vector_store %arg17[%swap3A_514], %broadcast_in_dim3A_513 {strides = array<i32>} : memref<656xi32, #tpu.memory_space<vmem>>, vector<16xi32>,
      %broadcast_in_dim3A_516 = arith.constant 639 : i32
      %broadcast_in_dim3A_517 = vector.broadcast %broadcast_in_dim3A_516 : i32 to vector<16xi32>
      %swap3A_518 = arith.constant 272 : index
      %swap3A_519 = tpu.vector_load %arg17[%swap3A_518] {strides = array<i32>} : memref<656xi32, #tpu.memory_space<vmem>>, vector<16xi32>,
      tpu.vector_store %arg17[%swap3A_518], %broadcast_in_dim3A_517 {strides = array<i32>} : memref<656xi32, #tpu.memory_space<vmem>>, vector<16xi32>,
      %broadcast_in_dim3A_520 = arith.constant 639 : i32
      %broadcast_in_dim3A_521 = vector.broadcast %broadcast_in_dim3A_520 : i32 to vector<16xi32>
      %swap3A_522 = arith.constant 288 : index
      %swap3A_523 = tpu.vector_load %arg17[%swap3A_522] {strides = array<i32>} : memref<656xi32, #tpu.memory_space<vmem>>, vector<16xi32>,
      tpu.vector_store %arg17[%swap3A_522], %broadcast_in_dim3A_521 {strides = array<i32>} : memref<656xi32, #tpu.memory_space<vmem>>, vector<16xi32>,
      %broadcast_in_dim3A_524 = arith.constant 639 : i32
      %broadcast_in_dim3A_525 = vector.broadcast %broadcast_in_dim3A_524 : i32 to vector<16xi32>
      %swap3A_526 = arith.constant 304 : index
      %swap3A_527 = tpu.vector_load %arg17[%swap3A_526] {strides = array<i32>} : memref<656xi32, #tpu.memory_space<vmem>>, vector<16xi32>,
      tpu.vector_store %arg17[%swap3A_526], %broadcast_in_dim3A_525 {strides = array<i32>} : memref<656xi32, #tpu.memory_space<vmem>>, vector<16xi32>,
      %broadcast_in_dim3A_528 = arith.constant 639 : i32
      %broadcast_in_dim3A_529 = vector.broadcast %broadcast_in_dim3A_528 : i32 to vector<16xi32>
      %swap3A_530 = arith.constant 320 : index
      %swap3A_531 = tpu.vector_load %arg17[%swap3A_530] {strides = array<i32>} : memref<656xi32, #tpu.memory_space<vmem>>, vector<16xi32>,
      tpu.vector_store %arg17[%swap3A_530], %broadcast_in_dim3A_529 {strides = array<i32>} : memref<656xi32, #tpu.memory_space<vmem>>, vector<16xi32>,
      %broadcast_in_dim3A_532 = arith.constant 639 : i32
      %broadcast_in_dim3A_533 = vector.broadcast %broadcast_in_dim3A_532 : i32 to vector<16xi32>
      %swap3A_534 = arith.constant 336 : index
      %swap3A_535 = tpu.vector_load %arg17[%swap3A_534] {strides = array<i32>} : memref<656xi32, #tpu.memory_space<vmem>>, vector<16xi32>,
      tpu.vector_store %arg17[%swap3A_534], %broadcast_in_dim3A_533 {strides = array<i32>} : memref<656xi32, #tpu.memory_space<vmem>>, vector<16xi32>,
      %broadcast_in_dim3A_536 = arith.constant 639 : i32
      %broadcast_in_dim3A_537 = vector.broadcast %broadcast_in_dim3A_536 : i32 to vector<16xi32>
      %swap3A_538 = arith.constant 352 : index
      %swap3A_539 = tpu.vector_load %arg17[%swap3A_538] {strides = array<i32>} : memref<656xi32, #tpu.memory_space<vmem>>, vector<16xi32>,
      tpu.vector_store %arg17[%swap3A_538], %broadcast_in_dim3A_537 {strides = array<i32>} : memref<656xi32, #tpu.memory_space<vmem>>, vector<16xi32>,
      %broadcast_in_dim3A_540 = arith.constant 639 : i32
      %broadcast_in_dim3A_541 = vector.broadcast %broadcast_in_dim3A_540 : i32 to vector<16xi32>
      %swap3A_542 = arith.constant 368 : index
      %swap3A_543 = tpu.vector_load %arg17[%swap3A_542] {strides = array<i32>} : memref<656xi32, #tpu.memory_space<vmem>>, vector<16xi32>,
      tpu.vector_store %arg17[%swap3A_542], %broadcast_in_dim3A_541 {strides = array<i32>} : memref<656xi32, #tpu.memory_space<vmem>>, vector<16xi32>,
      %broadcast_in_dim3A_544 = arith.constant 639 : i32
      %broadcast_in_dim3A_545 = vector.broadcast %broadcast_in_dim3A_544 : i32 to vector<16xi32>
      %swap3A_546 = arith.constant 384 : index
      %swap3A_547 = tpu.vector_load %arg17[%swap3A_546] {strides = array<i32>} : memref<656xi32, #tpu.memory_space<vmem>>, vector<16xi32>,
      tpu.vector_store %arg17[%swap3A_546], %broadcast_in_dim3A_545 {strides = array<i32>} : memref<656xi32, #tpu.memory_space<vmem>>, vector<16xi32>,
      %broadcast_in_dim3A_548 = arith.constant 639 : i32
      %broadcast_in_dim3A_549 = vector.broadcast %broadcast_in_dim3A_548 : i32 to vector<16xi32>
      %swap3A_550 = arith.constant 400 : index
      %swap3A_551 = tpu.vector_load %arg17[%swap3A_550] {strides = array<i32>} : memref<656xi32, #tpu.memory_space<vmem>>, vector<16xi32>,
      tpu.vector_store %arg17[%swap3A_550], %broadcast_in_dim3A_549 {strides = array<i32>} : memref<656xi32, #tpu.memory_space<vmem>>, vector<16xi32>,
      %broadcast_in_dim3A_552 = arith.constant 639 : i32
      %broadcast_in_dim3A_553 = vector.broadcast %broadcast_in_dim3A_552 : i32 to vector<16xi32>
      %swap3A_554 = arith.constant 416 : index
      %swap3A_555 = tpu.vector_load %arg17[%swap3A_554] {strides = array<i32>} : memref<656xi32, #tpu.memory_space<vmem>>, vector<16xi32>,
      tpu.vector_store %arg17[%swap3A_554], %broadcast_in_dim3A_553 {strides = array<i32>} : memref<656xi32, #tpu.memory_space<vmem>>, vector<16xi32>,
      %broadcast_in_dim3A_556 = arith.constant 639 : i32
      %broadcast_in_dim3A_557 = vector.broadcast %broadcast_in_dim3A_556 : i32 to vector<16xi32>
      %swap3A_558 = arith.constant 432 : index
      %swap3A_559 = tpu.vector_load %arg17[%swap3A_558] {strides = array<i32>} : memref<656xi32, #tpu.memory_space<vmem>>, vector<16xi32>,
      tpu.vector_store %arg17[%swap3A_558], %broadcast_in_dim3A_557 {strides = array<i32>} : memref<656xi32, #tpu.memory_space<vmem>>, vector<16xi32>,
      %broadcast_in_dim3A_560 = arith.constant 639 : i32
      %broadcast_in_dim3A_561 = vector.broadcast %broadcast_in_dim3A_560 : i32 to vector<16xi32>
      %swap3A_562 = arith.constant 448 : index
      %swap3A_563 = tpu.vector_load %arg17[%swap3A_562] {strides = array<i32>} : memref<656xi32, #tpu.memory_space<vmem>>, vector<16xi32>,
      tpu.vector_store %arg17[%swap3A_562], %broadcast_in_dim3A_561 {strides = array<i32>} : memref<656xi32, #tpu.memory_space<vmem>>, vector<16xi32>,
      %broadcast_in_dim3A_564 = arith.constant 639 : i32
      %broadcast_in_dim3A_565 = vector.broadcast %broadcast_in_dim3A_564 : i32 to vector<16xi32>
      %swap3A_566 = arith.constant 464 : index
      %swap3A_567 = tpu.vector_load %arg17[%swap3A_566] {strides = array<i32>} : memref<656xi32, #tpu.memory_space<vmem>>, vector<16xi32>,
      tpu.vector_store %arg17[%swap3A_566], %broadcast_in_dim3A_565 {strides = array<i32>} : memref<656xi32, #tpu.memory_space<vmem>>, vector<16xi32>,
      %broadcast_in_dim3A_568 = arith.constant 639 : i32
      %broadcast_in_dim3A_569 = vector.broadcast %broadcast_in_dim3A_568 : i32 to vector<16xi32>
      %swap3A_570 = arith.constant 480 : index
      %swap3A_571 = tpu.vector_load %arg17[%swap3A_570] {strides = array<i32>} : memref<656xi32, #tpu.memory_space<vmem>>, vector<16xi32>,
      tpu.vector_store %arg17[%swap3A_570], %broadcast_in_dim3A_569 {strides = array<i32>} : memref<656xi32, #tpu.memory_space<vmem>>, vector<16xi32>,
      %broadcast_in_dim3A_572 = arith.constant 639 : i32
      %broadcast_in_dim3A_573 = vector.broadcast %broadcast_in_dim3A_572 : i32 to vector<16xi32>
      %swap3A_574 = arith.constant 496 : index
      %swap3A_575 = tpu.vector_load %arg17[%swap3A_574] {strides = array<i32>} : memref<656xi32, #tpu.memory_space<vmem>>, vector<16xi32>,
      tpu.vector_store %arg17[%swap3A_574], %broadcast_in_dim3A_573 {strides = array<i32>} : memref<656xi32, #tpu.memory_space<vmem>>, vector<16xi32>,
      %broadcast_in_dim3A_576 = arith.constant 639 : i32
      %broadcast_in_dim3A_577 = vector.broadcast %broadcast_in_dim3A_576 : i32 to vector<16xi32>
      %swap3A_578 = arith.constant 512 : index
      %swap3A_579 = tpu.vector_load %arg17[%swap3A_578] {strides = array<i32>} : memref<656xi32, #tpu.memory_space<vmem>>, vector<16xi32>,
      tpu.vector_store %arg17[%swap3A_578], %broadcast_in_dim3A_577 {strides = array<i32>} : memref<656xi32, #tpu.memory_space<vmem>>, vector<16xi32>,
      %broadcast_in_dim3A_580 = arith.constant 639 : i32
      %broadcast_in_dim3A_581 = vector.broadcast %broadcast_in_dim3A_580 : i32 to vector<16xi32>
      %swap3A_582 = arith.constant 528 : index
      %swap3A_583 = tpu.vector_load %arg17[%swap3A_582] {strides = array<i32>} : memref<656xi32, #tpu.memory_space<vmem>>, vector<16xi32>,
      tpu.vector_store %arg17[%swap3A_582], %broadcast_in_dim3A_581 {strides = array<i32>} : memref<656xi32, #tpu.memory_space<vmem>>, vector<16xi32>,
      %broadcast_in_dim3A_584 = arith.constant 639 : i32
      %broadcast_in_dim3A_585 = vector.broadcast %broadcast_in_dim3A_584 : i32 to vector<16xi32>
      %swap3A_586 = arith.constant 544 : index
      %swap3A_587 = tpu.vector_load %arg17[%swap3A_586] {strides = array<i32>} : memref<656xi32, #tpu.memory_space<vmem>>, vector<16xi32>,
      tpu.vector_store %arg17[%swap3A_586], %broadcast_in_dim3A_585 {strides = array<i32>} : memref<656xi32, #tpu.memory_space<vmem>>, vector<16xi32>,
      %broadcast_in_dim3A_588 = arith.constant 639 : i32
      %broadcast_in_dim3A_589 = vector.broadcast %broadcast_in_dim3A_588 : i32 to vector<16xi32>
      %swap3A_590 = arith.constant 560 : index
      %swap3A_591 = tpu.vector_load %arg17[%swap3A_590] {strides = array<i32>} : memref<656xi32, #tpu.memory_space<vmem>>, vector<16xi32>,
      tpu.vector_store %arg17[%swap3A_590], %broadcast_in_dim3A_589 {strides = array<i32>} : memref<656xi32, #tpu.memory_space<vmem>>, vector<16xi32>,
      %broadcast_in_dim3A_592 = arith.constant 639 : i32
      %broadcast_in_dim3A_593 = vector.broadcast %broadcast_in_dim3A_592 : i32 to vector<16xi32>
      %swap3A_594 = arith.constant 576 : index
      %swap3A_595 = tpu.vector_load %arg17[%swap3A_594] {strides = array<i32>} : memref<656xi32, #tpu.memory_space<vmem>>, vector<16xi32>,
      tpu.vector_store %arg17[%swap3A_594], %broadcast_in_dim3A_593 {strides = array<i32>} : memref<656xi32, #tpu.memory_space<vmem>>, vector<16xi32>,
      %broadcast_in_dim3A_596 = arith.constant 639 : i32
      %broadcast_in_dim3A_597 = vector.broadcast %broadcast_in_dim3A_596 : i32 to vector<16xi32>
      %swap3A_598 = arith.constant 592 : index
      %swap3A_599 = tpu.vector_load %arg17[%swap3A_598] {strides = array<i32>} : memref<656xi32, #tpu.memory_space<vmem>>, vector<16xi32>,
      tpu.vector_store %arg17[%swap3A_598], %broadcast_in_dim3A_597 {strides = array<i32>} : memref<656xi32, #tpu.memory_space<vmem>>, vector<16xi32>,
      %broadcast_in_dim3A_600 = arith.constant 639 : i32
      %broadcast_in_dim3A_601 = vector.broadcast %broadcast_in_dim3A_600 : i32 to vector<16xi32>
      %swap3A_602 = arith.constant 608 : index
      %swap3A_603 = tpu.vector_load %arg17[%swap3A_602] {strides = array<i32>} : memref<656xi32, #tpu.memory_space<vmem>>, vector<16xi32>,
      tpu.vector_store %arg17[%swap3A_602], %broadcast_in_dim3A_601 {strides = array<i32>} : memref<656xi32, #tpu.memory_space<vmem>>, vector<16xi32>,
      %broadcast_in_dim3A_604 = arith.constant 639 : i32
      %broadcast_in_dim3A_605 = vector.broadcast %broadcast_in_dim3A_604 : i32 to vector<16xi32>
      %swap3A_606 = arith.constant 624 : index
      %swap3A_607 = tpu.vector_load %arg17[%swap3A_606] {strides = array<i32>} : memref<656xi32, #tpu.memory_space<vmem>>, vector<16xi32>,
      tpu.vector_store %arg17[%swap3A_606], %broadcast_in_dim3A_605 {strides = array<i32>} : memref<656xi32, #tpu.memory_space<vmem>>, vector<16xi32>,
      %broadcast_in_dim3A_608 = arith.constant 639 : i32
      %broadcast_in_dim3A_609 = vector.broadcast %broadcast_in_dim3A_608 : i32 to vector<16xi32>
      %swap3A_610 = arith.constant 640 : index
      %swap3A_611 = tpu.vector_load %arg17[%swap3A_610] {strides = array<i32>} : memref<656xi32, #tpu.memory_space<vmem>>, vector<16xi32>,
      tpu.vector_store %arg17[%swap3A_610], %broadcast_in_dim3A_609 {strides = array<i32>} : memref<656xi32, #tpu.memory_space<vmem>>, vector<16xi32>,
      %scan3A_612 = arith.constant 0 : i32
      %scan3A_613 = arith.constant 0 : i32
      %scan3A_614 = arith.constant 40 : i32
      %scan3A_615 = arith.addi %scan3A_613, %scan3A_614 : i32
      %scan3A_616 = arith.constant 1 : i32
      %scan3A_617 = scf.for %scan3A_739 = %scan3A_613 to %scan3A_615 step %scan3A_616 iter_args(%scan3A_740 = %scan3A_612) -> (i32)  : i32 {
        %mul3A_741 = arith.constant 16 : i32
        %mul3A_742 = arith.muli %scan3A_739, %mul3A_741 : i32
        %get3A_743 = arith.index_cast %mul3A_742 : i32 to index
        %get3A_744 = tpu.vector_load %arg14[%get3A_743] {strides = array<i32>} : memref<640xi32, #tpu.memory_space<vmem>>, vector<16xi32>,
        %ne3A = arith.constant 0 : i32
        %ne3A_745 = vector.broadcast %ne3A : i32 to vector<16xi32>
        %ne3A_746 = arith.cmpi ne, %get3A_744, %ne3A_745 : vector<16xi32>
        %mul3A_747 = arith.constant 16 : i32
        %mul3A_748 = arith.muli %scan3A_739, %mul3A_747 : i32
        %add3A_749 = vector.broadcast %mul3A_748 : i32 to vector<16xi32>
        %add3A_750 = arith.addi %add3A_749, %iota3A : vector<16xi32>
        %swap3A_751 = arith.index_cast %scan3A_740 : i32 to index
        %swap3A_752 = tpu.vector_load %arg17[%swap3A_751] masked %ne3A_746 {strides = array<i32>} : memref<656xi32, #tpu.memory_space<vmem>>, vector<16xi32>, vector<16xi1>
        tpu.vector_store %arg17[%swap3A_751], %add3A_750 masked %ne3A_746 {strides = array<i32>} : memref<656xi32, #tpu.memory_space<vmem>>, vector<16xi32>, vector<16xi1>
        %all_reduce_population_count3A = tpu.all_reduce %ne3A_746 {dim = 0 : i64, kind = #tpu.reduction_kind<sum>} : vector<16xi1> -> vector<16xi32>
        %slice3A_753 = vector.extract_strided_slice %all_reduce_population_count3A {offsets = [0], sizes = [1], strides = [1]} : vector<16xi32> to vector<1xi32>
        %squeeze3A_754 = vector.extract %slice3A_753[0] : i32 from vector<1xi32>
        %add3A_755 = arith.addi %scan3A_740, %squeeze3A_754 : i32
        scf.yield %add3A_755 : i32
      }
      %scan3A_618 = arith.constant 40 : i32
      %add3A_619 = arith.constant 15 : i32
      %add3A_620 = arith.addi %scan3A_617, %add3A_619 : i32
      %shift_right_arithmetic3A_621 = arith.constant 4 : i32
      %shift_right_arithmetic3A_622 = arith.shrsi %add3A_620, %shift_right_arithmetic3A_621 : i32
      %while3A_623 = arith.constant 0 : i32
      %while3A_624 = arith.constant 0 : i32
      %while3A_625 = arith.subi %shift_right_arithmetic3A_622, %while3A_624 : i32
      %while3A_626 = arith.addi %while3A_624, %while3A_625 : i32
      %while3A_627 = arith.constant 1 : i32
      %while3A_628 = arith.divsi %while3A_625, %while3A_627 : i32
      %while3A_629 = arith.muli %while3A_628, %while3A_627 : i32
      %while3A_630 = arith.addi %while3A_624, %while3A_629 : i32
      %while3A_631 = arith.constant 1 : i32
      scf.for %while3A_739 = %while3A_624 to %while3A_630 step %while3A_631  : i32 {
        %mul3A_740 = arith.constant 16 : i32
        %mul3A_741 = arith.muli %while3A_739, %mul3A_740 : i32
        %get3A_742 = arith.index_cast %mul3A_741 : i32 to index
        %get3A_743 = tpu.vector_load %arg17[%get3A_742] {strides = array<i32>} : memref<656xi32, #tpu.memory_space<vmem>>, vector<16xi32>,
        %gather3A_744 = tpu.vector_load_idx %arg14[%get3A_743] : memref<640xi32, #tpu.memory_space<vmem>>[vector<16xi32>], vector<16xi32>,
        %gather3A_745 = tpu.vector_load_idx %arg15[%get3A_743] : memref<640xi32, #tpu.memory_space<vmem>>[vector<16xi32>], vector<16xi32>,
        %slice3A_746 = vector.extract_strided_slice %gather3A_744 {offsets = [0], sizes = [1], strides = [1]} : vector<16xi32> to vector<1xi32>
        %squeeze3A_747 = vector.extract %slice3A_746[0] : i32 from vector<1xi32>
        %broadcast_in_dim3A_748 = vector.broadcast %squeeze3A_747 : i32 to vector<16xi32>
        %shift_right_arithmetic3A_749 = arith.shrsi %broadcast_in_dim3A_748, %iota3A : vector<16xi32>
        %and3A = arith.constant 1 : i32
        %and3A_750 = vector.broadcast %and3A : i32 to vector<16xi32>
        %and3A_751 = arith.andi %shift_right_arithmetic3A_749, %and3A_750 : vector<16xi32>
        %gt3A = arith.constant 0 : i32
        %gt3A_752 = vector.broadcast %gt3A : i32 to vector<16xi32>
        %gt3A_753 = arith.cmpi sgt, %and3A_751, %gt3A_752 : vector<16xi32>
        %slice3A_754 = vector.extract_strided_slice %get3A_743 {offsets = [0], sizes = [1], strides = [1]} : vector<16xi32> to vector<1xi32>
        %squeeze3A_755 = vector.extract %slice3A_754[0] : i32 from vector<1xi32>
        %mul3A_756 = arith.constant 16 : i32
        %mul3A_757 = arith.muli %squeeze3A_755, %mul3A_756 : i32
        %add3A_758 = vector.broadcast %mul3A_757 : i32 to vector<16xi32>
        %add3A_759 = arith.addi %add3A_758, %iota3A : vector<16xi32>
        %slice3A_760 = vector.extract_strided_slice %gather3A_745 {offsets = [0], sizes = [1], strides = [1]} : vector<16xi32> to vector<1xi32>
        %squeeze3A_761 = vector.extract %slice3A_760[0] : i32 from vector<1xi32>
        %swap3A_762 = arith.index_cast %squeeze3A_761 : i32 to index
        %swap3A_763 = tpu.vector_load %arg16[%swap3A_762] masked %gt3A_753 {strides = array<i32>} : memref<144xi32, #tpu.memory_space<vmem>>, vector<16xi32>, vector<16xi1>
        tpu.vector_store %arg16[%swap3A_762], %add3A_759 masked %gt3A_753 {strides = array<i32>} : memref<144xi32, #tpu.memory_space<vmem>>, vector<16xi32>, vector<16xi1>
        %slice3A_764 = vector.extract_strided_slice %gather3A_744 {offsets = [1], sizes = [1], strides = [1]} : vector<16xi32> to vector<1xi32>
        %squeeze3A_765 = vector.extract %slice3A_764[0] : i32 from vector<1xi32>
        %broadcast_in_dim3A_766 = vector.broadcast %squeeze3A_765 : i32 to vector<16xi32>
        %shift_right_arithmetic3A_767 = arith.shrsi %broadcast_in_dim3A_766, %iota3A : vector<16xi32>
        %and3A_768 = arith.constant 1 : i32
        %and3A_769 = vector.broadcast %and3A_768 : i32 to vector<16xi32>
        %and3A_770 = arith.andi %shift_right_arithmetic3A_767, %and3A_769 : vector<16xi32>
        %gt3A_771 = arith.constant 0 : i32
        %gt3A_772 = vector.broadcast %gt3A_771 : i32 to vector<16xi32>
        %gt3A_773 = arith.cmpi sgt, %and3A_770, %gt3A_772 : vector<16xi32>
        %slice3A_774 = vector.extract_strided_slice %get3A_743 {offsets = [1], sizes = [1], strides = [1]} : vector<16xi32> to vector<1xi32>
        %squeeze3A_775 = vector.extract %slice3A_774[0] : i32 from vector<1xi32>
        %mul3A_776 = arith.constant 16 : i32
        %mul3A_777 = arith.muli %squeeze3A_775, %mul3A_776 : i32
        %add3A_778 = vector.broadcast %mul3A_777 : i32 to vector<16xi32>
        %add3A_779 = arith.addi %add3A_778, %iota3A : vector<16xi32>
        %slice3A_780 = vector.extract_strided_slice %gather3A_745 {offsets = [1], sizes = [1], strides = [1]} : vector<16xi32> to vector<1xi32>
        %squeeze3A_781 = vector.extract %slice3A_780[0] : i32 from vector<1xi32>
        %swap3A_782 = arith.index_cast %squeeze3A_781 : i32 to index
        %swap3A_783 = tpu.vector_load %arg16[%swap3A_782] masked %gt3A_773 {strides = array<i32>} : memref<144xi32, #tpu.memory_space<vmem>>, vector<16xi32>, vector<16xi1>
        tpu.vector_store %arg16[%swap3A_782], %add3A_779 masked %gt3A_773 {strides = array<i32>} : memref<144xi32, #tpu.memory_space<vmem>>, vector<16xi32>, vector<16xi1>
        %slice3A_784 = vector.extract_strided_slice %gather3A_744 {offsets = [2], sizes = [1], strides = [1]} : vector<16xi32> to vector<1xi32>
        %squeeze3A_785 = vector.extract %slice3A_784[0] : i32 from vector<1xi32>
        %broadcast_in_dim3A_786 = vector.broadcast %squeeze3A_785 : i32 to vector<16xi32>
        %shift_right_arithmetic3A_787 = arith.shrsi %broadcast_in_dim3A_786, %iota3A : vector<16xi32>
        %and3A_788 = arith.constant 1 : i32
        %and3A_789 = vector.broadcast %and3A_788 : i32 to vector<16xi32>
        %and3A_790 = arith.andi %shift_right_arithmetic3A_787, %and3A_789 : vector<16xi32>
        %gt3A_791 = arith.constant 0 : i32
        %gt3A_792 = vector.broadcast %gt3A_791 : i32 to vector<16xi32>
        %gt3A_793 = arith.cmpi sgt, %and3A_790, %gt3A_792 : vector<16xi32>
        %slice3A_794 = vector.extract_strided_slice %get3A_743 {offsets = [2], sizes = [1], strides = [1]} : vector<16xi32> to vector<1xi32>
        %squeeze3A_795 = vector.extract %slice3A_794[0] : i32 from vector<1xi32>
        %mul3A_796 = arith.constant 16 : i32
        %mul3A_797 = arith.muli %squeeze3A_795, %mul3A_796 : i32
        %add3A_798 = vector.broadcast %mul3A_797 : i32 to vector<16xi32>
        %add3A_799 = arith.addi %add3A_798, %iota3A : vector<16xi32>
        %slice3A_800 = vector.extract_strided_slice %gather3A_745 {offsets = [2], sizes = [1], strides = [1]} : vector<16xi32> to vector<1xi32>
        %squeeze3A_801 = vector.extract %slice3A_800[0] : i32 from vector<1xi32>
        %swap3A_802 = arith.index_cast %squeeze3A_801 : i32 to index
        %swap3A_803 = tpu.vector_load %arg16[%swap3A_802] masked %gt3A_793 {strides = array<i32>} : memref<144xi32, #tpu.memory_space<vmem>>, vector<16xi32>, vector<16xi1>
        tpu.vector_store %arg16[%swap3A_802], %add3A_799 masked %gt3A_793 {strides = array<i32>} : memref<144xi32, #tpu.memory_space<vmem>>, vector<16xi32>, vector<16xi1>
        %slice3A_804 = vector.extract_strided_slice %gather3A_744 {offsets = [3], sizes = [1], strides = [1]} : vector<16xi32> to vector<1xi32>
        %squeeze3A_805 = vector.extract %slice3A_804[0] : i32 from vector<1xi32>
        %broadcast_in_dim3A_806 = vector.broadcast %squeeze3A_805 : i32 to vector<16xi32>
        %shift_right_arithmetic3A_807 = arith.shrsi %broadcast_in_dim3A_806, %iota3A : vector<16xi32>
        %and3A_808 = arith.constant 1 : i32
        %and3A_809 = vector.broadcast %and3A_808 : i32 to vector<16xi32>
        %and3A_810 = arith.andi %shift_right_arithmetic3A_807, %and3A_809 : vector<16xi32>
        %gt3A_811 = arith.constant 0 : i32
        %gt3A_812 = vector.broadcast %gt3A_811 : i32 to vector<16xi32>
        %gt3A_813 = arith.cmpi sgt, %and3A_810, %gt3A_812 : vector<16xi32>
        %slice3A_814 = vector.extract_strided_slice %get3A_743 {offsets = [3], sizes = [1], strides = [1]} : vector<16xi32> to vector<1xi32>
        %squeeze3A_815 = vector.extract %slice3A_814[0] : i32 from vector<1xi32>
        %mul3A_816 = arith.constant 16 : i32
        %mul3A_817 = arith.muli %squeeze3A_815, %mul3A_816 : i32
        %add3A_818 = vector.broadcast %mul3A_817 : i32 to vector<16xi32>
        %add3A_819 = arith.addi %add3A_818, %iota3A : vector<16xi32>
        %slice3A_820 = vector.extract_strided_slice %gather3A_745 {offsets = [3], sizes = [1], strides = [1]} : vector<16xi32> to vector<1xi32>
        %squeeze3A_821 = vector.extract %slice3A_820[0] : i32 from vector<1xi32>
        %swap3A_822 = arith.index_cast %squeeze3A_821 : i32 to index
        %swap3A_823 = tpu.vector_load %arg16[%swap3A_822] masked %gt3A_813 {strides = array<i32>} : memref<144xi32, #tpu.memory_space<vmem>>, vector<16xi32>, vector<16xi1>
        tpu.vector_store %arg16[%swap3A_822], %add3A_819 masked %gt3A_813 {strides = array<i32>} : memref<144xi32, #tpu.memory_space<vmem>>, vector<16xi32>, vector<16xi1>
        %slice3A_824 = vector.extract_strided_slice %gather3A_744 {offsets = [4], sizes = [1], strides = [1]} : vector<16xi32> to vector<1xi32>
        %squeeze3A_825 = vector.extract %slice3A_824[0] : i32 from vector<1xi32>
        %broadcast_in_dim3A_826 = vector.broadcast %squeeze3A_825 : i32 to vector<16xi32>
        %shift_right_arithmetic3A_827 = arith.shrsi %broadcast_in_dim3A_826, %iota3A : vector<16xi32>
        %and3A_828 = arith.constant 1 : i32
        %and3A_829 = vector.broadcast %and3A_828 : i32 to vector<16xi32>
        %and3A_830 = arith.andi %shift_right_arithmetic3A_827, %and3A_829 : vector<16xi32>
        %gt3A_831 = arith.constant 0 : i32
        %gt3A_832 = vector.broadcast %gt3A_831 : i32 to vector<16xi32>
        %gt3A_833 = arith.cmpi sgt, %and3A_830, %gt3A_832 : vector<16xi32>
        %slice3A_834 = vector.extract_strided_slice %get3A_743 {offsets = [4], sizes = [1], strides = [1]} : vector<16xi32> to vector<1xi32>
        %squeeze3A_835 = vector.extract %slice3A_834[0] : i32 from vector<1xi32>
        %mul3A_836 = arith.constant 16 : i32
        %mul3A_837 = arith.muli %squeeze3A_835, %mul3A_836 : i32
        %add3A_838 = vector.broadcast %mul3A_837 : i32 to vector<16xi32>
        %add3A_839 = arith.addi %add3A_838, %iota3A : vector<16xi32>
        %slice3A_840 = vector.extract_strided_slice %gather3A_745 {offsets = [4], sizes = [1], strides = [1]} : vector<16xi32> to vector<1xi32>
        %squeeze3A_841 = vector.extract %slice3A_840[0] : i32 from vector<1xi32>
        %swap3A_842 = arith.index_cast %squeeze3A_841 : i32 to index
        %swap3A_843 = tpu.vector_load %arg16[%swap3A_842] masked %gt3A_833 {strides = array<i32>} : memref<144xi32, #tpu.memory_space<vmem>>, vector<16xi32>, vector<16xi1>
        tpu.vector_store %arg16[%swap3A_842], %add3A_839 masked %gt3A_833 {strides = array<i32>} : memref<144xi32, #tpu.memory_space<vmem>>, vector<16xi32>, vector<16xi1>
        %slice3A_844 = vector.extract_strided_slice %gather3A_744 {offsets = [5], sizes = [1], strides = [1]} : vector<16xi32> to vector<1xi32>
        %squeeze3A_845 = vector.extract %slice3A_844[0] : i32 from vector<1xi32>
        %broadcast_in_dim3A_846 = vector.broadcast %squeeze3A_845 : i32 to vector<16xi32>
        %shift_right_arithmetic3A_847 = arith.shrsi %broadcast_in_dim3A_846, %iota3A : vector<16xi32>
        %and3A_848 = arith.constant 1 : i32
        %and3A_849 = vector.broadcast %and3A_848 : i32 to vector<16xi32>
        %and3A_850 = arith.andi %shift_right_arithmetic3A_847, %and3A_849 : vector<16xi32>
        %gt3A_851 = arith.constant 0 : i32
        %gt3A_852 = vector.broadcast %gt3A_851 : i32 to vector<16xi32>
        %gt3A_853 = arith.cmpi sgt, %and3A_850, %gt3A_852 : vector<16xi32>
        %slice3A_854 = vector.extract_strided_slice %get3A_743 {offsets = [5], sizes = [1], strides = [1]} : vector<16xi32> to vector<1xi32>
        %squeeze3A_855 = vector.extract %slice3A_854[0] : i32 from vector<1xi32>
        %mul3A_856 = arith.constant 16 : i32
        %mul3A_857 = arith.muli %squeeze3A_855, %mul3A_856 : i32
        %add3A_858 = vector.broadcast %mul3A_857 : i32 to vector<16xi32>
        %add3A_859 = arith.addi %add3A_858, %iota3A : vector<16xi32>
        %slice3A_860 = vector.extract_strided_slice %gather3A_745 {offsets = [5], sizes = [1], strides = [1]} : vector<16xi32> to vector<1xi32>
        %squeeze3A_861 = vector.extract %slice3A_860[0] : i32 from vector<1xi32>
        %swap3A_862 = arith.index_cast %squeeze3A_861 : i32 to index
        %swap3A_863 = tpu.vector_load %arg16[%swap3A_862] masked %gt3A_853 {strides = array<i32>} : memref<144xi32, #tpu.memory_space<vmem>>, vector<16xi32>, vector<16xi1>
        tpu.vector_store %arg16[%swap3A_862], %add3A_859 masked %gt3A_853 {strides = array<i32>} : memref<144xi32, #tpu.memory_space<vmem>>, vector<16xi32>, vector<16xi1>
        %slice3A_864 = vector.extract_strided_slice %gather3A_744 {offsets = [6], sizes = [1], strides = [1]} : vector<16xi32> to vector<1xi32>
        %squeeze3A_865 = vector.extract %slice3A_864[0] : i32 from vector<1xi32>
        %broadcast_in_dim3A_866 = vector.broadcast %squeeze3A_865 : i32 to vector<16xi32>
        %shift_right_arithmetic3A_867 = arith.shrsi %broadcast_in_dim3A_866, %iota3A : vector<16xi32>
        %and3A_868 = arith.constant 1 : i32
        %and3A_869 = vector.broadcast %and3A_868 : i32 to vector<16xi32>
        %and3A_870 = arith.andi %shift_right_arithmetic3A_867, %and3A_869 : vector<16xi32>
        %gt3A_871 = arith.constant 0 : i32
        %gt3A_872 = vector.broadcast %gt3A_871 : i32 to vector<16xi32>
        %gt3A_873 = arith.cmpi sgt, %and3A_870, %gt3A_872 : vector<16xi32>
        %slice3A_874 = vector.extract_strided_slice %get3A_743 {offsets = [6], sizes = [1], strides = [1]} : vector<16xi32> to vector<1xi32>
        %squeeze3A_875 = vector.extract %slice3A_874[0] : i32 from vector<1xi32>
        %mul3A_876 = arith.constant 16 : i32
        %mul3A_877 = arith.muli %squeeze3A_875, %mul3A_876 : i32
        %add3A_878 = vector.broadcast %mul3A_877 : i32 to vector<16xi32>
        %add3A_879 = arith.addi %add3A_878, %iota3A : vector<16xi32>
        %slice3A_880 = vector.extract_strided_slice %gather3A_745 {offsets = [6], sizes = [1], strides = [1]} : vector<16xi32> to vector<1xi32>
        %squeeze3A_881 = vector.extract %slice3A_880[0] : i32 from vector<1xi32>
        %swap3A_882 = arith.index_cast %squeeze3A_881 : i32 to index
        %swap3A_883 = tpu.vector_load %arg16[%swap3A_882] masked %gt3A_873 {strides = array<i32>} : memref<144xi32, #tpu.memory_space<vmem>>, vector<16xi32>, vector<16xi1>
        tpu.vector_store %arg16[%swap3A_882], %add3A_879 masked %gt3A_873 {strides = array<i32>} : memref<144xi32, #tpu.memory_space<vmem>>, vector<16xi32>, vector<16xi1>
        %slice3A_884 = vector.extract_strided_slice %gather3A_744 {offsets = [7], sizes = [1], strides = [1]} : vector<16xi32> to vector<1xi32>
        %squeeze3A_885 = vector.extract %slice3A_884[0] : i32 from vector<1xi32>
        %broadcast_in_dim3A_886 = vector.broadcast %squeeze3A_885 : i32 to vector<16xi32>
        %shift_right_arithmetic3A_887 = arith.shrsi %broadcast_in_dim3A_886, %iota3A : vector<16xi32>
        %and3A_888 = arith.constant 1 : i32
        %and3A_889 = vector.broadcast %and3A_888 : i32 to vector<16xi32>
        %and3A_890 = arith.andi %shift_right_arithmetic3A_887, %and3A_889 : vector<16xi32>
        %gt3A_891 = arith.constant 0 : i32
        %gt3A_892 = vector.broadcast %gt3A_891 : i32 to vector<16xi32>
        %gt3A_893 = arith.cmpi sgt, %and3A_890, %gt3A_892 : vector<16xi32>
        %slice3A_894 = vector.extract_strided_slice %get3A_743 {offsets = [7], sizes = [1], strides = [1]} : vector<16xi32> to vector<1xi32>
        %squeeze3A_895 = vector.extract %slice3A_894[0] : i32 from vector<1xi32>
        %mul3A_896 = arith.constant 16 : i32
        %mul3A_897 = arith.muli %squeeze3A_895, %mul3A_896 : i32
        %add3A_898 = vector.broadcast %mul3A_897 : i32 to vector<16xi32>
        %add3A_899 = arith.addi %add3A_898, %iota3A : vector<16xi32>
        %slice3A_900 = vector.extract_strided_slice %gather3A_745 {offsets = [7], sizes = [1], strides = [1]} : vector<16xi32> to vector<1xi32>
        %squeeze3A_901 = vector.extract %slice3A_900[0] : i32 from vector<1xi32>
        %swap3A_902 = arith.index_cast %squeeze3A_901 : i32 to index
        %swap3A_903 = tpu.vector_load %arg16[%swap3A_902] masked %gt3A_893 {strides = array<i32>} : memref<144xi32, #tpu.memory_space<vmem>>, vector<16xi32>, vector<16xi1>
        tpu.vector_store %arg16[%swap3A_902], %add3A_899 masked %gt3A_893 {strides = array<i32>} : memref<144xi32, #tpu.memory_space<vmem>>, vector<16xi32>, vector<16xi1>
        %slice3A_904 = vector.extract_strided_slice %gather3A_744 {offsets = [8], sizes = [1], strides = [1]} : vector<16xi32> to vector<1xi32>
        %squeeze3A_905 = vector.extract %slice3A_904[0] : i32 from vector<1xi32>
        %broadcast_in_dim3A_906 = vector.broadcast %squeeze3A_905 : i32 to vector<16xi32>
        %shift_right_arithmetic3A_907 = arith.shrsi %broadcast_in_dim3A_906, %iota3A : vector<16xi32>
        %and3A_908 = arith.constant 1 : i32
        %and3A_909 = vector.broadcast %and3A_908 : i32 to vector<16xi32>
        %and3A_910 = arith.andi %shift_right_arithmetic3A_907, %and3A_909 : vector<16xi32>
        %gt3A_911 = arith.constant 0 : i32
        %gt3A_912 = vector.broadcast %gt3A_911 : i32 to vector<16xi32>
        %gt3A_913 = arith.cmpi sgt, %and3A_910, %gt3A_912 : vector<16xi32>
        %slice3A_914 = vector.extract_strided_slice %get3A_743 {offsets = [8], sizes = [1], strides = [1]} : vector<16xi32> to vector<1xi32>
        %squeeze3A_915 = vector.extract %slice3A_914[0] : i32 from vector<1xi32>
        %mul3A_916 = arith.constant 16 : i32
        %mul3A_917 = arith.muli %squeeze3A_915, %mul3A_916 : i32
        %add3A_918 = vector.broadcast %mul3A_917 : i32 to vector<16xi32>
        %add3A_919 = arith.addi %add3A_918, %iota3A : vector<16xi32>
        %slice3A_920 = vector.extract_strided_slice %gather3A_745 {offsets = [8], sizes = [1], strides = [1]} : vector<16xi32> to vector<1xi32>
        %squeeze3A_921 = vector.extract %slice3A_920[0] : i32 from vector<1xi32>
        %swap3A_922 = arith.index_cast %squeeze3A_921 : i32 to index
        %swap3A_923 = tpu.vector_load %arg16[%swap3A_922] masked %gt3A_913 {strides = array<i32>} : memref<144xi32, #tpu.memory_space<vmem>>, vector<16xi32>, vector<16xi1>
        tpu.vector_store %arg16[%swap3A_922], %add3A_919 masked %gt3A_913 {strides = array<i32>} : memref<144xi32, #tpu.memory_space<vmem>>, vector<16xi32>, vector<16xi1>
        %slice3A_924 = vector.extract_strided_slice %gather3A_744 {offsets = [9], sizes = [1], strides = [1]} : vector<16xi32> to vector<1xi32>
        %squeeze3A_925 = vector.extract %slice3A_924[0] : i32 from vector<1xi32>
        %broadcast_in_dim3A_926 = vector.broadcast %squeeze3A_925 : i32 to vector<16xi32>
        %shift_right_arithmetic3A_927 = arith.shrsi %broadcast_in_dim3A_926, %iota3A : vector<16xi32>
        %and3A_928 = arith.constant 1 : i32
        %and3A_929 = vector.broadcast %and3A_928 : i32 to vector<16xi32>
        %and3A_930 = arith.andi %shift_right_arithmetic3A_927, %and3A_929 : vector<16xi32>
        %gt3A_931 = arith.constant 0 : i32
        %gt3A_932 = vector.broadcast %gt3A_931 : i32 to vector<16xi32>
        %gt3A_933 = arith.cmpi sgt, %and3A_930, %gt3A_932 : vector<16xi32>
        %slice3A_934 = vector.extract_strided_slice %get3A_743 {offsets = [9], sizes = [1], strides = [1]} : vector<16xi32> to vector<1xi32>
        %squeeze3A_935 = vector.extract %slice3A_934[0] : i32 from vector<1xi32>
        %mul3A_936 = arith.constant 16 : i32
        %mul3A_937 = arith.muli %squeeze3A_935, %mul3A_936 : i32
        %add3A_938 = vector.broadcast %mul3A_937 : i32 to vector<16xi32>
        %add3A_939 = arith.addi %add3A_938, %iota3A : vector<16xi32>
        %slice3A_940 = vector.extract_strided_slice %gather3A_745 {offsets = [9], sizes = [1], strides = [1]} : vector<16xi32> to vector<1xi32>
        %squeeze3A_941 = vector.extract %slice3A_940[0] : i32 from vector<1xi32>
        %swap3A_942 = arith.index_cast %squeeze3A_941 : i32 to index
        %swap3A_943 = tpu.vector_load %arg16[%swap3A_942] masked %gt3A_933 {strides = array<i32>} : memref<144xi32, #tpu.memory_space<vmem>>, vector<16xi32>, vector<16xi1>
        tpu.vector_store %arg16[%swap3A_942], %add3A_939 masked %gt3A_933 {strides = array<i32>} : memref<144xi32, #tpu.memory_space<vmem>>, vector<16xi32>, vector<16xi1>
        %slice3A_944 = vector.extract_strided_slice %gather3A_744 {offsets = [10], sizes = [1], strides = [1]} : vector<16xi32> to vector<1xi32>
        %squeeze3A_945 = vector.extract %slice3A_944[0] : i32 from vector<1xi32>
        %broadcast_in_dim3A_946 = vector.broadcast %squeeze3A_945 : i32 to vector<16xi32>
        %shift_right_arithmetic3A_947 = arith.shrsi %broadcast_in_dim3A_946, %iota3A : vector<16xi32>
        %and3A_948 = arith.constant 1 : i32
        %and3A_949 = vector.broadcast %and3A_948 : i32 to vector<16xi32>
        %and3A_950 = arith.andi %shift_right_arithmetic3A_947, %and3A_949 : vector<16xi32>
        %gt3A_951 = arith.constant 0 : i32
        %gt3A_952 = vector.broadcast %gt3A_951 : i32 to vector<16xi32>
        %gt3A_953 = arith.cmpi sgt, %and3A_950, %gt3A_952 : vector<16xi32>
        %slice3A_954 = vector.extract_strided_slice %get3A_743 {offsets = [10], sizes = [1], strides = [1]} : vector<16xi32> to vector<1xi32>
        %squeeze3A_955 = vector.extract %slice3A_954[0] : i32 from vector<1xi32>
        %mul3A_956 = arith.constant 16 : i32
        %mul3A_957 = arith.muli %squeeze3A_955, %mul3A_956 : i32
        %add3A_958 = vector.broadcast %mul3A_957 : i32 to vector<16xi32>
        %add3A_959 = arith.addi %add3A_958, %iota3A : vector<16xi32>
        %slice3A_960 = vector.extract_strided_slice %gather3A_745 {offsets = [10], sizes = [1], strides = [1]} : vector<16xi32> to vector<1xi32>
        %squeeze3A_961 = vector.extract %slice3A_960[0] : i32 from vector<1xi32>
        %swap3A_962 = arith.index_cast %squeeze3A_961 : i32 to index
        %swap3A_963 = tpu.vector_load %arg16[%swap3A_962] masked %gt3A_953 {strides = array<i32>} : memref<144xi32, #tpu.memory_space<vmem>>, vector<16xi32>, vector<16xi1>
        tpu.vector_store %arg16[%swap3A_962], %add3A_959 masked %gt3A_953 {strides = array<i32>} : memref<144xi32, #tpu.memory_space<vmem>>, vector<16xi32>, vector<16xi1>
        %slice3A_964 = vector.extract_strided_slice %gather3A_744 {offsets = [11], sizes = [1], strides = [1]} : vector<16xi32> to vector<1xi32>
        %squeeze3A_965 = vector.extract %slice3A_964[0] : i32 from vector<1xi32>
        %broadcast_in_dim3A_966 = vector.broadcast %squeeze3A_965 : i32 to vector<16xi32>
        %shift_right_arithmetic3A_967 = arith.shrsi %broadcast_in_dim3A_966, %iota3A : vector<16xi32>
        %and3A_968 = arith.constant 1 : i32
        %and3A_969 = vector.broadcast %and3A_968 : i32 to vector<16xi32>
        %and3A_970 = arith.andi %shift_right_arithmetic3A_967, %and3A_969 : vector<16xi32>
        %gt3A_971 = arith.constant 0 : i32
        %gt3A_972 = vector.broadcast %gt3A_971 : i32 to vector<16xi32>
        %gt3A_973 = arith.cmpi sgt, %and3A_970, %gt3A_972 : vector<16xi32>
        %slice3A_974 = vector.extract_strided_slice %get3A_743 {offsets = [11], sizes = [1], strides = [1]} : vector<16xi32> to vector<1xi32>
        %squeeze3A_975 = vector.extract %slice3A_974[0] : i32 from vector<1xi32>
        %mul3A_976 = arith.constant 16 : i32
        %mul3A_977 = arith.muli %squeeze3A_975, %mul3A_976 : i32
        %add3A_978 = vector.broadcast %mul3A_977 : i32 to vector<16xi32>
        %add3A_979 = arith.addi %add3A_978, %iota3A : vector<16xi32>
        %slice3A_980 = vector.extract_strided_slice %gather3A_745 {offsets = [11], sizes = [1], strides = [1]} : vector<16xi32> to vector<1xi32>
        %squeeze3A_981 = vector.extract %slice3A_980[0] : i32 from vector<1xi32>
        %swap3A_982 = arith.index_cast %squeeze3A_981 : i32 to index
        %swap3A_983 = tpu.vector_load %arg16[%swap3A_982] masked %gt3A_973 {strides = array<i32>} : memref<144xi32, #tpu.memory_space<vmem>>, vector<16xi32>, vector<16xi1>
        tpu.vector_store %arg16[%swap3A_982], %add3A_979 masked %gt3A_973 {strides = array<i32>} : memref<144xi32, #tpu.memory_space<vmem>>, vector<16xi32>, vector<16xi1>
        %slice3A_984 = vector.extract_strided_slice %gather3A_744 {offsets = [12], sizes = [1], strides = [1]} : vector<16xi32> to vector<1xi32>
        %squeeze3A_985 = vector.extract %slice3A_984[0] : i32 from vector<1xi32>
        %broadcast_in_dim3A_986 = vector.broadcast %squeeze3A_985 : i32 to vector<16xi32>
        %shift_right_arithmetic3A_987 = arith.shrsi %broadcast_in_dim3A_986, %iota3A : vector<16xi32>
        %and3A_988 = arith.constant 1 : i32
        %and3A_989 = vector.broadcast %and3A_988 : i32 to vector<16xi32>
        %and3A_990 = arith.andi %shift_right_arithmetic3A_987, %and3A_989 : vector<16xi32>
        %gt3A_991 = arith.constant 0 : i32
        %gt3A_992 = vector.broadcast %gt3A_991 : i32 to vector<16xi32>
        %gt3A_993 = arith.cmpi sgt, %and3A_990, %gt3A_992 : vector<16xi32>
        %slice3A_994 = vector.extract_strided_slice %get3A_743 {offsets = [12], sizes = [1], strides = [1]} : vector<16xi32> to vector<1xi32>
        %squeeze3A_995 = vector.extract %slice3A_994[0] : i32 from vector<1xi32>
        %mul3A_996 = arith.constant 16 : i32
        %mul3A_997 = arith.muli %squeeze3A_995, %mul3A_996 : i32
        %add3A_998 = vector.broadcast %mul3A_997 : i32 to vector<16xi32>
        %add3A_999 = arith.addi %add3A_998, %iota3A : vector<16xi32>
        %slice3A_1000 = vector.extract_strided_slice %gather3A_745 {offsets = [12], sizes = [1], strides = [1]} : vector<16xi32> to vector<1xi32>
        %squeeze3A_1001 = vector.extract %slice3A_1000[0] : i32 from vector<1xi32>
        %swap3A_1002 = arith.index_cast %squeeze3A_1001 : i32 to index
        %swap3A_1003 = tpu.vector_load %arg16[%swap3A_1002] masked %gt3A_993 {strides = array<i32>} : memref<144xi32, #tpu.memory_space<vmem>>, vector<16xi32>, vector<16xi1>
        tpu.vector_store %arg16[%swap3A_1002], %add3A_999 masked %gt3A_993 {strides = array<i32>} : memref<144xi32, #tpu.memory_space<vmem>>, vector<16xi32>, vector<16xi1>
        %slice3A_1004 = vector.extract_strided_slice %gather3A_744 {offsets = [13], sizes = [1], strides = [1]} : vector<16xi32> to vector<1xi32>
        %squeeze3A_1005 = vector.extract %slice3A_1004[0] : i32 from vector<1xi32>
        %broadcast_in_dim3A_1006 = vector.broadcast %squeeze3A_1005 : i32 to vector<16xi32>
        %shift_right_arithmetic3A_1007 = arith.shrsi %broadcast_in_dim3A_1006, %iota3A : vector<16xi32>
        %and3A_1008 = arith.constant 1 : i32
        %and3A_1009 = vector.broadcast %and3A_1008 : i32 to vector<16xi32>
        %and3A_1010 = arith.andi %shift_right_arithmetic3A_1007, %and3A_1009 : vector<16xi32>
        %gt3A_1011 = arith.constant 0 : i32
        %gt3A_1012 = vector.broadcast %gt3A_1011 : i32 to vector<16xi32>
        %gt3A_1013 = arith.cmpi sgt, %and3A_1010, %gt3A_1012 : vector<16xi32>
        %slice3A_1014 = vector.extract_strided_slice %get3A_743 {offsets = [13], sizes = [1], strides = [1]} : vector<16xi32> to vector<1xi32>
        %squeeze3A_1015 = vector.extract %slice3A_1014[0] : i32 from vector<1xi32>
        %mul3A_1016 = arith.constant 16 : i32
        %mul3A_1017 = arith.muli %squeeze3A_1015, %mul3A_1016 : i32
        %add3A_1018 = vector.broadcast %mul3A_1017 : i32 to vector<16xi32>
        %add3A_1019 = arith.addi %add3A_1018, %iota3A : vector<16xi32>
        %slice3A_1020 = vector.extract_strided_slice %gather3A_745 {offsets = [13], sizes = [1], strides = [1]} : vector<16xi32> to vector<1xi32>
        %squeeze3A_1021 = vector.extract %slice3A_1020[0] : i32 from vector<1xi32>
        %swap3A_1022 = arith.index_cast %squeeze3A_1021 : i32 to index
        %swap3A_1023 = tpu.vector_load %arg16[%swap3A_1022] masked %gt3A_1013 {strides = array<i32>} : memref<144xi32, #tpu.memory_space<vmem>>, vector<16xi32>, vector<16xi1>
        tpu.vector_store %arg16[%swap3A_1022], %add3A_1019 masked %gt3A_1013 {strides = array<i32>} : memref<144xi32, #tpu.memory_space<vmem>>, vector<16xi32>, vector<16xi1>
        %slice3A_1024 = vector.extract_strided_slice %gather3A_744 {offsets = [14], sizes = [1], strides = [1]} : vector<16xi32> to vector<1xi32>
        %squeeze3A_1025 = vector.extract %slice3A_1024[0] : i32 from vector<1xi32>
        %broadcast_in_dim3A_1026 = vector.broadcast %squeeze3A_1025 : i32 to vector<16xi32>
        %shift_right_arithmetic3A_1027 = arith.shrsi %broadcast_in_dim3A_1026, %iota3A : vector<16xi32>
        %and3A_1028 = arith.constant 1 : i32
        %and3A_1029 = vector.broadcast %and3A_1028 : i32 to vector<16xi32>
        %and3A_1030 = arith.andi %shift_right_arithmetic3A_1027, %and3A_1029 : vector<16xi32>
        %gt3A_1031 = arith.constant 0 : i32
        %gt3A_1032 = vector.broadcast %gt3A_1031 : i32 to vector<16xi32>
        %gt3A_1033 = arith.cmpi sgt, %and3A_1030, %gt3A_1032 : vector<16xi32>
        %slice3A_1034 = vector.extract_strided_slice %get3A_743 {offsets = [14], sizes = [1], strides = [1]} : vector<16xi32> to vector<1xi32>
        %squeeze3A_1035 = vector.extract %slice3A_1034[0] : i32 from vector<1xi32>
        %mul3A_1036 = arith.constant 16 : i32
        %mul3A_1037 = arith.muli %squeeze3A_1035, %mul3A_1036 : i32
        %add3A_1038 = vector.broadcast %mul3A_1037 : i32 to vector<16xi32>
        %add3A_1039 = arith.addi %add3A_1038, %iota3A : vector<16xi32>
        %slice3A_1040 = vector.extract_strided_slice %gather3A_745 {offsets = [14], sizes = [1], strides = [1]} : vector<16xi32> to vector<1xi32>
        %squeeze3A_1041 = vector.extract %slice3A_1040[0] : i32 from vector<1xi32>
        %swap3A_1042 = arith.index_cast %squeeze3A_1041 : i32 to index
        %swap3A_1043 = tpu.vector_load %arg16[%swap3A_1042] masked %gt3A_1033 {strides = array<i32>} : memref<144xi32, #tpu.memory_space<vmem>>, vector<16xi32>, vector<16xi1>
        tpu.vector_store %arg16[%swap3A_1042], %add3A_1039 masked %gt3A_1033 {strides = array<i32>} : memref<144xi32, #tpu.memory_space<vmem>>, vector<16xi32>, vector<16xi1>
        %slice3A_1044 = vector.extract_strided_slice %gather3A_744 {offsets = [15], sizes = [1], strides = [1]} : vector<16xi32> to vector<1xi32>
        %squeeze3A_1045 = vector.extract %slice3A_1044[0] : i32 from vector<1xi32>
        %broadcast_in_dim3A_1046 = vector.broadcast %squeeze3A_1045 : i32 to vector<16xi32>
        %shift_right_arithmetic3A_1047 = arith.shrsi %broadcast_in_dim3A_1046, %iota3A : vector<16xi32>
        %and3A_1048 = arith.constant 1 : i32
        %and3A_1049 = vector.broadcast %and3A_1048 : i32 to vector<16xi32>
        %and3A_1050 = arith.andi %shift_right_arithmetic3A_1047, %and3A_1049 : vector<16xi32>
        %gt3A_1051 = arith.constant 0 : i32
        %gt3A_1052 = vector.broadcast %gt3A_1051 : i32 to vector<16xi32>
        %gt3A_1053 = arith.cmpi sgt, %and3A_1050, %gt3A_1052 : vector<16xi32>
        %slice3A_1054 = vector.extract_strided_slice %get3A_743 {offsets = [15], sizes = [1], strides = [1]} : vector<16xi32> to vector<1xi32>
        %squeeze3A_1055 = vector.extract %slice3A_1054[0] : i32 from vector<1xi32>
        %mul3A_1056 = arith.constant 16 : i32
        %mul3A_1057 = arith.muli %squeeze3A_1055, %mul3A_1056 : i32
        %add3A_1058 = vector.broadcast %mul3A_1057 : i32 to vector<16xi32>
        %add3A_1059 = arith.addi %add3A_1058, %iota3A : vector<16xi32>
        %slice3A_1060 = vector.extract_strided_slice %gather3A_745 {offsets = [15], sizes = [1], strides = [1]} : vector<16xi32> to vector<1xi32>
        %squeeze3A_1061 = vector.extract %slice3A_1060[0] : i32 from vector<1xi32>
        %swap3A_1062 = arith.index_cast %squeeze3A_1061 : i32 to index
        %swap3A_1063 = tpu.vector_load %arg16[%swap3A_1062] masked %gt3A_1053 {strides = array<i32>} : memref<144xi32, #tpu.memory_space<vmem>>, vector<16xi32>, vector<16xi1>
        tpu.vector_store %arg16[%swap3A_1062], %add3A_1059 masked %gt3A_1053 {strides = array<i32>} : memref<144xi32, #tpu.memory_space<vmem>>, vector<16xi32>, vector<16xi1>
      }
      %while3A_632 = arith.constant 1 : i32
      scf.for %while3A_739 = %while3A_630 to %while3A_626 step %while3A_632  : i32 {
        %mul3A_740 = arith.constant 16 : i32
        %mul3A_741 = arith.muli %while3A_739, %mul3A_740 : i32
        %get3A_742 = arith.index_cast %mul3A_741 : i32 to index
        %get3A_743 = tpu.vector_load %arg17[%get3A_742] {strides = array<i32>} : memref<656xi32, #tpu.memory_space<vmem>>, vector<16xi32>,
        %gather3A_744 = tpu.vector_load_idx %arg14[%get3A_743] : memref<640xi32, #tpu.memory_space<vmem>>[vector<16xi32>], vector<16xi32>,
        %gather3A_745 = tpu.vector_load_idx %arg15[%get3A_743] : memref<640xi32, #tpu.memory_space<vmem>>[vector<16xi32>], vector<16xi32>,
        %slice3A_746 = vector.extract_strided_slice %gather3A_744 {offsets = [0], sizes = [1], strides = [1]} : vector<16xi32> to vector<1xi32>
        %squeeze3A_747 = vector.extract %slice3A_746[0] : i32 from vector<1xi32>
        %broadcast_in_dim3A_748 = vector.broadcast %squeeze3A_747 : i32 to vector<16xi32>
        %shift_right_arithmetic3A_749 = arith.shrsi %broadcast_in_dim3A_748, %iota3A : vector<16xi32>
        %and3A = arith.constant 1 : i32
        %and3A_750 = vector.broadcast %and3A : i32 to vector<16xi32>
        %and3A_751 = arith.andi %shift_right_arithmetic3A_749, %and3A_750 : vector<16xi32>
        %gt3A = arith.constant 0 : i32
        %gt3A_752 = vector.broadcast %gt3A : i32 to vector<16xi32>
        %gt3A_753 = arith.cmpi sgt, %and3A_751, %gt3A_752 : vector<16xi32>
        %slice3A_754 = vector.extract_strided_slice %get3A_743 {offsets = [0], sizes = [1], strides = [1]} : vector<16xi32> to vector<1xi32>
        %squeeze3A_755 = vector.extract %slice3A_754[0] : i32 from vector<1xi32>
        %mul3A_756 = arith.constant 16 : i32
        %mul3A_757 = arith.muli %squeeze3A_755, %mul3A_756 : i32
        %add3A_758 = vector.broadcast %mul3A_757 : i32 to vector<16xi32>
        %add3A_759 = arith.addi %add3A_758, %iota3A : vector<16xi32>
        %slice3A_760 = vector.extract_strided_slice %gather3A_745 {offsets = [0], sizes = [1], strides = [1]} : vector<16xi32> to vector<1xi32>
        %squeeze3A_761 = vector.extract %slice3A_760[0] : i32 from vector<1xi32>
        %swap3A_762 = arith.index_cast %squeeze3A_761 : i32 to index
        %swap3A_763 = tpu.vector_load %arg16[%swap3A_762] masked %gt3A_753 {strides = array<i32>} : memref<144xi32, #tpu.memory_space<vmem>>, vector<16xi32>, vector<16xi1>
        tpu.vector_store %arg16[%swap3A_762], %add3A_759 masked %gt3A_753 {strides = array<i32>} : memref<144xi32, #tpu.memory_space<vmem>>, vector<16xi32>, vector<16xi1>
        %slice3A_764 = vector.extract_strided_slice %gather3A_744 {offsets = [1], sizes = [1], strides = [1]} : vector<16xi32> to vector<1xi32>
        %squeeze3A_765 = vector.extract %slice3A_764[0] : i32 from vector<1xi32>
        %broadcast_in_dim3A_766 = vector.broadcast %squeeze3A_765 : i32 to vector<16xi32>
        %shift_right_arithmetic3A_767 = arith.shrsi %broadcast_in_dim3A_766, %iota3A : vector<16xi32>
        %and3A_768 = arith.constant 1 : i32
        %and3A_769 = vector.broadcast %and3A_768 : i32 to vector<16xi32>
        %and3A_770 = arith.andi %shift_right_arithmetic3A_767, %and3A_769 : vector<16xi32>
        %gt3A_771 = arith.constant 0 : i32
        %gt3A_772 = vector.broadcast %gt3A_771 : i32 to vector<16xi32>
        %gt3A_773 = arith.cmpi sgt, %and3A_770, %gt3A_772 : vector<16xi32>
        %slice3A_774 = vector.extract_strided_slice %get3A_743 {offsets = [1], sizes = [1], strides = [1]} : vector<16xi32> to vector<1xi32>
        %squeeze3A_775 = vector.extract %slice3A_774[0] : i32 from vector<1xi32>
        %mul3A_776 = arith.constant 16 : i32
        %mul3A_777 = arith.muli %squeeze3A_775, %mul3A_776 : i32
        %add3A_778 = vector.broadcast %mul3A_777 : i32 to vector<16xi32>
        %add3A_779 = arith.addi %add3A_778, %iota3A : vector<16xi32>
        %slice3A_780 = vector.extract_strided_slice %gather3A_745 {offsets = [1], sizes = [1], strides = [1]} : vector<16xi32> to vector<1xi32>
        %squeeze3A_781 = vector.extract %slice3A_780[0] : i32 from vector<1xi32>
        %swap3A_782 = arith.index_cast %squeeze3A_781 : i32 to index
        %swap3A_783 = tpu.vector_load %arg16[%swap3A_782] masked %gt3A_773 {strides = array<i32>} : memref<144xi32, #tpu.memory_space<vmem>>, vector<16xi32>, vector<16xi1>
        tpu.vector_store %arg16[%swap3A_782], %add3A_779 masked %gt3A_773 {strides = array<i32>} : memref<144xi32, #tpu.memory_space<vmem>>, vector<16xi32>, vector<16xi1>
        %slice3A_784 = vector.extract_strided_slice %gather3A_744 {offsets = [2], sizes = [1], strides = [1]} : vector<16xi32> to vector<1xi32>
        %squeeze3A_785 = vector.extract %slice3A_784[0] : i32 from vector<1xi32>
        %broadcast_in_dim3A_786 = vector.broadcast %squeeze3A_785 : i32 to vector<16xi32>
        %shift_right_arithmetic3A_787 = arith.shrsi %broadcast_in_dim3A_786, %iota3A : vector<16xi32>
        %and3A_788 = arith.constant 1 : i32
        %and3A_789 = vector.broadcast %and3A_788 : i32 to vector<16xi32>
        %and3A_790 = arith.andi %shift_right_arithmetic3A_787, %and3A_789 : vector<16xi32>
        %gt3A_791 = arith.constant 0 : i32
        %gt3A_792 = vector.broadcast %gt3A_791 : i32 to vector<16xi32>
        %gt3A_793 = arith.cmpi sgt, %and3A_790, %gt3A_792 : vector<16xi32>
        %slice3A_794 = vector.extract_strided_slice %get3A_743 {offsets = [2], sizes = [1], strides = [1]} : vector<16xi32> to vector<1xi32>
        %squeeze3A_795 = vector.extract %slice3A_794[0] : i32 from vector<1xi32>
        %mul3A_796 = arith.constant 16 : i32
        %mul3A_797 = arith.muli %squeeze3A_795, %mul3A_796 : i32
        %add3A_798 = vector.broadcast %mul3A_797 : i32 to vector<16xi32>
        %add3A_799 = arith.addi %add3A_798, %iota3A : vector<16xi32>
        %slice3A_800 = vector.extract_strided_slice %gather3A_745 {offsets = [2], sizes = [1], strides = [1]} : vector<16xi32> to vector<1xi32>
        %squeeze3A_801 = vector.extract %slice3A_800[0] : i32 from vector<1xi32>
        %swap3A_802 = arith.index_cast %squeeze3A_801 : i32 to index
        %swap3A_803 = tpu.vector_load %arg16[%swap3A_802] masked %gt3A_793 {strides = array<i32>} : memref<144xi32, #tpu.memory_space<vmem>>, vector<16xi32>, vector<16xi1>
        tpu.vector_store %arg16[%swap3A_802], %add3A_799 masked %gt3A_793 {strides = array<i32>} : memref<144xi32, #tpu.memory_space<vmem>>, vector<16xi32>, vector<16xi1>
        %slice3A_804 = vector.extract_strided_slice %gather3A_744 {offsets = [3], sizes = [1], strides = [1]} : vector<16xi32> to vector<1xi32>
        %squeeze3A_805 = vector.extract %slice3A_804[0] : i32 from vector<1xi32>
        %broadcast_in_dim3A_806 = vector.broadcast %squeeze3A_805 : i32 to vector<16xi32>
        %shift_right_arithmetic3A_807 = arith.shrsi %broadcast_in_dim3A_806, %iota3A : vector<16xi32>
        %and3A_808 = arith.constant 1 : i32
        %and3A_809 = vector.broadcast %and3A_808 : i32 to vector<16xi32>
        %and3A_810 = arith.andi %shift_right_arithmetic3A_807, %and3A_809 : vector<16xi32>
        %gt3A_811 = arith.constant 0 : i32
        %gt3A_812 = vector.broadcast %gt3A_811 : i32 to vector<16xi32>
        %gt3A_813 = arith.cmpi sgt, %and3A_810, %gt3A_812 : vector<16xi32>
        %slice3A_814 = vector.extract_strided_slice %get3A_743 {offsets = [3], sizes = [1], strides = [1]} : vector<16xi32> to vector<1xi32>
        %squeeze3A_815 = vector.extract %slice3A_814[0] : i32 from vector<1xi32>
        %mul3A_816 = arith.constant 16 : i32
        %mul3A_817 = arith.muli %squeeze3A_815, %mul3A_816 : i32
        %add3A_818 = vector.broadcast %mul3A_817 : i32 to vector<16xi32>
        %add3A_819 = arith.addi %add3A_818, %iota3A : vector<16xi32>
        %slice3A_820 = vector.extract_strided_slice %gather3A_745 {offsets = [3], sizes = [1], strides = [1]} : vector<16xi32> to vector<1xi32>
        %squeeze3A_821 = vector.extract %slice3A_820[0] : i32 from vector<1xi32>
        %swap3A_822 = arith.index_cast %squeeze3A_821 : i32 to index
        %swap3A_823 = tpu.vector_load %arg16[%swap3A_822] masked %gt3A_813 {strides = array<i32>} : memref<144xi32, #tpu.memory_space<vmem>>, vector<16xi32>, vector<16xi1>
        tpu.vector_store %arg16[%swap3A_822], %add3A_819 masked %gt3A_813 {strides = array<i32>} : memref<144xi32, #tpu.memory_space<vmem>>, vector<16xi32>, vector<16xi1>
        %slice3A_824 = vector.extract_strided_slice %gather3A_744 {offsets = [4], sizes = [1], strides = [1]} : vector<16xi32> to vector<1xi32>
        %squeeze3A_825 = vector.extract %slice3A_824[0] : i32 from vector<1xi32>
        %broadcast_in_dim3A_826 = vector.broadcast %squeeze3A_825 : i32 to vector<16xi32>
        %shift_right_arithmetic3A_827 = arith.shrsi %broadcast_in_dim3A_826, %iota3A : vector<16xi32>
        %and3A_828 = arith.constant 1 : i32
        %and3A_829 = vector.broadcast %and3A_828 : i32 to vector<16xi32>
        %and3A_830 = arith.andi %shift_right_arithmetic3A_827, %and3A_829 : vector<16xi32>
        %gt3A_831 = arith.constant 0 : i32
        %gt3A_832 = vector.broadcast %gt3A_831 : i32 to vector<16xi32>
        %gt3A_833 = arith.cmpi sgt, %and3A_830, %gt3A_832 : vector<16xi32>
        %slice3A_834 = vector.extract_strided_slice %get3A_743 {offsets = [4], sizes = [1], strides = [1]} : vector<16xi32> to vector<1xi32>
        %squeeze3A_835 = vector.extract %slice3A_834[0] : i32 from vector<1xi32>
        %mul3A_836 = arith.constant 16 : i32
        %mul3A_837 = arith.muli %squeeze3A_835, %mul3A_836 : i32
        %add3A_838 = vector.broadcast %mul3A_837 : i32 to vector<16xi32>
        %add3A_839 = arith.addi %add3A_838, %iota3A : vector<16xi32>
        %slice3A_840 = vector.extract_strided_slice %gather3A_745 {offsets = [4], sizes = [1], strides = [1]} : vector<16xi32> to vector<1xi32>
        %squeeze3A_841 = vector.extract %slice3A_840[0] : i32 from vector<1xi32>
        %swap3A_842 = arith.index_cast %squeeze3A_841 : i32 to index
        %swap3A_843 = tpu.vector_load %arg16[%swap3A_842] masked %gt3A_833 {strides = array<i32>} : memref<144xi32, #tpu.memory_space<vmem>>, vector<16xi32>, vector<16xi1>
        tpu.vector_store %arg16[%swap3A_842], %add3A_839 masked %gt3A_833 {strides = array<i32>} : memref<144xi32, #tpu.memory_space<vmem>>, vector<16xi32>, vector<16xi1>
        %slice3A_844 = vector.extract_strided_slice %gather3A_744 {offsets = [5], sizes = [1], strides = [1]} : vector<16xi32> to vector<1xi32>
        %squeeze3A_845 = vector.extract %slice3A_844[0] : i32 from vector<1xi32>
        %broadcast_in_dim3A_846 = vector.broadcast %squeeze3A_845 : i32 to vector<16xi32>
        %shift_right_arithmetic3A_847 = arith.shrsi %broadcast_in_dim3A_846, %iota3A : vector<16xi32>
        %and3A_848 = arith.constant 1 : i32
        %and3A_849 = vector.broadcast %and3A_848 : i32 to vector<16xi32>
        %and3A_850 = arith.andi %shift_right_arithmetic3A_847, %and3A_849 : vector<16xi32>
        %gt3A_851 = arith.constant 0 : i32
        %gt3A_852 = vector.broadcast %gt3A_851 : i32 to vector<16xi32>
        %gt3A_853 = arith.cmpi sgt, %and3A_850, %gt3A_852 : vector<16xi32>
        %slice3A_854 = vector.extract_strided_slice %get3A_743 {offsets = [5], sizes = [1], strides = [1]} : vector<16xi32> to vector<1xi32>
        %squeeze3A_855 = vector.extract %slice3A_854[0] : i32 from vector<1xi32>
        %mul3A_856 = arith.constant 16 : i32
        %mul3A_857 = arith.muli %squeeze3A_855, %mul3A_856 : i32
        %add3A_858 = vector.broadcast %mul3A_857 : i32 to vector<16xi32>
        %add3A_859 = arith.addi %add3A_858, %iota3A : vector<16xi32>
        %slice3A_860 = vector.extract_strided_slice %gather3A_745 {offsets = [5], sizes = [1], strides = [1]} : vector<16xi32> to vector<1xi32>
        %squeeze3A_861 = vector.extract %slice3A_860[0] : i32 from vector<1xi32>
        %swap3A_862 = arith.index_cast %squeeze3A_861 : i32 to index
        %swap3A_863 = tpu.vector_load %arg16[%swap3A_862] masked %gt3A_853 {strides = array<i32>} : memref<144xi32, #tpu.memory_space<vmem>>, vector<16xi32>, vector<16xi1>
        tpu.vector_store %arg16[%swap3A_862], %add3A_859 masked %gt3A_853 {strides = array<i32>} : memref<144xi32, #tpu.memory_space<vmem>>, vector<16xi32>, vector<16xi1>
        %slice3A_864 = vector.extract_strided_slice %gather3A_744 {offsets = [6], sizes = [1], strides = [1]} : vector<16xi32> to vector<1xi32>
        %squeeze3A_865 = vector.extract %slice3A_864[0] : i32 from vector<1xi32>
        %broadcast_in_dim3A_866 = vector.broadcast %squeeze3A_865 : i32 to vector<16xi32>
        %shift_right_arithmetic3A_867 = arith.shrsi %broadcast_in_dim3A_866, %iota3A : vector<16xi32>
        %and3A_868 = arith.constant 1 : i32
        %and3A_869 = vector.broadcast %and3A_868 : i32 to vector<16xi32>
        %and3A_870 = arith.andi %shift_right_arithmetic3A_867, %and3A_869 : vector<16xi32>
        %gt3A_871 = arith.constant 0 : i32
        %gt3A_872 = vector.broadcast %gt3A_871 : i32 to vector<16xi32>
        %gt3A_873 = arith.cmpi sgt, %and3A_870, %gt3A_872 : vector<16xi32>
        %slice3A_874 = vector.extract_strided_slice %get3A_743 {offsets = [6], sizes = [1], strides = [1]} : vector<16xi32> to vector<1xi32>
        %squeeze3A_875 = vector.extract %slice3A_874[0] : i32 from vector<1xi32>
        %mul3A_876 = arith.constant 16 : i32
        %mul3A_877 = arith.muli %squeeze3A_875, %mul3A_876 : i32
        %add3A_878 = vector.broadcast %mul3A_877 : i32 to vector<16xi32>
        %add3A_879 = arith.addi %add3A_878, %iota3A : vector<16xi32>
        %slice3A_880 = vector.extract_strided_slice %gather3A_745 {offsets = [6], sizes = [1], strides = [1]} : vector<16xi32> to vector<1xi32>
        %squeeze3A_881 = vector.extract %slice3A_880[0] : i32 from vector<1xi32>
        %swap3A_882 = arith.index_cast %squeeze3A_881 : i32 to index
        %swap3A_883 = tpu.vector_load %arg16[%swap3A_882] masked %gt3A_873 {strides = array<i32>} : memref<144xi32, #tpu.memory_space<vmem>>, vector<16xi32>, vector<16xi1>
        tpu.vector_store %arg16[%swap3A_882], %add3A_879 masked %gt3A_873 {strides = array<i32>} : memref<144xi32, #tpu.memory_space<vmem>>, vector<16xi32>, vector<16xi1>
        %slice3A_884 = vector.extract_strided_slice %gather3A_744 {offsets = [7], sizes = [1], strides = [1]} : vector<16xi32> to vector<1xi32>
        %squeeze3A_885 = vector.extract %slice3A_884[0] : i32 from vector<1xi32>
        %broadcast_in_dim3A_886 = vector.broadcast %squeeze3A_885 : i32 to vector<16xi32>
        %shift_right_arithmetic3A_887 = arith.shrsi %broadcast_in_dim3A_886, %iota3A : vector<16xi32>
        %and3A_888 = arith.constant 1 : i32
        %and3A_889 = vector.broadcast %and3A_888 : i32 to vector<16xi32>
        %and3A_890 = arith.andi %shift_right_arithmetic3A_887, %and3A_889 : vector<16xi32>
        %gt3A_891 = arith.constant 0 : i32
        %gt3A_892 = vector.broadcast %gt3A_891 : i32 to vector<16xi32>
        %gt3A_893 = arith.cmpi sgt, %and3A_890, %gt3A_892 : vector<16xi32>
        %slice3A_894 = vector.extract_strided_slice %get3A_743 {offsets = [7], sizes = [1], strides = [1]} : vector<16xi32> to vector<1xi32>
        %squeeze3A_895 = vector.extract %slice3A_894[0] : i32 from vector<1xi32>
        %mul3A_896 = arith.constant 16 : i32
        %mul3A_897 = arith.muli %squeeze3A_895, %mul3A_896 : i32
        %add3A_898 = vector.broadcast %mul3A_897 : i32 to vector<16xi32>
        %add3A_899 = arith.addi %add3A_898, %iota3A : vector<16xi32>
        %slice3A_900 = vector.extract_strided_slice %gather3A_745 {offsets = [7], sizes = [1], strides = [1]} : vector<16xi32> to vector<1xi32>
        %squeeze3A_901 = vector.extract %slice3A_900[0] : i32 from vector<1xi32>
        %swap3A_902 = arith.index_cast %squeeze3A_901 : i32 to index
        %swap3A_903 = tpu.vector_load %arg16[%swap3A_902] masked %gt3A_893 {strides = array<i32>} : memref<144xi32, #tpu.memory_space<vmem>>, vector<16xi32>, vector<16xi1>
        tpu.vector_store %arg16[%swap3A_902], %add3A_899 masked %gt3A_893 {strides = array<i32>} : memref<144xi32, #tpu.memory_space<vmem>>, vector<16xi32>, vector<16xi1>
        %slice3A_904 = vector.extract_strided_slice %gather3A_744 {offsets = [8], sizes = [1], strides = [1]} : vector<16xi32> to vector<1xi32>
        %squeeze3A_905 = vector.extract %slice3A_904[0] : i32 from vector<1xi32>
        %broadcast_in_dim3A_906 = vector.broadcast %squeeze3A_905 : i32 to vector<16xi32>
        %shift_right_arithmetic3A_907 = arith.shrsi %broadcast_in_dim3A_906, %iota3A : vector<16xi32>
        %and3A_908 = arith.constant 1 : i32
        %and3A_909 = vector.broadcast %and3A_908 : i32 to vector<16xi32>
        %and3A_910 = arith.andi %shift_right_arithmetic3A_907, %and3A_909 : vector<16xi32>
        %gt3A_911 = arith.constant 0 : i32
        %gt3A_912 = vector.broadcast %gt3A_911 : i32 to vector<16xi32>
        %gt3A_913 = arith.cmpi sgt, %and3A_910, %gt3A_912 : vector<16xi32>
        %slice3A_914 = vector.extract_strided_slice %get3A_743 {offsets = [8], sizes = [1], strides = [1]} : vector<16xi32> to vector<1xi32>
        %squeeze3A_915 = vector.extract %slice3A_914[0] : i32 from vector<1xi32>
        %mul3A_916 = arith.constant 16 : i32
        %mul3A_917 = arith.muli %squeeze3A_915, %mul3A_916 : i32
        %add3A_918 = vector.broadcast %mul3A_917 : i32 to vector<16xi32>
        %add3A_919 = arith.addi %add3A_918, %iota3A : vector<16xi32>
        %slice3A_920 = vector.extract_strided_slice %gather3A_745 {offsets = [8], sizes = [1], strides = [1]} : vector<16xi32> to vector<1xi32>
        %squeeze3A_921 = vector.extract %slice3A_920[0] : i32 from vector<1xi32>
        %swap3A_922 = arith.index_cast %squeeze3A_921 : i32 to index
        %swap3A_923 = tpu.vector_load %arg16[%swap3A_922] masked %gt3A_913 {strides = array<i32>} : memref<144xi32, #tpu.memory_space<vmem>>, vector<16xi32>, vector<16xi1>
        tpu.vector_store %arg16[%swap3A_922], %add3A_919 masked %gt3A_913 {strides = array<i32>} : memref<144xi32, #tpu.memory_space<vmem>>, vector<16xi32>, vector<16xi1>
        %slice3A_924 = vector.extract_strided_slice %gather3A_744 {offsets = [9], sizes = [1], strides = [1]} : vector<16xi32> to vector<1xi32>
        %squeeze3A_925 = vector.extract %slice3A_924[0] : i32 from vector<1xi32>
        %broadcast_in_dim3A_926 = vector.broadcast %squeeze3A_925 : i32 to vector<16xi32>
        %shift_right_arithmetic3A_927 = arith.shrsi %broadcast_in_dim3A_926, %iota3A : vector<16xi32>
        %and3A_928 = arith.constant 1 : i32
        %and3A_929 = vector.broadcast %and3A_928 : i32 to vector<16xi32>
        %and3A_930 = arith.andi %shift_right_arithmetic3A_927, %and3A_929 : vector<16xi32>
        %gt3A_931 = arith.constant 0 : i32
        %gt3A_932 = vector.broadcast %gt3A_931 : i32 to vector<16xi32>
        %gt3A_933 = arith.cmpi sgt, %and3A_930, %gt3A_932 : vector<16xi32>
        %slice3A_934 = vector.extract_strided_slice %get3A_743 {offsets = [9], sizes = [1], strides = [1]} : vector<16xi32> to vector<1xi32>
        %squeeze3A_935 = vector.extract %slice3A_934[0] : i32 from vector<1xi32>
        %mul3A_936 = arith.constant 16 : i32
        %mul3A_937 = arith.muli %squeeze3A_935, %mul3A_936 : i32
        %add3A_938 = vector.broadcast %mul3A_937 : i32 to vector<16xi32>
        %add3A_939 = arith.addi %add3A_938, %iota3A : vector<16xi32>
        %slice3A_940 = vector.extract_strided_slice %gather3A_745 {offsets = [9], sizes = [1], strides = [1]} : vector<16xi32> to vector<1xi32>
        %squeeze3A_941 = vector.extract %slice3A_940[0] : i32 from vector<1xi32>
        %swap3A_942 = arith.index_cast %squeeze3A_941 : i32 to index
        %swap3A_943 = tpu.vector_load %arg16[%swap3A_942] masked %gt3A_933 {strides = array<i32>} : memref<144xi32, #tpu.memory_space<vmem>>, vector<16xi32>, vector<16xi1>
        tpu.vector_store %arg16[%swap3A_942], %add3A_939 masked %gt3A_933 {strides = array<i32>} : memref<144xi32, #tpu.memory_space<vmem>>, vector<16xi32>, vector<16xi1>
        %slice3A_944 = vector.extract_strided_slice %gather3A_744 {offsets = [10], sizes = [1], strides = [1]} : vector<16xi32> to vector<1xi32>
        %squeeze3A_945 = vector.extract %slice3A_944[0] : i32 from vector<1xi32>
        %broadcast_in_dim3A_946 = vector.broadcast %squeeze3A_945 : i32 to vector<16xi32>
        %shift_right_arithmetic3A_947 = arith.shrsi %broadcast_in_dim3A_946, %iota3A : vector<16xi32>
        %and3A_948 = arith.constant 1 : i32
        %and3A_949 = vector.broadcast %and3A_948 : i32 to vector<16xi32>
        %and3A_950 = arith.andi %shift_right_arithmetic3A_947, %and3A_949 : vector<16xi32>
        %gt3A_951 = arith.constant 0 : i32
        %gt3A_952 = vector.broadcast %gt3A_951 : i32 to vector<16xi32>
        %gt3A_953 = arith.cmpi sgt, %and3A_950, %gt3A_952 : vector<16xi32>
        %slice3A_954 = vector.extract_strided_slice %get3A_743 {offsets = [10], sizes = [1], strides = [1]} : vector<16xi32> to vector<1xi32>
        %squeeze3A_955 = vector.extract %slice3A_954[0] : i32 from vector<1xi32>
        %mul3A_956 = arith.constant 16 : i32
        %mul3A_957 = arith.muli %squeeze3A_955, %mul3A_956 : i32
        %add3A_958 = vector.broadcast %mul3A_957 : i32 to vector<16xi32>
        %add3A_959 = arith.addi %add3A_958, %iota3A : vector<16xi32>
        %slice3A_960 = vector.extract_strided_slice %gather3A_745 {offsets = [10], sizes = [1], strides = [1]} : vector<16xi32> to vector<1xi32>
        %squeeze3A_961 = vector.extract %slice3A_960[0] : i32 from vector<1xi32>
        %swap3A_962 = arith.index_cast %squeeze3A_961 : i32 to index
        %swap3A_963 = tpu.vector_load %arg16[%swap3A_962] masked %gt3A_953 {strides = array<i32>} : memref<144xi32, #tpu.memory_space<vmem>>, vector<16xi32>, vector<16xi1>
        tpu.vector_store %arg16[%swap3A_962], %add3A_959 masked %gt3A_953 {strides = array<i32>} : memref<144xi32, #tpu.memory_space<vmem>>, vector<16xi32>, vector<16xi1>
        %slice3A_964 = vector.extract_strided_slice %gather3A_744 {offsets = [11], sizes = [1], strides = [1]} : vector<16xi32> to vector<1xi32>
        %squeeze3A_965 = vector.extract %slice3A_964[0] : i32 from vector<1xi32>
        %broadcast_in_dim3A_966 = vector.broadcast %squeeze3A_965 : i32 to vector<16xi32>
        %shift_right_arithmetic3A_967 = arith.shrsi %broadcast_in_dim3A_966, %iota3A : vector<16xi32>
        %and3A_968 = arith.constant 1 : i32
        %and3A_969 = vector.broadcast %and3A_968 : i32 to vector<16xi32>
        %and3A_970 = arith.andi %shift_right_arithmetic3A_967, %and3A_969 : vector<16xi32>
        %gt3A_971 = arith.constant 0 : i32
        %gt3A_972 = vector.broadcast %gt3A_971 : i32 to vector<16xi32>
        %gt3A_973 = arith.cmpi sgt, %and3A_970, %gt3A_972 : vector<16xi32>
        %slice3A_974 = vector.extract_strided_slice %get3A_743 {offsets = [11], sizes = [1], strides = [1]} : vector<16xi32> to vector<1xi32>
        %squeeze3A_975 = vector.extract %slice3A_974[0] : i32 from vector<1xi32>
        %mul3A_976 = arith.constant 16 : i32
        %mul3A_977 = arith.muli %squeeze3A_975, %mul3A_976 : i32
        %add3A_978 = vector.broadcast %mul3A_977 : i32 to vector<16xi32>
        %add3A_979 = arith.addi %add3A_978, %iota3A : vector<16xi32>
        %slice3A_980 = vector.extract_strided_slice %gather3A_745 {offsets = [11], sizes = [1], strides = [1]} : vector<16xi32> to vector<1xi32>
        %squeeze3A_981 = vector.extract %slice3A_980[0] : i32 from vector<1xi32>
        %swap3A_982 = arith.index_cast %squeeze3A_981 : i32 to index
        %swap3A_983 = tpu.vector_load %arg16[%swap3A_982] masked %gt3A_973 {strides = array<i32>} : memref<144xi32, #tpu.memory_space<vmem>>, vector<16xi32>, vector<16xi1>
        tpu.vector_store %arg16[%swap3A_982], %add3A_979 masked %gt3A_973 {strides = array<i32>} : memref<144xi32, #tpu.memory_space<vmem>>, vector<16xi32>, vector<16xi1>
        %slice3A_984 = vector.extract_strided_slice %gather3A_744 {offsets = [12], sizes = [1], strides = [1]} : vector<16xi32> to vector<1xi32>
        %squeeze3A_985 = vector.extract %slice3A_984[0] : i32 from vector<1xi32>
        %broadcast_in_dim3A_986 = vector.broadcast %squeeze3A_985 : i32 to vector<16xi32>
        %shift_right_arithmetic3A_987 = arith.shrsi %broadcast_in_dim3A_986, %iota3A : vector<16xi32>
        %and3A_988 = arith.constant 1 : i32
        %and3A_989 = vector.broadcast %and3A_988 : i32 to vector<16xi32>
        %and3A_990 = arith.andi %shift_right_arithmetic3A_987, %and3A_989 : vector<16xi32>
        %gt3A_991 = arith.constant 0 : i32
        %gt3A_992 = vector.broadcast %gt3A_991 : i32 to vector<16xi32>
        %gt3A_993 = arith.cmpi sgt, %and3A_990, %gt3A_992 : vector<16xi32>
        %slice3A_994 = vector.extract_strided_slice %get3A_743 {offsets = [12], sizes = [1], strides = [1]} : vector<16xi32> to vector<1xi32>
        %squeeze3A_995 = vector.extract %slice3A_994[0] : i32 from vector<1xi32>
        %mul3A_996 = arith.constant 16 : i32
        %mul3A_997 = arith.muli %squeeze3A_995, %mul3A_996 : i32
        %add3A_998 = vector.broadcast %mul3A_997 : i32 to vector<16xi32>
        %add3A_999 = arith.addi %add3A_998, %iota3A : vector<16xi32>
        %slice3A_1000 = vector.extract_strided_slice %gather3A_745 {offsets = [12], sizes = [1], strides = [1]} : vector<16xi32> to vector<1xi32>
        %squeeze3A_1001 = vector.extract %slice3A_1000[0] : i32 from vector<1xi32>
        %swap3A_1002 = arith.index_cast %squeeze3A_1001 : i32 to index
        %swap3A_1003 = tpu.vector_load %arg16[%swap3A_1002] masked %gt3A_993 {strides = array<i32>} : memref<144xi32, #tpu.memory_space<vmem>>, vector<16xi32>, vector<16xi1>
        tpu.vector_store %arg16[%swap3A_1002], %add3A_999 masked %gt3A_993 {strides = array<i32>} : memref<144xi32, #tpu.memory_space<vmem>>, vector<16xi32>, vector<16xi1>
        %slice3A_1004 = vector.extract_strided_slice %gather3A_744 {offsets = [13], sizes = [1], strides = [1]} : vector<16xi32> to vector<1xi32>
        %squeeze3A_1005 = vector.extract %slice3A_1004[0] : i32 from vector<1xi32>
        %broadcast_in_dim3A_1006 = vector.broadcast %squeeze3A_1005 : i32 to vector<16xi32>
        %shift_right_arithmetic3A_1007 = arith.shrsi %broadcast_in_dim3A_1006, %iota3A : vector<16xi32>
        %and3A_1008 = arith.constant 1 : i32
        %and3A_1009 = vector.broadcast %and3A_1008 : i32 to vector<16xi32>
        %and3A_1010 = arith.andi %shift_right_arithmetic3A_1007, %and3A_1009 : vector<16xi32>
        %gt3A_1011 = arith.constant 0 : i32
        %gt3A_1012 = vector.broadcast %gt3A_1011 : i32 to vector<16xi32>
        %gt3A_1013 = arith.cmpi sgt, %and3A_1010, %gt3A_1012 : vector<16xi32>
        %slice3A_1014 = vector.extract_strided_slice %get3A_743 {offsets = [13], sizes = [1], strides = [1]} : vector<16xi32> to vector<1xi32>
        %squeeze3A_1015 = vector.extract %slice3A_1014[0] : i32 from vector<1xi32>
        %mul3A_1016 = arith.constant 16 : i32
        %mul3A_1017 = arith.muli %squeeze3A_1015, %mul3A_1016 : i32
        %add3A_1018 = vector.broadcast %mul3A_1017 : i32 to vector<16xi32>
        %add3A_1019 = arith.addi %add3A_1018, %iota3A : vector<16xi32>
        %slice3A_1020 = vector.extract_strided_slice %gather3A_745 {offsets = [13], sizes = [1], strides = [1]} : vector<16xi32> to vector<1xi32>
        %squeeze3A_1021 = vector.extract %slice3A_1020[0] : i32 from vector<1xi32>
        %swap3A_1022 = arith.index_cast %squeeze3A_1021 : i32 to index
        %swap3A_1023 = tpu.vector_load %arg16[%swap3A_1022] masked %gt3A_1013 {strides = array<i32>} : memref<144xi32, #tpu.memory_space<vmem>>, vector<16xi32>, vector<16xi1>
        tpu.vector_store %arg16[%swap3A_1022], %add3A_1019 masked %gt3A_1013 {strides = array<i32>} : memref<144xi32, #tpu.memory_space<vmem>>, vector<16xi32>, vector<16xi1>
        %slice3A_1024 = vector.extract_strided_slice %gather3A_744 {offsets = [14], sizes = [1], strides = [1]} : vector<16xi32> to vector<1xi32>
        %squeeze3A_1025 = vector.extract %slice3A_1024[0] : i32 from vector<1xi32>
        %broadcast_in_dim3A_1026 = vector.broadcast %squeeze3A_1025 : i32 to vector<16xi32>
        %shift_right_arithmetic3A_1027 = arith.shrsi %broadcast_in_dim3A_1026, %iota3A : vector<16xi32>
        %and3A_1028 = arith.constant 1 : i32
        %and3A_1029 = vector.broadcast %and3A_1028 : i32 to vector<16xi32>
        %and3A_1030 = arith.andi %shift_right_arithmetic3A_1027, %and3A_1029 : vector<16xi32>
        %gt3A_1031 = arith.constant 0 : i32
        %gt3A_1032 = vector.broadcast %gt3A_1031 : i32 to vector<16xi32>
        %gt3A_1033 = arith.cmpi sgt, %and3A_1030, %gt3A_1032 : vector<16xi32>
        %slice3A_1034 = vector.extract_strided_slice %get3A_743 {offsets = [14], sizes = [1], strides = [1]} : vector<16xi32> to vector<1xi32>
        %squeeze3A_1035 = vector.extract %slice3A_1034[0] : i32 from vector<1xi32>
        %mul3A_1036 = arith.constant 16 : i32
        %mul3A_1037 = arith.muli %squeeze3A_1035, %mul3A_1036 : i32
        %add3A_1038 = vector.broadcast %mul3A_1037 : i32 to vector<16xi32>
        %add3A_1039 = arith.addi %add3A_1038, %iota3A : vector<16xi32>
        %slice3A_1040 = vector.extract_strided_slice %gather3A_745 {offsets = [14], sizes = [1], strides = [1]} : vector<16xi32> to vector<1xi32>
        %squeeze3A_1041 = vector.extract %slice3A_1040[0] : i32 from vector<1xi32>
        %swap3A_1042 = arith.index_cast %squeeze3A_1041 : i32 to index
        %swap3A_1043 = tpu.vector_load %arg16[%swap3A_1042] masked %gt3A_1033 {strides = array<i32>} : memref<144xi32, #tpu.memory_space<vmem>>, vector<16xi32>, vector<16xi1>
        tpu.vector_store %arg16[%swap3A_1042], %add3A_1039 masked %gt3A_1033 {strides = array<i32>} : memref<144xi32, #tpu.memory_space<vmem>>, vector<16xi32>, vector<16xi1>
        %slice3A_1044 = vector.extract_strided_slice %gather3A_744 {offsets = [15], sizes = [1], strides = [1]} : vector<16xi32> to vector<1xi32>
        %squeeze3A_1045 = vector.extract %slice3A_1044[0] : i32 from vector<1xi32>
        %broadcast_in_dim3A_1046 = vector.broadcast %squeeze3A_1045 : i32 to vector<16xi32>
        %shift_right_arithmetic3A_1047 = arith.shrsi %broadcast_in_dim3A_1046, %iota3A : vector<16xi32>
        %and3A_1048 = arith.constant 1 : i32
        %and3A_1049 = vector.broadcast %and3A_1048 : i32 to vector<16xi32>
        %and3A_1050 = arith.andi %shift_right_arithmetic3A_1047, %and3A_1049 : vector<16xi32>
        %gt3A_1051 = arith.constant 0 : i32
        %gt3A_1052 = vector.broadcast %gt3A_1051 : i32 to vector<16xi32>
        %gt3A_1053 = arith.cmpi sgt, %and3A_1050, %gt3A_1052 : vector<16xi32>
        %slice3A_1054 = vector.extract_strided_slice %get3A_743 {offsets = [15], sizes = [1], strides = [1]} : vector<16xi32> to vector<1xi32>
        %squeeze3A_1055 = vector.extract %slice3A_1054[0] : i32 from vector<1xi32>
        %mul3A_1056 = arith.constant 16 : i32
        %mul3A_1057 = arith.muli %squeeze3A_1055, %mul3A_1056 : i32
        %add3A_1058 = vector.broadcast %mul3A_1057 : i32 to vector<16xi32>
        %add3A_1059 = arith.addi %add3A_1058, %iota3A : vector<16xi32>
        %slice3A_1060 = vector.extract_strided_slice %gather3A_745 {offsets = [15], sizes = [1], strides = [1]} : vector<16xi32> to vector<1xi32>
        %squeeze3A_1061 = vector.extract %slice3A_1060[0] : i32 from vector<1xi32>
        %swap3A_1062 = arith.index_cast %squeeze3A_1061 : i32 to index
        %swap3A_1063 = tpu.vector_load %arg16[%swap3A_1062] masked %gt3A_1053 {strides = array<i32>} : memref<144xi32, #tpu.memory_space<vmem>>, vector<16xi32>, vector<16xi1>
        tpu.vector_store %arg16[%swap3A_1062], %add3A_1059 masked %gt3A_1053 {strides = array<i32>} : memref<144xi32, #tpu.memory_space<vmem>>, vector<16xi32>, vector<16xi1>
      }
      %get3A_633 = arith.constant 624 : index
      %get3A_634 = tpu.vector_load %arg15[%get3A_633] {strides = array<i32>} : memref<640xi32, #tpu.memory_space<vmem>>, vector<16xi32>,
      %slice3A_635 = vector.extract_strided_slice %get3A_634 {offsets = [1], sizes = [1], strides = [1]} : vector<16xi32> to vector<1xi32>
      %squeeze3A_636 = vector.extract %slice3A_635[0] : i32 from vector<1xi32>
      %add3A_637 = arith.constant 15 : i32
      %add3A_638 = arith.addi %squeeze3A_636, %add3A_637 : i32
      %shift_right_arithmetic3A_639 = arith.constant 4 : i32
      %shift_right_arithmetic3A_640 = arith.shrsi %add3A_638, %shift_right_arithmetic3A_639 : i32
      %while3A_641 = arith.constant 0 : i32
      %while3A_642 = arith.constant 0 : i32
      %while3A_643 = arith.subi %shift_right_arithmetic3A_640, %while3A_642 : i32
      %while3A_644 = arith.addi %while3A_642, %while3A_643 : i32
      %while3A_645 = arith.constant 1 : i32
      %while3A_646 = arith.divsi %while3A_643, %while3A_645 : i32
      %while3A_647 = arith.muli %while3A_646, %while3A_645 : i32
      %while3A_648 = arith.addi %while3A_642, %while3A_647 : i32
      %while3A_649 = arith.constant 1 : i32
      scf.for %while3A_739 = %while3A_642 to %while3A_648 step %while3A_649  : i32 {
        %mul3A_740 = arith.constant 16 : i32
        %mul3A_741 = arith.muli %while3A_739, %mul3A_740 : i32
        %mul3A_742 = arith.constant 16 : i32
        %mul3A_743 = arith.muli %while3A_739, %mul3A_742 : i32
        %dma_start3A_744 = arith.constant 0 : i32
        %dma_start3A_745 = tpu.memref_slice %arg24[%mul3A_743, %dma_start3A_744] : memref<128x128xf32, #tpu.memory_space<vmem>> -> memref<16x128xf32, #tpu.memory_space<vmem>>
        %dma_start3A_746 = tpu.memref_slice %arg16[%mul3A_741] : memref<144xi32, #tpu.memory_space<vmem>> -> memref<16xi32, #tpu.memory_space<vmem>>
        %dma_start3A_747 = arith.constant 0 : i32
        %dma_start3A_748 = arith.constant 0 : i32
        %dma_start3A_749 = tpu.memref_slice %arg25[%dma_start3A_747, %dma_start3A_748] : memref<10000x128xf32, #tpu.memory_space<vmem_shared>> -> memref<10000x128xf32, #tpu.memory_space<vmem_shared>>
        tpu.enqueue_indirect_dma source(%dma_start3A_749 : memref<10000x128xf32, #tpu.memory_space<vmem_shared>>) target(%dma_start3A_745 : memref<16x128xf32, #tpu.memory_space<vmem>>) offsets(%dma_start3A_746 : memref<16xi32, #tpu.memory_space<vmem>>) semaphore(%arg26 : memref<!tpu.dma_semaphore, #tpu.memory_space<semaphore_mem>>)
        %dma_wait3A_750 = arith.constant 0 : i32
        %dma_wait3A_751 = tpu.memref_slice %arg24[%mul3A_743, %dma_wait3A_750] : memref<128x128xf32, #tpu.memory_space<vmem>> -> memref<16x128xf32, #tpu.memory_space<vmem>>
        %dma_wait3A_752 = tpu.memref_slice %arg16[%mul3A_741] : memref<144xi32, #tpu.memory_space<vmem>> -> memref<16xi32, #tpu.memory_space<vmem>>
        %dma_wait3A_753 = arith.constant 0 : i32
        %dma_wait3A_754 = arith.constant 0 : i32
        %dma_wait3A_755 = tpu.memref_slice %arg25[%dma_wait3A_753, %dma_wait3A_754] : memref<10000x128xf32, #tpu.memory_space<vmem_shared>> -> memref<10000x128xf32, #tpu.memory_space<vmem_shared>>
        tpu.wait_indirect_dma semaphore(%arg26 : memref<!tpu.dma_semaphore, #tpu.memory_space<semaphore_mem>>) src(%dma_wait3A_755 : memref<10000x128xf32, #tpu.memory_space<vmem_shared>>) dst(%dma_wait3A_751 : memref<16x128xf32, #tpu.memory_space<vmem>>)
      }
      %while3A_650 = arith.constant 1 : i32
      scf.for %while3A_739 = %while3A_648 to %while3A_644 step %while3A_650  : i32 {
        %mul3A_740 = arith.constant 16 : i32
        %mul3A_741 = arith.muli %while3A_739, %mul3A_740 : i32
        %mul3A_742 = arith.constant 16 : i32
        %mul3A_743 = arith.muli %while3A_739, %mul3A_742 : i32
        %dma_start3A_744 = arith.constant 0 : i32
        %dma_start3A_745 = tpu.memref_slice %arg24[%mul3A_743, %dma_start3A_744] : memref<128x128xf32, #tpu.memory_space<vmem>> -> memref<16x128xf32, #tpu.memory_space<vmem>>
        %dma_start3A_746 = tpu.memref_slice %arg16[%mul3A_741] : memref<144xi32, #tpu.memory_space<vmem>> -> memref<16xi32, #tpu.memory_space<vmem>>
        %dma_start3A_747 = arith.constant 0 : i32
        %dma_start3A_748 = arith.constant 0 : i32
        %dma_start3A_749 = tpu.memref_slice %arg25[%dma_start3A_747, %dma_start3A_748] : memref<10000x128xf32, #tpu.memory_space<vmem_shared>> -> memref<10000x128xf32, #tpu.memory_space<vmem_shared>>
        tpu.enqueue_indirect_dma source(%dma_start3A_749 : memref<10000x128xf32, #tpu.memory_space<vmem_shared>>) target(%dma_start3A_745 : memref<16x128xf32, #tpu.memory_space<vmem>>) offsets(%dma_start3A_746 : memref<16xi32, #tpu.memory_space<vmem>>) semaphore(%arg26 : memref<!tpu.dma_semaphore, #tpu.memory_space<semaphore_mem>>)
        %dma_wait3A_750 = arith.constant 0 : i32
        %dma_wait3A_751 = tpu.memref_slice %arg24[%mul3A_743, %dma_wait3A_750] : memref<128x128xf32, #tpu.memory_space<vmem>> -> memref<16x128xf32, #tpu.memory_space<vmem>>
        %dma_wait3A_752 = tpu.memref_slice %arg16[%mul3A_741] : memref<144xi32, #tpu.memory_space<vmem>> -> memref<16xi32, #tpu.memory_space<vmem>>
        %dma_wait3A_753 = arith.constant 0 : i32
        %dma_wait3A_754 = arith.constant 0 : i32
        %dma_wait3A_755 = tpu.memref_slice %arg25[%dma_wait3A_753, %dma_wait3A_754] : memref<10000x128xf32, #tpu.memory_space<vmem_shared>> -> memref<10000x128xf32, #tpu.memory_space<vmem_shared>>
        tpu.wait_indirect_dma semaphore(%arg26 : memref<!tpu.dma_semaphore, #tpu.memory_space<semaphore_mem>>) src(%dma_wait3A_755 : memref<10000x128xf32, #tpu.memory_space<vmem_shared>>) dst(%dma_wait3A_751 : memref<16x128xf32, #tpu.memory_space<vmem>>)
      }
      %get3A_651 = arith.constant 0 : index
      %get3A_652 = tpu.vector_load %arg16[%get3A_651] {strides = array<i32>} : memref<144xi32, #tpu.memory_space<vmem>>, vector<16xi32>,
      %gather3A_653 = tpu.vector_load_idx %arg18[%get3A_652] : memref<10000xf32, #tpu.memory_space<vmem>>[vector<16xi32>], vector<16xf32>,
      %swap3A_654 = arith.constant 0 : index
      %swap3A_655 = tpu.vector_load %arg21[%swap3A_654] {strides = array<i32>} : memref<128xf32, #tpu.memory_space<vmem>>, vector<16xf32>,
      tpu.vector_store %arg21[%swap3A_654], %gather3A_653 {strides = array<i32>} : memref<128xf32, #tpu.memory_space<vmem>>, vector<16xf32>,
      %gather3A_656 = tpu.vector_load_idx %arg19[%get3A_652] : memref<10000xf32, #tpu.memory_space<vmem>>[vector<16xi32>], vector<16xf32>,
      %swap3A_657 = arith.constant 0 : index
      %swap3A_658 = tpu.vector_load %arg22[%swap3A_657] {strides = array<i32>} : memref<128xf32, #tpu.memory_space<vmem>>, vector<16xf32>,
      tpu.vector_store %arg22[%swap3A_657], %gather3A_656 {strides = array<i32>} : memref<128xf32, #tpu.memory_space<vmem>>, vector<16xf32>,
      %gather3A_659 = tpu.vector_load_idx %arg20[%get3A_652] : memref<10000xf32, #tpu.memory_space<vmem>>[vector<16xi32>], vector<16xf32>,
      %swap3A_660 = arith.constant 0 : index
      %swap3A_661 = tpu.vector_load %arg23[%swap3A_660] {strides = array<i32>} : memref<128xf32, #tpu.memory_space<vmem>>, vector<16xf32>,
      tpu.vector_store %arg23[%swap3A_660], %gather3A_659 {strides = array<i32>} : memref<128xf32, #tpu.memory_space<vmem>>, vector<16xf32>,
      %get3A_662 = arith.constant 16 : index
      %get3A_663 = tpu.vector_load %arg16[%get3A_662] {strides = array<i32>} : memref<144xi32, #tpu.memory_space<vmem>>, vector<16xi32>,
      %gather3A_664 = tpu.vector_load_idx %arg18[%get3A_663] : memref<10000xf32, #tpu.memory_space<vmem>>[vector<16xi32>], vector<16xf32>,
      %swap3A_665 = arith.constant 16 : index
      %swap3A_666 = tpu.vector_load %arg21[%swap3A_665] {strides = array<i32>} : memref<128xf32, #tpu.memory_space<vmem>>, vector<16xf32>,
      tpu.vector_store %arg21[%swap3A_665], %gather3A_664 {strides = array<i32>} : memref<128xf32, #tpu.memory_space<vmem>>, vector<16xf32>,
      %gather3A_667 = tpu.vector_load_idx %arg19[%get3A_663] : memref<10000xf32, #tpu.memory_space<vmem>>[vector<16xi32>], vector<16xf32>,
      %swap3A_668 = arith.constant 16 : index
      %swap3A_669 = tpu.vector_load %arg22[%swap3A_668] {strides = array<i32>} : memref<128xf32, #tpu.memory_space<vmem>>, vector<16xf32>,
      tpu.vector_store %arg22[%swap3A_668], %gather3A_667 {strides = array<i32>} : memref<128xf32, #tpu.memory_space<vmem>>, vector<16xf32>,
      %gather3A_670 = tpu.vector_load_idx %arg20[%get3A_663] : memref<10000xf32, #tpu.memory_space<vmem>>[vector<16xi32>], vector<16xf32>,
      %swap3A_671 = arith.constant 16 : index
      %swap3A_672 = tpu.vector_load %arg23[%swap3A_671] {strides = array<i32>} : memref<128xf32, #tpu.memory_space<vmem>>, vector<16xf32>,
      tpu.vector_store %arg23[%swap3A_671], %gather3A_670 {strides = array<i32>} : memref<128xf32, #tpu.memory_space<vmem>>, vector<16xf32>,
      %get3A_673 = arith.constant 32 : index
      %get3A_674 = tpu.vector_load %arg16[%get3A_673] {strides = array<i32>} : memref<144xi32, #tpu.memory_space<vmem>>, vector<16xi32>,
      %gather3A_675 = tpu.vector_load_idx %arg18[%get3A_674] : memref<10000xf32, #tpu.memory_space<vmem>>[vector<16xi32>], vector<16xf32>,
      %swap3A_676 = arith.constant 32 : index
      %swap3A_677 = tpu.vector_load %arg21[%swap3A_676] {strides = array<i32>} : memref<128xf32, #tpu.memory_space<vmem>>, vector<16xf32>,
      tpu.vector_store %arg21[%swap3A_676], %gather3A_675 {strides = array<i32>} : memref<128xf32, #tpu.memory_space<vmem>>, vector<16xf32>,
      %gather3A_678 = tpu.vector_load_idx %arg19[%get3A_674] : memref<10000xf32, #tpu.memory_space<vmem>>[vector<16xi32>], vector<16xf32>,
      %swap3A_679 = arith.constant 32 : index
      %swap3A_680 = tpu.vector_load %arg22[%swap3A_679] {strides = array<i32>} : memref<128xf32, #tpu.memory_space<vmem>>, vector<16xf32>,
      tpu.vector_store %arg22[%swap3A_679], %gather3A_678 {strides = array<i32>} : memref<128xf32, #tpu.memory_space<vmem>>, vector<16xf32>,
      %gather3A_681 = tpu.vector_load_idx %arg20[%get3A_674] : memref<10000xf32, #tpu.memory_space<vmem>>[vector<16xi32>], vector<16xf32>,
      %swap3A_682 = arith.constant 32 : index
      %swap3A_683 = tpu.vector_load %arg23[%swap3A_682] {strides = array<i32>} : memref<128xf32, #tpu.memory_space<vmem>>, vector<16xf32>,
      tpu.vector_store %arg23[%swap3A_682], %gather3A_681 {strides = array<i32>} : memref<128xf32, #tpu.memory_space<vmem>>, vector<16xf32>,
      %get3A_684 = arith.constant 48 : index
      %get3A_685 = tpu.vector_load %arg16[%get3A_684] {strides = array<i32>} : memref<144xi32, #tpu.memory_space<vmem>>, vector<16xi32>,
      %gather3A_686 = tpu.vector_load_idx %arg18[%get3A_685] : memref<10000xf32, #tpu.memory_space<vmem>>[vector<16xi32>], vector<16xf32>,
      %swap3A_687 = arith.constant 48 : index
      %swap3A_688 = tpu.vector_load %arg21[%swap3A_687] {strides = array<i32>} : memref<128xf32, #tpu.memory_space<vmem>>, vector<16xf32>,
      tpu.vector_store %arg21[%swap3A_687], %gather3A_686 {strides = array<i32>} : memref<128xf32, #tpu.memory_space<vmem>>, vector<16xf32>,
      %gather3A_689 = tpu.vector_load_idx %arg19[%get3A_685] : memref<10000xf32, #tpu.memory_space<vmem>>[vector<16xi32>], vector<16xf32>,
      %swap3A_690 = arith.constant 48 : index
      %swap3A_691 = tpu.vector_load %arg22[%swap3A_690] {strides = array<i32>} : memref<128xf32, #tpu.memory_space<vmem>>, vector<16xf32>,
      tpu.vector_store %arg22[%swap3A_690], %gather3A_689 {strides = array<i32>} : memref<128xf32, #tpu.memory_space<vmem>>, vector<16xf32>,
      %gather3A_692 = tpu.vector_load_idx %arg20[%get3A_685] : memref<10000xf32, #tpu.memory_space<vmem>>[vector<16xi32>], vector<16xf32>,
      %swap3A_693 = arith.constant 48 : index
      %swap3A_694 = tpu.vector_load %arg23[%swap3A_693] {strides = array<i32>} : memref<128xf32, #tpu.memory_space<vmem>>, vector<16xf32>,
      tpu.vector_store %arg23[%swap3A_693], %gather3A_692 {strides = array<i32>} : memref<128xf32, #tpu.memory_space<vmem>>, vector<16xf32>,
      %get3A_695 = arith.constant 64 : index
      %get3A_696 = tpu.vector_load %arg16[%get3A_695] {strides = array<i32>} : memref<144xi32, #tpu.memory_space<vmem>>, vector<16xi32>,
      %gather3A_697 = tpu.vector_load_idx %arg18[%get3A_696] : memref<10000xf32, #tpu.memory_space<vmem>>[vector<16xi32>], vector<16xf32>,
      %swap3A_698 = arith.constant 64 : index
      %swap3A_699 = tpu.vector_load %arg21[%swap3A_698] {strides = array<i32>} : memref<128xf32, #tpu.memory_space<vmem>>, vector<16xf32>,
      tpu.vector_store %arg21[%swap3A_698], %gather3A_697 {strides = array<i32>} : memref<128xf32, #tpu.memory_space<vmem>>, vector<16xf32>,
      %gather3A_700 = tpu.vector_load_idx %arg19[%get3A_696] : memref<10000xf32, #tpu.memory_space<vmem>>[vector<16xi32>], vector<16xf32>,
      %swap3A_701 = arith.constant 64 : index
      %swap3A_702 = tpu.vector_load %arg22[%swap3A_701] {strides = array<i32>} : memref<128xf32, #tpu.memory_space<vmem>>, vector<16xf32>,
      tpu.vector_store %arg22[%swap3A_701], %gather3A_700 {strides = array<i32>} : memref<128xf32, #tpu.memory_space<vmem>>, vector<16xf32>,
      %gather3A_703 = tpu.vector_load_idx %arg20[%get3A_696] : memref<10000xf32, #tpu.memory_space<vmem>>[vector<16xi32>], vector<16xf32>,
      %swap3A_704 = arith.constant 64 : index
      %swap3A_705 = tpu.vector_load %arg23[%swap3A_704] {strides = array<i32>} : memref<128xf32, #tpu.memory_space<vmem>>, vector<16xf32>,
      tpu.vector_store %arg23[%swap3A_704], %gather3A_703 {strides = array<i32>} : memref<128xf32, #tpu.memory_space<vmem>>, vector<16xf32>,
      %get3A_706 = arith.constant 80 : index
      %get3A_707 = tpu.vector_load %arg16[%get3A_706] {strides = array<i32>} : memref<144xi32, #tpu.memory_space<vmem>>, vector<16xi32>,
      %gather3A_708 = tpu.vector_load_idx %arg18[%get3A_707] : memref<10000xf32, #tpu.memory_space<vmem>>[vector<16xi32>], vector<16xf32>,
      %swap3A_709 = arith.constant 80 : index
      %swap3A_710 = tpu.vector_load %arg21[%swap3A_709] {strides = array<i32>} : memref<128xf32, #tpu.memory_space<vmem>>, vector<16xf32>,
      tpu.vector_store %arg21[%swap3A_709], %gather3A_708 {strides = array<i32>} : memref<128xf32, #tpu.memory_space<vmem>>, vector<16xf32>,
      %gather3A_711 = tpu.vector_load_idx %arg19[%get3A_707] : memref<10000xf32, #tpu.memory_space<vmem>>[vector<16xi32>], vector<16xf32>,
      %swap3A_712 = arith.constant 80 : index
      %swap3A_713 = tpu.vector_load %arg22[%swap3A_712] {strides = array<i32>} : memref<128xf32, #tpu.memory_space<vmem>>, vector<16xf32>,
      tpu.vector_store %arg22[%swap3A_712], %gather3A_711 {strides = array<i32>} : memref<128xf32, #tpu.memory_space<vmem>>, vector<16xf32>,
      %gather3A_714 = tpu.vector_load_idx %arg20[%get3A_707] : memref<10000xf32, #tpu.memory_space<vmem>>[vector<16xi32>], vector<16xf32>,
      %swap3A_715 = arith.constant 80 : index
      %swap3A_716 = tpu.vector_load %arg23[%swap3A_715] {strides = array<i32>} : memref<128xf32, #tpu.memory_space<vmem>>, vector<16xf32>,
      tpu.vector_store %arg23[%swap3A_715], %gather3A_714 {strides = array<i32>} : memref<128xf32, #tpu.memory_space<vmem>>, vector<16xf32>,
      %get3A_717 = arith.constant 96 : index
      %get3A_718 = tpu.vector_load %arg16[%get3A_717] {strides = array<i32>} : memref<144xi32, #tpu.memory_space<vmem>>, vector<16xi32>,
      %gather3A_719 = tpu.vector_load_idx %arg18[%get3A_718] : memref<10000xf32, #tpu.memory_space<vmem>>[vector<16xi32>], vector<16xf32>,
      %swap3A_720 = arith.constant 96 : index
      %swap3A_721 = tpu.vector_load %arg21[%swap3A_720] {strides = array<i32>} : memref<128xf32, #tpu.memory_space<vmem>>, vector<16xf32>,
      tpu.vector_store %arg21[%swap3A_720], %gather3A_719 {strides = array<i32>} : memref<128xf32, #tpu.memory_space<vmem>>, vector<16xf32>,
      %gather3A_722 = tpu.vector_load_idx %arg19[%get3A_718] : memref<10000xf32, #tpu.memory_space<vmem>>[vector<16xi32>], vector<16xf32>,
      %swap3A_723 = arith.constant 96 : index
      %swap3A_724 = tpu.vector_load %arg22[%swap3A_723] {strides = array<i32>} : memref<128xf32, #tpu.memory_space<vmem>>, vector<16xf32>,
      tpu.vector_store %arg22[%swap3A_723], %gather3A_722 {strides = array<i32>} : memref<128xf32, #tpu.memory_space<vmem>>, vector<16xf32>,
      %gather3A_725 = tpu.vector_load_idx %arg20[%get3A_718] : memref<10000xf32, #tpu.memory_space<vmem>>[vector<16xi32>], vector<16xf32>,
      %swap3A_726 = arith.constant 96 : index
      %swap3A_727 = tpu.vector_load %arg23[%swap3A_726] {strides = array<i32>} : memref<128xf32, #tpu.memory_space<vmem>>, vector<16xf32>,
      tpu.vector_store %arg23[%swap3A_726], %gather3A_725 {strides = array<i32>} : memref<128xf32, #tpu.memory_space<vmem>>, vector<16xf32>,
      %get3A_728 = arith.constant 112 : index
      %get3A_729 = tpu.vector_load %arg16[%get3A_728] {strides = array<i32>} : memref<144xi32, #tpu.memory_space<vmem>>, vector<16xi32>,
      %gather3A_730 = tpu.vector_load_idx %arg18[%get3A_729] : memref<10000xf32, #tpu.memory_space<vmem>>[vector<16xi32>], vector<16xf32>,
      %swap3A_731 = arith.constant 112 : index
      %swap3A_732 = tpu.vector_load %arg21[%swap3A_731] {strides = array<i32>} : memref<128xf32, #tpu.memory_space<vmem>>, vector<16xf32>,
      tpu.vector_store %arg21[%swap3A_731], %gather3A_730 {strides = array<i32>} : memref<128xf32, #tpu.memory_space<vmem>>, vector<16xf32>,
      %gather3A_733 = tpu.vector_load_idx %arg19[%get3A_729] : memref<10000xf32, #tpu.memory_space<vmem>>[vector<16xi32>], vector<16xf32>,
      %swap3A_734 = arith.constant 112 : index
      %swap3A_735 = tpu.vector_load %arg22[%swap3A_734] {strides = array<i32>} : memref<128xf32, #tpu.memory_space<vmem>>, vector<16xf32>,
      tpu.vector_store %arg22[%swap3A_734], %gather3A_733 {strides = array<i32>} : memref<128xf32, #tpu.memory_space<vmem>>, vector<16xf32>,
      %gather3A_736 = tpu.vector_load_idx %arg20[%get3A_729] : memref<10000xf32, #tpu.memory_space<vmem>>[vector<16xi32>], vector<16xf32>,
      %swap3A_737 = arith.constant 112 : index
      %swap3A_738 = tpu.vector_load %arg23[%swap3A_737] {strides = array<i32>} : memref<128xf32, #tpu.memory_space<vmem>>, vector<16xf32>,
      tpu.vector_store %arg23[%swap3A_737], %gather3A_736 {strides = array<i32>} : memref<128xf32, #tpu.memory_space<vmem>>, vector<16xf32>,
      "tpu.region"() ({
        %run_scoped3A = tpu.sem_alloc : memref<!tpu.dma_semaphore, #tpu.memory_space<semaphore_mem>>
        %dma_start3A_739 = arith.constant 0 : i32
        %dma_start3A_740 = arith.constant 0 : i32
        %dma_start3A_741 = tpu.memref_slice %arg11[%add3A_46, %dma_start3A_739, %dma_start3A_740] : memref<2048x128x128xf32, #tpu.memory_space<hbm>> -> memref<1x128x128xf32, #tpu.memory_space<hbm>>
        %dma_start3A_742 = tpu.memref_squeeze %dma_start3A_741 : memref<1x128x128xf32, #tpu.memory_space<hbm>> -> memref<128x128xf32, #tpu.memory_space<hbm>>
        %dma_start3A_743 = arith.constant 0 : i32
        %dma_start3A_744 = arith.constant 0 : i32
        %dma_start3A_745 = tpu.memref_slice %arg11[%add3A_46, %dma_start3A_743, %dma_start3A_744] : memref<2048x128x128xf32, #tpu.memory_space<hbm>> -> memref<1x128x128xf32, #tpu.memory_space<hbm>>
        %dma_start3A_746 = tpu.memref_squeeze %dma_start3A_745 : memref<1x128x128xf32, #tpu.memory_space<hbm>> -> memref<128x128xf32, #tpu.memory_space<hbm>>
        tpu.enqueue_dma source(%arg24 : memref<128x128xf32, #tpu.memory_space<vmem>>) target(%dma_start3A_746 : memref<128x128xf32, #tpu.memory_space<hbm>>) target_semaphore(%run_scoped3A : memref<!tpu.dma_semaphore, #tpu.memory_space<semaphore_mem>>)
        %dma_wait3A_747 = arith.constant 0 : i32
        %dma_wait3A_748 = arith.constant 0 : i32
        %dma_wait3A_749 = tpu.memref_slice %arg11[%add3A_46, %dma_wait3A_747, %dma_wait3A_748] : memref<2048x128x128xf32, #tpu.memory_space<hbm>> -> memref<1x128x128xf32, #tpu.memory_space<hbm>>
        %dma_wait3A_750 = tpu.memref_squeeze %dma_wait3A_749 : memref<1x128x128xf32, #tpu.memory_space<hbm>> -> memref<128x128xf32, #tpu.memory_space<hbm>>
        %dma_wait3A_751 = arith.constant 0 : i32
        %dma_wait3A_752 = arith.constant 0 : i32
        %dma_wait3A_753 = tpu.memref_slice %arg11[%add3A_46, %dma_wait3A_751, %dma_wait3A_752] : memref<2048x128x128xf32, #tpu.memory_space<hbm>> -> memref<1x128x128xf32, #tpu.memory_space<hbm>>
        %dma_wait3A_754 = tpu.memref_squeeze %dma_wait3A_753 : memref<1x128x128xf32, #tpu.memory_space<hbm>> -> memref<128x128xf32, #tpu.memory_space<hbm>>
        tpu.wait_dma2 semaphore(%run_scoped3A : memref<!tpu.dma_semaphore, #tpu.memory_space<semaphore_mem>>) src(%arg24 : memref<128x128xf32, #tpu.memory_space<vmem>>) dst(%dma_wait3A_754 : memref<128x128xf32, #tpu.memory_space<hbm>>)
        tpu.yield
      }) : () -> ()
      "tpu.region"() ({
        %run_scoped3A = tpu.sem_alloc : memref<!tpu.dma_semaphore, #tpu.memory_space<semaphore_mem>>
        %dma_start3A_739 = arith.constant 0 : i32
        %dma_start3A_740 = tpu.memref_slice %arg8[%add3A_46, %dma_start3A_739] : memref<2048x128xf32, #tpu.memory_space<hbm>> -> memref<1x128xf32, #tpu.memory_space<hbm>>
        %dma_start3A_741 = tpu.memref_squeeze %dma_start3A_740 : memref<1x128xf32, #tpu.memory_space<hbm>> -> memref<128xf32, #tpu.memory_space<hbm>>
        %dma_start3A_742 = arith.constant 0 : i32
        %dma_start3A_743 = tpu.memref_slice %arg8[%add3A_46, %dma_start3A_742] : memref<2048x128xf32, #tpu.memory_space<hbm>> -> memref<1x128xf32, #tpu.memory_space<hbm>>
        %dma_start3A_744 = tpu.memref_squeeze %dma_start3A_743 : memref<1x128xf32, #tpu.memory_space<hbm>> -> memref<128xf32, #tpu.memory_space<hbm>>
        tpu.enqueue_dma source(%arg21 : memref<128xf32, #tpu.memory_space<vmem>>) target(%dma_start3A_744 : memref<128xf32, #tpu.memory_space<hbm>>) target_semaphore(%run_scoped3A : memref<!tpu.dma_semaphore, #tpu.memory_space<semaphore_mem>>)
        %dma_wait3A_745 = arith.constant 0 : i32
        %dma_wait3A_746 = tpu.memref_slice %arg8[%add3A_46, %dma_wait3A_745] : memref<2048x128xf32, #tpu.memory_space<hbm>> -> memref<1x128xf32, #tpu.memory_space<hbm>>
        %dma_wait3A_747 = tpu.memref_squeeze %dma_wait3A_746 : memref<1x128xf32, #tpu.memory_space<hbm>> -> memref<128xf32, #tpu.memory_space<hbm>>
        %dma_wait3A_748 = arith.constant 0 : i32
        %dma_wait3A_749 = tpu.memref_slice %arg8[%add3A_46, %dma_wait3A_748] : memref<2048x128xf32, #tpu.memory_space<hbm>> -> memref<1x128xf32, #tpu.memory_space<hbm>>
        %dma_wait3A_750 = tpu.memref_squeeze %dma_wait3A_749 : memref<1x128xf32, #tpu.memory_space<hbm>> -> memref<128xf32, #tpu.memory_space<hbm>>
        tpu.wait_dma2 semaphore(%run_scoped3A : memref<!tpu.dma_semaphore, #tpu.memory_space<semaphore_mem>>) src(%arg21 : memref<128xf32, #tpu.memory_space<vmem>>) dst(%dma_wait3A_750 : memref<128xf32, #tpu.memory_space<hbm>>)
        tpu.yield
      }) : () -> ()
      "tpu.region"() ({
        %run_scoped3A = tpu.sem_alloc : memref<!tpu.dma_semaphore, #tpu.memory_space<semaphore_mem>>
        %dma_start3A_739 = arith.constant 0 : i32
        %dma_start3A_740 = tpu.memref_slice %arg9[%add3A_46, %dma_start3A_739] : memref<2048x128xf32, #tpu.memory_space<hbm>> -> memref<1x128xf32, #tpu.memory_space<hbm>>
        %dma_start3A_741 = tpu.memref_squeeze %dma_start3A_740 : memref<1x128xf32, #tpu.memory_space<hbm>> -> memref<128xf32, #tpu.memory_space<hbm>>
        %dma_start3A_742 = arith.constant 0 : i32
        %dma_start3A_743 = tpu.memref_slice %arg9[%add3A_46, %dma_start3A_742] : memref<2048x128xf32, #tpu.memory_space<hbm>> -> memref<1x128xf32, #tpu.memory_space<hbm>>
        %dma_start3A_744 = tpu.memref_squeeze %dma_start3A_743 : memref<1x128xf32, #tpu.memory_space<hbm>> -> memref<128xf32, #tpu.memory_space<hbm>>
        tpu.enqueue_dma source(%arg22 : memref<128xf32, #tpu.memory_space<vmem>>) target(%dma_start3A_744 : memref<128xf32, #tpu.memory_space<hbm>>) target_semaphore(%run_scoped3A : memref<!tpu.dma_semaphore, #tpu.memory_space<semaphore_mem>>)
        %dma_wait3A_745 = arith.constant 0 : i32
        %dma_wait3A_746 = tpu.memref_slice %arg9[%add3A_46, %dma_wait3A_745] : memref<2048x128xf32, #tpu.memory_space<hbm>> -> memref<1x128xf32, #tpu.memory_space<hbm>>
        %dma_wait3A_747 = tpu.memref_squeeze %dma_wait3A_746 : memref<1x128xf32, #tpu.memory_space<hbm>> -> memref<128xf32, #tpu.memory_space<hbm>>
        %dma_wait3A_748 = arith.constant 0 : i32
        %dma_wait3A_749 = tpu.memref_slice %arg9[%add3A_46, %dma_wait3A_748] : memref<2048x128xf32, #tpu.memory_space<hbm>> -> memref<1x128xf32, #tpu.memory_space<hbm>>
        %dma_wait3A_750 = tpu.memref_squeeze %dma_wait3A_749 : memref<1x128xf32, #tpu.memory_space<hbm>> -> memref<128xf32, #tpu.memory_space<hbm>>
        tpu.wait_dma2 semaphore(%run_scoped3A : memref<!tpu.dma_semaphore, #tpu.memory_space<semaphore_mem>>) src(%arg22 : memref<128xf32, #tpu.memory_space<vmem>>) dst(%dma_wait3A_750 : memref<128xf32, #tpu.memory_space<hbm>>)
        tpu.yield
      }) : () -> ()
      "tpu.region"() ({
        %run_scoped3A = tpu.sem_alloc : memref<!tpu.dma_semaphore, #tpu.memory_space<semaphore_mem>>
        %dma_start3A_739 = arith.constant 0 : i32
        %dma_start3A_740 = tpu.memref_slice %arg10[%add3A_46, %dma_start3A_739] : memref<2048x128xf32, #tpu.memory_space<hbm>> -> memref<1x128xf32, #tpu.memory_space<hbm>>
        %dma_start3A_741 = tpu.memref_squeeze %dma_start3A_740 : memref<1x128xf32, #tpu.memory_space<hbm>> -> memref<128xf32, #tpu.memory_space<hbm>>
        %dma_start3A_742 = arith.constant 0 : i32
        %dma_start3A_743 = tpu.memref_slice %arg10[%add3A_46, %dma_start3A_742] : memref<2048x128xf32, #tpu.memory_space<hbm>> -> memref<1x128xf32, #tpu.memory_space<hbm>>
        %dma_start3A_744 = tpu.memref_squeeze %dma_start3A_743 : memref<1x128xf32, #tpu.memory_space<hbm>> -> memref<128xf32, #tpu.memory_space<hbm>>
        tpu.enqueue_dma source(%arg23 : memref<128xf32, #tpu.memory_space<vmem>>) target(%dma_start3A_744 : memref<128xf32, #tpu.memory_space<hbm>>) target_semaphore(%run_scoped3A : memref<!tpu.dma_semaphore, #tpu.memory_space<semaphore_mem>>)
        %dma_wait3A_745 = arith.constant 0 : i32
        %dma_wait3A_746 = tpu.memref_slice %arg10[%add3A_46, %dma_wait3A_745] : memref<2048x128xf32, #tpu.memory_space<hbm>> -> memref<1x128xf32, #tpu.memory_space<hbm>>
        %dma_wait3A_747 = tpu.memref_squeeze %dma_wait3A_746 : memref<1x128xf32, #tpu.memory_space<hbm>> -> memref<128xf32, #tpu.memory_space<hbm>>
        %dma_wait3A_748 = arith.constant 0 : i32
        %dma_wait3A_749 = tpu.memref_slice %arg10[%add3A_46, %dma_wait3A_748] : memref<2048x128xf32, #tpu.memory_space<hbm>> -> memref<1x128xf32, #tpu.memory_space<hbm>>
        %dma_wait3A_750 = tpu.memref_squeeze %dma_wait3A_749 : memref<1x128xf32, #tpu.memory_space<hbm>> -> memref<128xf32, #tpu.memory_space<hbm>>
        tpu.wait_dma2 semaphore(%run_scoped3A : memref<!tpu.dma_semaphore, #tpu.memory_space<semaphore_mem>>) src(%arg23 : memref<128xf32, #tpu.memory_space<vmem>>) dst(%dma_wait3A_750 : memref<128xf32, #tpu.memory_space<hbm>>)
        tpu.yield
      }) : () -> ()
    }
    %scan3A_26 = arith.constant 32 : i32
    %add3A_27 = arith.constant 64 : i32
    %add3A_28 = arith.addi %add3A, %add3A_27 : i32
    %sub3A = arith.constant 1 : i32
    %sub3A_29 = arith.subi %add3A_28, %sub3A : i32
    %dma_wait3A = arith.constant 0 : i32
    %dma_wait3A_30 = tpu.memref_slice %arg2[%sub3A_29, %dma_wait3A] : memref<2048x640xi32, #tpu.memory_space<hbm>> -> memref<1x640xi32, #tpu.memory_space<hbm>>
    %dma_wait3A_31 = tpu.memref_squeeze %dma_wait3A_30 : memref<1x640xi32, #tpu.memory_space<hbm>> -> memref<640xi32, #tpu.memory_space<hbm>>
    %dma_wait3A_32 = arith.constant 0 : i32
    %dma_wait3A_33 = tpu.memref_slice %arg2[%sub3A_29, %dma_wait3A_32] : memref<2048x640xi32, #tpu.memory_space<hbm>> -> memref<1x640xi32, #tpu.memory_space<hbm>>
    %dma_wait3A_34 = tpu.memref_squeeze %dma_wait3A_33 : memref<1x640xi32, #tpu.memory_space<hbm>> -> memref<640xi32, #tpu.memory_space<hbm>>
    tpu.wait_dma2 semaphore(%arg26 : memref<!tpu.dma_semaphore, #tpu.memory_space<semaphore_mem>>) src(%dma_wait3A_34 : memref<640xi32, #tpu.memory_space<hbm>>) dst(%arg12 : memref<640xi32, #tpu.memory_space<vmem>>)
    %dma_wait3A_35 = arith.constant 0 : i32
    %dma_wait3A_36 = tpu.memref_slice %arg3[%sub3A_29, %dma_wait3A_35] : memref<2048x640xi32, #tpu.memory_space<hbm>> -> memref<1x640xi32, #tpu.memory_space<hbm>>
    %dma_wait3A_37 = tpu.memref_squeeze %dma_wait3A_36 : memref<1x640xi32, #tpu.memory_space<hbm>> -> memref<640xi32, #tpu.memory_space<hbm>>
    %dma_wait3A_38 = arith.constant 0 : i32
    %dma_wait3A_39 = tpu.memref_slice %arg3[%sub3A_29, %dma_wait3A_38] : memref<2048x640xi32, #tpu.memory_space<hbm>> -> memref<1x640xi32, #tpu.memory_space<hbm>>
    %dma_wait3A_40 = tpu.memref_squeeze %dma_wait3A_39 : memref<1x640xi32, #tpu.memory_space<hbm>> -> memref<640xi32, #tpu.memory_space<hbm>>
    tpu.wait_dma2 semaphore(%arg26 : memref<!tpu.dma_semaphore, #tpu.memory_space<semaphore_mem>>) src(%dma_wait3A_40 : memref<640xi32, #tpu.memory_space<hbm>>) dst(%arg13 : memref<640xi32, #tpu.memory_space<vmem>>)
    return
  }
}

module attributes {stable_mosaic.version = 14 : i64} {
  func.func @_mask_body(%arg0: i32, %arg1: i32, %arg2: i32, %arg3: memref<256x3xf32, #tpu.memory_space<vmem>>, %arg4: memref<1x3x2048xf32, #tpu.memory_space<vmem>>, %arg5: memref<2048x128xf32, #tpu.memory_space<vmem>>, %arg6: memref<2048x128xf32, #tpu.memory_space<vmem>>, %arg7: memref<1x256x128xi32, #tpu.memory_space<vmem>>, %arg8: memref<1x256x128xf32, #tpu.memory_space<vmem>>) attributes {dimension_semantics = [#tpu.dimension_semantics<arbitrary>, #tpu.dimension_semantics<arbitrary>, #tpu.dimension_semantics<arbitrary>], iteration_bounds = array<i64: 2, 4, 5>, scalar_prefetch = 0 : i64, scratch_operands = 0 : i64, tpu.core_type = #tpu.core_type<tc>, window_params = [{transform_indices = @transform_0, window_bounds = array<i64: 256, 3>}, {transform_indices = @transform_1, window_bounds = array<i64: 1, 3, 2048>}, {pipeline_mode = #tpu.pipeline_mode<synchronous>, transform_indices = @transform_2, window_bounds = array<i64: 2048, 128>}, {pipeline_mode = #tpu.pipeline_mode<synchronous>, transform_indices = @transform_3, window_bounds = array<i64: 2048, 128>}, {transform_indices = @transform_4, window_bounds = array<i64: 1, 256, 128>}, {transform_indices = @transform_5, window_bounds = array<i64: 1, 256, 128>}]} {
    %get3A = arith.constant 0 : index
    %get3A_0 = arith.constant 0 : index
    %get3A_1 = vector.load %arg3[%get3A, %get3A_0] : memref<256x3xf32, #tpu.memory_space<vmem>>, vector<256x3xf32>
    %get3A_2 = arith.constant 0 : index
    %get3A_3 = arith.constant 0 : index
    %get3A_4 = arith.constant 0 : index
    %get3A_5 = vector.load %arg4[%get3A_2, %get3A_3, %get3A_4] : memref<1x3x2048xf32, #tpu.memory_space<vmem>>, vector<1x3x2048xf32>
    %get3A_6 = vector.shape_cast %get3A_5 : vector<1x3x2048xf32> to vector<3x2048xf32>
    %broadcast_in_dim3A = arith.constant 0.000000e+00 : f32
    %broadcast_in_dim3A_7 = vector.broadcast %broadcast_in_dim3A : f32 to vector<256x2048xf32>
    %slice3A = vector.extract_strided_slice %get3A_1 {offsets = [0, 0], sizes = [256, 1], strides = [1, 1]} : vector<256x3xf32> to vector<256x1xf32>
    %slice3A_8 = vector.extract_strided_slice %get3A_6 {offsets = [0, 0], sizes = [1, 2048], strides = [1, 1]} : vector<3x2048xf32> to vector<1x2048xf32>
    %sub3A = vector.broadcast %slice3A : vector<256x1xf32> to vector<256x2048xf32>
    %sub3A_9 = vector.broadcast %slice3A_8 : vector<1x2048xf32> to vector<256x2048xf32>
    %sub3A_10 = arith.subf %sub3A, %sub3A_9 : vector<256x2048xf32>
    %mul3A = arith.mulf %sub3A_10, %sub3A_10 : vector<256x2048xf32>
    %add3A = arith.addf %broadcast_in_dim3A_7, %mul3A : vector<256x2048xf32>
    %slice3A_11 = vector.extract_strided_slice %get3A_1 {offsets = [0, 1], sizes = [256, 1], strides = [1, 1]} : vector<256x3xf32> to vector<256x1xf32>
    %slice3A_12 = vector.extract_strided_slice %get3A_6 {offsets = [1, 0], sizes = [1, 2048], strides = [1, 1]} : vector<3x2048xf32> to vector<1x2048xf32>
    %sub3A_13 = vector.broadcast %slice3A_11 : vector<256x1xf32> to vector<256x2048xf32>
    %sub3A_14 = vector.broadcast %slice3A_12 : vector<1x2048xf32> to vector<256x2048xf32>
    %sub3A_15 = arith.subf %sub3A_13, %sub3A_14 : vector<256x2048xf32>
    %mul3A_16 = arith.mulf %sub3A_15, %sub3A_15 : vector<256x2048xf32>
    %add3A_17 = arith.addf %add3A, %mul3A_16 : vector<256x2048xf32>
    %slice3A_18 = vector.extract_strided_slice %get3A_1 {offsets = [0, 2], sizes = [256, 1], strides = [1, 1]} : vector<256x3xf32> to vector<256x1xf32>
    %slice3A_19 = vector.extract_strided_slice %get3A_6 {offsets = [2, 0], sizes = [1, 2048], strides = [1, 1]} : vector<3x2048xf32> to vector<1x2048xf32>
    %sub3A_20 = vector.broadcast %slice3A_18 : vector<256x1xf32> to vector<256x2048xf32>
    %sub3A_21 = vector.broadcast %slice3A_19 : vector<1x2048xf32> to vector<256x2048xf32>
    %sub3A_22 = arith.subf %sub3A_20, %sub3A_21 : vector<256x2048xf32>
    %mul3A_23 = arith.mulf %sub3A_22, %sub3A_22 : vector<256x2048xf32>
    %add3A_24 = arith.addf %add3A_17, %mul3A_23 : vector<256x2048xf32>
    %le3A = arith.constant 1.440000e-02 : f32
    %le3A_25 = vector.broadcast %le3A : f32 to vector<256x2048xf32>
    %le3A_26 = arith.cmpf ole, %add3A_24, %le3A_25 : vector<256x2048xf32>
    %convert_element_type3A = arith.extui %le3A_26 : vector<256x2048xi1> to vector<256x2048xi32>
    %convert_element_type3A_27 = arith.sitofp %convert_element_type3A : vector<256x2048xi32> to vector<256x2048xf32>
    %get3A_28 = arith.constant 0 : index
    %get3A_29 = arith.constant 0 : index
    %get3A_30 = vector.load %arg5[%get3A_28, %get3A_29] : memref<2048x128xf32, #tpu.memory_space<vmem>>, vector<2048x128xf32>
    %dot_general3A = arith.constant dense<0.000000e+00> : vector<256x128xf32>
    %dot_general3A_31 = tpu.matmul %convert_element_type3A_27, %get3A_30, %dot_general3A {dimension_numbers = #tpu.dot_dimension_numbers<[1], [0], [0], [1], [0, 0, 1, 1], [], []>, transpose_lhs_hint = false} : vector<256x2048xf32>, vector<2048x128xf32>, vector<256x128xf32> -> vector<256x128xf32>
    %convert_element_type3A_32 = arith.fptosi %dot_general3A_31 : vector<256x128xf32> to vector<256x128xi32>
    %swap3A = arith.constant 0 : index
    %swap3A_33 = arith.constant 0 : index
    %swap3A_34 = arith.constant 0 : index
    %swap3A_35 = vector.load %arg7[%swap3A, %swap3A_33, %swap3A_34] : memref<1x256x128xi32, #tpu.memory_space<vmem>>, vector<1x256x128xi32>
    %swap3A_36 = vector.shape_cast %swap3A_35 : vector<1x256x128xi32> to vector<256x128xi32>
    %swap3A_37 = vector.shape_cast %convert_element_type3A_32 : vector<256x128xi32> to vector<1x256x128xi32>
    tpu.vector_store %arg7[%swap3A, %swap3A_33, %swap3A_34], %swap3A_37 {strides = array<i32>} : memref<1x256x128xi32, #tpu.memory_space<vmem>>, vector<1x256x128xi32>,
    %get3A_38 = arith.constant 0 : index
    %get3A_39 = arith.constant 0 : index
    %get3A_40 = vector.load %arg6[%get3A_38, %get3A_39] : memref<2048x128xf32, #tpu.memory_space<vmem>>, vector<2048x128xf32>
    %dot_general3A_41 = arith.constant dense<0.000000e+00> : vector<256x128xf32>
    %dot_general3A_42 = tpu.matmul %convert_element_type3A_27, %get3A_40, %dot_general3A_41 {dimension_numbers = #tpu.dot_dimension_numbers<[1], [0], [0], [1], [0, 0, 1, 1], [], []>, transpose_lhs_hint = false} : vector<256x2048xf32>, vector<2048x128xf32>, vector<256x128xf32> -> vector<256x128xf32>
    %swap3A_43 = arith.constant 0 : index
    %swap3A_44 = arith.constant 0 : index
    %swap3A_45 = arith.constant 0 : index
    %swap3A_46 = vector.load %arg8[%swap3A_43, %swap3A_44, %swap3A_45] : memref<1x256x128xf32, #tpu.memory_space<vmem>>, vector<1x256x128xf32>
    %swap3A_47 = vector.shape_cast %swap3A_46 : vector<1x256x128xf32> to vector<256x128xf32>
    %swap3A_48 = vector.shape_cast %dot_general3A_42 : vector<256x128xf32> to vector<1x256x128xf32>
    tpu.vector_store %arg8[%swap3A_43, %swap3A_44, %swap3A_45], %swap3A_48 {strides = array<i32>} : memref<1x256x128xf32, #tpu.memory_space<vmem>>, vector<1x256x128xf32>,
    return
  }
  func.func @transform_0(%arg0: i32, %arg1: i32, %arg2: i32) -> (i32, i32) {
    %c0_i32 = arith.constant 0 : i32
    %c0_i32_0 = arith.constant 0 : i32
    return %arg1, %c0_i32 : i32, i32
  }
  func.func @transform_1(%arg0: i32, %arg1: i32, %arg2: i32) -> (i32, i32, i32) {
    %c0_i32 = arith.constant 0 : i32
    %c0_i32_0 = arith.constant 0 : i32
    return %arg0, %c0_i32, %arg2 : i32, i32, i32
  }
  func.func @transform_2(%arg0: i32, %arg1: i32, %arg2: i32) -> (i32, i32) {
    %c0_i32 = arith.constant 0 : i32
    %c0_i32_0 = arith.constant 0 : i32
    %c0_i32_1 = arith.constant 0 : i32
    return %c0_i32, %c0_i32_0 : i32, i32
  }
  func.func @transform_3(%arg0: i32, %arg1: i32, %arg2: i32) -> (i32, i32) {
    %c0_i32 = arith.constant 0 : i32
    %c0_i32_0 = arith.constant 0 : i32
    %c0_i32_1 = arith.constant 0 : i32
    return %c0_i32, %c0_i32_0 : i32, i32
  }
  func.func @transform_4(%arg0: i32, %arg1: i32, %arg2: i32) -> (i32, i32, i32) {
    %c0_i32 = arith.constant 0 : i32
    return %arg0, %arg1, %arg2 : i32, i32, i32
  }
  func.func @transform_5(%arg0: i32, %arg1: i32, %arg2: i32) -> (i32, i32, i32) {
    %c0_i32 = arith.constant 0 : i32
    return %arg0, %arg1, %arg2 : i32, i32, i32
  }
}

module attributes {stable_mosaic.version = 14 : i64} {
  func.func @_prefix_body(%arg0: i32, %arg1: i32, %arg2: memref<1x256x640xf32, #tpu.memory_space<vmem>>, %arg3: memref<640x640xf32, #tpu.memory_space<vmem>>, %arg4: memref<1x256x640xi32, #tpu.memory_space<vmem>>, %arg5: memref<1x1x256xf32, #tpu.memory_space<vmem>>) attributes {dimension_semantics = [#tpu.dimension_semantics<arbitrary>, #tpu.dimension_semantics<arbitrary>], iteration_bounds = array<i64: 2, 4>, scalar_prefetch = 0 : i64, scratch_operands = 0 : i64, tpu.core_type = #tpu.core_type<tc>, window_params = [{transform_indices = @transform_0, window_bounds = array<i64: 1, 256, 640>}, {pipeline_mode = #tpu.pipeline_mode<synchronous>, transform_indices = @transform_1, window_bounds = array<i64: 640, 640>}, {transform_indices = @transform_2, window_bounds = array<i64: 1, 256, 640>}, {transform_indices = @transform_3, window_bounds = array<i64: 1, 1, 256>}]} {
    %get3A = arith.constant 0 : index
    %get3A_0 = arith.constant 0 : index
    %get3A_1 = arith.constant 0 : index
    %get3A_2 = vector.load %arg2[%get3A, %get3A_0, %get3A_1] : memref<1x256x640xf32, #tpu.memory_space<vmem>>, vector<1x256x640xf32>
    %get3A_3 = vector.shape_cast %get3A_2 : vector<1x256x640xf32> to vector<256x640xf32>
    %get3A_4 = arith.constant 0 : index
    %get3A_5 = arith.constant 0 : index
    %get3A_6 = vector.load %arg3[%get3A_4, %get3A_5] : memref<640x640xf32, #tpu.memory_space<vmem>>, vector<640x640xf32>
    %dot_general3A = arith.constant dense<0.000000e+00> : vector<256x640xf32>
    %dot_general3A_7 = tpu.matmul %get3A_3, %get3A_6, %dot_general3A {dimension_numbers = #tpu.dot_dimension_numbers<[1], [0], [0], [1], [0, 0, 1, 1], [], []>, transpose_lhs_hint = false} : vector<256x640xf32>, vector<640x640xf32>, vector<256x640xf32> -> vector<256x640xf32>
    %min3A = arith.constant 1.280000e+02 : f32
    %min3A_8 = vector.broadcast %min3A : f32 to vector<256x640xf32>
    %min3A_9 = arith.minimumf %dot_general3A_7, %min3A_8 : vector<256x640xf32>
    %convert_element_type3A = arith.fptosi %min3A_9 : vector<256x640xf32> to vector<256x640xi32>
    %swap3A = arith.constant 0 : index
    %swap3A_10 = arith.constant 0 : index
    %swap3A_11 = arith.constant 0 : index
    %swap3A_12 = vector.load %arg4[%swap3A, %swap3A_10, %swap3A_11] : memref<1x256x640xi32, #tpu.memory_space<vmem>>, vector<1x256x640xi32>
    %swap3A_13 = vector.shape_cast %swap3A_12 : vector<1x256x640xi32> to vector<256x640xi32>
    %swap3A_14 = vector.shape_cast %convert_element_type3A : vector<256x640xi32> to vector<1x256x640xi32>
    tpu.vector_store %arg4[%swap3A, %swap3A_10, %swap3A_11], %swap3A_14 {strides = array<i32>} : memref<1x256x640xi32, #tpu.memory_space<vmem>>, vector<1x256x640xi32>,
    %reduce_sum3A = arith.constant dense<0.000000e+00> : vector<256xf32>
    %reduce_sum3A_15 = vector.multi_reduction <add>, %get3A_3, %reduce_sum3A [1] : vector<256x640xf32> to vector<256xf32>
    %reshape3A = vector.shape_cast %reduce_sum3A_15 : vector<256xf32> to vector<1x1x256xf32>
    %swap3A_16 = arith.constant 0 : index
    %swap3A_17 = arith.constant 0 : index
    %swap3A_18 = arith.constant 0 : index
    %swap3A_19 = vector.load %arg5[%swap3A_16, %swap3A_17, %swap3A_18] : memref<1x1x256xf32, #tpu.memory_space<vmem>>, vector<1x1x256xf32>
    tpu.vector_store %arg5[%swap3A_16, %swap3A_17, %swap3A_18], %reshape3A {strides = array<i32>} : memref<1x1x256xf32, #tpu.memory_space<vmem>>, vector<1x1x256xf32>,
    return
  }
  func.func @transform_0(%arg0: i32, %arg1: i32) -> (i32, i32, i32) {
    %c0_i32 = arith.constant 0 : i32
    %c0_i32_0 = arith.constant 0 : i32
    return %arg0, %arg1, %c0_i32 : i32, i32, i32
  }
  func.func @transform_1(%arg0: i32, %arg1: i32) -> (i32, i32) {
    %c0_i32 = arith.constant 0 : i32
    %c0_i32_0 = arith.constant 0 : i32
    %c0_i32_1 = arith.constant 0 : i32
    return %c0_i32, %c0_i32_0 : i32, i32
  }
  func.func @transform_2(%arg0: i32, %arg1: i32) -> (i32, i32, i32) {
    %c0_i32 = arith.constant 0 : i32
    %c0_i32_0 = arith.constant 0 : i32
    return %arg0, %arg1, %c0_i32 : i32, i32, i32
  }
  func.func @transform_3(%arg0: i32, %arg1: i32) -> (i32, i32, i32) {
    %c0_i32 = arith.constant 0 : i32
    %c0_i32_0 = arith.constant 0 : i32
    return %arg0, %c0_i32, %arg1 : i32, i32, i32
  }
}

module attributes {stable_mosaic.version = 14 : i64} {
  func.func @_lift_body(%arg0: i32, %arg1: memref<2000x128xf32, #tpu.memory_space<vmem>>, %arg2: memref<128x128xf32, #tpu.memory_space<vmem>>, %arg3: memref<1x128xf32, #tpu.memory_space<vmem>>, %arg4: memref<2000x128xf32, #tpu.memory_space<vmem>>) attributes {dimension_semantics = [#tpu.dimension_semantics<arbitrary>], iteration_bounds = array<i64: 10>, scalar_prefetch = 0 : i64, scratch_operands = 0 : i64, tpu.core_type = #tpu.core_type<tc>, window_params = [{transform_indices = @transform_0, window_bounds = array<i64: 2000, 128>}, {pipeline_mode = #tpu.pipeline_mode<synchronous>, transform_indices = @transform_1, window_bounds = array<i64: 128, 128>}, {pipeline_mode = #tpu.pipeline_mode<synchronous>, transform_indices = @transform_2, window_bounds = array<i64: 1, 128>}, {transform_indices = @transform_3, window_bounds = array<i64: 2000, 128>}]} {
    %get3A = arith.constant 0 : index
    %get3A_0 = arith.constant 0 : index
    %get3A_1 = vector.load %arg1[%get3A, %get3A_0] : memref<2000x128xf32, #tpu.memory_space<vmem>>, vector<2000x128xf32>
    %get3A_2 = arith.constant 0 : index
    %get3A_3 = arith.constant 0 : index
    %get3A_4 = vector.load %arg2[%get3A_2, %get3A_3] : memref<128x128xf32, #tpu.memory_space<vmem>>, vector<128x128xf32>
    %dot_general3A = arith.constant dense<0.000000e+00> : vector<2000x128xf32>
    %dot_general3A_5 = tpu.matmul %get3A_1, %get3A_4, %dot_general3A {dimension_numbers = #tpu.dot_dimension_numbers<[1], [1], [0], [0], [0, 0, 1, 0], [], []>, transpose_lhs_hint = false} : vector<2000x128xf32>, vector<128x128xf32>, vector<2000x128xf32> -> vector<2000x128xf32>
    %get3A_6 = arith.constant 0 : index
    %get3A_7 = arith.constant 0 : index
    %get3A_8 = vector.load %arg3[%get3A_6, %get3A_7] : memref<1x128xf32, #tpu.memory_space<vmem>>, vector<1x128xf32>
    %add3A = vector.broadcast %get3A_8 : vector<1x128xf32> to vector<2000x128xf32>
    %add3A_9 = arith.addf %dot_general3A_5, %add3A : vector<2000x128xf32>
    %swap3A = arith.constant 0 : index
    %swap3A_10 = arith.constant 0 : index
    %swap3A_11 = vector.load %arg4[%swap3A, %swap3A_10] : memref<2000x128xf32, #tpu.memory_space<vmem>>, vector<2000x128xf32>
    tpu.vector_store %arg4[%swap3A, %swap3A_10], %add3A_9 {strides = array<i32>} : memref<2000x128xf32, #tpu.memory_space<vmem>>, vector<2000x128xf32>,
    return
  }
  func.func @transform_0(%arg0: i32) -> (i32, i32) {
    %c0_i32 = arith.constant 0 : i32
    %c0_i32_0 = arith.constant 0 : i32
    return %arg0, %c0_i32 : i32, i32
  }
  func.func @transform_1(%arg0: i32) -> (i32, i32) {
    %c0_i32 = arith.constant 0 : i32
    %c0_i32_0 = arith.constant 0 : i32
    %c0_i32_1 = arith.constant 0 : i32
    return %c0_i32, %c0_i32_0 : i32, i32
  }
  func.func @transform_2(%arg0: i32) -> (i32, i32) {
    %c0_i32 = arith.constant 0 : i32
    %c0_i32_0 = arith.constant 0 : i32
    %c0_i32_1 = arith.constant 0 : i32
    return %c0_i32, %c0_i32_0 : i32, i32
  }
  func.func @transform_3(%arg0: i32) -> (i32, i32) {
    %c0_i32 = arith.constant 0 : i32
    %c0_i32_0 = arith.constant 0 : i32
    return %arg0, %c0_i32 : i32, i32
  }
}

module attributes {stable_mosaic.version = 14 : i64} {
  func.func @_msg_body(%arg0: i32, %arg1: memref<64x128xf32, #tpu.memory_space<vmem>>, %arg2: memref<64x128xf32, #tpu.memory_space<vmem>>, %arg3: memref<64x128xf32, #tpu.memory_space<vmem>>, %arg4: memref<8192x128xf32, #tpu.memory_space<vmem>>, %arg5: memref<64x3xf32, #tpu.memory_space<vmem>>, %arg6: memref<1x1x64xf32, #tpu.memory_space<vmem>>, %arg7: memref<3x64xf32, #tpu.memory_space<vmem>>, %arg8: memref<3x64xf32, #tpu.memory_space<vmem>>, %arg9: memref<1x64xf32, #tpu.memory_space<vmem>>, %arg10: memref<64x128xf32, #tpu.memory_space<vmem>>, %arg11: memref<1x128xf32, #tpu.memory_space<vmem>>, %arg12: memref<64x128xf32, #tpu.memory_space<vmem>>) attributes {dimension_semantics = [#tpu.dimension_semantics<arbitrary>], iteration_bounds = array<i64: 32>, scalar_prefetch = 0 : i64, scratch_operands = 0 : i64, tpu.core_type = #tpu.core_type<tc>, window_params = [{transform_indices = @transform_0, window_bounds = array<i64: 64, 128>}, {transform_indices = @transform_1, window_bounds = array<i64: 64, 128>}, {transform_indices = @transform_2, window_bounds = array<i64: 64, 128>}, {transform_indices = @transform_3, window_bounds = array<i64: 8192, 128>}, {transform_indices = @transform_4, window_bounds = array<i64: 64, 3>}, {transform_indices = @transform_5, window_bounds = array<i64: 1, 1, 64>}, {pipeline_mode = #tpu.pipeline_mode<synchronous>, transform_indices = @transform_6, window_bounds = array<i64: 3, 64>}, {pipeline_mode = #tpu.pipeline_mode<synchronous>, transform_indices = @transform_7, window_bounds = array<i64: 3, 64>}, {pipeline_mode = #tpu.pipeline_mode<synchronous>, transform_indices = @transform_8, window_bounds = array<i64: 1, 64>}, {pipeline_mode = #tpu.pipeline_mode<synchronous>, transform_indices = @transform_9, window_bounds = array<i64: 64, 128>}, {pipeline_mode = #tpu.pipeline_mode<synchronous>, transform_indices = @transform_10, window_bounds = array<i64: 1, 128>}, {transform_indices = @transform_11, window_bounds = array<i64: 64, 128>}]} {
    %get3A = arith.constant 0 : index
    %get3A_0 = arith.constant 0 : index
    %get3A_1 = vector.load %arg7[%get3A, %get3A_0] : memref<3x64xf32, #tpu.memory_space<vmem>>, vector<3x64xf32>
    %get3A_2 = arith.constant 0 : index
    %get3A_3 = arith.constant 0 : index
    %get3A_4 = vector.load %arg1[%get3A_2, %get3A_3] : memref<64x128xf32, #tpu.memory_space<vmem>>, vector<64x128xf32>
    %broadcast_in_dim3A = vector.shape_cast %get3A_4 : vector<64x128xf32> to vector<64x128x1xf32>
    %slice3A = vector.extract_strided_slice %get3A_1 {offsets = [0, 0], sizes = [1, 64], strides = [1, 1]} : vector<3x64xf32> to vector<1x64xf32>
    %squeeze3A = vector.shape_cast %slice3A : vector<1x64xf32> to vector<64xf32>
    %broadcast_in_dim3A_5 = vector.shape_cast %squeeze3A : vector<64xf32> to vector<1x1x64xf32>
    %mul3A = vector.broadcast %broadcast_in_dim3A : vector<64x128x1xf32> to vector<64x128x64xf32>
    %mul3A_6 = vector.broadcast %broadcast_in_dim3A_5 : vector<1x1x64xf32> to vector<64x128x64xf32>
    %mul3A_7 = arith.mulf %mul3A, %mul3A_6 : vector<64x128x64xf32>
    %get3A_8 = arith.constant 0 : index
    %get3A_9 = arith.constant 0 : index
    %get3A_10 = vector.load %arg2[%get3A_8, %get3A_9] : memref<64x128xf32, #tpu.memory_space<vmem>>, vector<64x128xf32>
    %broadcast_in_dim3A_11 = vector.shape_cast %get3A_10 : vector<64x128xf32> to vector<64x128x1xf32>
    %slice3A_12 = vector.extract_strided_slice %get3A_1 {offsets = [1, 0], sizes = [1, 64], strides = [1, 1]} : vector<3x64xf32> to vector<1x64xf32>
    %squeeze3A_13 = vector.shape_cast %slice3A_12 : vector<1x64xf32> to vector<64xf32>
    %broadcast_in_dim3A_14 = vector.shape_cast %squeeze3A_13 : vector<64xf32> to vector<1x1x64xf32>
    %mul3A_15 = vector.broadcast %broadcast_in_dim3A_11 : vector<64x128x1xf32> to vector<64x128x64xf32>
    %mul3A_16 = vector.broadcast %broadcast_in_dim3A_14 : vector<1x1x64xf32> to vector<64x128x64xf32>
    %mul3A_17 = arith.mulf %mul3A_15, %mul3A_16 : vector<64x128x64xf32>
    %add3A = arith.addf %mul3A_7, %mul3A_17 : vector<64x128x64xf32>
    %get3A_18 = arith.constant 0 : index
    %get3A_19 = arith.constant 0 : index
    %get3A_20 = vector.load %arg3[%get3A_18, %get3A_19] : memref<64x128xf32, #tpu.memory_space<vmem>>, vector<64x128xf32>
    %broadcast_in_dim3A_21 = vector.shape_cast %get3A_20 : vector<64x128xf32> to vector<64x128x1xf32>
    %slice3A_22 = vector.extract_strided_slice %get3A_1 {offsets = [2, 0], sizes = [1, 64], strides = [1, 1]} : vector<3x64xf32> to vector<1x64xf32>
    %squeeze3A_23 = vector.shape_cast %slice3A_22 : vector<1x64xf32> to vector<64xf32>
    %broadcast_in_dim3A_24 = vector.shape_cast %squeeze3A_23 : vector<64xf32> to vector<1x1x64xf32>
    %mul3A_25 = vector.broadcast %broadcast_in_dim3A_21 : vector<64x128x1xf32> to vector<64x128x64xf32>
    %mul3A_26 = vector.broadcast %broadcast_in_dim3A_24 : vector<1x1x64xf32> to vector<64x128x64xf32>
    %mul3A_27 = arith.mulf %mul3A_25, %mul3A_26 : vector<64x128x64xf32>
    %add3A_28 = arith.addf %add3A, %mul3A_27 : vector<64x128x64xf32>
    %get3A_29 = arith.constant 0 : index
    %get3A_30 = arith.constant 0 : index
    %get3A_31 = vector.load %arg5[%get3A_29, %get3A_30] : memref<64x3xf32, #tpu.memory_space<vmem>>, vector<64x3xf32>
    %get3A_32 = arith.constant 0 : index
    %get3A_33 = arith.constant 0 : index
    %get3A_34 = vector.load %arg8[%get3A_32, %get3A_33] : memref<3x64xf32, #tpu.memory_space<vmem>>, vector<3x64xf32>
    %dot_general3A = arith.constant dense<0.000000e+00> : vector<64x64xf32>
    %dot_general3A_35 = tpu.matmul %get3A_31, %get3A_34, %dot_general3A {dimension_numbers = #tpu.dot_dimension_numbers<[1], [0], [0], [1], [0, 0, 1, 1], [], []>, transpose_lhs_hint = false} : vector<64x3xf32>, vector<3x64xf32>, vector<64x64xf32> -> vector<64x64xf32>
    %get3A_36 = arith.constant 0 : index
    %get3A_37 = arith.constant 0 : index
    %get3A_38 = vector.load %arg9[%get3A_36, %get3A_37] : memref<1x64xf32, #tpu.memory_space<vmem>>, vector<1x64xf32>
    %add3A_39 = vector.broadcast %get3A_38 : vector<1x64xf32> to vector<64x64xf32>
    %add3A_40 = arith.addf %dot_general3A_35, %add3A_39 : vector<64x64xf32>
    %broadcast_in_dim3A_41 = vector.shape_cast %add3A_40 : vector<64x64xf32> to vector<64x1x64xf32>
    %add3A_42 = vector.broadcast %broadcast_in_dim3A_41 : vector<64x1x64xf32> to vector<64x128x64xf32>
    %add3A_43 = arith.addf %add3A_28, %add3A_42 : vector<64x128x64xf32>
    %integer_pow3A = arith.mulf %add3A_43, %add3A_43 : vector<64x128x64xf32>
    %integer_pow3A_44 = arith.mulf %add3A_43, %integer_pow3A : vector<64x128x64xf32>
    %mul3A_45 = arith.constant 4.471500e-02 : f32
    %mul3A_46 = vector.broadcast %mul3A_45 : f32 to vector<64x128x64xf32>
    %mul3A_47 = arith.mulf %mul3A_46, %integer_pow3A_44 : vector<64x128x64xf32>
    %add3A_48 = arith.addf %add3A_43, %mul3A_47 : vector<64x128x64xf32>
    %mul3A_49 = arith.constant 0.797884583 : f32
    %mul3A_50 = vector.broadcast %mul3A_49 : f32 to vector<64x128x64xf32>
    %mul3A_51 = arith.mulf %mul3A_50, %add3A_48 : vector<64x128x64xf32>
    %tanh3A = math.tanh %mul3A_51 : vector<64x128x64xf32>
    %add3A_52 = arith.constant 1.000000e+00 : f32
    %add3A_53 = vector.broadcast %add3A_52 : f32 to vector<64x128x64xf32>
    %add3A_54 = arith.addf %add3A_53, %tanh3A : vector<64x128x64xf32>
    %mul3A_55 = arith.constant 5.000000e-01 : f32
    %mul3A_56 = vector.broadcast %mul3A_55 : f32 to vector<64x128x64xf32>
    %mul3A_57 = arith.mulf %mul3A_56, %add3A_54 : vector<64x128x64xf32>
    %mul3A_58 = arith.mulf %add3A_43, %mul3A_57 : vector<64x128x64xf32>
    %reshape3A = vector.shape_cast %mul3A_58 : vector<64x128x64xf32> to vector<8192x64xf32>
    %get3A_59 = arith.constant 0 : index
    %get3A_60 = arith.constant 0 : index
    %get3A_61 = vector.load %arg10[%get3A_59, %get3A_60] : memref<64x128xf32, #tpu.memory_space<vmem>>, vector<64x128xf32>
    %dot_general3A_62 = arith.constant dense<0.000000e+00> : vector<8192x128xf32>
    %dot_general3A_63 = tpu.matmul %reshape3A, %get3A_61, %dot_general3A_62 {dimension_numbers = #tpu.dot_dimension_numbers<[1], [0], [0], [1], [0, 0, 1, 1], [], []>, transpose_lhs_hint = false} : vector<8192x64xf32>, vector<64x128xf32>, vector<8192x128xf32> -> vector<8192x128xf32>
    %get3A_64 = arith.constant 0 : index
    %get3A_65 = arith.constant 0 : index
    %get3A_66 = vector.load %arg11[%get3A_64, %get3A_65] : memref<1x128xf32, #tpu.memory_space<vmem>>, vector<1x128xf32>
    %add3A_67 = vector.broadcast %get3A_66 : vector<1x128xf32> to vector<8192x128xf32>
    %add3A_68 = arith.addf %dot_general3A_63, %add3A_67 : vector<8192x128xf32>
    %get3A_69 = arith.constant 0 : index
    %get3A_70 = arith.constant 0 : index
    %get3A_71 = vector.load %arg4[%get3A_69, %get3A_70] : memref<8192x128xf32, #tpu.memory_space<vmem>>, vector<8192x128xf32>
    %mul3A_72 = arith.mulf %add3A_68, %get3A_71 : vector<8192x128xf32>
    %reshape3A_73 = vector.shape_cast %mul3A_72 : vector<8192x128xf32> to vector<64x128x128xf32>
    %get3A_74 = arith.constant 0 : index
    %get3A_75 = arith.constant 0 : index
    %get3A_76 = arith.constant 0 : index
    %get3A_77 = vector.load %arg6[%get3A_74, %get3A_75, %get3A_76] : memref<1x1x64xf32, #tpu.memory_space<vmem>>, vector<1x1x64xf32>
    %get3A_78 = vector.shape_cast %get3A_77 : vector<1x1x64xf32> to vector<64xf32>
    %iota3A = tpu.iota {dimensions = array<i32: 1>} : vector<64x128x128xi32>
    %convert_element_type3A = arith.fptosi %get3A_78 : vector<64xf32> to vector<64xi32>
    %broadcast_in_dim3A_79 = vector.shape_cast %convert_element_type3A : vector<64xi32> to vector<64x1x1xi32>
    %lt3A = vector.broadcast %broadcast_in_dim3A_79 : vector<64x1x1xi32> to vector<64x128x128xi32>
    %lt3A_80 = arith.cmpi slt, %iota3A, %lt3A : vector<64x128x128xi32>
    %jit3A = arith.constant 0.000000e+00 : f32
    %broadcast_in_dim3A_81 = vector.broadcast %jit3A : f32 to vector<64x128x128xf32>
    %select_n3A = arith.select %lt3A_80, %reshape3A_73, %broadcast_in_dim3A_81 : vector<64x128x128xi1>, vector<64x128x128xf32>
    %reduce_sum3A = arith.constant dense<0.000000e+00> : vector<64x128xf32>
    %reduce_sum3A_82 = vector.multi_reduction <add>, %select_n3A, %reduce_sum3A [1] : vector<64x128x128xf32> to vector<64x128xf32>
    %max3A = arith.constant 1.000000e+00 : f32
    %max3A_83 = vector.broadcast %max3A : f32 to vector<64xf32>
    %max3A_84 = arith.maximumf %get3A_78, %max3A_83 : vector<64xf32>
    %broadcast_in_dim3A_85 = vector.shape_cast %max3A_84 : vector<64xf32> to vector<64x1xf32>
    %div3A = vector.broadcast %broadcast_in_dim3A_85 : vector<64x1xf32> to vector<64x128xf32>
    %div3A_86 = arith.divf %reduce_sum3A_82, %div3A : vector<64x128xf32>
    %swap3A = arith.constant 0 : index
    %swap3A_87 = arith.constant 0 : index
    %swap3A_88 = vector.load %arg12[%swap3A, %swap3A_87] : memref<64x128xf32, #tpu.memory_space<vmem>>, vector<64x128xf32>
    tpu.vector_store %arg12[%swap3A, %swap3A_87], %div3A_86 {strides = array<i32>} : memref<64x128xf32, #tpu.memory_space<vmem>>, vector<64x128xf32>,
    return
  }
  func.func @transform_0(%arg0: i32) -> (i32, i32) {
    %c0_i32 = arith.constant 0 : i32
    %c0_i32_0 = arith.constant 0 : i32
    return %arg0, %c0_i32 : i32, i32
  }
  func.func @transform_1(%arg0: i32) -> (i32, i32) {
    %c0_i32 = arith.constant 0 : i32
    %c0_i32_0 = arith.constant 0 : i32
    return %arg0, %c0_i32 : i32, i32
  }
  func.func @transform_2(%arg0: i32) -> (i32, i32) {
    %c0_i32 = arith.constant 0 : i32
    %c0_i32_0 = arith.constant 0 : i32
    return %arg0, %c0_i32 : i32, i32
  }
  func.func @transform_3(%arg0: i32) -> (i32, i32) {
    %c0_i32 = arith.constant 0 : i32
    %c0_i32_0 = arith.constant 0 : i32
    return %arg0, %c0_i32 : i32, i32
  }
  func.func @transform_4(%arg0: i32) -> (i32, i32) {
    %c0_i32 = arith.constant 0 : i32
    %c0_i32_0 = arith.constant 0 : i32
    return %arg0, %c0_i32 : i32, i32
  }
  func.func @transform_5(%arg0: i32) -> (i32, i32, i32) {
    %c0_i32 = arith.constant 0 : i32
    %c0_i32_0 = arith.constant 0 : i32
    %c0_i32_1 = arith.constant 0 : i32
    return %arg0, %c0_i32, %c0_i32_0 : i32, i32, i32
  }
  func.func @transform_6(%arg0: i32) -> (i32, i32) {
    %c0_i32 = arith.constant 0 : i32
    %c0_i32_0 = arith.constant 0 : i32
    %c0_i32_1 = arith.constant 0 : i32
    return %c0_i32, %c0_i32_0 : i32, i32
  }
  func.func @transform_7(%arg0: i32) -> (i32, i32) {
    %c0_i32 = arith.constant 0 : i32
    %c0_i32_0 = arith.constant 0 : i32
    %c0_i32_1 = arith.constant 0 : i32
    return %c0_i32, %c0_i32_0 : i32, i32
  }
  func.func @transform_8(%arg0: i32) -> (i32, i32) {
    %c0_i32 = arith.constant 0 : i32
    %c0_i32_0 = arith.constant 0 : i32
    %c0_i32_1 = arith.constant 0 : i32
    return %c0_i32, %c0_i32_0 : i32, i32
  }
  func.func @transform_9(%arg0: i32) -> (i32, i32) {
    %c0_i32 = arith.constant 0 : i32
    %c0_i32_0 = arith.constant 0 : i32
    %c0_i32_1 = arith.constant 0 : i32
    return %c0_i32, %c0_i32_0 : i32, i32
  }
  func.func @transform_10(%arg0: i32) -> (i32, i32) {
    %c0_i32 = arith.constant 0 : i32
    %c0_i32_0 = arith.constant 0 : i32
    %c0_i32_1 = arith.constant 0 : i32
    return %c0_i32, %c0_i32_0 : i32, i32
  }
  func.func @transform_11(%arg0: i32) -> (i32, i32) {
    %c0_i32 = arith.constant 0 : i32
    %c0_i32_0 = arith.constant 0 : i32
    return %arg0, %c0_i32 : i32, i32
  }
}

</mosaic_0001>

<sc_bundles>
// kernel: kernel.7.cloned.1.call-start
scs
__scs_entry_jumppad:
0x0: {  	(pc) =	sbr.rel $0x88, $3  }
0x1: {  	(tag) =	ssettag $0x0;
	lr =	simm.s32 $0x1  }
0x2: {  	[smem:$0x3F98] =	sst lr;
	_ =	strace $0xD0000000  }
0x3: {  	_ = 	snop  }
0x4: {  	_ = 	snop  }
0x5: {  	_ = 	snop  }
0x6: {  	_ = 	snop  }
0x7: {  	_ = 	snop  }
__scs_overlays_trampoline_lowered:
0x8: {  	[smem:$0x3FA7] =	sst s0  }
0x9: {  	[smem:$0x3FA8] =	sst s1  }
0xa: {  	[smem:$0x3FA9] =	sst s2  }
0xb: {  	[smem:$0x3FAA] =	sst s3  }
0xc: {  	[smem:$0x3FAB] =	sst s4  }
0xd: {  	[smem:$0x3FAC] =	sst s5  }
0xe: {  	[smem:$0x3FAD] =	sst s6  }
0xf: {  	[smem:$0x3FAE] =	sst s7  }
0x10: {  	[smem:$0x3FAF] =	sst s8  }
0x11: {  	[smem:$0x3FB0] =	sst s9;
	s0 =	simm.s32 @!p0 $0x0  }
0x12: {  	s1 =	sld [smem:$0x3F96];
	s0 =	simm.s32 @p0 $0x1  }
0x13: {  	[smem:$0x3FB1] =	sst s0;
	s0 =	simm.s32 @!p1 $0x0  }
0x14: {  	s2 =	sld [smem:$0x3F95];
	s0 =	simm.s32 @p1 $0x1  }
0x15: {  	[smem:$0x3FB2] =	sst s0;
	s0 =	simm.s32 @!p2 $0x0  }
0x16: {  	s3 =	sld [smem:$0x3FDB];
	s0 =	simm.s32 @p2 $0x1  }
0x17: {  	s4 =	simm.s32 $0x1BF5;
	[smem:$0x3FB4] =	sst s0  }
0x18: {  	s0 =	sld [smem:$0x3F97];
	_ =	swait.ge [sflag:s4], $0x0  }
0x19: {  	s7 =	sld [smem:$0x3F98]  }
0x1a: {  	s8 =	sadd.s32 $0xFFFFE003, lr  }
0x1b: {  	s9 =	sadd.s32 $0xFFFFFEF7, lr;
	s5 =	simm.s32 $0xFFFFFFFF;
	p2 =	slt.u32 s8, $0xFFFFF086  }
0x1c: {  	p1 =	slt.u32 s9, $0xF7A;
	s5 =	simm.s32 @!p2 $0x0  }
0x1d: {  	s5 =	simm.s32 @p1 $0x1;
	p0 =	seq.s32 s7, s2  }
0x1e: {  	s7 =	smul.u32 @!p0 $0xF7A, s2;
	p2 =	seq.s32 @!p0 s5, $0x0  }
0x1f: {  	s9 =	smul.u32 $0xF7A, s1;
	s8 =	simm.s32 @!p0 $0x1BF5;
	p2 =	por !p2, p0  }
0x20: {  	[sflag:s8] =	ssyncset.s32 @!p0 $0xFFFFF086;
	s6 =	sadd.s32 @!p0 s3, s7;
	s7 =	simm.s32 @!p0 $0x108  }
0x21: {  	s3 =	sadd.s32 s3, s9;
	s6 =	sadd.s32 @!p0 $0x88, s6;
	s7 =	simm.s32 @p2 $0x1082  }
0x22: {  	[simem:s7], [sflag:s8] =	dma.local @!p0 [hbm:s6], $0xF7A  }
0x23: {  	s9 =	sor.u32 $0xD0000000, s2;
	s6 =	simm.s32 $0x108;
	_ =	swait.ge @!p0 [sflag:s8], $0x0  }
0x24: {  	s3 =	sadd.s32 $0x88, s3;
	s6 =	simm.s32 @!p1 $0x1082;
	[sflag:s4] =	ssyncset.s32 $0xFFFFF086  }
0x25: {  	[simem:s6], [sflag:s4] =	dma.local [hbm:s3], $0xF7A  }
0x26: {  	[smem:$0x3F98] =	sst s1;
	(tag) =	ssettag s2;
	_ =	strace s9  }
0x27: {  	s1 =	sld [smem:$0x3FA8]  }
0x28: {  	s2 =	sld [smem:$0x3FA9]  }
0x29: {  	s4 =	sld [smem:$0x3FAB]  }
0x2a: {  	p0 =	seq.s32 s5, $0x0;
	s5 =	sld [smem:$0x3FAC]  }
0x2b: {  	s6 =	sld [smem:$0x3FAD]  }
0x2c: {  	s7 =	sld [smem:$0x3FAE]  }
0x2d: {  	s3 =	simm.s32 $0x108;
	s8 =	sld [smem:$0x3FAF]  }
0x2e: {  	s3 =	simm.s32 @!p0 $0x1082;
	s9 =	sld [smem:$0x3FB0]  }
0x2f: {  	lr =	sadd.s32 s0, s3;
	s0 =	sld [smem:$0x3FA7]  }
0x30: {  	s3 =	sld [smem:$0x3FAA]  }
0x31: {  	[smem:$0x3FB3] =	sst s10  }
0x32: {  	s10 =	sld [smem:$0x3FB1];
	_ =	sdelay $0x3  }
0x33: {  	p0 =	seq.s32 s10, $0x1;
	s10 =	sld [smem:$0x3FB3];
	_ =	sdelay $0x3  }
0x34: {  	[smem:$0x3FB3] =	sst s10  }
0x35: {  	s10 =	sld [smem:$0x3FB2];
	_ =	sdelay $0x3  }
0x36: {  	p1 =	seq.s32 s10, $0x1;
	s10 =	sld [smem:$0x3FB3];
	_ =	sdelay $0x3  }
0x37: {  	[smem:$0x3FB3] =	sst s10  }
0x38: {  	s10 =	sld [smem:$0x3FB4]  }
0x39: {  	_ = 	snop;
	(pc) =	sbr.ind lr, $3  }
0x3a: {  	_ = 	snop  }
0x3b: {  	_ = 	snop  }
0x3c: {  	p2 =	seq.s32 s10, $0x1;
	s10 =	sld [smem:$0x3FB3]  }
0x3d: {  	_ =	shalt  }
0x3e: {  	_ =	shalt  }
0x3f: {  	_ =	shalt  }
0x40: {  	_ =	shalt  }
0x41: {  	_ =	shalt  }
0x42: {  	_ =	shalt  }
0x43: {  	_ =	shalt  }
0x44: {  	_ =	shalt  }
0x45: {  	_ =	shalt  }
0x46: {  	_ =	shalt  }
0x47: {  	_ =	shalt  }
0x48: {  	_ =	shalt  }
0x49: {  	_ =	shalt  }
0x4a: {  	_ =	shalt  }
0x4b: {  	_ =	shalt  }
0x4c: {  	_ =	shalt  }
0x4d: {  	_ =	shalt  }
0x4e: {  	_ =	shalt  }
0x4f: {  	_ =	shalt  }
0x50: {  	_ =	shalt  }
0x51: {  	_ =	shalt  }
0x52: {  	_ =	shalt  }
0x53: {  	_ =	shalt  }
0x54: {  	_ =	shalt  }
0x55: {  	_ =	shalt  }
0x56: {  	_ =	shalt  }
0x57: {  	_ =	shalt  }
0x58: {  	_ =	shalt  }
0x59: {  	_ =	shalt  }
0x5a: {  	_ =	shalt  }
0x5b: {  	_ =	shalt  }
0x5c: {  	_ =	shalt  }
0x5d: {  	_ =	shalt  }
0x5e: {  	_ =	shalt  }
0x5f: {  	_ =	shalt  }
0x60: {  	_ =	shalt  }
0x61: {  	_ =	shalt  }
0x62: {  	_ =	shalt  }
0x63: {  	_ =	shalt  }
0x64: {  	_ =	shalt  }
0x65: {  	_ =	shalt  }
0x66: {  	_ =	shalt  }
0x67: {  	_ =	shalt  }
0x68: {  	_ =	shalt  }
0x69: {  	_ =	shalt  }
0x6a: {  	_ =	shalt  }
0x6b: {  	_ =	shalt  }
0x6c: {  	_ =	shalt  }
0x6d: {  	_ =	shalt  }
0x6e: {  	_ =	shalt  }
0x6f: {  	_ =	shalt  }
0x70: {  	_ =	shalt  }
0x71: {  	_ =	shalt  }
0x72: {  	_ =	shalt  }
0x73: {  	_ =	shalt  }
0x74: {  	_ =	shalt  }
0x75: {  	_ =	shalt  }
0x76: {  	_ =	shalt  }
0x77: {  	_ =	shalt  }
0x78: {  	_ =	shalt  }
0x79: {  	_ =	shalt  }
0x7a: {  	_ =	shalt  }
0x7b: {  	_ =	shalt  }
0x7c: {  	_ =	shalt  }
0x7d: {  	_ =	shalt  }
0x7e: {  	_ =	shalt  }
0x7f: {  	_ =	shalt  }
0x80: {  	_ =	shalt  }
0x81: {  	_ =	shalt  }
0x82: {  	_ =	shalt  }
0x83: {  	_ =	shalt  }
0x84: {  	_ =	shalt  }
0x85: {  	_ =	shalt  }
0x86: {  	_ =	shalt  }
0x87: {  	_ =	shalt  }
.Lfunc_end0:
.L_simem_size_0:
called_computation_lowered:
.L_overlay_start_0:
0x88: {  	s2 =	sld [smem:$0x3FD9]  }
0x89: {  	s3 =	sld [smem:$0x3FFE];
	_ =	sdelay $0x1  }
0x8a: {  	s1 =	srdreg.scid  }
0x8b: {  	s0 =	sand.u32 $0x1, s1  }
0x8c: {  	s17 =	sshll.u32 s0, $0xA;
	s2 =	sadd.s32 s3, s2  }
0x8d: {  	s2 =	sadd.s32 s2, s17  }
0x8e: {  	[smem:$0x3FBF] =	sst s2  }
0x8f: {  	_ = 	snop  }
0x90: {  	s2 =	sld [smem:$0x3FD0];
	(tm) =	ssettm $0x1  }
0x91: {  	s18 =	sld [smem:$0x3FFB];
	_ =	sdelay $0x3  }
0x92: {  	_ =	strace s18  }
0x93: {  	s3 =	sld [smem:$0x3FFC];
	_ =	sdelay $0x3  }
0x94: {  	_ =	strace s3  }
0x95: {  	s3 =	sld [smem:$0x3FFD];
	_ =	sdelay $0x3  }
0x96: {  	_ =	strace s3  }
0x97: {  	_ =	strace $0x8FFFFFFF  }
0x98: {  	s19 =	sld [smem:$0x3FDB];
	_ =	sdelay $0x1  }
0x99: {  	s4 =	simm.s32 $_scs_section_size  }
0x9a: {  	s5 =	simm.s32 $_size__tile_overlayer_lowered;
	s6 =	simm.s32 $_tile_overlayer_lowered  }
0x9b: {  	s22 =	simm.s32 $0x1BFF;
	s21 =	sshll.u32 s6, $0x1;
	s3 =	sadd.s32 s4, s19  }
0x9c: {  	s7 =	simm.s32 $0x0;
	s20 =	sshll.u32 s5, $0x1;
	s5 =	sadd.s32 s21, s3  }
0x9d: {  	[timem:s7], [sflag:s22] =	dma.local [hbm:s5], s20  }
0x9e: {  	_ =	swait.ge [sflag:s22], s20  }
0x9f: {  	s4 =	ssub.s32 $0x0, s20;
	[sflag:s22] =	ssyncset.done $0x0  }
0xa0: {  	[sflag:s22] =	ssyncadd.s32 s4;
	_ =	sdelay $0x1  }
0xa1: {  	s23 =	simm.s32 $0x1B8B  }
0xa2: {  	_ =	swait.ge [sflag:s23], $0x1  }
0xa3: {  	[sflag:s23] =	ssyncset.done $0x0  }
0xa4: {  	s25 =	simm.s32 $0x1B8E;
	s24 =	sld [smem:$0x3FFE];
	[sflag:s23] =	ssyncadd.s32 $0xFFFFFFFF  }
0xa5: {  	s26 =	simm.s32 $execute0_lowered;
	[smem:$0x3FD2] =	sst s25  }
0xa6: {  	s5 =	sshll.u32 s26, $0x1;
	_ =	strace $0x80000046;
	[dreg:$0x1] =	wrdreg $0xFFFFFFFF  }
0xa7: {  	s28 =	simm.s32 $_size_execute0_lowered;
	s3 =	sadd.s32 s3, s5;
	[dreg:$0x0] =	wrdreg $0x0  }
0xa8: {  	s5 =	sshll.u32 s28, $0x1;
	[dreg:$0x2] =	wrdreg s3  }
0xa9: {  	[dreg:$0x3] =	wrdreg s5  }
0xaa: {  	[dreg:$0x4] =	wrdreg $0xC0  }
0xab: {  	_ =	task [dreg:s7], $0x5FFFF  }
0xac: {  	[dreg:$0x1] =	wrdreg $0xFFFFFFFF  }
0xad: {  	[dreg:$0x0] =	wrdreg $0x60  }
0xae: {  	[dreg:$0x2] =	wrdreg s24  }
0xaf: {  	[dreg:$0x3] =	wrdreg s2  }
0xb0: {  	[dreg:$0x4] =	wrdreg $0xC6000  }
0xb1: {  	[dreg:$0x5] =	wrdreg $0x9  }
0xb2: {  	_ =	task.clear_ibuf [dreg:s7], $0x6FFFF;
	_ =	strace $0x90000046  }
0xb3: {  	s29 =	simm.s32 $0x9;
	_ =	strace $0x80000048  }
0xb4: {  	_ =	swait.ge [sflag:s29], $0x1  }
0xb5: {  	[sflag:s29] =	ssyncadd.s32 $0xFFFFFFFF  }
0xb6: {  	_ =	strace $0x90000048  }
0xb7: {  	_ =	sfence  }
0xb8: {  	s30 =	sld [smem:$0x0];
	_ =	sdelay $0x2  }
0xb9: {  	s31 =	sshll.u32 s1, $0xD;
	s1 =	sshrl.u32 s1, $0x2  }
0xba: {  	s3 =	sand.u32 $0x4000, s31;
	s1 =	sadd.s32 s1, s30  }
0xbb: {  	s0 =	sor.u32 s3, s0;
	s1 =	sshll.u32 s1, $0x11  }
0xbc: {  	s0 =	sor.u32 s1, s0  }
0xbd: {  	s0 =	sadd.s32 $0x8F2B, s0  }
0xbe: {  	[sflag:s0] =	ssyncadd.remote.s32 $0x1  }
0xbf: {  	_ =	sfence.sel $0xFFFF  }
0xc0: {  	[dreg:$0x0] =	wrdreg $0xFFFFFFFF;
	(pc) =	sbr.abs _section_cstart, $3  }
0xc1: {  	[dreg:$0x1] =	wrdreg $0xFFFFFFFF  }
0xc2: {  	_ =	task.clear_ibuf [dreg:s7], $0x2FFFF;
	_ =	strace $0x9FFFFFFF  }
0xc3: {  	(tm) =	ssettm $0x7FFFFFFF  }
tec
execute0_lowered:
.L_overlay_start_1:
0x0: {  	(tag) =	ssettag $0x1  }
0x1: {  	s0 =	rddreg [dreg:$0x0]  }
0x2: {  	s31 =	rddreg [dreg:$0x1]  }
0x3: {  	s2 =	rddreg [dreg:$0x2];
	s1 =	srdreg.scid  }
0x4: {  	s3 =	simm.s32 $0x0;
	s11 =	stileid.u32;
	s18 =	simm.s32 $0xE00  }
0x5: {  	s19 =	simm.s32 $0x3;
	s20 =	simm.s32 $0x3580;
	s28 =	simm.s32 $0x500  }
0x6: {  	s29 =	simm.s32 $0x780;
	s30 =	simm.s32 $0x10;
	s1 =	sand.u32 $0x1, s1  }
0x7: {  	[smem:$0x7FF] =	sst s3;
	s4 =	sadd.s32 $0x4C00, s0;
	s5 =	sadd.s32 $0x2CC00, s0  }
0x8: {  	s9 =	sshll.u32 s11, $0x6;
	p0 =	sne.s32 s11, $0x0;
	s11 =	simm.s32 $0x8580  }
0x9: {  	s6 =	smul.u32 $0x4E2, s1;
	_ =	strace $0x80000047;
	s8 =	sshll.u32 s1, $0xA  }
0xa: {  	s7 =	smul.u32 $0x27100, s1;
	s1 =	ssub.s32 $0x2, s1;
	s14 =	sor.u32 s9, s8  }
0xb: {  	v0 =	vimm.s32 $0x8040201;
	v1 =	vimm.s32 $0x80402010;
	s8 =	sadd.s32 $0xAAE00, s0;
	s12 =	sshrl.u32 s1, $0x1;
	s9 =	sadd.s32 $0xB2E00, s0  }
0xc: {  	v0 =	vunpack.c.0.s8.s32 v0;
	v1 =	vunpack.c.0.s8.s32 v1;
	s10 =	sadd.s32 s6, s0;
	s7 =	sadd.s32 s7, s0;
	s6 =	sadd.s32 $0xA2E00, s0  }
0xd: {  	vm0 =	vcmask $0xF00;
	s13 =	sshrl.u32 s14, $0x3;
	[dreg:$0x4] =	wrdreg s14;
	s26 =	sor.u32 $0x3F, s14  }
0xe: {  	vm8 =	vcmask $0x1F10;
	v0 =	vnsel vm0, $0x8000, v0;
	v1 =	vand.u32 $0xFF, v1;
	s21 =	ssub.s32 s1, s12;
	s23 =	sadd.s32 $0x2E00, s10;
	[dreg:$0xb] =	wrdreg s26  }
0xf: {  	vm9 =	vcmask $0x2320;
	v0 =	vsel vm8, v1, v0;
	s12 =	simm.s32 $0x2;
	s24 =	sadd.s32 $0x3800, s10;
	[dreg:$0x5] =	wrdreg s23  }
0x10: {  	vm10 =	vcmask $0x2724;
	s22 =	smul.u32 $0x280, s13;
	s10 =	sadd.s32 $0x4200, s10;
	v0 =	vsel vm9, $0x100, v0;
	[dreg:$0x6] =	wrdreg s24  }
0x11: {  	vm11 =	vcmask $0x2B28;
	s7 =	sadd.s32 $0x54C00, s7;
	s0 =	smax.u32 s21, $0x1;
	[dreg:$0x7] =	wrdreg s10;
	v0 =	vsel vm10, $0x200, v0  }
.Ltmp0:
0x12: {  	vm12 =	vcmask $0x2F2C;
	s21 =	simm.s32 $0x5D00;
	[dreg:$0x8] =	wrdreg s7;
	v0 =	vsel vm11, $0x400, v0;
	(pc) =	sbr.rel .LBB2_1-.Ltmp0, $4  }
0x13: {  	vm13 =	vcmask $0x3330;
	s26 =	simm.s32 $0x1;
	[dreg:$0xc] =	wrdreg s0;
	s0 =	sshrl.u32 @!p0 s2, $0x3;
	v0 =	vsel vm12, $0x800, v0  }
0x14: {  	vm14 =	vcmask $0x3734;
	s23 =	simm.s32 $0x80;
	s25 =	sadd.s32 s4, s22;
	[dreg:$0xd] =	wrdreg s0;
	v1 =	vsel vm13, $0x1000, v0  }
0x15: {  	vm15 =	vcmask $0x3B38;
	v2 =	vlaneseq.u32;
	s24 =	simm.s32 $0x400;
	s1 =	sadd.s32 s5, s22;
	[dreg:$0x9] =	wrdreg s25;
	v3 =	vsel vm14, $0x2000, v1  }
0x16: {  	[dreg:$0xa] =	wrdreg s1;
	s25 =	simm.s32 $0x280;
	s1 =	simm.s32 $0x0;
	v0 =	vimm.s32 $0x0;
	v1 =	vimm.s32 $0x27F;
	v3 =	vsel vm15, $0x4000, v3  }
.LBB2_23:
0x17: {  	_ =	swait.ge [sflag:s26], $0x280  }
0x18: {  	[sflag:s26] =	ssyncset.done $0x0  }
0x19: {  	[sflag:s26] =	ssyncadd.s32 $0xFFFFFD80  }
0x1a: {  	_ =	swait.ge [sflag:s26], $0x280  }
0x1b: {  	s1 =	rddreg [dreg:$0xe]  }
0x1c: {  	s0 =	rddreg [dreg:$0xc];
	s1 =	sadd.s32 $0x1, s1  }
0x1d: {  	p1 =	sne.s32 s1, s0  }
.Ltmp1:
0x1e: {  	_ = 	snop;
	(pc) =	sbr.rel @!p1 .LBB2_24-.Ltmp1, $3  }
0x1f: {  	_ =	sdelay $0x1  }
0x20: {  	[sflag:s26] =	ssyncset.done $0x0  }
0x21: {  	[sflag:s26] =	ssyncadd.s32 $0xFFFFFD80  }
.LBB2_1:
0x22: {  	[dreg:$0xe] =	wrdreg s1  }
0x23: {  	s0 =	rddreg [dreg:$0x5]  }
0x24: {  	[tilespmem:s18], [sflag:$0x3] =	stream.linear.gather [hbm4b:s0+s3], $0x2710, $0x38;
	[tilespmem:$0x1FE80] =	vst v63  }
0x25: {  	_ =	swait.ge [sflag:s19], $0x2710  }
0x26: {  	[sflag:s19] =	ssyncset.done $0x0  }
0x27: {  	s15 =	rddreg [dreg:$0x6];
	[sflag:s19] =	ssyncadd.s32 $0xFFFFD8F0  }
0x28: {  	[tilespmem:s20], [sflag:$0x3] =	stream.linear.gather [hbm4b:s15+s3], $0x2710, $0x38;
	[tilespmem:$0x1FE80] =	vst v63  }
0x29: {  	_ =	swait.ge [sflag:s19], $0x2710  }
0x2a: {  	[sflag:s19] =	ssyncset.done $0x0  }
0x2b: {  	s16 =	rddreg [dreg:$0x7];
	[sflag:s19] =	ssyncadd.s32 $0xFFFFD8F0  }
0x2c: {  	[tilespmem:s21], [sflag:$0x3] =	stream.linear.gather [hbm4b:s16+s3], $0x2710, $0x38;
	[tilespmem:$0x1FE80] =	vst v63  }
0x2d: {  	_ =	swait.ge [sflag:s19], $0x2710  }
0x2e: {  	[sflag:s19] =	ssyncset.done $0x0;
	s1 =	rddreg [dreg:$0x8]  }
0x2f: {  	s0 =	simm.s32 @!p0 $0x1C03;
	s7 =	rddreg [dreg:$0xd];
	[sflag:s19] =	ssyncadd.s32 $0xFFFFD8F0  }
0x30: {  	[spmem:s7], [sflag:s0] =	dma.local @!p0 [hbm:s1], $0x27100  }
0x31: {  	s0 =	simm.s32 @!p0 $0x3  }
0x32: {  	_ =	swait.ge @!p0 [sflag:s0], $0x27100  }
0x33: {  	[sflag:s0] =	ssyncset.done @!p0 $0x0  }
0x34: {  	[sflag:s0] =	ssyncadd.s32 @!p0 $0xFFFD8F00  }
.Ltmp2:
0x35: {  	[bflag:$0x0] =	sbarrier.arrive $0xFFFF;
	(pc) =	sbr.rel .LBB2_2-.Ltmp2, $4  }
0x36: {  	s17 =	rddreg [dreg:$0x9]  }
0x37: {  	[tilespmem:s3], [sflag:$0x1] =	stream.strided.gather [hbm4b:s17+s23], $0x280, s24, s23, $0x38;
	[tilespmem:$0x1FE80] =	vst v63  }
0x38: {  	s14 =	simm.s32 $0x0;
	s22 =	rddreg [dreg:$0xa]  }
0x39: {  	[tilespmem:s25], [sflag:$0x1] =	stream.strided.gather [hbm4b:s22+s23], $0x280, s24, s23, $0x38;
	[tilespmem:$0x1FE80] =	vst v63  }
.LBB2_21:
0x3a: {  	[sflag:s26] =	ssyncadd.s32 $0xFFFFF800  }
.LBB2_22:
0x3b: {  	v4 =	vld [tilespmem:$0xA00];
	_ =	sdelay $0x7  }
0x3c: {  	v5 =	vld.idx.msk [tilespmem:v4+s18+$0x0], $0xffff;
	_ =	sdelay $0x4  }
0x3d: {  	[tilespmem:$0x8480] =	vst v5  }
0x3e: {  	v5 =	vld.idx.msk [tilespmem:v4+s20+$0x0], $0xffff;
	_ =	sdelay $0x3  }
0x3f: {  	v6 =	vld [tilespmem:$0xA10]  }
0x40: {  	[tilespmem:$0x8500] =	vst v5  }
0x41: {  	v4 =	vld.idx.msk [tilespmem:v4+s21+$0x0], $0xffff;
	_ =	sdelay $0x4  }
0x42: {  	[tilespmem:$0x8580] =	vst v4  }
0x43: {  	v4 =	vld.idx.msk [tilespmem:v6+s18+$0x0], $0xffff;
	_ =	sdelay $0x4  }
0x44: {  	[tilespmem:$0x8490] =	vst v4  }
0x45: {  	v4 =	vld.idx.msk [tilespmem:v6+s20+$0x0], $0xffff;
	_ =	sdelay $0x3  }
0x46: {  	v5 =	vld [tilespmem:$0xA20]  }
0x47: {  	[tilespmem:$0x8510] =	vst v4  }
0x48: {  	v4 =	vld.idx.msk [tilespmem:v6+s21+$0x0], $0xffff;
	_ =	sdelay $0x4  }
0x49: {  	[tilespmem:$0x8590] =	vst v4  }
0x4a: {  	v4 =	vld.idx.msk [tilespmem:v5+s18+$0x0], $0xffff;
	_ =	sdelay $0x4  }
0x4b: {  	[tilespmem:$0x84A0] =	vst v4  }
0x4c: {  	v4 =	vld.idx.msk [tilespmem:v5+s20+$0x0], $0xffff;
	_ =	sdelay $0x3  }
0x4d: {  	v61 =	vld [tilespmem:$0xA30]  }
0x4e: {  	[tilespmem:$0x8520] =	vst v4  }
0x4f: {  	v4 =	vld.idx.msk [tilespmem:v5+s21+$0x0], $0xffff;
	_ =	sdelay $0x4  }
0x50: {  	[tilespmem:$0x85A0] =	vst v4  }
0x51: {  	v4 =	vld.idx.msk [tilespmem:v61+s18+$0x0], $0xffff;
	_ =	sdelay $0x4  }
0x52: {  	[tilespmem:$0x84B0] =	vst v4  }
0x53: {  	v4 =	vld.idx.msk [tilespmem:v61+s20+$0x0], $0xffff;
	_ =	sdelay $0x3  }
0x54: {  	v5 =	vld [tilespmem:$0xA40]  }
0x55: {  	[tilespmem:$0x8530] =	vst v4  }
0x56: {  	v4 =	vld.idx.msk [tilespmem:v61+s21+$0x0], $0xffff;
	_ =	sdelay $0x4  }
0x57: {  	[tilespmem:$0x85B0] =	vst v4  }
0x58: {  	v4 =	vld.idx.msk [tilespmem:v5+s18+$0x0], $0xffff;
	_ =	sdelay $0x4  }
0x59: {  	[tilespmem:$0x84C0] =	vst v4  }
0x5a: {  	v4 =	vld.idx.msk [tilespmem:v5+s20+$0x0], $0xffff;
	_ =	sdelay $0x3  }
0x5b: {  	v62 =	vld [tilespmem:$0xA50]  }
0x5c: {  	[tilespmem:$0x8540] =	vst v4  }
0x5d: {  	v4 =	vld.idx.msk [tilespmem:v5+s21+$0x0], $0xffff;
	_ =	sdelay $0x4  }
0x5e: {  	[tilespmem:$0x85C0] =	vst v4  }
0x5f: {  	v4 =	vld.idx.msk [tilespmem:v62+s18+$0x0], $0xffff;
	_ =	sdelay $0x4  }
0x60: {  	[tilespmem:$0x84D0] =	vst v4  }
0x61: {  	v4 =	vld.idx.msk [tilespmem:v62+s20+$0x0], $0xffff;
	_ =	sdelay $0x3  }
0x62: {  	v5 =	vld [tilespmem:$0xA60]  }
0x63: {  	[tilespmem:$0x8550] =	vst v4  }
0x64: {  	v4 =	vld.idx.msk [tilespmem:v62+s21+$0x0], $0xffff;
	_ =	sdelay $0x4  }
0x65: {  	[tilespmem:$0x85D0] =	vst v4  }
0x66: {  	v4 =	vld.idx.msk [tilespmem:v5+s18+$0x0], $0xffff;
	_ =	sdelay $0x4  }
0x67: {  	[tilespmem:$0x84E0] =	vst v4  }
0x68: {  	v4 =	vld.idx.msk [tilespmem:v5+s20+$0x0], $0xffff;
	_ =	sdelay $0x3  }
0x69: {  	v63 =	vld [tilespmem:$0xA70]  }
0x6a: {  	[tilespmem:$0x8560] =	vst v4  }
0x6b: {  	v4 =	vld.idx.msk [tilespmem:v5+s21+$0x0], $0xffff;
	_ =	sdelay $0x4  }
0x6c: {  	[tilespmem:$0x85E0] =	vst v4  }
0x6d: {  	v4 =	vld.idx.msk [tilespmem:v63+s18+$0x0], $0xffff;
	_ =	sdelay $0x4  }
0x6e: {  	[tilespmem:$0x84F0] =	vst v4  }
0x6f: {  	v4 =	vld.idx.msk [tilespmem:v63+s20+$0x0], $0xffff;
	_ =	sdelay $0x4  }
0x70: {  	[tilespmem:$0x8570] =	vst v4  }
0x71: {  	v4 =	vld.idx.msk [tilespmem:v63+s21+$0x0], $0xffff;
	_ =	sdelay $0x2  }
0x72: {  	s0 =	sshll.u32 s17, $0xB  }
0x73: {  	s0 =	sand.u32 $0x1FFFF800, s0  }
0x74: {  	s16 =	sshll.u32 s15, $0xA;
	s0 =	sadd.s32 s9, s0;
	[tilespmem:$0x85F0] =	vst v4  }
0x75: {  	[hbm4b:s0+s3] =	stream.linear.scatter [tilespmem:s10], [sflag:$0x3], $0x4000, $0x38;
	[tilespmem:$0x1FE80] =	vst v63  }
0x76: {  	s0 =	sor.u32 s16, s22;
	_ =	swait.ge [sflag:s19], $0x4000  }
0x77: {  	s0 =	sshrl.u32 s0, $0x3;
	[sflag:s19] =	ssyncset.done $0x0  }
0x78: {  	s7 =	simm.s32 $0x8480;
	s1 =	sadd.s32 s31, s0;
	[sflag:s19] =	ssyncadd.s32 $0xFFFFC000  }
0x79: {  	[hbm4b:s1+s3] =	stream.linear.scatter [tilespmem:s7], [sflag:$0x3], $0x80, $0x38;
	[tilespmem:$0x1FE80] =	vst v63  }
0x7a: {  	_ =	swait.ge [sflag:s19], $0x80  }
0x7b: {  	[sflag:s19] =	ssyncset.done $0x0  }
0x7c: {  	s22 =	simm.s32 $0x8500;
	s17 =	sadd.s32 s6, s0;
	[sflag:s19] =	ssyncadd.s32 $0xFFFFFF80  }
0x7d: {  	[hbm4b:s17+s3] =	stream.linear.scatter [tilespmem:s22], [sflag:$0x3], $0x80, $0x38;
	[tilespmem:$0x1FE80] =	vst v63  }
0x7e: {  	s14 =	sadd.s32 $0x1, s14;
	_ =	swait.ge [sflag:s19], $0x80  }
0x7f: {  	p1 =	sne.s32 s14, $0x20;
	[sflag:s19] =	ssyncset.done $0x0  }
.Ltmp3:
0x80: {  	s0 =	sadd.s32 s8, s0;
	[sflag:s19] =	ssyncadd.s32 $0xFFFFFF80;
	(pc) =	sbr.rel @!p1 .LBB2_23-.Ltmp3, $4  }
0x81: {  	[hbm4b:s0+s3] =	stream.linear.scatter [tilespmem:s11], [sflag:$0x3], $0x80, $0x38;
	[tilespmem:$0x1FE80] =	vst v63  }
0x82: {  	_ =	swait.ge [sflag:s19], $0x80  }
0x83: {  	[sflag:s19] =	ssyncset.done $0x0  }
0x84: {  	[sflag:s19] =	ssyncadd.s32 $0xFFFFFF80  }
.LBB2_2:
0x85: {  	s0 =	sshll.u32 s14, $0x1;
	s1 =	rddreg [dreg:$0x4]  }
0x86: {  	s13 =	sadd.s32 s1, s0  }
0x87: {  	_ =	swait.ge [sflag:s26], $0x280;
	s17 =	sor.u32 $0x1, s13;
	s15 =	sshrl.u32 s13, $0x3  }
0x88: {  	[sflag:s26] =	ssyncset.done $0x0;
	s1 =	sshll.u32 s17, $0x7;
	s7 =	smul.u32 $0x1400, s15  }
0x89: {  	[sflag:s26] =	ssyncadd.s32 $0xFFFFFD80;
	s22 =	sand.u32 $0x380, s1  }
0x8a: {  	_ =	swait.ge [sflag:s26], $0x280;
	s0 =	sor.u32 s7, s22  }
0x8b: {  	[sflag:s26] =	ssyncset.done $0x0;
	s0 =	sshrl.u32 s0, $0x3  }
0x8c: {  	[sflag:s26] =	ssyncadd.s32 $0xFFFFFD80;
	s16 =	sadd.s32 s4, s0  }
0x8d: {  	[tilespmem:s28], [sflag:$0x2] =	stream.strided.gather [hbm4b:s16+s23], $0x280, s24, s23, $0x38;
	[tilespmem:$0x1FE80] =	vst v63  }
0x8e: {  	s0 =	sadd.s32 s5, s0  }
0x8f: {  	[tilespmem:s29], [sflag:$0x2] =	stream.strided.gather [hbm4b:s0+s23], $0x280, s24, s23, $0x38;
	[tilespmem:$0x1FE80] =	vst v63  }
0x90: {  	[tilespmem:$0xA00] =	vst v0  }
0x91: {  	[tilespmem:$0xA10] =	vst v0  }
0x92: {  	[tilespmem:$0xA20] =	vst v0  }
0x93: {  	[tilespmem:$0xA30] =	vst v0  }
0x94: {  	[tilespmem:$0xA40] =	vst v0  }
0x95: {  	[tilespmem:$0xA50] =	vst v0  }
0x96: {  	[tilespmem:$0xA60] =	vst v0  }
0x97: {  	[tilespmem:$0xA70] =	vst v0  }
0x98: {  	[tilespmem:$0xB00] =	vst v1  }
0x99: {  	[tilespmem:$0xB10] =	vst v1  }
0x9a: {  	[tilespmem:$0xB20] =	vst v1  }
0x9b: {  	[tilespmem:$0xB30] =	vst v1  }
0x9c: {  	[tilespmem:$0xB40] =	vst v1  }
0x9d: {  	[tilespmem:$0xB50] =	vst v1  }
0x9e: {  	[tilespmem:$0xB60] =	vst v1  }
0x9f: {  	[tilespmem:$0xB70] =	vst v1  }
0xa0: {  	[tilespmem:$0xB80] =	vst v1  }
0xa1: {  	[tilespmem:$0xB90] =	vst v1  }
0xa2: {  	[tilespmem:$0xBA0] =	vst v1  }
0xa3: {  	[tilespmem:$0xBB0] =	vst v1  }
0xa4: {  	[tilespmem:$0xBC0] =	vst v1  }
0xa5: {  	[tilespmem:$0xBD0] =	vst v1  }
0xa6: {  	[tilespmem:$0xBE0] =	vst v1  }
0xa7: {  	[tilespmem:$0xBF0] =	vst v1  }
0xa8: {  	[tilespmem:$0xC00] =	vst v1  }
0xa9: {  	[tilespmem:$0xC10] =	vst v1  }
0xaa: {  	[tilespmem:$0xC20] =	vst v1  }
0xab: {  	[tilespmem:$0xC30] =	vst v1  }
0xac: {  	[tilespmem:$0xC40] =	vst v1  }
0xad: {  	[tilespmem:$0xC50] =	vst v1  }
0xae: {  	[tilespmem:$0xC60] =	vst v1  }
0xaf: {  	[tilespmem:$0xC70] =	vst v1  }
0xb0: {  	[tilespmem:$0xC80] =	vst v1  }
0xb1: {  	[tilespmem:$0xC90] =	vst v1  }
0xb2: {  	[tilespmem:$0xCA0] =	vst v1  }
0xb3: {  	[tilespmem:$0xCB0] =	vst v1  }
0xb4: {  	[tilespmem:$0xCC0] =	vst v1  }
0xb5: {  	[tilespmem:$0xCD0] =	vst v1  }
0xb6: {  	[tilespmem:$0xCE0] =	vst v1  }
0xb7: {  	[tilespmem:$0xCF0] =	vst v1  }
0xb8: {  	[tilespmem:$0xD00] =	vst v1  }
0xb9: {  	[tilespmem:$0xD10] =	vst v1  }
0xba: {  	[tilespmem:$0xD20] =	vst v1  }
0xbb: {  	[tilespmem:$0xD30] =	vst v1  }
0xbc: {  	[tilespmem:$0xD40] =	vst v1  }
0xbd: {  	[tilespmem:$0xD50] =	vst v1  }
0xbe: {  	[tilespmem:$0xD60] =	vst v1  }
0xbf: {  	[tilespmem:$0xD70] =	vst v1  }
0xc0: {  	s1 =	simm.s32 $0x0;
	[tilespmem:$0xD80] =	vst v1  }
0xc1: {  	v4 =	vld [tilespmem:s1+$0x0];
	_ =	sdelay $0x4  }
0xc2: {  	vm0 =	vne.s32 v4, $0x0  }
0xc3: {  	v4 =	vmpcnt.ones.xlane vm0;
	_ =	sdelay $0x1  }
0xc4: {  	(v2sf) =	vpush v4, $0x0;
	_ =	sdelay $0x5  }
0xc5: {  	v5 =	vor.u32 s1, v2  }
0xc6: {  	s16 =	simm.s32 $0x10;
	[tilespmem:s1+$0xB00] =	vst.msk vm0, v5  }
0xc7: {  	s10 =	smov.u32 s31;
	s31 =	simm.s32 $0x10;
	s7 =	simm.s32 $0x20;
	v4 =	vld [tilespmem:s16+$0x0]  }
.LBB2_3:
0xc8: {  	p1 =	sne.s32 s7, $0x270;
	_ =	sdelay $0x3  }
0xc9: {  	vm0 =	vne.s32 v4, $0x0  }
0xca: {  	v4 =	vmpcnt.ones.xlane vm0  }
0xcb: {  	s0 =	spop (v2sf)  }
0xcc: {  	v5 =	vor.u32 s16, v2;
	s16 =	smov.u32 s7;
	(v2sf) =	vpush v4, $0x0;
	s1 =	sadd.s32 s1, s0  }
0xcd: {  	[tilespmem:s1+$0xB00] =	vst.msk vm0, v5;
	_ =	sdelay $0x2  }
.Ltmp4:
0xce: {  	(pc) =	sbr.rel @p1 .LBB2_3-.Ltmp4, $3  }
0xcf: {  	_ =	sdelay $0x1  }
0xd0: {  	s31 =	sadd.s32 $0x10, s31  }
0xd1: {  	s7 =	sadd.s32 $0x10, s7;
	v4 =	vld [tilespmem:s31+$0x0]  }
0xd2: {  	_ =	sdelay $0x3  }
0xd3: {  	vm0 =	vne.s32 v4, $0x0  }
0xd4: {  	v4 =	vmpcnt.ones.xlane vm0;
	_ =	sdelay $0x1  }
0xd5: {  	(v2sf) =	vpush v4, $0x0;
	_ =	sdelay $0xd  }
0xd6: {  	s0 =	spop (v2sf)  }
0xd7: {  	s0 =	sadd.s32 s1, s0;
	s31 =	spop (v2sf)  }
0xd8: {  	s1 =	sadd.s32 s0, s31  }
0xd9: {  	s1 =	sadd.s32 $0xF, s1  }
0xda: {  	s7 =	sshra.s32 s1, $0x4  }
0xdb: {  	p1 =	slt.s32 s7, $0x1  }
.Ltmp5:
0xdc: {  	_ = 	snop;
	(pc) =	sbr.rel @p1 .LBB2_8-.Ltmp5, $3  }
0xdd: {  	_ =	sdelay $0x1  }
0xde: {  	v4 =	vor.u32 s16, v2  }
0xdf: {  	[tilespmem:s0+$0xB00] =	vst.msk vm0, v4;
	s1 =	simm.s32 $0xB00  }
0xe0: {  	v4 =	vld [tilespmem:s1+$0x0];
	_ =	sdelay $0x4  }
0xe1: {  	v15 =	vshll.u32 v4, $0x4  }
0xe2: {  	v20 =	vbroadcast v15, $0x0  }
0xe3: {  	v22 =	vbroadcast v15, $0x1;
	v26 =	vbroadcast v15, $0x2  }
0xe4: {  	v27 =	vbroadcast v15, $0x3;
	v5 =	vbroadcast v15, $0x4;
	v16 =	vld.idx.msk [tilespmem:v4+s25+$0x0], $0xffff  }
0xe5: {  	v13 =	vbroadcast v15, $0x5;
	v12 =	vbroadcast v15, $0x6  }
0xe6: {  	v11 =	vbroadcast v15, $0x7;
	v10 =	vbroadcast v15, $0x8  }
0xe7: {  	v9 =	vbroadcast v15, $0x9;
	v8 =	vbroadcast v15, $0xA;
	v28 =	vld.idx.msk [tilespmem:v4+s3+$0x0], $0xffff  }
0xe8: {  	(v2sf) =	vpush v15, $0xF;
	v7 =	vbroadcast v15, $0xB;
	v6 =	vbroadcast v15, $0xC  }
0xe9: {  	v14 =	vor.u32 v2, v5;
	v5 =	vbroadcast v15, $0xD;
	v29 =	vadd.s32 $0xA00, v16  }
0xea: {  	v4 =	vbroadcast v15, $0xE;
	v63 =	vor.u32 v2, v20;
	(v2sf) =	vpush v29, $0x1  }
0xeb: {  	v26 =	vor.u32 v2, v26;
	v27 =	vor.u32 v2, v27;
	(v2sf) =	vpush v29, $0x0  }
0xec: {  	v15 =	vbroadcast v28, $0x0;
	v18 =	vbroadcast v28, $0x8;
	(v2sf) =	vpush v29, $0x2  }
0xed: {  	v16 =	vbroadcast v28, $0x3;
	v17 =	vbroadcast v28, $0x4;
	(v2sf) =	vpush v29, $0x3  }
0xee: {  	v19 =	vbroadcast v28, $0x1;
	v21 =	vbroadcast v28, $0x7;
	(v2sf) =	vpush v29, $0x4  }
0xef: {  	v23 =	vbroadcast v28, $0xB;
	v34 =	vbroadcast v28, $0xD;
	(v2sf) =	vpush v29, $0x5  }
0xf0: {  	v35 =	vbroadcast v28, $0xE;
	v30 =	vand.u32 v3, v15;
	(v2sf) =	vpush v29, $0x6  }
0xf1: {  	v15 =	vbroadcast v28, $0x2;
	v31 =	vand.u32 v3, v19;
	(v2sf) =	vpush v29, $0x7  }
0xf2: {  	v32 =	vand.u32 v3, v16;
	v16 =	vbroadcast v28, $0x9;
	(v2sf) =	vpush v29, $0x8  }
0xf3: {  	v19 =	vbroadcast v28, $0xA;
	v17 =	vand.u32 v3, v17;
	(v2sf) =	vpush v29, $0x9  }
0xf4: {  	v21 =	vand.u32 v3, v21;
	v20 =	vand.u32 v3, v35;
	(v2sf) =	vpush v29, $0xA  }
0xf5: {  	vm0 =	vne.s32 v17, $0x0;
	v33 =	vand.u32 v3, v15;
	(v2sf) =	vpush v29, $0xB  }
0xf6: {  	v15 =	vand.u32 v3, v16;
	v16 =	vbroadcast v28, $0x5;
	(v2sf) =	vpush v29, $0xC  }
0xf7: {  	p1 =	sne.s32 s7, $0x1;
	v17 =	vand.u32 v3, v19;
	v19 =	vbroadcast v28, $0x6;
	(v2sf) =	vpush v29, $0xD  }
.Ltmp6:
0xf8: {  	v24 =	vand.u32 v3, v16;
	v16 =	vand.u32 v3, v23;
	s16 =	spop (v2sf);
	(v2sf) =	vpush v29, $0xE;
	(pc) =	sbr.rel @!p1 .LBB2_7-.Ltmp6, $4  }
0xf9: {  	v23 =	vand.u32 v3, v18;
	v18 =	vbroadcast v28, $0xC;
	s0 =	spop (v2sf);
	(v2sf) =	vpush v29, $0xF  }
0xfa: {  	vm1 =	vne.s32 v30, $0x0;
	vm2 =	vne.s32 v31, $0x0;
	v25 =	vand.u32 v3, v19;
	s31 =	spop (v2sf)  }
0xfb: {  	v19 =	vand.u32 v3, v18;
	v18 =	vand.u32 v3, v34;
	v29 =	vor.u32 v2, v22;
	[tilespmem:s31+$0x0] =	vst.msk vm1, v63;
	s31 =	spop (v2sf)  }
0xfc: {  	s7 =	sadd.s32 $0xFFFFFFFF, s7;
	v22 =	vbroadcast v28, $0xF;
	vm1 =	vne.s32 v33, $0x0;
	[tilespmem:s0+$0x0] =	vst.msk vm2, v29;
	vm2 =	vne.s32 v32, $0x0;
	s0 =	spop (v2sf)  }
.LBB2_6:
0xfd: {  	p1 =	sne.s32 s7, $0x1;
	[tilespmem:s31+$0x0] =	vst.msk vm1, v26;
	s1 =	sadd.s32 $0x10, s1;
	s31 =	spop (v2sf)  }
0xfe: {  	s7 =	sadd.s32 $0xFFFFFFFF, s7;
	vm1 =	vne.s32 v24, $0x0;
	v13 =	vor.u32 v2, v13;
	[tilespmem:s0+$0x0] =	vst.msk vm2, v27;
	s0 =	spop (v2sf)  }
0xff: {  	v12 =	vor.u32 v2, v12;
	[tilespmem:s31+$0x0] =	vst.msk vm0, v14;
	vm0 =	vne.s32 v25, $0x0;
	s31 =	spop (v2sf)  }
0x100: {  	v11 =	vor.u32 v2, v11;
	[tilespmem:s0+$0x0] =	vst.msk vm1, v13;
	vm1 =	vne.s32 v21, $0x0;
	s0 =	spop (v2sf)  }
0x101: {  	v10 =	vor.u32 v2, v10;
	[tilespmem:s31+$0x0] =	vst.msk vm0, v12;
	vm0 =	vne.s32 v23, $0x0;
	s31 =	spop (v2sf)  }
0x102: {  	v9 =	vor.u32 v2, v9;
	[tilespmem:s0+$0x0] =	vst.msk vm1, v11;
	vm1 =	vne.s32 v15, $0x0;
	s0 =	spop (v2sf)  }
0x103: {  	v8 =	vor.u32 v2, v8;
	[tilespmem:s31+$0x0] =	vst.msk vm0, v10;
	vm0 =	vne.s32 v17, $0x0;
	s31 =	spop (v2sf)  }
0x104: {  	v7 =	vor.u32 v2, v7;
	[tilespmem:s0+$0x0] =	vst.msk vm1, v9;
	vm1 =	vne.s32 v16, $0x0;
	s0 =	spop (v2sf)  }
0x105: {  	v6 =	vor.u32 v2, v6;
	[tilespmem:s31+$0x0] =	vst.msk vm0, v8;
	vm0 =	vne.s32 v19, $0x0;
	s31 =	spop (v2sf)  }
0x106: {  	v5 =	vor.u32 v2, v5;
	[tilespmem:s0+$0x0] =	vst.msk vm1, v7;
	vm1 =	vne.s32 v18, $0x0;
	s0 =	spop (v2sf)  }
0x107: {  	v4 =	vor.u32 v2, v4;
	[tilespmem:s31+$0x0] =	vst.msk vm0, v6;
	vm0 =	vne.s32 v20, $0x0;
	v6 =	vand.u32 v3, v22;
	s31 =	spop (v2sf)  }
0x108: {  	[tilespmem:s0+$0x0] =	vst.msk vm1, v5;
	vm1 =	vne.s32 v6, $0x0;
	v5 =	vor.u32 s16, v2;
	s0 =	spop (v2sf)  }
0x109: {  	[tilespmem:s31+$0x0] =	vst.msk vm0, v4  }
0x10a: {  	[tilespmem:s0+$0x0] =	vst.msk vm1, v5  }
0x10b: {  	v4 =	vld [tilespmem:s1+$0x0];
	_ =	sdelay $0x4  }
0x10c: {  	v15 =	vshll.u32 v4, $0x4  }
0x10d: {  	v20 =	vbroadcast v15, $0x0;
	v22 =	vbroadcast v15, $0x1;
	(v2sf) =	vpush v15, $0xF  }
0x10e: {  	v26 =	vbroadcast v15, $0x2;
	v27 =	vbroadcast v15, $0x3  }
0x10f: {  	v5 =	vbroadcast v15, $0x4;
	v13 =	vbroadcast v15, $0x5;
	v16 =	vld.idx.msk [tilespmem:v4+s25+$0x0], $0xffff  }
0x110: {  	v12 =	vbroadcast v15, $0x6;
	v11 =	vbroadcast v15, $0x7;
	v28 =	vld.idx.msk [tilespmem:v4+s3+$0x0], $0xffff  }
0x111: {  	v10 =	vbroadcast v15, $0x8;
	v9 =	vbroadcast v15, $0x9;
	v14 =	vor.u32 v2, v5  }
0x112: {  	v8 =	vbroadcast v15, $0xA;
	v7 =	vbroadcast v15, $0xB  }
0x113: {  	v6 =	vbroadcast v15, $0xC;
	v5 =	vbroadcast v15, $0xD  }
0x114: {  	v4 =	vbroadcast v15, $0xE  }
0x115: {  	v29 =	vadd.s32 $0xA00, v16  }
0x116: {  	v15 =	vbroadcast v28, $0x0;
	v18 =	vbroadcast v28, $0x8;
	(v2sf) =	vpush v29, $0x1  }
0x117: {  	v16 =	vbroadcast v28, $0x3;
	v17 =	vbroadcast v28, $0x4;
	(v2sf) =	vpush v29, $0x0  }
0x118: {  	v19 =	vbroadcast v28, $0x1;
	v21 =	vbroadcast v28, $0x7;
	(v2sf) =	vpush v29, $0x2  }
0x119: {  	v30 =	vand.u32 v3, v15;
	v15 =	vbroadcast v28, $0x2;
	(v2sf) =	vpush v29, $0x3  }
0x11a: {  	v31 =	vand.u32 v3, v19;
	v32 =	vand.u32 v3, v16;
	(v2sf) =	vpush v29, $0x4  }
0x11b: {  	v16 =	vbroadcast v28, $0x9;
	v19 =	vbroadcast v28, $0xA;
	(v2sf) =	vpush v29, $0x5  }
0x11c: {  	v23 =	vbroadcast v28, $0xB;
	v33 =	vand.u32 v3, v15;
	(v2sf) =	vpush v29, $0x6;
	s16 =	spop (v2sf)  }
0x11d: {  	v17 =	vand.u32 v3, v17;
	v15 =	vand.u32 v3, v16;
	(v2sf) =	vpush v29, $0x7  }
0x11e: {  	vm0 =	vne.s32 v17, $0x0;
	v16 =	vbroadcast v28, $0x5;
	(v2sf) =	vpush v29, $0x8  }
0x11f: {  	v21 =	vand.u32 v3, v21;
	v17 =	vand.u32 v3, v19;
	(v2sf) =	vpush v29, $0x9  }
0x120: {  	v24 =	vand.u32 v3, v16;
	v16 =	vand.u32 v3, v23;
	(v2sf) =	vpush v29, $0xA  }
0x121: {  	v19 =	vbroadcast v28, $0x6;
	v23 =	vand.u32 v3, v18;
	(v2sf) =	vpush v29, $0xB  }
0x122: {  	v34 =	vbroadcast v28, $0xD;
	v18 =	vbroadcast v28, $0xC;
	(v2sf) =	vpush v29, $0xC  }
0x123: {  	v35 =	vbroadcast v28, $0xE;
	v25 =	vand.u32 v3, v19;
	(v2sf) =	vpush v29, $0xD  }
.Ltmp7:
0x124: {  	v19 =	vand.u32 v3, v18;
	v18 =	vand.u32 v3, v34;
	(v2sf) =	vpush v29, $0xE;
	(pc) =	sbr.rel @p1 .LBB2_6-.Ltmp7, $4  }
0x125: {  	vm1 =	vne.s32 v30, $0x0;
	v30 =	vor.u32 v2, v20;
	s0 =	spop (v2sf);
	(v2sf) =	vpush v29, $0xF  }
0x126: {  	vm2 =	vne.s32 v31, $0x0;
	v20 =	vand.u32 v3, v35;
	v29 =	vor.u32 v2, v22;
	s31 =	spop (v2sf)  }
0x127: {  	v26 =	vor.u32 v2, v26;
	v22 =	vbroadcast v28, $0xF;
	[tilespmem:s31+$0x0] =	vst.msk vm1, v30;
	vm1 =	vne.s32 v33, $0x0;
	s31 =	spop (v2sf)  }
0x128: {  	v27 =	vor.u32 v2, v27;
	[tilespmem:s0+$0x0] =	vst.msk vm2, v29;
	vm2 =	vne.s32 v32, $0x0;
	s0 =	spop (v2sf)  }
.LBB2_7:
0x129: {  	[tilespmem:s31+$0x0] =	vst.msk vm1, v26  }
0x12a: {  	s1 =	spop (v2sf);
	[tilespmem:s0+$0x0] =	vst.msk vm2, v27  }
0x12b: {  	vm5 =	vne.s32 v24, $0x0;
	v13 =	vor.u32 v2, v13;
	s31 =	spop (v2sf);
	[tilespmem:s1+$0x0] =	vst.msk vm0, v14  }
0x12c: {  	vm6 =	vne.s32 v25, $0x0;
	v12 =	vor.u32 v2, v12;
	s7 =	spop (v2sf);
	[tilespmem:s31+$0x0] =	vst.msk vm5, v13  }
0x12d: {  	vm7 =	vne.s32 v21, $0x0;
	v11 =	vor.u32 v2, v11;
	s31 =	spop (v2sf);
	[tilespmem:s7+$0x0] =	vst.msk vm6, v12  }
0x12e: {  	vm8 =	vne.s32 v23, $0x0;
	v10 =	vor.u32 v2, v10;
	s7 =	spop (v2sf);
	[tilespmem:s31+$0x0] =	vst.msk vm7, v11  }
0x12f: {  	vm9 =	vne.s32 v15, $0x0;
	v9 =	vor.u32 v2, v9;
	s31 =	spop (v2sf);
	[tilespmem:s7+$0x0] =	vst.msk vm8, v10  }
0x130: {  	vm10 =	vne.s32 v17, $0x0;
	v8 =	vor.u32 v2, v8;
	s7 =	spop (v2sf);
	[tilespmem:s31+$0x0] =	vst.msk vm9, v9  }
0x131: {  	vm11 =	vne.s32 v16, $0x0;
	v7 =	vor.u32 v2, v7;
	s31 =	spop (v2sf);
	[tilespmem:s7+$0x0] =	vst.msk vm10, v8  }
0x132: {  	vm12 =	vne.s32 v19, $0x0;
	v6 =	vor.u32 v2, v6;
	s7 =	spop (v2sf);
	[tilespmem:s31+$0x0] =	vst.msk vm11, v7  }
0x133: {  	vm13 =	vne.s32 v18, $0x0;
	v5 =	vor.u32 v2, v5;
	s31 =	spop (v2sf);
	[tilespmem:s7+$0x0] =	vst.msk vm12, v6  }
0x134: {  	vm14 =	vne.s32 v20, $0x0;
	v4 =	vor.u32 v2, v4;
	v63 =	vand.u32 v3, v22;
	s7 =	spop (v2sf);
	[tilespmem:s31+$0x0] =	vst.msk vm13, v5  }
0x135: {  	vm15 =	vne.s32 v63, $0x0;
	v5 =	vor.u32 s16, v2;
	s31 =	spop (v2sf);
	[tilespmem:s7+$0x0] =	vst.msk vm14, v4  }
0x136: {  	[tilespmem:s31+$0x0] =	vst.msk vm15, v5  }
.LBB2_8:
0x137: {  	v4 =	vld [tilespmem:$0x4F0];
	_ =	sdelay $0x4  }
0x138: {  	(v2sf) =	vpush v4, $0x1;
	_ =	sdelay $0xe  }
0x139: {  	s0 =	spop (v2sf)  }
0x13a: {  	s0 =	sadd.s32 $0xF, s0  }
0x13b: {  	s0 =	sshra.s32 s0, $0x4  }
0x13c: {  	p1 =	slt.s32 s0, $0x1  }
.Ltmp8:
0x13d: {  	_ = 	snop;
	(pc) =	sbr.rel @p1 .LBB2_12-.Ltmp8, $2  }
0x13e: {  	_ =	sdelay $0x2  }
0x13f: {  	s31 =	smov.u32 s10;
	s10 =	simm.s32 $0x8600  }
0x140: {  	p1 =	sne.s32 s0, $0x1  }
.Ltmp9:
0x141: {  	_ = 	snop;
	(pc) =	sbr.rel @!p1 .LBB2_11-.Ltmp9, $4  }
0x142: {  	s1 =	simm.s32 $0xA00;
	s7 =	simm.s32 $0x8600  }
0x143: {  	[tilespmem:s7], [sflag:$0x1] =	stream.indirect.gather [spmem:s2], $0x80, s1, s30, $0xb8;
	[tilespmem:$0x1FE80] =	vst v63  }
0x144: {  	_ =	swait.ge [sflag:s26], $0x800  }
0x145: {  	s16 =	sadd.s32 $0xFFFFFFFF, s0;
	[sflag:s26] =	ssyncset.done $0x0  }
.LBB2_10:
0x146: {  	[sflag:s26] =	ssyncadd.s32 $0xFFFFF800  }
0x147: {  	s1 =	sadd.s32 $0x10, s1;
	s7 =	sadd.s32 $0x800, s7;
	p1 =	sne.s32 s16, $0x1  }
.Ltmp10:
0x148: {  	s16 =	sadd.s32 $0xFFFFFFFF, s16;
	(pc) =	sbr.rel @p1 .LBB2_10-.Ltmp10, $4  }
0x149: {  	_ = 	snop  }
0x14a: {  	[tilespmem:s7], [sflag:$0x1] =	stream.indirect.gather [spmem:s2], $0x80, s1, s30, $0xb8;
	[tilespmem:$0x1FE80] =	vst v63  }
0x14b: {  	_ =	swait.ge [sflag:s26], $0x800  }
0x14c: {  	[sflag:s26] =	ssyncset.done $0x0  }
.LBB2_11:
0x14d: {  	[sflag:s26] =	ssyncadd.s32 $0xFFFFF800  }
.LBB2_12:
0x14e: {  	v4 =	vld [tilespmem:$0xA00];
	_ =	sdelay $0x7  }
0x14f: {  	v5 =	vld.idx.msk [tilespmem:v4+s18+$0x0], $0xffff;
	_ =	sdelay $0x4  }
0x150: {  	[tilespmem:$0x8480] =	vst v5  }
0x151: {  	v5 =	vld.idx.msk [tilespmem:v4+s20+$0x0], $0xffff;
	_ =	sdelay $0x3  }
0x152: {  	v6 =	vld [tilespmem:$0xA10]  }
0x153: {  	[tilespmem:$0x8500] =	vst v5  }
0x154: {  	v4 =	vld.idx.msk [tilespmem:v4+s21+$0x0], $0xffff;
	_ =	sdelay $0x4  }
0x155: {  	[tilespmem:$0x8580] =	vst v4  }
0x156: {  	v4 =	vld.idx.msk [tilespmem:v6+s18+$0x0], $0xffff;
	_ =	sdelay $0x4  }
0x157: {  	[tilespmem:$0x8490] =	vst v4  }
0x158: {  	v4 =	vld.idx.msk [tilespmem:v6+s20+$0x0], $0xffff;
	_ =	sdelay $0x3  }
0x159: {  	v5 =	vld [tilespmem:$0xA20]  }
0x15a: {  	[tilespmem:$0x8510] =	vst v4  }
0x15b: {  	v4 =	vld.idx.msk [tilespmem:v6+s21+$0x0], $0xffff;
	_ =	sdelay $0x4  }
0x15c: {  	[tilespmem:$0x8590] =	vst v4  }
0x15d: {  	v4 =	vld.idx.msk [tilespmem:v5+s18+$0x0], $0xffff;
	_ =	sdelay $0x4  }
0x15e: {  	[tilespmem:$0x84A0] =	vst v4  }
0x15f: {  	v4 =	vld.idx.msk [tilespmem:v5+s20+$0x0], $0xffff;
	_ =	sdelay $0x3  }
0x160: {  	v6 =	vld [tilespmem:$0xA30]  }
0x161: {  	[tilespmem:$0x8520] =	vst v4  }
0x162: {  	v4 =	vld.idx.msk [tilespmem:v5+s21+$0x0], $0xffff;
	_ =	sdelay $0x4  }
0x163: {  	[tilespmem:$0x85A0] =	vst v4  }
0x164: {  	v4 =	vld.idx.msk [tilespmem:v6+s18+$0x0], $0xffff;
	_ =	sdelay $0x4  }
0x165: {  	[tilespmem:$0x84B0] =	vst v4  }
0x166: {  	v4 =	vld.idx.msk [tilespmem:v6+s20+$0x0], $0xffff;
	_ =	sdelay $0x3  }
0x167: {  	v5 =	vld [tilespmem:$0xA40]  }
0x168: {  	[tilespmem:$0x8530] =	vst v4  }
0x169: {  	v4 =	vld.idx.msk [tilespmem:v6+s21+$0x0], $0xffff;
	_ =	sdelay $0x4  }
0x16a: {  	[tilespmem:$0x85B0] =	vst v4  }
0x16b: {  	v4 =	vld.idx.msk [tilespmem:v5+s18+$0x0], $0xffff;
	_ =	sdelay $0x4  }
0x16c: {  	[tilespmem:$0x84C0] =	vst v4  }
0x16d: {  	v4 =	vld.idx.msk [tilespmem:v5+s20+$0x0], $0xffff;
	_ =	sdelay $0x3  }
0x16e: {  	v6 =	vld [tilespmem:$0xA50]  }
0x16f: {  	[tilespmem:$0x8540] =	vst v4  }
0x170: {  	v4 =	vld.idx.msk [tilespmem:v5+s21+$0x0], $0xffff;
	_ =	sdelay $0x4  }
0x171: {  	[tilespmem:$0x85C0] =	vst v4  }
0x172: {  	v4 =	vld.idx.msk [tilespmem:v6+s18+$0x0], $0xffff;
	_ =	sdelay $0x4  }
0x173: {  	[tilespmem:$0x84D0] =	vst v4  }
0x174: {  	v4 =	vld.idx.msk [tilespmem:v6+s20+$0x0], $0xffff;
	_ =	sdelay $0x3  }
0x175: {  	v5 =	vld [tilespmem:$0xA60]  }
0x176: {  	[tilespmem:$0x8550] =	vst v4  }
0x177: {  	v4 =	vld.idx.msk [tilespmem:v6+s21+$0x0], $0xffff;
	_ =	sdelay $0x4  }
0x178: {  	[tilespmem:$0x85D0] =	vst v4  }
0x179: {  	v4 =	vld.idx.msk [tilespmem:v5+s18+$0x0], $0xffff;
	_ =	sdelay $0x4  }
0x17a: {  	[tilespmem:$0x84E0] =	vst v4  }
0x17b: {  	v4 =	vld.idx.msk [tilespmem:v5+s20+$0x0], $0xffff;
	_ =	sdelay $0x3  }
0x17c: {  	v6 =	vld [tilespmem:$0xA70]  }
0x17d: {  	[tilespmem:$0x8560] =	vst v4  }
0x17e: {  	v4 =	vld.idx.msk [tilespmem:v5+s21+$0x0], $0xffff;
	_ =	sdelay $0x4  }
0x17f: {  	[tilespmem:$0x85E0] =	vst v4  }
0x180: {  	v4 =	vld.idx.msk [tilespmem:v6+s18+$0x0], $0xffff;
	_ =	sdelay $0x4  }
0x181: {  	[tilespmem:$0x84F0] =	vst v4  }
0x182: {  	v4 =	vld.idx.msk [tilespmem:v6+s20+$0x0], $0xffff;
	_ =	sdelay $0x4  }
0x183: {  	[tilespmem:$0x8570] =	vst v4  }
0x184: {  	v4 =	vld.idx.msk [tilespmem:v6+s21+$0x0], $0xffff;
	_ =	sdelay $0x3  }
0x185: {  	s0 =	sshll.u32 s13, $0xB;
	s1 =	simm.s32 $0x0  }
0x186: {  	s16 =	sshll.u32 s14, $0x5;
	s7 =	sshll.u32 s13, $0x4;
	s0 =	sadd.s32 s9, s0;
	[tilespmem:$0x85F0] =	vst v4  }
0x187: {  	[hbm4b:s0+s1] =	stream.linear.scatter [tilespmem:s10], [sflag:$0x3], $0x4000, $0x38;
	[tilespmem:$0x1FE80] =	vst v63  }
0x188: {  	s7 =	sand.u32 $0x7F80, s7;
	s0 =	sand.u32 $0x60, s16;
	_ =	swait.ge [sflag:s19], $0x4000  }
0x189: {  	s0 =	sor.u32 s0, s7;
	[sflag:s19] =	ssyncset.done $0x0  }
0x18a: {  	s16 =	simm.s32 $0x8480;
	s7 =	sadd.s32 s31, s0;
	[sflag:s19] =	ssyncadd.s32 $0xFFFFC000  }
0x18b: {  	[hbm4b:s7+s1] =	stream.linear.scatter [tilespmem:s16], [sflag:$0x3], $0x80, $0x38;
	[tilespmem:$0x1FE80] =	vst v63  }
0x18c: {  	_ =	swait.ge [sflag:s19], $0x80  }
0x18d: {  	[sflag:s19] =	ssyncset.done $0x0  }
0x18e: {  	s7 =	sadd.s32 s6, s0;
	s16 =	simm.s32 $0x8500;
	[sflag:s19] =	ssyncadd.s32 $0xFFFFFF80  }
0x18f: {  	[hbm4b:s7+s1] =	stream.linear.scatter [tilespmem:s16], [sflag:$0x3], $0x80, $0x38;
	[tilespmem:$0x1FE80] =	vst v63  }
0x190: {  	_ =	swait.ge [sflag:s19], $0x80  }
0x191: {  	[sflag:s19] =	ssyncset.done $0x0  }
0x192: {  	s0 =	sadd.s32 s8, s0;
	[sflag:s19] =	ssyncadd.s32 $0xFFFFFF80  }
0x193: {  	[hbm4b:s0+s1] =	stream.linear.scatter [tilespmem:s11], [sflag:$0x3], $0x80, $0x38;
	[tilespmem:$0x1FE80] =	vst v63  }
0x194: {  	_ =	swait.ge [sflag:s19], $0x80  }
0x195: {  	s13 =	sadd.s32 $0x2, s13;
	[sflag:s19] =	ssyncset.done $0x0;
	s16 =	rddreg [dreg:$0xb]  }
0x196: {  	s0 =	smin.u32 s13, s16;
	[sflag:s19] =	ssyncadd.s32 $0xFFFFFF80  }
0x197: {  	_ =	swait.ge [sflag:s12], $0x280;
	s7 =	sshrl.u32 s0, $0x3  }
0x198: {  	s0 =	sshll.u32 s0, $0x7;
	[sflag:s12] =	ssyncset.done $0x0;
	s7 =	smul.u32 $0x1400, s7  }
0x199: {  	s0 =	sand.u32 $0x380, s0;
	[sflag:s12] =	ssyncadd.s32 $0xFFFFFD80  }
0x19a: {  	_ =	swait.ge [sflag:s12], $0x280;
	s0 =	sor.u32 s0, s7  }
0x19b: {  	[sflag:s12] =	ssyncset.done $0x0;
	s0 =	sshrl.u32 s0, $0x3  }
0x19c: {  	[sflag:s12] =	ssyncadd.s32 $0xFFFFFD80;
	s13 =	sadd.s32 s4, s0  }
0x19d: {  	[tilespmem:s1], [sflag:$0x1] =	stream.strided.gather [hbm4b:s13+s23], $0x280, s24, s23, $0x38;
	[tilespmem:$0x1FE80] =	vst v63  }
0x19e: {  	s0 =	sadd.s32 s5, s0  }
0x19f: {  	[tilespmem:s25], [sflag:$0x1] =	stream.strided.gather [hbm4b:s0+s23], $0x280, s24, s23, $0x38;
	[tilespmem:$0x1FE80] =	vst v63  }
0x1a0: {  	[tilespmem:$0xA00] =	vst v0  }
0x1a1: {  	[tilespmem:$0xA10] =	vst v0  }
0x1a2: {  	[tilespmem:$0xA20] =	vst v0  }
0x1a3: {  	[tilespmem:$0xA30] =	vst v0  }
0x1a4: {  	[tilespmem:$0xA40] =	vst v0  }
0x1a5: {  	[tilespmem:$0xA50] =	vst v0  }
0x1a6: {  	[tilespmem:$0xA60] =	vst v0  }
0x1a7: {  	[tilespmem:$0xA70] =	vst v0  }
0x1a8: {  	[tilespmem:$0xB00] =	vst v1  }
0x1a9: {  	[tilespmem:$0xB10] =	vst v1  }
0x1aa: {  	[tilespmem:$0xB20] =	vst v1  }
0x1ab: {  	[tilespmem:$0xB30] =	vst v1  }
0x1ac: {  	[tilespmem:$0xB40] =	vst v1  }
0x1ad: {  	[tilespmem:$0xB50] =	vst v1  }
0x1ae: {  	[tilespmem:$0xB60] =	vst v1  }
0x1af: {  	[tilespmem:$0xB70] =	vst v1  }
0x1b0: {  	[tilespmem:$0xB80] =	vst v1  }
0x1b1: {  	[tilespmem:$0xB90] =	vst v1  }
0x1b2: {  	[tilespmem:$0xBA0] =	vst v1  }
0x1b3: {  	[tilespmem:$0xBB0] =	vst v1  }
0x1b4: {  	[tilespmem:$0xBC0] =	vst v1  }
0x1b5: {  	[tilespmem:$0xBD0] =	vst v1  }
0x1b6: {  	[tilespmem:$0xBE0] =	vst v1  }
0x1b7: {  	[tilespmem:$0xBF0] =	vst v1  }
0x1b8: {  	[tilespmem:$0xC00] =	vst v1  }
0x1b9: {  	[tilespmem:$0xC10] =	vst v1  }
0x1ba: {  	[tilespmem:$0xC20] =	vst v1  }
0x1bb: {  	[tilespmem:$0xC30] =	vst v1  }
0x1bc: {  	[tilespmem:$0xC40] =	vst v1  }
0x1bd: {  	[tilespmem:$0xC50] =	vst v1  }
0x1be: {  	[tilespmem:$0xC60] =	vst v1  }
0x1bf: {  	[tilespmem:$0xC70] =	vst v1  }
0x1c0: {  	[tilespmem:$0xC80] =	vst v1  }
0x1c1: {  	[tilespmem:$0xC90] =	vst v1  }
0x1c2: {  	[tilespmem:$0xCA0] =	vst v1  }
0x1c3: {  	[tilespmem:$0xCB0] =	vst v1  }
0x1c4: {  	[tilespmem:$0xCC0] =	vst v1  }
0x1c5: {  	[tilespmem:$0xCD0] =	vst v1  }
0x1c6: {  	[tilespmem:$0xCE0] =	vst v1  }
0x1c7: {  	[tilespmem:$0xCF0] =	vst v1  }
0x1c8: {  	[tilespmem:$0xD00] =	vst v1  }
0x1c9: {  	[tilespmem:$0xD10] =	vst v1  }
0x1ca: {  	[tilespmem:$0xD20] =	vst v1  }
0x1cb: {  	[tilespmem:$0xD30] =	vst v1  }
0x1cc: {  	[tilespmem:$0xD40] =	vst v1  }
0x1cd: {  	[tilespmem:$0xD50] =	vst v1  }
0x1ce: {  	[tilespmem:$0xD60] =	vst v1  }
0x1cf: {  	[tilespmem:$0xD70] =	vst v1  }
0x1d0: {  	s16 =	simm.s32 $0x500;
	[tilespmem:$0xD80] =	vst v1  }
0x1d1: {  	v4 =	vld [tilespmem:s16+$0x0];
	_ =	sdelay $0x4  }
0x1d2: {  	vm0 =	vne.s32 v4, $0x0  }
0x1d3: {  	v4 =	vmpcnt.ones.xlane vm0;
	_ =	sdelay $0x1  }
0x1d4: {  	(v2sf) =	vpush v4, $0x0;
	_ =	sdelay $0x5  }
0x1d5: {  	v5 =	vor.u32 s1, v2  }
0x1d6: {  	s7 =	simm.s32 $0x510;
	[tilespmem:s1+$0xB00] =	vst.msk vm0, v5  }
0x1d7: {  	s13 =	simm.s32 $0x10;
	s16 =	simm.s32 $0x20;
	v4 =	vld [tilespmem:s7+$0x0]  }
.LBB2_13:
0x1d8: {  	p1 =	sne.s32 s16, $0x270;
	_ =	sdelay $0x3  }
0x1d9: {  	vm0 =	vne.s32 v4, $0x0  }
0x1da: {  	v4 =	vmpcnt.ones.xlane vm0  }
0x1db: {  	s0 =	spop (v2sf)  }
0x1dc: {  	v5 =	vor.u32 s13, v2;
	s13 =	smov.u32 s16;
	(v2sf) =	vpush v4, $0x0;
	s1 =	sadd.s32 s1, s0  }
0x1dd: {  	[tilespmem:s1+$0xB00] =	vst.msk vm0, v5;
	_ =	sdelay $0x2  }
.Ltmp11:
0x1de: {  	(pc) =	sbr.rel @p1 .LBB2_13-.Ltmp11, $3  }
0x1df: {  	_ =	sdelay $0x1  }
0x1e0: {  	s7 =	sadd.s32 $0x10, s7  }
0x1e1: {  	s16 =	sadd.s32 $0x10, s16;
	v4 =	vld [tilespmem:s7+$0x0]  }
0x1e2: {  	_ =	sdelay $0x3  }
0x1e3: {  	vm0 =	vne.s32 v4, $0x0  }
0x1e4: {  	v4 =	vmpcnt.ones.xlane vm0;
	_ =	sdelay $0x1  }
0x1e5: {  	(v2sf) =	vpush v4, $0x0;
	_ =	sdelay $0xd  }
0x1e6: {  	s0 =	spop (v2sf)  }
0x1e7: {  	s0 =	sadd.s32 s1, s0;
	s16 =	spop (v2sf)  }
0x1e8: {  	s1 =	sadd.s32 s0, s16  }
0x1e9: {  	s1 =	sadd.s32 $0xF, s1  }
0x1ea: {  	s7 =	sshra.s32 s1, $0x4  }
0x1eb: {  	p1 =	slt.s32 s7, $0x1  }
.Ltmp12:
0x1ec: {  	_ = 	snop;
	(pc) =	sbr.rel @p1 .LBB2_18-.Ltmp12, $3  }
0x1ed: {  	_ =	sdelay $0x1  }
0x1ee: {  	v4 =	vor.u32 s13, v2  }
0x1ef: {  	[tilespmem:s0+$0xB00] =	vst.msk vm0, v4;
	s1 =	simm.s32 $0xB00  }
0x1f0: {  	v4 =	vld [tilespmem:s1+$0x0];
	_ =	sdelay $0x4  }
0x1f1: {  	v15 =	vshll.u32 v4, $0x4  }
0x1f2: {  	v20 =	vbroadcast v15, $0x0  }
0x1f3: {  	v22 =	vbroadcast v15, $0x1;
	v26 =	vbroadcast v15, $0x2  }
0x1f4: {  	v27 =	vbroadcast v15, $0x3;
	v5 =	vbroadcast v15, $0x4;
	v16 =	vld.idx.msk [tilespmem:v4+s29+$0x0], $0xffff  }
0x1f5: {  	v13 =	vbroadcast v15, $0x5;
	v12 =	vbroadcast v15, $0x6  }
0x1f6: {  	v11 =	vbroadcast v15, $0x7;
	v10 =	vbroadcast v15, $0x8  }
0x1f7: {  	v9 =	vbroadcast v15, $0x9;
	v8 =	vbroadcast v15, $0xA;
	v28 =	vld.idx.msk [tilespmem:v4+s28+$0x0], $0xffff  }
0x1f8: {  	(v2sf) =	vpush v15, $0xF;
	v7 =	vbroadcast v15, $0xB;
	v6 =	vbroadcast v15, $0xC  }
0x1f9: {  	v14 =	vor.u32 v2, v5;
	v5 =	vbroadcast v15, $0xD;
	v29 =	vadd.s32 $0xA00, v16  }
0x1fa: {  	v4 =	vbroadcast v15, $0xE;
	v63 =	vor.u32 v2, v20;
	(v2sf) =	vpush v29, $0x1  }
0x1fb: {  	v26 =	vor.u32 v2, v26;
	v27 =	vor.u32 v2, v27;
	(v2sf) =	vpush v29, $0x0  }
0x1fc: {  	v15 =	vbroadcast v28, $0x0;
	v18 =	vbroadcast v28, $0x8;
	(v2sf) =	vpush v29, $0x2  }
0x1fd: {  	v16 =	vbroadcast v28, $0x3;
	v17 =	vbroadcast v28, $0x4;
	(v2sf) =	vpush v29, $0x3  }
0x1fe: {  	v19 =	vbroadcast v28, $0x1;
	v21 =	vbroadcast v28, $0x7;
	(v2sf) =	vpush v29, $0x4  }
0x1ff: {  	v23 =	vbroadcast v28, $0xB;
	v34 =	vbroadcast v28, $0xD;
	(v2sf) =	vpush v29, $0x5  }
0x200: {  	v35 =	vbroadcast v28, $0xE;
	v30 =	vand.u32 v3, v15;
	(v2sf) =	vpush v29, $0x6  }
0x201: {  	v15 =	vbroadcast v28, $0x2;
	v31 =	vand.u32 v3, v19;
	(v2sf) =	vpush v29, $0x7  }
0x202: {  	v32 =	vand.u32 v3, v16;
	v16 =	vbroadcast v28, $0x9;
	(v2sf) =	vpush v29, $0x8  }
0x203: {  	v19 =	vbroadcast v28, $0xA;
	v17 =	vand.u32 v3, v17;
	(v2sf) =	vpush v29, $0x9  }
0x204: {  	v21 =	vand.u32 v3, v21;
	v20 =	vand.u32 v3, v35;
	(v2sf) =	vpush v29, $0xA  }
0x205: {  	vm0 =	vne.s32 v17, $0x0;
	v33 =	vand.u32 v3, v15;
	(v2sf) =	vpush v29, $0xB  }
0x206: {  	v15 =	vand.u32 v3, v16;
	v16 =	vbroadcast v28, $0x5;
	(v2sf) =	vpush v29, $0xC  }
0x207: {  	p1 =	sne.s32 s7, $0x1;
	v17 =	vand.u32 v3, v19;
	v19 =	vbroadcast v28, $0x6;
	(v2sf) =	vpush v29, $0xD  }
.Ltmp13:
0x208: {  	v24 =	vand.u32 v3, v16;
	v16 =	vand.u32 v3, v23;
	s13 =	spop (v2sf);
	(v2sf) =	vpush v29, $0xE;
	(pc) =	sbr.rel @!p1 .LBB2_17-.Ltmp13, $4  }
0x209: {  	v23 =	vand.u32 v3, v18;
	v18 =	vbroadcast v28, $0xC;
	s0 =	spop (v2sf);
	(v2sf) =	vpush v29, $0xF  }
0x20a: {  	vm1 =	vne.s32 v30, $0x0;
	vm2 =	vne.s32 v31, $0x0;
	v25 =	vand.u32 v3, v19;
	s16 =	spop (v2sf)  }
0x20b: {  	v19 =	vand.u32 v3, v18;
	v18 =	vand.u32 v3, v34;
	v29 =	vor.u32 v2, v22;
	[tilespmem:s16+$0x0] =	vst.msk vm1, v63;
	s16 =	spop (v2sf)  }
0x20c: {  	s7 =	sadd.s32 $0xFFFFFFFF, s7;
	v22 =	vbroadcast v28, $0xF;
	vm1 =	vne.s32 v33, $0x0;
	[tilespmem:s0+$0x0] =	vst.msk vm2, v29;
	vm2 =	vne.s32 v32, $0x0;
	s0 =	spop (v2sf)  }
.LBB2_16:
0x20d: {  	p1 =	sne.s32 s7, $0x1;
	[tilespmem:s16+$0x0] =	vst.msk vm1, v26;
	s1 =	sadd.s32 $0x10, s1;
	s16 =	spop (v2sf)  }
0x20e: {  	s7 =	sadd.s32 $0xFFFFFFFF, s7;
	vm1 =	vne.s32 v24, $0x0;
	v13 =	vor.u32 v2, v13;
	[tilespmem:s0+$0x0] =	vst.msk vm2, v27;
	s0 =	spop (v2sf)  }
0x20f: {  	v12 =	vor.u32 v2, v12;
	[tilespmem:s16+$0x0] =	vst.msk vm0, v14;
	vm0 =	vne.s32 v25, $0x0;
	s16 =	spop (v2sf)  }
0x210: {  	v11 =	vor.u32 v2, v11;
	[tilespmem:s0+$0x0] =	vst.msk vm1, v13;
	vm1 =	vne.s32 v21, $0x0;
	s0 =	spop (v2sf)  }
0x211: {  	v10 =	vor.u32 v2, v10;
	[tilespmem:s16+$0x0] =	vst.msk vm0, v12;
	vm0 =	vne.s32 v23, $0x0;
	s16 =	spop (v2sf)  }
0x212: {  	v9 =	vor.u32 v2, v9;
	[tilespmem:s0+$0x0] =	vst.msk vm1, v11;
	vm1 =	vne.s32 v15, $0x0;
	s0 =	spop (v2sf)  }
0x213: {  	v8 =	vor.u32 v2, v8;
	[tilespmem:s16+$0x0] =	vst.msk vm0, v10;
	vm0 =	vne.s32 v17, $0x0;
	s16 =	spop (v2sf)  }
0x214: {  	v7 =	vor.u32 v2, v7;
	[tilespmem:s0+$0x0] =	vst.msk vm1, v9;
	vm1 =	vne.s32 v16, $0x0;
	s0 =	spop (v2sf)  }
0x215: {  	v6 =	vor.u32 v2, v6;
	[tilespmem:s16+$0x0] =	vst.msk vm0, v8;
	vm0 =	vne.s32 v19, $0x0;
	s16 =	spop (v2sf)  }
0x216: {  	v5 =	vor.u32 v2, v5;
	[tilespmem:s0+$0x0] =	vst.msk vm1, v7;
	vm1 =	vne.s32 v18, $0x0;
	s0 =	spop (v2sf)  }
0x217: {  	v4 =	vor.u32 v2, v4;
	[tilespmem:s16+$0x0] =	vst.msk vm0, v6;
	vm0 =	vne.s32 v20, $0x0;
	v6 =	vand.u32 v3, v22;
	s16 =	spop (v2sf)  }
0x218: {  	[tilespmem:s0+$0x0] =	vst.msk vm1, v5;
	vm1 =	vne.s32 v6, $0x0;
	v5 =	vor.u32 s13, v2;
	s0 =	spop (v2sf)  }
0x219: {  	[tilespmem:s16+$0x0] =	vst.msk vm0, v4  }
0x21a: {  	[tilespmem:s0+$0x0] =	vst.msk vm1, v5  }
0x21b: {  	v4 =	vld [tilespmem:s1+$0x0];
	_ =	sdelay $0x4  }
0x21c: {  	v15 =	vshll.u32 v4, $0x4  }
0x21d: {  	v20 =	vbroadcast v15, $0x0;
	v22 =	vbroadcast v15, $0x1;
	(v2sf) =	vpush v15, $0xF  }
0x21e: {  	v26 =	vbroadcast v15, $0x2;
	v27 =	vbroadcast v15, $0x3  }
0x21f: {  	v5 =	vbroadcast v15, $0x4;
	v13 =	vbroadcast v15, $0x5;
	v16 =	vld.idx.msk [tilespmem:v4+s29+$0x0], $0xffff  }
0x220: {  	v12 =	vbroadcast v15, $0x6;
	v11 =	vbroadcast v15, $0x7;
	v28 =	vld.idx.msk [tilespmem:v4+s28+$0x0], $0xffff  }
0x221: {  	v10 =	vbroadcast v15, $0x8;
	v9 =	vbroadcast v15, $0x9;
	v14 =	vor.u32 v2, v5  }
0x222: {  	v8 =	vbroadcast v15, $0xA;
	v7 =	vbroadcast v15, $0xB  }
0x223: {  	v6 =	vbroadcast v15, $0xC;
	v5 =	vbroadcast v15, $0xD  }
0x224: {  	v4 =	vbroadcast v15, $0xE  }
0x225: {  	v29 =	vadd.s32 $0xA00, v16  }
0x226: {  	v15 =	vbroadcast v28, $0x0;
	v18 =	vbroadcast v28, $0x8;
	(v2sf) =	vpush v29, $0x1  }
0x227: {  	v16 =	vbroadcast v28, $0x3;
	v17 =	vbroadcast v28, $0x4;
	(v2sf) =	vpush v29, $0x0  }
0x228: {  	v19 =	vbroadcast v28, $0x1;
	v21 =	vbroadcast v28, $0x7;
	(v2sf) =	vpush v29, $0x2  }
0x229: {  	v30 =	vand.u32 v3, v15;
	v15 =	vbroadcast v28, $0x2;
	(v2sf) =	vpush v29, $0x3  }
0x22a: {  	v31 =	vand.u32 v3, v19;
	v32 =	vand.u32 v3, v16;
	(v2sf) =	vpush v29, $0x4  }
0x22b: {  	v16 =	vbroadcast v28, $0x9;
	v19 =	vbroadcast v28, $0xA;
	(v2sf) =	vpush v29, $0x5  }
0x22c: {  	v23 =	vbroadcast v28, $0xB;
	v33 =	vand.u32 v3, v15;
	(v2sf) =	vpush v29, $0x6;
	s13 =	spop (v2sf)  }
0x22d: {  	v17 =	vand.u32 v3, v17;
	v15 =	vand.u32 v3, v16;
	(v2sf) =	vpush v29, $0x7  }
0x22e: {  	vm0 =	vne.s32 v17, $0x0;
	v16 =	vbroadcast v28, $0x5;
	(v2sf) =	vpush v29, $0x8  }
0x22f: {  	v21 =	vand.u32 v3, v21;
	v17 =	vand.u32 v3, v19;
	(v2sf) =	vpush v29, $0x9  }
0x230: {  	v24 =	vand.u32 v3, v16;
	v16 =	vand.u32 v3, v23;
	(v2sf) =	vpush v29, $0xA  }
0x231: {  	v19 =	vbroadcast v28, $0x6;
	v23 =	vand.u32 v3, v18;
	(v2sf) =	vpush v29, $0xB  }
0x232: {  	v34 =	vbroadcast v28, $0xD;
	v18 =	vbroadcast v28, $0xC;
	(v2sf) =	vpush v29, $0xC  }
0x233: {  	v35 =	vbroadcast v28, $0xE;
	v25 =	vand.u32 v3, v19;
	(v2sf) =	vpush v29, $0xD  }
.Ltmp14:
0x234: {  	v19 =	vand.u32 v3, v18;
	v18 =	vand.u32 v3, v34;
	(v2sf) =	vpush v29, $0xE;
	(pc) =	sbr.rel @p1 .LBB2_16-.Ltmp14, $4  }
0x235: {  	vm1 =	vne.s32 v30, $0x0;
	v30 =	vor.u32 v2, v20;
	s0 =	spop (v2sf);
	(v2sf) =	vpush v29, $0xF  }
0x236: {  	vm2 =	vne.s32 v31, $0x0;
	v20 =	vand.u32 v3, v35;
	v29 =	vor.u32 v2, v22;
	s16 =	spop (v2sf)  }
0x237: {  	v26 =	vor.u32 v2, v26;
	v22 =	vbroadcast v28, $0xF;
	[tilespmem:s16+$0x0] =	vst.msk vm1, v30;
	vm1 =	vne.s32 v33, $0x0;
	s16 =	spop (v2sf)  }
0x238: {  	v27 =	vor.u32 v2, v27;
	[tilespmem:s0+$0x0] =	vst.msk vm2, v29;
	vm2 =	vne.s32 v32, $0x0;
	s0 =	spop (v2sf)  }
.LBB2_17:
0x239: {  	[tilespmem:s16+$0x0] =	vst.msk vm1, v26  }
0x23a: {  	s1 =	spop (v2sf);
	[tilespmem:s0+$0x0] =	vst.msk vm2, v27  }
0x23b: {  	vm5 =	vne.s32 v24, $0x0;
	v13 =	vor.u32 v2, v13;
	s16 =	spop (v2sf);
	[tilespmem:s1+$0x0] =	vst.msk vm0, v14  }
0x23c: {  	vm6 =	vne.s32 v25, $0x0;
	v12 =	vor.u32 v2, v12;
	s7 =	spop (v2sf);
	[tilespmem:s16+$0x0] =	vst.msk vm5, v13  }
0x23d: {  	vm7 =	vne.s32 v21, $0x0;
	v11 =	vor.u32 v2, v11;
	s16 =	spop (v2sf);
	[tilespmem:s7+$0x0] =	vst.msk vm6, v12  }
0x23e: {  	vm8 =	vne.s32 v23, $0x0;
	v10 =	vor.u32 v2, v10;
	s7 =	spop (v2sf);
	[tilespmem:s16+$0x0] =	vst.msk vm7, v11  }
0x23f: {  	vm9 =	vne.s32 v15, $0x0;
	v9 =	vor.u32 v2, v9;
	s16 =	spop (v2sf);
	[tilespmem:s7+$0x0] =	vst.msk vm8, v10  }
0x240: {  	vm10 =	vne.s32 v17, $0x0;
	v8 =	vor.u32 v2, v8;
	s7 =	spop (v2sf);
	[tilespmem:s16+$0x0] =	vst.msk vm9, v9  }
0x241: {  	vm11 =	vne.s32 v16, $0x0;
	v7 =	vor.u32 v2, v7;
	s16 =	spop (v2sf);
	[tilespmem:s7+$0x0] =	vst.msk vm10, v8  }
0x242: {  	vm12 =	vne.s32 v19, $0x0;
	v6 =	vor.u32 v2, v6;
	s7 =	spop (v2sf);
	[tilespmem:s16+$0x0] =	vst.msk vm11, v7  }
0x243: {  	vm13 =	vne.s32 v18, $0x0;
	v5 =	vor.u32 v2, v5;
	s16 =	spop (v2sf);
	[tilespmem:s7+$0x0] =	vst.msk vm12, v6  }
0x244: {  	vm14 =	vne.s32 v20, $0x0;
	v4 =	vor.u32 v2, v4;
	v63 =	vand.u32 v3, v22;
	s7 =	spop (v2sf);
	[tilespmem:s16+$0x0] =	vst.msk vm13, v5  }
0x245: {  	vm15 =	vne.s32 v63, $0x0;
	v5 =	vor.u32 s13, v2;
	s16 =	spop (v2sf);
	[tilespmem:s7+$0x0] =	vst.msk vm14, v4  }
0x246: {  	[tilespmem:s16+$0x0] =	vst.msk vm15, v5  }
.LBB2_18:
0x247: {  	v4 =	vld [tilespmem:$0x9F0];
	_ =	sdelay $0x4  }
0x248: {  	(v2sf) =	vpush v4, $0x1;
	_ =	sdelay $0xe  }
0x249: {  	s0 =	spop (v2sf)  }
0x24a: {  	s0 =	sadd.s32 $0xF, s0  }
0x24b: {  	s0 =	sshra.s32 s0, $0x4  }
0x24c: {  	p1 =	slt.s32 s0, $0x1  }
.Ltmp15:
0x24d: {  	_ = 	snop;
	(pc) =	sbr.rel @p1 .LBB2_22-.Ltmp15, $1  }
0x24e: {  	_ =	sdelay $0x3  }
0x24f: {  	p1 =	sne.s32 s0, $0x1  }
.Ltmp16:
0x250: {  	_ = 	snop;
	(pc) =	sbr.rel @!p1 .LBB2_21-.Ltmp16, $4  }
0x251: {  	s1 =	simm.s32 $0xA00;
	s7 =	simm.s32 $0x8600  }
0x252: {  	[tilespmem:s7], [sflag:$0x1] =	stream.indirect.gather [spmem:s2], $0x80, s1, s30, $0xb8;
	[tilespmem:$0x1FE80] =	vst v63  }
0x253: {  	_ =	swait.ge [sflag:s26], $0x800  }
0x254: {  	s13 =	sadd.s32 $0xFFFFFFFF, s0;
	[sflag:s26] =	ssyncset.done $0x0  }
.LBB2_20:
0x255: {  	[sflag:s26] =	ssyncadd.s32 $0xFFFFF800  }
0x256: {  	s1 =	sadd.s32 $0x10, s1;
	s7 =	sadd.s32 $0x800, s7;
	p1 =	sne.s32 s13, $0x1  }
.Ltmp17:
0x257: {  	s13 =	sadd.s32 $0xFFFFFFFF, s13;
	(pc) =	sbr.rel @p1 .LBB2_20-.Ltmp17, $4  }
0x258: {  	_ = 	snop  }
0x259: {  	[tilespmem:s7], [sflag:$0x1] =	stream.indirect.gather [spmem:s2], $0x80, s1, s30, $0xb8;
	[tilespmem:$0x1FE80] =	vst v63  }
0x25a: {  	_ =	swait.ge [sflag:s26], $0x800  }
0x25b: {  	[sflag:s26] =	ssyncset.done $0x0  }
.Ltmp18:
0x25c: {  	_ = 	snop;
	(pc) =	sbr.rel .LBB2_21-.Ltmp18, $1  }
0x25d: {  	_ =	sdelay $0x3  }
.LBB2_24:
0x25e: {  	_ =	sfence.sel $0x180000  }
0x25f: {  	[bflag:$0x0] =	sbarrier.arrive $0xFFFF  }
0x260: {  	_ =	strace $0x90000047  }
0x261: {  	[bflag:$0x2] =	sbarrier.arrive $0xFFFF  }
0x262: {  	s0 =	rddreg [dreg:$0x3]  }
0x263: {  	s0 =	sadd.s32 @!p0 $0x100000, s0  }
0x264: {  	[sflag:s0] =	ssyncadd.tile.s32 @!p0 $0x1;
	_ =	shalt  }
.Lfunc_end2:
_tile_overlayer_lowered:
.L_overlay_start_2:
0x265: {  	(tag) =	ssettag $0x2  }
0x266: {  	s0 =	rddreg [dreg:$0x0];
	s2 =	stileid.u32  }
0x267: {  	s1 =	rddreg [dreg:$0x1];
	p0 =	sne.s32 s2, $0x0  }
0x268: {  	s3 =	rddreg [dreg:$0x2];
	[bflag:$0x3] =	sbarrier.arrive $0xFFFF;
	s2 =	simm.s32 @!p0 $0x1C03  }
0x269: {  	[timem:s3], [sflag:s2] =	dma.local @!p0 [hbm:s0], s1  }
0x26a: {  	s0 =	simm.s32 @!p0 $0x3  }
0x26b: {  	_ =	swait.ge @!p0 [sflag:s0], s1  }
0x26c: {  	s1 =	ssub.s32 @!p0 $0x0, s1;
	[sflag:s0] =	ssyncset.done @!p0 $0x0  }
0x26d: {  	[sflag:s0] =	ssyncadd.s32 @!p0 s1  }
0x26e: {  	[bflag:$0x3] =	sbarrier.arrive $0xFFFF  }
0x26f: {  	_ =	shalt  }

</sc_bundles>
